<compile_context>
chip_gen: v7x
topology: tpu7x:2x2x1
jax: 0.10.2.dev20260603
libtpu: 0.0.44.dev20260713+nightly
codegen_flags: <defaults>
</compile_context>

<pallas_src>
import functools

import jax
import jax.numpy as jnp
from jax import lax
from jax.experimental import pallas as pl
from jax.experimental.pallas import tpu as pltpu
from jax.experimental.pallas import tpu_sc as plsc

HEADS = 8
HID = 64
NG = 16
LANES = 16
NW = 32
KE = 128


def _tc1_body(x_ref, w_ref, as_ref, ad_ref, h_ref, asrc_ref, adst_ref):
    c = pl.program_id(1)
    h = jnp.dot(x_ref[...], w_ref[...], preferred_element_type=jnp.float32)
    h_ref[0] = h

    @pl.when(c == 0)
    def _():
        asrc_ref[...] = jnp.zeros_like(asrc_ref)
        adst_ref[...] = jnp.zeros_like(adst_ref)

    asrc_ref[...] += jnp.dot(h, as_ref[...], preferred_element_type=jnp.float32)
    adst_ref[...] += jnp.dot(h, ad_ref[...], preferred_element_type=jnp.float32)


def _tc2_body(outc_ref, den_ref, b1_ref, w2_ref, as2_ref, ad2_ref, e2_ref,
              h2a_ref, adst2_ref):
    chunks = []
    for c in range(4):
        raw = outc_ref[c]
        d = den_ref[0, :, 2 * c:2 * c + 2] + den_ref[1, :, 2 * c:2 * c + 2]
        db = jnp.dot(d + 1e-16, e2_ref[...],
                     preferred_element_type=jnp.float32)
        z = raw / db + b1_ref[0, c * 128:(c + 1) * 128]
        chunks.append(jnp.where(z > 0, z, jnp.exp(z) - 1.0))
    h1 = jnp.concatenate(chunks, axis=1)
    h2 = jnp.dot(h1, w2_ref[...], preferred_element_type=jnp.float32)
    a2s = jnp.dot(h2, as2_ref[...], preferred_element_type=jnp.float32)
    a2d = jnp.dot(h2, ad2_ref[...], preferred_element_type=jnp.float32)
    bn = h2.shape[0]
    h2a_ref[...] = jnp.concatenate(
        [h2, jnp.broadcast_to(a2s, (bn, LANES))], axis=1)
    adst2_ref[...] = jnp.broadcast_to(a2d, (bn, LANES))


def _tc3_body(acc_ref, batch_ref, b2_ref, wl_ref, bl_ref,
              out_ref, sums_ref, cnt_ref):
    i = pl.program_id(0)
    rows = acc_ref[0] + acc_ref[1]
    den = rows[:, HID:HID + 1] + 1e-16
    h2o = rows[:, :HID] / den + b2_ref[...]
    bn = h2o.shape[0]
    oh = (batch_ref[...] == lax.broadcasted_iota(jnp.int32, (1, NG), 1)
          ).astype(jnp.float32)

    @pl.when(i == 0)
    def _():
        sums_ref[...] = jnp.zeros_like(sums_ref)
        cnt_ref[...] = jnp.zeros_like(cnt_ref)

    dn = (((0,), (0,)), ((), ()))
    sums_ref[...] += lax.dot_general(oh, h2o, dn,
                                     preferred_element_type=jnp.float32)
    cnt_ref[...] += lax.dot_general(oh, jnp.ones((bn, HID), jnp.float32), dn,
                                    preferred_element_type=jnp.float32)
    pooled = sums_ref[...] / jnp.maximum(cnt_ref[...], 1.0)
    out_ref[...] = (jnp.dot(pooled, wl_ref[...],
                            preferred_element_type=jnp.float32) + bl_ref[...])


def _pipeline(x, edge_index, batch, W1, att_src1, att_dst1, b1,
              W2, att_src2, att_dst2, b2, Wlin, blin):
    f32, i32 = jnp.float32, jnp.int32
    N, F = x.shape
    E0 = edge_index.shape[1]
    ei = edge_index.astype(i32)

    NPAD = ((N + 255) // 256) * 256
    RPT = NPAD // 16
    E1 = E0 + N
    EPT = ((E1 + NW * KE - 1) // (NW * KE)) * KE
    NBLK = EPT // KE
    EPAD = EPT * NW

    loops = jnp.arange(N, dtype=i32)
    src = jnp.concatenate([ei[0], loops,
                           jnp.zeros((EPAD - E1,), i32)])
    dst = jnp.concatenate([ei[1], loops,
                           jnp.full((EPAD - E1,), N, i32)])
    xp = jnp.pad(x, ((0, NPAD - N), (0, 0)))
    batch_p = jnp.pad(batch.astype(i32), (0, NPAD - N),
                      constant_values=NG).reshape(NPAD, 1)

    eyeH = jnp.eye(HEADS, dtype=f32)
    A2s = (att_src1[0][:, :, None] * eyeH[:, None, :]).reshape(HEADS * HID, HEADS)
    A2d = (att_dst1[0][:, :, None] * eyeH[:, None, :]).reshape(HEADS * HID, HEADS)
    A2s = jnp.concatenate([A2s, A2s], axis=1)
    A2d = jnp.concatenate([A2d, A2d], axis=1)
    E2 = jnp.repeat(jnp.eye(2, dtype=f32), 128 // 2, axis=1)
    as2 = att_src2[0, 0].reshape(HID, 1)
    ad2 = att_dst2[0, 0].reshape(HID, 1)
    b1r = b1.reshape(1, HEADS * HID)
    b2r = b2.reshape(1, HID)
    blr = blin.reshape(1, -1)
    z16 = jnp.zeros((RPT, LANES), f32)
    z128 = jnp.zeros((RPT, 128), f32)
    z80 = jnp.zeros((RPT, 80), f32)

    BN = 256
    NB = NPAD // BN

    hc, asrc16, adst16 = pl.pallas_call(
        _tc1_body,
        grid=(NB, 4),
        in_specs=[
            pl.BlockSpec((BN, F), lambda i, c: (i, 0)),
            pl.BlockSpec((F, 128), lambda i, c: (0, c)),
            pl.BlockSpec((128, LANES), lambda i, c: (c, 0)),
            pl.BlockSpec((128, LANES), lambda i, c: (c, 0)),
        ],
        out_specs=[
            pl.BlockSpec((1, BN, 128), lambda i, c: (c, i, 0)),
            pl.BlockSpec((BN, LANES), lambda i, c: (i, 0)),
            pl.BlockSpec((BN, LANES), lambda i, c: (i, 0)),
        ],
        out_shape=[
            jax.ShapeDtypeStruct((4, NPAD, 128), f32),
            jax.ShapeDtypeStruct((NPAD, LANES), f32),
            jax.ShapeDtypeStruct((NPAD, LANES), f32),
        ],
    )(xp, W1, A2s, A2d)

    mesh = plsc.VectorSubcoreMesh(core_axis_name="c", subcore_axis_name="s")

    @functools.partial(
        pl.kernel,
        out_type=(jax.ShapeDtypeStruct((EPAD, LANES), f32),
                  jax.ShapeDtypeStruct((2 * NPAD, LANES), f32)),
        mesh=mesh,
        compiler_params=pltpu.CompilerParams(use_tc_tiling_on_sc=False),
        scratch_types=[
            pltpu.VMEM((4, KE), i32), pltpu.VMEM((4, KE), i32),
            [pltpu.VMEM((KE, LANES), f32)] * 2,
            [pltpu.VMEM((KE, LANES), f32)] * 2,
            pltpu.VMEM_SHARED((NPAD, LANES), f32),
            [pltpu.SemaphoreType.DMA] * 2,
            [pltpu.SemaphoreType.DMA] * 2,
            [pltpu.SemaphoreType.DMA] * 2,
            [pltpu.SemaphoreType.DMA] * 2,
            [pltpu.SemaphoreType.DMA] * 2,
            [pltpu.SemaphoreType.DMA] * 2,
        ],
    )
    def sc_a1(asrc_h, adst_h, src_h, dst_h, z16_h, ex_h, den_h,
              sidxa, didxa, asb, adb, dacc, gsem, asem, ssem, wsem, ism, idm):
        cid = lax.axis_index("c")
        sid = lax.axis_index("s")
        wid = cid * 16 + sid
        ebase = wid * EPT

        def s_wait(s):
            pltpu.make_async_copy(adb[s], dacc.at[didxa.at[0]],
                                  ssem[s]).wait()
            pltpu.make_async_copy(adb[s], ex_h.at[pl.ds(0, KE)],
                                  wsem[s]).wait()

        def compute(cur):
            @plsc.parallel_loop(0, KE, 1, unroll=4)
            def edge(e):
                s = asb[cur][e, pl.ds(0, LANES)] + adb[cur][e, pl.ds(0, LANES)]
                adb[cur][e, pl.ds(0, LANES)] = jnp.exp(
                    jnp.maximum(s, 0.2 * s))

        def emit(cur, b):
            pltpu.async_copy(adb[cur], dacc.at[didxa.at[b & 3]],
                             ssem[cur], add=True)
            pltpu.async_copy(adb[cur], ex_h.at[pl.ds(ebase + b * KE, KE)],
                             wsem[cur])

        pltpu.sync_copy(z16_h, dacc.at[pl.ds(sid * RPT, RPT)])
        plsc.subcore_barrier()
        for b0 in range(2):
            pltpu.sync_copy(src_h.at[pl.ds(ebase + b0 * KE, KE)],
                            sidxa.at[b0])
            pltpu.sync_copy(dst_h.at[pl.ds(ebase + b0 * KE, KE)],
                            didxa.at[b0])
        pltpu.async_copy(asrc_h.at[sidxa.at[0]], asb[0], gsem[0])
        pltpu.async_copy(adst_h.at[didxa.at[0]], adb[0], asem[0])

        def blk2(t, _):
            for ph in range(2):
                b = 2 * t + ph
                cur, nxt = ph, 1 - ph

                @pl.when(b >= 1)
                def _():
                    s_wait(nxt)

                @pl.when(b + 2 < NBLK)
                def _():
                    pltpu.async_copy(
                        src_h.at[pl.ds(ebase + (b + 2) * KE, KE)],
                        sidxa.at[(b + 2) & 3], ism[cur])
                    pltpu.async_copy(
                        dst_h.at[pl.ds(ebase + (b + 2) * KE, KE)],
                        didxa.at[(b + 2) & 3], idm[cur])

                @pl.when(b + 1 < NBLK)
                def _():
                    @pl.when(b + 1 >= 2)
                    def _():
                        pltpu.make_async_copy(
                            src_h.at[pl.ds(ebase, KE)],
                            sidxa.at[0], ism[nxt]).wait()
                        pltpu.make_async_copy(
                            dst_h.at[pl.ds(ebase, KE)],
                            didxa.at[0], idm[nxt]).wait()

                    pltpu.async_copy(asrc_h.at[sidxa.at[(b + 1) & 3]],
                                     asb[nxt], gsem[nxt])
                    pltpu.async_copy(adst_h.at[didxa.at[(b + 1) & 3]],
                                     adb[nxt], asem[nxt])

                pltpu.make_async_copy(asrc_h.at[sidxa.at[0]], asb[cur],
                                      gsem[cur]).wait()
                pltpu.make_async_copy(adst_h.at[didxa.at[0]], adb[cur],
                                      asem[cur]).wait()
                compute(cur)
                emit(cur, b)
            return 0

        lax.fori_loop(0, NBLK // 2, blk2, 0)

        if NBLK % 2 == 1:
            b = NBLK - 1
            cur, nxt = 0, 1
            s_wait(nxt)
            pltpu.make_async_copy(asrc_h.at[sidxa.at[0]], asb[cur],
                                  gsem[cur]).wait()
            pltpu.make_async_copy(adst_h.at[didxa.at[0]], adb[cur],
                                  asem[cur]).wait()
            compute(cur)
            emit(cur, b)

        s_wait((NBLK - 1) % 2)
        plsc.subcore_barrier()
        pltpu.sync_copy(dacc.at[pl.ds(sid * RPT, RPT)],
                        den_h.at[pl.ds(cid * NPAD + sid * RPT, RPT)])

    ex, den2 = sc_a1(asrc16, adst16, src, dst, z16)

    EPT16 = EPAD // 16
    NBLK16 = EPT16 // KE

    @functools.partial(
        pl.kernel,
        out_type=jax.ShapeDtypeStruct((4 * NPAD, 128), f32),
        mesh=mesh,
        compiler_params=pltpu.CompilerParams(use_tc_tiling_on_sc=False),
        scratch_types=[
            pltpu.VMEM((4, KE), i32), pltpu.VMEM((4, KE), i32),
            [pltpu.VMEM((KE, 128), f32)] * 2,
            [pltpu.VMEM((KE, LANES), f32)] * 2,
            pltpu.VMEM_SHARED((NPAD, 128), f32),
            [pltpu.SemaphoreType.DMA] * 2,
            [pltpu.SemaphoreType.DMA] * 2,
            [pltpu.SemaphoreType.DMA] * 2,
            [pltpu.SemaphoreType.DMA] * 2,
            [pltpu.SemaphoreType.DMA] * 2,
        ],
    )
    def sc_b1(hcat_h, exf_h, src4_h, dst_h, z128_h, outc_h,
              sidxa, didxa, hbuf, exb, oacc,
              gsem, esem, ssem, ism, idm):
        cid = lax.axis_index("c")
        sid = lax.axis_index("s")

        def s_wait(s):
            pltpu.make_async_copy(hbuf[s], oacc.at[didxa.at[0]],
                                  ssem[s]).wait()

        for chunk in range(2):
            c = cid * 2 + chunk
            cN = c * NPAD
            c2 = c * 2
            ebase = sid * EPT16
            sbase = c * EPAD + ebase
            pltpu.sync_copy(z128_h, oacc.at[pl.ds(sid * RPT, RPT)])
            plsc.subcore_barrier()
            for b0 in range(2):
                pltpu.sync_copy(src4_h.at[pl.ds(sbase + b0 * KE, KE)],
                                sidxa.at[b0])
                pltpu.sync_copy(dst_h.at[pl.ds(ebase + b0 * KE, KE)],
                                didxa.at[b0])
            pltpu.async_copy(hcat_h.at[sidxa.at[0]], hbuf[0], gsem[0])
            pltpu.async_copy(exf_h.at[pl.ds(ebase, KE)], exb[0], esem[0])

            def blk2(t, _):
                for ph in range(2):
                    b = 2 * t + ph
                    cur, nxt = ph, 1 - ph

                    @pl.when(b >= 1)
                    def _():
                        s_wait(nxt)

                    @pl.when(b + 2 < NBLK16)
                    def _():
                        pltpu.async_copy(
                            src4_h.at[pl.ds(sbase + (b + 2) * KE, KE)],
                            sidxa.at[(b + 2) & 3], ism[cur])
                        pltpu.async_copy(
                            dst_h.at[pl.ds(ebase + (b + 2) * KE, KE)],
                            didxa.at[(b + 2) & 3], idm[cur])

                    @pl.when(b + 1 < NBLK16)
                    def _():
                        @pl.when(b + 1 >= 2)
                        def _():
                            pltpu.make_async_copy(
                                src4_h.at[pl.ds(sbase, KE)],
                                sidxa.at[0], ism[nxt]).wait()
                            pltpu.make_async_copy(
                                dst_h.at[pl.ds(ebase, KE)],
                                didxa.at[0], idm[nxt]).wait()

                        pltpu.async_copy(hcat_h.at[sidxa.at[(b + 1) & 3]],
                                         hbuf[nxt], gsem[nxt])
                        pltpu.async_copy(
                            exf_h.at[pl.ds(ebase + (b + 1) * KE, KE)],
                            exb[nxt], esem[nxt])

                    pltpu.make_async_copy(hcat_h.at[sidxa.at[0]], hbuf[cur],
                                          gsem[cur]).wait()
                    pltpu.make_async_copy(exf_h.at[pl.ds(0, KE)], exb[cur],
                                          esem[cur]).wait()

                    @plsc.parallel_loop(0, KE, 1, unroll=4)
                    def edge(e):
                        row = exb[cur][e, pl.ds(0, LANES)]
                        s0 = row.at[jnp.full((LANES,), c2, i32)].get(
                            mode="promise_in_bounds")
                        s1 = row.at[jnp.full((LANES,), c2 + 1, i32)].get(
                            mode="promise_in_bounds")
                        for r in range(8):
                            sv = s0 if r < 4 else s1
                            sl = pl.ds(r * LANES, LANES)
                            hbuf[cur][e, sl] = hbuf[cur][e, sl] * sv
                    pltpu.async_copy(hbuf[cur], oacc.at[didxa.at[b & 3]],
                                     ssem[cur], add=True)
                return 0

            lax.fori_loop(0, NBLK16 // 2, blk2, 0)
            s_wait((NBLK16 - 1) % 2)
            plsc.subcore_barrier()
            pltpu.sync_copy(oacc.at[pl.ds(sid * RPT, RPT)],
                            outc_h.at[pl.ds(cN + sid * RPT, RPT)])

    src4 = jnp.concatenate([src + c * NPAD for c in range(4)])
    outc = sc_b1(hc.reshape(4 * NPAD, 128), ex, src4, dst, z128)

    h2a, adst2t = pl.pallas_call(
        _tc2_body,
        grid=(NB,),
        in_specs=[
            pl.BlockSpec((4, BN, 128), lambda i: (0, i, 0)),
            pl.BlockSpec((2, BN, LANES), lambda i: (0, i, 0)),
            pl.BlockSpec((1, HEADS * HID), lambda i: (0, 0)),
            pl.BlockSpec((HEADS * HID, HID), lambda i: (0, 0)),
            pl.BlockSpec((HID, 1), lambda i: (0, 0)),
            pl.BlockSpec((HID, 1), lambda i: (0, 0)),
            pl.BlockSpec((2, 128), lambda i: (0, 0)),
        ],
        out_specs=[
            pl.BlockSpec((BN, HID + LANES), lambda i: (i, 0)),
            pl.BlockSpec((BN, LANES), lambda i: (i, 0)),
        ],
        out_shape=[
            jax.ShapeDtypeStruct((NPAD, HID + LANES), f32),
            jax.ShapeDtypeStruct((NPAD, LANES), f32),
        ],
    )(outc.reshape(4, NPAD, 128), den2.reshape(2, NPAD, LANES), b1r, W2,
      as2, ad2, E2)

    @functools.partial(
        pl.kernel,
        out_type=jax.ShapeDtypeStruct((2 * NPAD, 80), f32),
        mesh=mesh,
        compiler_params=pltpu.CompilerParams(use_tc_tiling_on_sc=False),
        scratch_types=[
            pltpu.VMEM((4, KE), i32), pltpu.VMEM((4, KE), i32),
            [pltpu.VMEM((KE, 80), f32)] * 2,
            [pltpu.VMEM((KE, LANES), f32)] * 2,
            pltpu.VMEM_SHARED((NPAD, 80), f32),
            [pltpu.SemaphoreType.DMA] * 2,
            [pltpu.SemaphoreType.DMA] * 2,
            [pltpu.SemaphoreType.DMA] * 2,
            [pltpu.SemaphoreType.DMA] * 2,
            [pltpu.SemaphoreType.DMA] * 2,
        ],
    )
    def sc_b2(h2a_h, adst_h, src_h, dst_h, z80_h, acc_h,
              sidxa, didxa, hbuf, abuf, oacc, gsem, asem, ssem, ism, idm):
        cid = lax.axis_index("c")
        sid = lax.axis_index("s")
        wid = cid * 16 + sid

        def s_wait(s):
            pltpu.make_async_copy(hbuf[s], oacc.at[didxa.at[0]],
                                  ssem[s]).wait()

        ebase = wid * EPT
        pltpu.sync_copy(z80_h, oacc.at[pl.ds(sid * RPT, RPT)])
        plsc.subcore_barrier()
        for b0 in range(2):
            pltpu.sync_copy(src_h.at[pl.ds(ebase + b0 * KE, KE)],
                            sidxa.at[b0])
            pltpu.sync_copy(dst_h.at[pl.ds(ebase + b0 * KE, KE)],
                            didxa.at[b0])
        pltpu.async_copy(h2a_h.at[sidxa.at[0]], hbuf[0], gsem[0])
        pltpu.async_copy(adst_h.at[didxa.at[0]], abuf[0], asem[0])

        def blk2(t, _):
            for ph in range(2):
                b = 2 * t + ph
                cur, nxt = ph, 1 - ph

                @pl.when(b >= 1)
                def _():
                    s_wait(nxt)

                @pl.when(b + 2 < NBLK)
                def _():
                    pltpu.async_copy(
                        src_h.at[pl.ds(ebase + (b + 2) * KE, KE)],
                        sidxa.at[(b + 2) & 3], ism[cur])
                    pltpu.async_copy(
                        dst_h.at[pl.ds(ebase + (b + 2) * KE, KE)],
                        didxa.at[(b + 2) & 3], idm[cur])

                @pl.when(b + 1 < NBLK)
                def _():
                    @pl.when(b + 1 >= 2)
                    def _():
                        pltpu.make_async_copy(
                            src_h.at[pl.ds(ebase, KE)],
                            sidxa.at[0], ism[nxt]).wait()
                        pltpu.make_async_copy(
                            dst_h.at[pl.ds(ebase, KE)],
                            didxa.at[0], idm[nxt]).wait()

                    pltpu.async_copy(h2a_h.at[sidxa.at[(b + 1) & 3]],
                                     hbuf[nxt], gsem[nxt])
                    pltpu.async_copy(adst_h.at[didxa.at[(b + 1) & 3]],
                                     abuf[nxt], asem[nxt])

                pltpu.make_async_copy(h2a_h.at[sidxa.at[0]], hbuf[cur],
                                      gsem[cur]).wait()
                pltpu.make_async_copy(adst_h.at[didxa.at[0]], abuf[cur],
                                      asem[cur]).wait()

                @plsc.parallel_loop(0, KE, 1, unroll=4)
                def edge(e):
                    s = (hbuf[cur][e, pl.ds(HID, LANES)]
                         + abuf[cur][e, pl.ds(0, LANES)])
                    ev = jnp.exp(jnp.maximum(s, 0.2 * s))
                    for r in range(4):
                        sl = pl.ds(r * LANES, LANES)
                        hbuf[cur][e, sl] = hbuf[cur][e, sl] * ev
                    hbuf[cur][e, pl.ds(HID, LANES)] = ev
                pltpu.async_copy(hbuf[cur], oacc.at[didxa.at[b & 3]],
                                 ssem[cur], add=True)
            return 0

        lax.fori_loop(0, NBLK // 2, blk2, 0)

        if NBLK % 2 == 1:
            b = NBLK - 1
            cur, nxt = 0, 1
            s_wait(nxt)
            pltpu.make_async_copy(h2a_h.at[sidxa.at[0]], hbuf[cur],
                                  gsem[cur]).wait()
            pltpu.make_async_copy(adst_h.at[didxa.at[0]], abuf[cur],
                                  asem[cur]).wait()

            @plsc.parallel_loop(0, KE, 1, unroll=4)
            def edge(e):
                s = (hbuf[cur][e, pl.ds(HID, LANES)]
                     + abuf[cur][e, pl.ds(0, LANES)])
                ev = jnp.exp(jnp.maximum(s, 0.2 * s))
                for r in range(4):
                    sl = pl.ds(r * LANES, LANES)
                    hbuf[cur][e, sl] = hbuf[cur][e, sl] * ev
                hbuf[cur][e, pl.ds(HID, LANES)] = ev
            pltpu.async_copy(hbuf[cur], oacc.at[didxa.at[b & 3]],
                             ssem[cur], add=True)

        s_wait((NBLK - 1) % 2)
        plsc.subcore_barrier()
        pltpu.sync_copy(oacc.at[pl.ds(sid * RPT, RPT)],
                        acc_h.at[pl.ds(cid * NPAD + sid * RPT, RPT)])

    acc2 = sc_b2(h2a, adst2t, src, dst, z80)

    outf, _, _ = pl.pallas_call(
        _tc3_body,
        grid=(NB,),
        in_specs=[
            pl.BlockSpec((2, BN, 80), lambda i: (0, i, 0)),
            pl.BlockSpec((BN, 1), lambda i: (i, 0)),
            pl.BlockSpec((1, HID), lambda i: (0, 0)),
            pl.BlockSpec((HID, blin.shape[0]), lambda i: (0, 0)),
            pl.BlockSpec((1, blin.shape[0]), lambda i: (0, 0)),
        ],
        out_specs=[
            pl.BlockSpec((NG, blin.shape[0]), lambda i: (0, 0)),
            pl.BlockSpec((NG, HID), lambda i: (0, 0)),
            pl.BlockSpec((NG, HID), lambda i: (0, 0)),
        ],
        out_shape=[
            jax.ShapeDtypeStruct((NG, blin.shape[0]), f32),
            jax.ShapeDtypeStruct((NG, HID), f32),
            jax.ShapeDtypeStruct((NG, HID), f32),
        ],
    )(acc2.reshape(2, NPAD, 80), batch_p, b2r, Wlin, blr)

    return {"hc": hc, "asrc16": asrc16, "adst16": adst16, "ex": ex,
            "den2": den2, "outc": outc, "h2a": h2a, "adst2t": adst2t,
            "acc2": acc2, "outf": outf}


def kernel(x, edge_index, batch, W1, att_src1, att_dst1, b1,
           W2, att_src2, att_dst2, b2, Wlin, blin):
    return _pipeline(x, edge_index, batch, W1, att_src1, att_dst1, b1,
                     W2, att_src2, att_dst2, b2, Wlin, blin)["outf"]

# --- scband reference (transcript-rebuilt; emitter-appended) ---
"""Pipeline reference for scband-gatclassifier-111669150296 (READ-ONLY COPY).

The authoritative reference and input builder live on the scoring server;
editing this copy changes nothing except your own understanding.
"""

import jax, jax.numpy as jnp
import numpy as np

N_NODES = 10000
N_EDGES = 320000
F_IN = 128
HID = 64
HEADS = 8
NUM_CLASSES = 10
N_GRAPHS = 16


def gat_conv(x, edge_index, W, att_src, att_dst, bias, heads, concat):
    N = x.shape[0]
    loops = jnp.arange(N, dtype=edge_index.dtype)
    src = jnp.concatenate([edge_index[0], loops])
    dst = jnp.concatenate([edge_index[1], loops])
    C = W.shape[1] // heads
    h = (x @ W).reshape(N, heads, C)
    a_src = (h * att_src).sum(-1)  # [N, H]
    a_dst = (h * att_dst).sum(-1)  # [N, H]
    e = jax.nn.leaky_relu(a_src[src] + a_dst[dst], 0.2)  # [E, H]
    e_max = jax.lax.stop_gradient(jax.ops.segment_max(e, dst, num_segments=N))
    ex = jnp.exp(e - e_max[dst])
    denom = jax.ops.segment_sum(ex, dst, num_segments=N)
    alpha = ex / (denom[dst] + 1e-16)
    out = jax.ops.segment_sum(h[src] * alpha[:, :, None], dst, num_segments=N)
    if concat:
        out = out.reshape(N, heads * C)
    else:
        out = out.mean(axis=1)
    return out + bias


def setup_inputs(seed: int = 0):
    key = jax.random.key(seed)
    ks = jax.random.split(key, 13)
    x = jax.random.normal(ks[0], (N_NODES, F_IN), dtype=jnp.float32)
    edge_index = jax.random.randint(ks[1], (2, N_EDGES), 0, N_NODES, dtype=jnp.int64) if jax.config.jax_enable_x64 else jax.random.randint(ks[1], (2, N_EDGES), 0, N_NODES).astype(jnp.int32)
    batch = jnp.sort(jax.random.randint(ks[2], (N_NODES,), 0, N_GRAPHS)).astype(edge_index.dtype)
    W1 = jax.random.normal(ks[3], (F_IN, HEADS * HID), dtype=jnp.float32) * (1.0 / np.sqrt(F_IN))
    att_src1 = jax.random.normal(ks[4], (1, HEADS, HID), dtype=jnp.float32) * 0.1
    att_dst1 = jax.random.normal(ks[5], (1, HEADS, HID), dtype=jnp.float32) * 0.1
    b1 = jnp.zeros((HEADS * HID,), dtype=jnp.float32)
    W2 = jax.random.normal(ks[6], (HEADS * HID, HID), dtype=jnp.float32) * (1.0 / np.sqrt(HEADS * HID))
    att_src2 = jax.random.normal(ks[7], (1, 1, HID), dtype=jnp.float32) * 0.1
    att_dst2 = jax.random.normal(ks[8], (1, 1, HID), dtype=jnp.float32) * 0.1
    b2 = jnp.zeros((HID,), dtype=jnp.float32)
    Wlin = jax.random.normal(ks[9], (HID, NUM_CLASSES), dtype=jnp.float32) * (1.0 / np.sqrt(HID))
    blin = jnp.zeros((NUM_CLASSES,), dtype=jnp.float32)
    return {"x": x, "edge_index": edge_index, "batch": batch,
            "W1": W1, "att_src1": att_src1, "att_dst1": att_dst1, "b1": b1,
            "W2": W2, "att_src2": att_src2, "att_dst2": att_dst2, "b2": b2,
            "Wlin": Wlin, "blin": blin}


def reference(x, edge_index, batch, W1, att_src1, att_dst1, b1, W2, att_src2, att_dst2, b2, Wlin, blin):
    # eval mode: dropout is identity
    h = gat_conv(x, edge_index, W1, att_src1, att_dst1, b1, HEADS, True)
    h = jax.nn.elu(h)
    h = gat_conv(h, edge_index, W2, att_src2, att_dst2, b2, 1, False)
    sums = jax.ops.segment_sum(h, batch, num_segments=N_GRAPHS)
    counts = jax.ops.segment_sum(jnp.ones((h.shape[0], 1), dtype=h.dtype), batch, num_segments=N_GRAPHS)
    pooled = sums / jnp.maximum(counts, 1.0)
    out = pooled @ Wlin + blin
    return out

if __name__ == "__main__":
    import jax
    _d = setup_inputs()
    print(jax.jit(kernel)(*tuple(_d.values())))

</pallas_src>

<mosaic_0001>
#map = affine_map<(d0, d1) -> (0, 0)>
#map1 = affine_map<(d0, d1) -> (0)>
module attributes {stable_mosaic.version = 14 : i64} {
  func.func @sc_a1(%arg0: i32, %arg1: i32, %arg2: memref<10240x16xf32, #tpu.memory_space<hbm>>, %arg3: memref<10240x16xf32, #tpu.memory_space<hbm>>, %arg4: memref<331776xi32, #tpu.memory_space<hbm>>, %arg5: memref<331776xi32, #tpu.memory_space<hbm>>, %arg6: memref<640x16xf32, #tpu.memory_space<hbm>>, %arg7: memref<331776x16xf32, #tpu.memory_space<hbm>>, %arg8: memref<20480x16xf32, #tpu.memory_space<hbm>>, %arg9: memref<4x128xi32, #tpu.memory_space<vmem>>, %arg10: memref<4x128xi32, #tpu.memory_space<vmem>>, %arg11: memref<128x16xf32, #tpu.memory_space<vmem>>, %arg12: memref<128x16xf32, #tpu.memory_space<vmem>>, %arg13: memref<128x16xf32, #tpu.memory_space<vmem>>, %arg14: memref<128x16xf32, #tpu.memory_space<vmem>>, %arg15: memref<10240x16xf32, #tpu.memory_space<vmem_shared>>, %arg16: memref<!tpu.dma_semaphore, #tpu.memory_space<semaphore_mem>>, %arg17: memref<!tpu.dma_semaphore, #tpu.memory_space<semaphore_mem>>, %arg18: memref<!tpu.dma_semaphore, #tpu.memory_space<semaphore_mem>>, %arg19: memref<!tpu.dma_semaphore, #tpu.memory_space<semaphore_mem>>, %arg20: memref<!tpu.dma_semaphore, #tpu.memory_space<semaphore_mem>>, %arg21: memref<!tpu.dma_semaphore, #tpu.memory_space<semaphore_mem>>, %arg22: memref<!tpu.dma_semaphore, #tpu.memory_space<semaphore_mem>>, %arg23: memref<!tpu.dma_semaphore, #tpu.memory_space<semaphore_mem>>, %arg24: memref<!tpu.dma_semaphore, #tpu.memory_space<semaphore_mem>>, %arg25: memref<!tpu.dma_semaphore, #tpu.memory_space<semaphore_mem>>, %arg26: memref<!tpu.dma_semaphore, #tpu.memory_space<semaphore_mem>>, %arg27: memref<!tpu.dma_semaphore, #tpu.memory_space<semaphore_mem>>) attributes {dimension_semantics = [#tpu.dimension_semantics<core_parallel>, #tpu.dimension_semantics<subcore_parallel>], iteration_bounds = array<i64: 2, 16>, scalar_prefetch = 0 : i64, scratch_operands = 19 : i64, tpu.core_type = #tpu.core_type<sc_vector_subcore>, window_params = [{transform_indices = #map}, {transform_indices = #map}, {transform_indices = #map1}, {transform_indices = #map1}, {transform_indices = #map}, {transform_indices = #map}, {transform_indices = #map}]} {
    %mul3A = arith.constant 16 : i32
    %mul3A_0 = arith.muli %arg0, %mul3A : i32
    %add3A = arith.addi %mul3A_0, %arg1 : i32
    %mul3A_1 = arith.constant 10368 : i32
    %mul3A_2 = arith.muli %add3A, %mul3A_1 : i32
    %mul3A_3 = arith.constant 640 : i32
    %mul3A_4 = arith.muli %arg1, %mul3A_3 : i32
    "tpu.region"() ({
      %run_scoped3A_97 = tpu.sem_alloc : memref<!tpu.dma_semaphore, #tpu.memory_space<semaphore_mem>>
      %dma_start3A_98 = arith.constant 0 : i32
      %dma_start3A_99 = tpu.memref_slice %arg15[%mul3A_4, %dma_start3A_98] : memref<10240x16xf32, #tpu.memory_space<vmem_shared>> -> memref<640x16xf32, #tpu.memory_space<vmem_shared>>
      tpu.enqueue_dma source(%arg6 : memref<640x16xf32, #tpu.memory_space<hbm>>) target(%dma_start3A_99 : memref<640x16xf32, #tpu.memory_space<vmem_shared>>) target_semaphore(%run_scoped3A_97 : memref<!tpu.dma_semaphore, #tpu.memory_space<semaphore_mem>>)
      %dma_wait3A_100 = arith.constant 0 : i32
      %dma_wait3A_101 = tpu.memref_slice %arg15[%mul3A_4, %dma_wait3A_100] : memref<10240x16xf32, #tpu.memory_space<vmem_shared>> -> memref<640x16xf32, #tpu.memory_space<vmem_shared>>
      tpu.wait_dma2 semaphore(%run_scoped3A_97 : memref<!tpu.dma_semaphore, #tpu.memory_space<semaphore_mem>>) src(%arg6 : memref<640x16xf32, #tpu.memory_space<hbm>>) dst(%dma_wait3A_101 : memref<640x16xf32, #tpu.memory_space<vmem_shared>>)
      tpu.yield
    }) : () -> ()
    %barrier3A = arith.constant 0 : index
    tpu.barrier barrier_id(%barrier3A)
    %add3A_5 = arith.constant 0 : i32
    %add3A_6 = arith.addi %mul3A_2, %add3A_5 : i32
    %run_scoped3A = arith.constant 0 : i32
    "tpu.region"() ({
      %run_scoped3A_97 = tpu.sem_alloc : memref<!tpu.dma_semaphore, #tpu.memory_space<semaphore_mem>>
      %dma_start3A_98 = arith.constant 0 : i32
      %dma_start3A_99 = tpu.memref_slice %arg9[%run_scoped3A, %dma_start3A_98] : memref<4x128xi32, #tpu.memory_space<vmem>> -> memref<1x128xi32, #tpu.memory_space<vmem>>
      %dma_start3A_100 = tpu.memref_squeeze %dma_start3A_99 : memref<1x128xi32, #tpu.memory_space<vmem>> -> memref<128xi32, #tpu.memory_space<vmem>>
      %dma_start3A_101 = tpu.memref_slice %arg4[%add3A_6] : memref<331776xi32, #tpu.memory_space<hbm>> -> memref<128xi32, #tpu.memory_space<hbm>>
      %dma_start3A_102 = arith.constant 0 : i32
      %dma_start3A_103 = tpu.memref_slice %arg9[%run_scoped3A, %dma_start3A_102] : memref<4x128xi32, #tpu.memory_space<vmem>> -> memref<1x128xi32, #tpu.memory_space<vmem>>
      %dma_start3A_104 = tpu.memref_squeeze %dma_start3A_103 : memref<1x128xi32, #tpu.memory_space<vmem>> -> memref<128xi32, #tpu.memory_space<vmem>>
      %dma_start3A_105 = tpu.memref_slice %arg4[%add3A_6] : memref<331776xi32, #tpu.memory_space<hbm>> -> memref<128xi32, #tpu.memory_space<hbm>>
      tpu.enqueue_dma source(%dma_start3A_105 : memref<128xi32, #tpu.memory_space<hbm>>) target(%dma_start3A_104 : memref<128xi32, #tpu.memory_space<vmem>>) target_semaphore(%run_scoped3A_97 : memref<!tpu.dma_semaphore, #tpu.memory_space<semaphore_mem>>)
      %dma_wait3A_106 = arith.constant 0 : i32
      %dma_wait3A_107 = tpu.memref_slice %arg9[%run_scoped3A, %dma_wait3A_106] : memref<4x128xi32, #tpu.memory_space<vmem>> -> memref<1x128xi32, #tpu.memory_space<vmem>>
      %dma_wait3A_108 = tpu.memref_squeeze %dma_wait3A_107 : memref<1x128xi32, #tpu.memory_space<vmem>> -> memref<128xi32, #tpu.memory_space<vmem>>
      %dma_wait3A_109 = tpu.memref_slice %arg4[%add3A_6] : memref<331776xi32, #tpu.memory_space<hbm>> -> memref<128xi32, #tpu.memory_space<hbm>>
      %dma_wait3A_110 = arith.constant 0 : i32
      %dma_wait3A_111 = tpu.memref_slice %arg9[%run_scoped3A, %dma_wait3A_110] : memref<4x128xi32, #tpu.memory_space<vmem>> -> memref<1x128xi32, #tpu.memory_space<vmem>>
      %dma_wait3A_112 = tpu.memref_squeeze %dma_wait3A_111 : memref<1x128xi32, #tpu.memory_space<vmem>> -> memref<128xi32, #tpu.memory_space<vmem>>
      %dma_wait3A_113 = tpu.memref_slice %arg4[%add3A_6] : memref<331776xi32, #tpu.memory_space<hbm>> -> memref<128xi32, #tpu.memory_space<hbm>>
      tpu.wait_dma2 semaphore(%run_scoped3A_97 : memref<!tpu.dma_semaphore, #tpu.memory_space<semaphore_mem>>) src(%dma_wait3A_113 : memref<128xi32, #tpu.memory_space<hbm>>) dst(%dma_wait3A_112 : memref<128xi32, #tpu.memory_space<vmem>>)
      tpu.yield
    }) : () -> ()
    %add3A_7 = arith.constant 0 : i32
    %add3A_8 = arith.addi %mul3A_2, %add3A_7 : i32
    %run_scoped3A_9 = arith.constant 0 : i32
    "tpu.region"() ({
      %run_scoped3A_97 = tpu.sem_alloc : memref<!tpu.dma_semaphore, #tpu.memory_space<semaphore_mem>>
      %dma_start3A_98 = arith.constant 0 : i32
      %dma_start3A_99 = tpu.memref_slice %arg10[%run_scoped3A_9, %dma_start3A_98] : memref<4x128xi32, #tpu.memory_space<vmem>> -> memref<1x128xi32, #tpu.memory_space<vmem>>
      %dma_start3A_100 = tpu.memref_squeeze %dma_start3A_99 : memref<1x128xi32, #tpu.memory_space<vmem>> -> memref<128xi32, #tpu.memory_space<vmem>>
      %dma_start3A_101 = tpu.memref_slice %arg5[%add3A_8] : memref<331776xi32, #tpu.memory_space<hbm>> -> memref<128xi32, #tpu.memory_space<hbm>>
      %dma_start3A_102 = arith.constant 0 : i32
      %dma_start3A_103 = tpu.memref_slice %arg10[%run_scoped3A_9, %dma_start3A_102] : memref<4x128xi32, #tpu.memory_space<vmem>> -> memref<1x128xi32, #tpu.memory_space<vmem>>
      %dma_start3A_104 = tpu.memref_squeeze %dma_start3A_103 : memref<1x128xi32, #tpu.memory_space<vmem>> -> memref<128xi32, #tpu.memory_space<vmem>>
      %dma_start3A_105 = tpu.memref_slice %arg5[%add3A_8] : memref<331776xi32, #tpu.memory_space<hbm>> -> memref<128xi32, #tpu.memory_space<hbm>>
      tpu.enqueue_dma source(%dma_start3A_105 : memref<128xi32, #tpu.memory_space<hbm>>) target(%dma_start3A_104 : memref<128xi32, #tpu.memory_space<vmem>>) target_semaphore(%run_scoped3A_97 : memref<!tpu.dma_semaphore, #tpu.memory_space<semaphore_mem>>)
      %dma_wait3A_106 = arith.constant 0 : i32
      %dma_wait3A_107 = tpu.memref_slice %arg10[%run_scoped3A_9, %dma_wait3A_106] : memref<4x128xi32, #tpu.memory_space<vmem>> -> memref<1x128xi32, #tpu.memory_space<vmem>>
      %dma_wait3A_108 = tpu.memref_squeeze %dma_wait3A_107 : memref<1x128xi32, #tpu.memory_space<vmem>> -> memref<128xi32, #tpu.memory_space<vmem>>
      %dma_wait3A_109 = tpu.memref_slice %arg5[%add3A_8] : memref<331776xi32, #tpu.memory_space<hbm>> -> memref<128xi32, #tpu.memory_space<hbm>>
      %dma_wait3A_110 = arith.constant 0 : i32
      %dma_wait3A_111 = tpu.memref_slice %arg10[%run_scoped3A_9, %dma_wait3A_110] : memref<4x128xi32, #tpu.memory_space<vmem>> -> memref<1x128xi32, #tpu.memory_space<vmem>>
      %dma_wait3A_112 = tpu.memref_squeeze %dma_wait3A_111 : memref<1x128xi32, #tpu.memory_space<vmem>> -> memref<128xi32, #tpu.memory_space<vmem>>
      %dma_wait3A_113 = tpu.memref_slice %arg5[%add3A_8] : memref<331776xi32, #tpu.memory_space<hbm>> -> memref<128xi32, #tpu.memory_space<hbm>>
      tpu.wait_dma2 semaphore(%run_scoped3A_97 : memref<!tpu.dma_semaphore, #tpu.memory_space<semaphore_mem>>) src(%dma_wait3A_113 : memref<128xi32, #tpu.memory_space<hbm>>) dst(%dma_wait3A_112 : memref<128xi32, #tpu.memory_space<vmem>>)
      tpu.yield
    }) : () -> ()
    %add3A_10 = arith.constant 128 : i32
    %add3A_11 = arith.addi %mul3A_2, %add3A_10 : i32
    %run_scoped3A_12 = arith.constant 1 : i32
    "tpu.region"() ({
      %run_scoped3A_97 = tpu.sem_alloc : memref<!tpu.dma_semaphore, #tpu.memory_space<semaphore_mem>>
      %dma_start3A_98 = arith.constant 0 : i32
      %dma_start3A_99 = tpu.memref_slice %arg9[%run_scoped3A_12, %dma_start3A_98] : memref<4x128xi32, #tpu.memory_space<vmem>> -> memref<1x128xi32, #tpu.memory_space<vmem>>
      %dma_start3A_100 = tpu.memref_squeeze %dma_start3A_99 : memref<1x128xi32, #tpu.memory_space<vmem>> -> memref<128xi32, #tpu.memory_space<vmem>>
      %dma_start3A_101 = tpu.memref_slice %arg4[%add3A_11] : memref<331776xi32, #tpu.memory_space<hbm>> -> memref<128xi32, #tpu.memory_space<hbm>>
      %dma_start3A_102 = arith.constant 0 : i32
      %dma_start3A_103 = tpu.memref_slice %arg9[%run_scoped3A_12, %dma_start3A_102] : memref<4x128xi32, #tpu.memory_space<vmem>> -> memref<1x128xi32, #tpu.memory_space<vmem>>
      %dma_start3A_104 = tpu.memref_squeeze %dma_start3A_103 : memref<1x128xi32, #tpu.memory_space<vmem>> -> memref<128xi32, #tpu.memory_space<vmem>>
      %dma_start3A_105 = tpu.memref_slice %arg4[%add3A_11] : memref<331776xi32, #tpu.memory_space<hbm>> -> memref<128xi32, #tpu.memory_space<hbm>>
      tpu.enqueue_dma source(%dma_start3A_105 : memref<128xi32, #tpu.memory_space<hbm>>) target(%dma_start3A_104 : memref<128xi32, #tpu.memory_space<vmem>>) target_semaphore(%run_scoped3A_97 : memref<!tpu.dma_semaphore, #tpu.memory_space<semaphore_mem>>)
      %dma_wait3A_106 = arith.constant 0 : i32
      %dma_wait3A_107 = tpu.memref_slice %arg9[%run_scoped3A_12, %dma_wait3A_106] : memref<4x128xi32, #tpu.memory_space<vmem>> -> memref<1x128xi32, #tpu.memory_space<vmem>>
      %dma_wait3A_108 = tpu.memref_squeeze %dma_wait3A_107 : memref<1x128xi32, #tpu.memory_space<vmem>> -> memref<128xi32, #tpu.memory_space<vmem>>
      %dma_wait3A_109 = tpu.memref_slice %arg4[%add3A_11] : memref<331776xi32, #tpu.memory_space<hbm>> -> memref<128xi32, #tpu.memory_space<hbm>>
      %dma_wait3A_110 = arith.constant 0 : i32
      %dma_wait3A_111 = tpu.memref_slice %arg9[%run_scoped3A_12, %dma_wait3A_110] : memref<4x128xi32, #tpu.memory_space<vmem>> -> memref<1x128xi32, #tpu.memory_space<vmem>>
      %dma_wait3A_112 = tpu.memref_squeeze %dma_wait3A_111 : memref<1x128xi32, #tpu.memory_space<vmem>> -> memref<128xi32, #tpu.memory_space<vmem>>
      %dma_wait3A_113 = tpu.memref_slice %arg4[%add3A_11] : memref<331776xi32, #tpu.memory_space<hbm>> -> memref<128xi32, #tpu.memory_space<hbm>>
      tpu.wait_dma2 semaphore(%run_scoped3A_97 : memref<!tpu.dma_semaphore, #tpu.memory_space<semaphore_mem>>) src(%dma_wait3A_113 : memref<128xi32, #tpu.memory_space<hbm>>) dst(%dma_wait3A_112 : memref<128xi32, #tpu.memory_space<vmem>>)
      tpu.yield
    }) : () -> ()
    %add3A_13 = arith.constant 128 : i32
    %add3A_14 = arith.addi %mul3A_2, %add3A_13 : i32
    %run_scoped3A_15 = arith.constant 1 : i32
    "tpu.region"() ({
      %run_scoped3A_97 = tpu.sem_alloc : memref<!tpu.dma_semaphore, #tpu.memory_space<semaphore_mem>>
      %dma_start3A_98 = arith.constant 0 : i32
      %dma_start3A_99 = tpu.memref_slice %arg10[%run_scoped3A_15, %dma_start3A_98] : memref<4x128xi32, #tpu.memory_space<vmem>> -> memref<1x128xi32, #tpu.memory_space<vmem>>
      %dma_start3A_100 = tpu.memref_squeeze %dma_start3A_99 : memref<1x128xi32, #tpu.memory_space<vmem>> -> memref<128xi32, #tpu.memory_space<vmem>>
      %dma_start3A_101 = tpu.memref_slice %arg5[%add3A_14] : memref<331776xi32, #tpu.memory_space<hbm>> -> memref<128xi32, #tpu.memory_space<hbm>>
      %dma_start3A_102 = arith.constant 0 : i32
      %dma_start3A_103 = tpu.memref_slice %arg10[%run_scoped3A_15, %dma_start3A_102] : memref<4x128xi32, #tpu.memory_space<vmem>> -> memref<1x128xi32, #tpu.memory_space<vmem>>
      %dma_start3A_104 = tpu.memref_squeeze %dma_start3A_103 : memref<1x128xi32, #tpu.memory_space<vmem>> -> memref<128xi32, #tpu.memory_space<vmem>>
      %dma_start3A_105 = tpu.memref_slice %arg5[%add3A_14] : memref<331776xi32, #tpu.memory_space<hbm>> -> memref<128xi32, #tpu.memory_space<hbm>>
      tpu.enqueue_dma source(%dma_start3A_105 : memref<128xi32, #tpu.memory_space<hbm>>) target(%dma_start3A_104 : memref<128xi32, #tpu.memory_space<vmem>>) target_semaphore(%run_scoped3A_97 : memref<!tpu.dma_semaphore, #tpu.memory_space<semaphore_mem>>)
      %dma_wait3A_106 = arith.constant 0 : i32
      %dma_wait3A_107 = tpu.memref_slice %arg10[%run_scoped3A_15, %dma_wait3A_106] : memref<4x128xi32, #tpu.memory_space<vmem>> -> memref<1x128xi32, #tpu.memory_space<vmem>>
      %dma_wait3A_108 = tpu.memref_squeeze %dma_wait3A_107 : memref<1x128xi32, #tpu.memory_space<vmem>> -> memref<128xi32, #tpu.memory_space<vmem>>
      %dma_wait3A_109 = tpu.memref_slice %arg5[%add3A_14] : memref<331776xi32, #tpu.memory_space<hbm>> -> memref<128xi32, #tpu.memory_space<hbm>>
      %dma_wait3A_110 = arith.constant 0 : i32
      %dma_wait3A_111 = tpu.memref_slice %arg10[%run_scoped3A_15, %dma_wait3A_110] : memref<4x128xi32, #tpu.memory_space<vmem>> -> memref<1x128xi32, #tpu.memory_space<vmem>>
      %dma_wait3A_112 = tpu.memref_squeeze %dma_wait3A_111 : memref<1x128xi32, #tpu.memory_space<vmem>> -> memref<128xi32, #tpu.memory_space<vmem>>
      %dma_wait3A_113 = tpu.memref_slice %arg5[%add3A_14] : memref<331776xi32, #tpu.memory_space<hbm>> -> memref<128xi32, #tpu.memory_space<hbm>>
      tpu.wait_dma2 semaphore(%run_scoped3A_97 : memref<!tpu.dma_semaphore, #tpu.memory_space<semaphore_mem>>) src(%dma_wait3A_113 : memref<128xi32, #tpu.memory_space<hbm>>) dst(%dma_wait3A_112 : memref<128xi32, #tpu.memory_space<vmem>>)
      tpu.yield
    }) : () -> ()
    %dma_start3A = arith.constant 0 : i32
    %dma_start3A_16 = arith.constant 0 : i32
    %dma_start3A_17 = tpu.memref_slice %arg9[%dma_start3A, %dma_start3A_16] : memref<4x128xi32, #tpu.memory_space<vmem>> -> memref<1x128xi32, #tpu.memory_space<vmem>>
    %dma_start3A_18 = tpu.memref_squeeze %dma_start3A_17 : memref<1x128xi32, #tpu.memory_space<vmem>> -> memref<128xi32, #tpu.memory_space<vmem>>
    %dma_start3A_19 = arith.constant 0 : i32
    %dma_start3A_20 = arith.constant 0 : i32
    %dma_start3A_21 = tpu.memref_slice %arg2[%dma_start3A_19, %dma_start3A_20] : memref<10240x16xf32, #tpu.memory_space<hbm>> -> memref<10240x16xf32, #tpu.memory_space<hbm>>
    tpu.enqueue_indirect_dma source(%dma_start3A_21 : memref<10240x16xf32, #tpu.memory_space<hbm>>) target(%arg11 : memref<128x16xf32, #tpu.memory_space<vmem>>) offsets(%dma_start3A_18 : memref<128xi32, #tpu.memory_space<vmem>>) semaphore(%arg16 : memref<!tpu.dma_semaphore, #tpu.memory_space<semaphore_mem>>)
    %dma_start3A_22 = arith.constant 0 : i32
    %dma_start3A_23 = arith.constant 0 : i32
    %dma_start3A_24 = tpu.memref_slice %arg10[%dma_start3A_22, %dma_start3A_23] : memref<4x128xi32, #tpu.memory_space<vmem>> -> memref<1x128xi32, #tpu.memory_space<vmem>>
    %dma_start3A_25 = tpu.memref_squeeze %dma_start3A_24 : memref<1x128xi32, #tpu.memory_space<vmem>> -> memref<128xi32, #tpu.memory_space<vmem>>
    %dma_start3A_26 = arith.constant 0 : i32
    %dma_start3A_27 = arith.constant 0 : i32
    %dma_start3A_28 = tpu.memref_slice %arg3[%dma_start3A_26, %dma_start3A_27] : memref<10240x16xf32, #tpu.memory_space<hbm>> -> memref<10240x16xf32, #tpu.memory_space<hbm>>
    tpu.enqueue_indirect_dma source(%dma_start3A_28 : memref<10240x16xf32, #tpu.memory_space<hbm>>) target(%arg13 : memref<128x16xf32, #tpu.memory_space<vmem>>) offsets(%dma_start3A_25 : memref<128xi32, #tpu.memory_space<vmem>>) semaphore(%arg18 : memref<!tpu.dma_semaphore, #tpu.memory_space<semaphore_mem>>)
    %scan3A = arith.constant 0 : i32
    %scan3A_29 = arith.constant 0 : i32
    %scan3A_30 = arith.constant 40 : i32
    %scan3A_31 = arith.addi %scan3A_29, %scan3A_30 : i32
    %scan3A_32 = arith.constant 1 : i32
    %scan3A_33 = scf.for %scan3A_97 = %scan3A_29 to %scan3A_31 step %scan3A_32 iter_args(%scan3A_98 = %scan3A) -> (i32)  : i32 {
      %mul3A_99 = arith.constant 2 : i32
      %mul3A_100 = arith.muli %mul3A_99, %scan3A_97 : i32
      %add3A_101 = arith.constant 0 : i32
      %add3A_102 = arith.addi %mul3A_100, %add3A_101 : i32
      %ge3A = arith.constant 1 : i32
      %ge3A_103 = arith.cmpi sge, %add3A_102, %ge3A : i32
      %convert_element_type3A = arith.extui %ge3A_103 : i1 to i32
      %cond3A = arith.constant 0 : i32
      %cond3A_104 = arith.cmpi ne, %convert_element_type3A, %cond3A : i32
      scf.if %cond3A_104 {
        %dma_wait3A_205 = arith.constant 0 : i32
        %dma_wait3A_206 = arith.constant 0 : i32
        %dma_wait3A_207 = tpu.memref_slice %arg10[%dma_wait3A_205, %dma_wait3A_206] : memref<4x128xi32, #tpu.memory_space<vmem>> -> memref<1x128xi32, #tpu.memory_space<vmem>>
        %dma_wait3A_208 = tpu.memref_squeeze %dma_wait3A_207 : memref<1x128xi32, #tpu.memory_space<vmem>> -> memref<128xi32, #tpu.memory_space<vmem>>
        %dma_wait3A_209 = arith.constant 0 : i32
        %dma_wait3A_210 = arith.constant 0 : i32
        %dma_wait3A_211 = tpu.memref_slice %arg15[%dma_wait3A_209, %dma_wait3A_210] : memref<10240x16xf32, #tpu.memory_space<vmem_shared>> -> memref<10240x16xf32, #tpu.memory_space<vmem_shared>>
        tpu.wait_indirect_dma semaphore(%arg21 : memref<!tpu.dma_semaphore, #tpu.memory_space<semaphore_mem>>) src(%arg14 : memref<128x16xf32, #tpu.memory_space<vmem>>) dst(%dma_wait3A_211 : memref<10240x16xf32, #tpu.memory_space<vmem_shared>>)
        %dma_wait3A_212 = arith.constant 0 : i32
        %dma_wait3A_213 = arith.constant 0 : i32
        %dma_wait3A_214 = tpu.memref_slice %arg7[%dma_wait3A_212, %dma_wait3A_213] : memref<331776x16xf32, #tpu.memory_space<hbm>> -> memref<128x16xf32, #tpu.memory_space<hbm>>
        %dma_wait3A_215 = arith.constant 0 : i32
        %dma_wait3A_216 = arith.constant 0 : i32
        %dma_wait3A_217 = tpu.memref_slice %arg7[%dma_wait3A_215, %dma_wait3A_216] : memref<331776x16xf32, #tpu.memory_space<hbm>> -> memref<128x16xf32, #tpu.memory_space<hbm>>
        tpu.wait_dma2 semaphore(%arg23 : memref<!tpu.dma_semaphore, #tpu.memory_space<semaphore_mem>>) src(%arg14 : memref<128x16xf32, #tpu.memory_space<vmem>>) dst(%dma_wait3A_217 : memref<128x16xf32, #tpu.memory_space<hbm>>)
      } else {
      }
      %add3A_105 = arith.constant 2 : i32
      %add3A_106 = arith.addi %add3A_102, %add3A_105 : i32
      %lt3A = arith.constant 81 : i32
      %lt3A_107 = arith.cmpi slt, %add3A_106, %lt3A : i32
      %convert_element_type3A_108 = arith.extui %lt3A_107 : i1 to i32
      %cond3A_109 = arith.constant 0 : i32
      %cond3A_110 = arith.cmpi ne, %convert_element_type3A_108, %cond3A_109 : i32
      scf.if %cond3A_110 {
        %add3A_205 = arith.constant 2 : i32
        %add3A_206 = arith.addi %add3A_102, %add3A_205 : i32
        %mul3A_207 = arith.constant 128 : i32
        %mul3A_208 = arith.muli %add3A_206, %mul3A_207 : i32
        %add3A_209 = arith.addi %mul3A_2, %mul3A_208 : i32
        %add3A_210 = arith.constant 2 : i32
        %add3A_211 = arith.addi %add3A_102, %add3A_210 : i32
        %and3A_212 = arith.constant 3 : i32
        %and3A_213 = arith.andi %add3A_211, %and3A_212 : i32
        %dma_start3A_214 = arith.constant 0 : i32
        %dma_start3A_215 = tpu.memref_slice %arg9[%and3A_213, %dma_start3A_214] : memref<4x128xi32, #tpu.memory_space<vmem>> -> memref<1x128xi32, #tpu.memory_space<vmem>>
        %dma_start3A_216 = tpu.memref_squeeze %dma_start3A_215 : memref<1x128xi32, #tpu.memory_space<vmem>> -> memref<128xi32, #tpu.memory_space<vmem>>
        %dma_start3A_217 = tpu.memref_slice %arg4[%add3A_209] : memref<331776xi32, #tpu.memory_space<hbm>> -> memref<128xi32, #tpu.memory_space<hbm>>
        %dma_start3A_218 = arith.constant 0 : i32
        %dma_start3A_219 = tpu.memref_slice %arg9[%and3A_213, %dma_start3A_218] : memref<4x128xi32, #tpu.memory_space<vmem>> -> memref<1x128xi32, #tpu.memory_space<vmem>>
        %dma_start3A_220 = tpu.memref_squeeze %dma_start3A_219 : memref<1x128xi32, #tpu.memory_space<vmem>> -> memref<128xi32, #tpu.memory_space<vmem>>
        %dma_start3A_221 = tpu.memref_slice %arg4[%add3A_209] : memref<331776xi32, #tpu.memory_space<hbm>> -> memref<128xi32, #tpu.memory_space<hbm>>
        tpu.enqueue_dma source(%dma_start3A_221 : memref<128xi32, #tpu.memory_space<hbm>>) target(%dma_start3A_220 : memref<128xi32, #tpu.memory_space<vmem>>) target_semaphore(%arg24 : memref<!tpu.dma_semaphore, #tpu.memory_space<semaphore_mem>>)
        %add3A_222 = arith.constant 2 : i32
        %add3A_223 = arith.addi %add3A_102, %add3A_222 : i32
        %mul3A_224 = arith.constant 128 : i32
        %mul3A_225 = arith.muli %add3A_223, %mul3A_224 : i32
        %add3A_226 = arith.addi %mul3A_2, %mul3A_225 : i32
        %add3A_227 = arith.constant 2 : i32
        %add3A_228 = arith.addi %add3A_102, %add3A_227 : i32
        %and3A_229 = arith.constant 3 : i32
        %and3A_230 = arith.andi %add3A_228, %and3A_229 : i32
        %dma_start3A_231 = arith.constant 0 : i32
        %dma_start3A_232 = tpu.memref_slice %arg10[%and3A_230, %dma_start3A_231] : memref<4x128xi32, #tpu.memory_space<vmem>> -> memref<1x128xi32, #tpu.memory_space<vmem>>
        %dma_start3A_233 = tpu.memref_squeeze %dma_start3A_232 : memref<1x128xi32, #tpu.memory_space<vmem>> -> memref<128xi32, #tpu.memory_space<vmem>>
        %dma_start3A_234 = tpu.memref_slice %arg5[%add3A_226] : memref<331776xi32, #tpu.memory_space<hbm>> -> memref<128xi32, #tpu.memory_space<hbm>>
        %dma_start3A_235 = arith.constant 0 : i32
        %dma_start3A_236 = tpu.memref_slice %arg10[%and3A_230, %dma_start3A_235] : memref<4x128xi32, #tpu.memory_space<vmem>> -> memref<1x128xi32, #tpu.memory_space<vmem>>
        %dma_start3A_237 = tpu.memref_squeeze %dma_start3A_236 : memref<1x128xi32, #tpu.memory_space<vmem>> -> memref<128xi32, #tpu.memory_space<vmem>>
        %dma_start3A_238 = tpu.memref_slice %arg5[%add3A_226] : memref<331776xi32, #tpu.memory_space<hbm>> -> memref<128xi32, #tpu.memory_space<hbm>>
        tpu.enqueue_dma source(%dma_start3A_238 : memref<128xi32, #tpu.memory_space<hbm>>) target(%dma_start3A_237 : memref<128xi32, #tpu.memory_space<vmem>>) target_semaphore(%arg26 : memref<!tpu.dma_semaphore, #tpu.memory_space<semaphore_mem>>)
      } else {
      }
      %add3A_111 = arith.constant 1 : i32
      %add3A_112 = arith.addi %add3A_102, %add3A_111 : i32
      %lt3A_113 = arith.constant 81 : i32
      %lt3A_114 = arith.cmpi slt, %add3A_112, %lt3A_113 : i32
      %convert_element_type3A_115 = arith.extui %lt3A_114 : i1 to i32
      %cond3A_116 = arith.constant 0 : i32
      %cond3A_117 = arith.cmpi ne, %convert_element_type3A_115, %cond3A_116 : i32
      scf.if %cond3A_117 {
        %add3A_205 = arith.constant 1 : i32
        %add3A_206 = arith.addi %add3A_102, %add3A_205 : i32
        %ge3A_207 = arith.constant 2 : i32
        %ge3A_208 = arith.cmpi sge, %add3A_206, %ge3A_207 : i32
        %convert_element_type3A_209 = arith.extui %ge3A_208 : i1 to i32
        %cond3A_210 = arith.constant 0 : i32
        %cond3A_211 = arith.cmpi ne, %convert_element_type3A_209, %cond3A_210 : i32
        scf.if %cond3A_211 {
          %dma_wait3A_232 = arith.constant 0 : i32
          %dma_wait3A_233 = arith.constant 0 : i32
          %dma_wait3A_234 = tpu.memref_slice %arg9[%dma_wait3A_232, %dma_wait3A_233] : memref<4x128xi32, #tpu.memory_space<vmem>> -> memref<1x128xi32, #tpu.memory_space<vmem>>
          %dma_wait3A_235 = tpu.memref_squeeze %dma_wait3A_234 : memref<1x128xi32, #tpu.memory_space<vmem>> -> memref<128xi32, #tpu.memory_space<vmem>>
          %dma_wait3A_236 = tpu.memref_slice %arg4[%mul3A_2] : memref<331776xi32, #tpu.memory_space<hbm>> -> memref<128xi32, #tpu.memory_space<hbm>>
          %dma_wait3A_237 = arith.constant 0 : i32
          %dma_wait3A_238 = tpu.memref_slice %arg9[%dma_wait3A_232, %dma_wait3A_237] : memref<4x128xi32, #tpu.memory_space<vmem>> -> memref<1x128xi32, #tpu.memory_space<vmem>>
          %dma_wait3A_239 = tpu.memref_squeeze %dma_wait3A_238 : memref<1x128xi32, #tpu.memory_space<vmem>> -> memref<128xi32, #tpu.memory_space<vmem>>
          %dma_wait3A_240 = tpu.memref_slice %arg4[%mul3A_2] : memref<331776xi32, #tpu.memory_space<hbm>> -> memref<128xi32, #tpu.memory_space<hbm>>
          tpu.wait_dma2 semaphore(%arg25 : memref<!tpu.dma_semaphore, #tpu.memory_space<semaphore_mem>>) src(%dma_wait3A_240 : memref<128xi32, #tpu.memory_space<hbm>>) dst(%dma_wait3A_239 : memref<128xi32, #tpu.memory_space<vmem>>)
          %dma_wait3A_241 = arith.constant 0 : i32
          %dma_wait3A_242 = arith.constant 0 : i32
          %dma_wait3A_243 = tpu.memref_slice %arg10[%dma_wait3A_241, %dma_wait3A_242] : memref<4x128xi32, #tpu.memory_space<vmem>> -> memref<1x128xi32, #tpu.memory_space<vmem>>
          %dma_wait3A_244 = tpu.memref_squeeze %dma_wait3A_243 : memref<1x128xi32, #tpu.memory_space<vmem>> -> memref<128xi32, #tpu.memory_space<vmem>>
          %dma_wait3A_245 = tpu.memref_slice %arg5[%mul3A_2] : memref<331776xi32, #tpu.memory_space<hbm>> -> memref<128xi32, #tpu.memory_space<hbm>>
          %dma_wait3A_246 = arith.constant 0 : i32
          %dma_wait3A_247 = tpu.memref_slice %arg10[%dma_wait3A_241, %dma_wait3A_246] : memref<4x128xi32, #tpu.memory_space<vmem>> -> memref<1x128xi32, #tpu.memory_space<vmem>>
          %dma_wait3A_248 = tpu.memref_squeeze %dma_wait3A_247 : memref<1x128xi32, #tpu.memory_space<vmem>> -> memref<128xi32, #tpu.memory_space<vmem>>
          %dma_wait3A_249 = tpu.memref_slice %arg5[%mul3A_2] : memref<331776xi32, #tpu.memory_space<hbm>> -> memref<128xi32, #tpu.memory_space<hbm>>
          tpu.wait_dma2 semaphore(%arg27 : memref<!tpu.dma_semaphore, #tpu.memory_space<semaphore_mem>>) src(%dma_wait3A_249 : memref<128xi32, #tpu.memory_space<hbm>>) dst(%dma_wait3A_248 : memref<128xi32, #tpu.memory_space<vmem>>)
        } else {
        }
        %add3A_212 = arith.constant 1 : i32
        %add3A_213 = arith.addi %add3A_102, %add3A_212 : i32
        %and3A_214 = arith.constant 3 : i32
        %and3A_215 = arith.andi %add3A_213, %and3A_214 : i32
        %dma_start3A_216 = arith.constant 0 : i32
        %dma_start3A_217 = tpu.memref_slice %arg9[%and3A_215, %dma_start3A_216] : memref<4x128xi32, #tpu.memory_space<vmem>> -> memref<1x128xi32, #tpu.memory_space<vmem>>
        %dma_start3A_218 = tpu.memref_squeeze %dma_start3A_217 : memref<1x128xi32, #tpu.memory_space<vmem>> -> memref<128xi32, #tpu.memory_space<vmem>>
        %dma_start3A_219 = arith.constant 0 : i32
        %dma_start3A_220 = arith.constant 0 : i32
        %dma_start3A_221 = tpu.memref_slice %arg2[%dma_start3A_219, %dma_start3A_220] : memref<10240x16xf32, #tpu.memory_space<hbm>> -> memref<10240x16xf32, #tpu.memory_space<hbm>>
        tpu.enqueue_indirect_dma source(%dma_start3A_221 : memref<10240x16xf32, #tpu.memory_space<hbm>>) target(%arg12 : memref<128x16xf32, #tpu.memory_space<vmem>>) offsets(%dma_start3A_218 : memref<128xi32, #tpu.memory_space<vmem>>) semaphore(%arg17 : memref<!tpu.dma_semaphore, #tpu.memory_space<semaphore_mem>>)
        %add3A_222 = arith.constant 1 : i32
        %add3A_223 = arith.addi %add3A_102, %add3A_222 : i32
        %and3A_224 = arith.constant 3 : i32
        %and3A_225 = arith.andi %add3A_223, %and3A_224 : i32
        %dma_start3A_226 = arith.constant 0 : i32
        %dma_start3A_227 = tpu.memref_slice %arg10[%and3A_225, %dma_start3A_226] : memref<4x128xi32, #tpu.memory_space<vmem>> -> memref<1x128xi32, #tpu.memory_space<vmem>>
        %dma_start3A_228 = tpu.memref_squeeze %dma_start3A_227 : memref<1x128xi32, #tpu.memory_space<vmem>> -> memref<128xi32, #tpu.memory_space<vmem>>
        %dma_start3A_229 = arith.constant 0 : i32
        %dma_start3A_230 = arith.constant 0 : i32
        %dma_start3A_231 = tpu.memref_slice %arg3[%dma_start3A_229, %dma_start3A_230] : memref<10240x16xf32, #tpu.memory_space<hbm>> -> memref<10240x16xf32, #tpu.memory_space<hbm>>
        tpu.enqueue_indirect_dma source(%dma_start3A_231 : memref<10240x16xf32, #tpu.memory_space<hbm>>) target(%arg14 : memref<128x16xf32, #tpu.memory_space<vmem>>) offsets(%dma_start3A_228 : memref<128xi32, #tpu.memory_space<vmem>>) semaphore(%arg19 : memref<!tpu.dma_semaphore, #tpu.memory_space<semaphore_mem>>)
      } else {
      }
      %dma_wait3A_118 = arith.constant 0 : i32
      %dma_wait3A_119 = arith.constant 0 : i32
      %dma_wait3A_120 = tpu.memref_slice %arg9[%dma_wait3A_118, %dma_wait3A_119] : memref<4x128xi32, #tpu.memory_space<vmem>> -> memref<1x128xi32, #tpu.memory_space<vmem>>
      %dma_wait3A_121 = tpu.memref_squeeze %dma_wait3A_120 : memref<1x128xi32, #tpu.memory_space<vmem>> -> memref<128xi32, #tpu.memory_space<vmem>>
      %dma_wait3A_122 = arith.constant 0 : i32
      %dma_wait3A_123 = arith.constant 0 : i32
      %dma_wait3A_124 = tpu.memref_slice %arg2[%dma_wait3A_122, %dma_wait3A_123] : memref<10240x16xf32, #tpu.memory_space<hbm>> -> memref<10240x16xf32, #tpu.memory_space<hbm>>
      tpu.wait_indirect_dma semaphore(%arg16 : memref<!tpu.dma_semaphore, #tpu.memory_space<semaphore_mem>>) src(%dma_wait3A_124 : memref<10240x16xf32, #tpu.memory_space<hbm>>) dst(%arg11 : memref<128x16xf32, #tpu.memory_space<vmem>>)
      %dma_wait3A_125 = arith.constant 0 : i32
      %dma_wait3A_126 = arith.constant 0 : i32
      %dma_wait3A_127 = tpu.memref_slice %arg10[%dma_wait3A_125, %dma_wait3A_126] : memref<4x128xi32, #tpu.memory_space<vmem>> -> memref<1x128xi32, #tpu.memory_space<vmem>>
      %dma_wait3A_128 = tpu.memref_squeeze %dma_wait3A_127 : memref<1x128xi32, #tpu.memory_space<vmem>> -> memref<128xi32, #tpu.memory_space<vmem>>
      %dma_wait3A_129 = arith.constant 0 : i32
      %dma_wait3A_130 = arith.constant 0 : i32
      %dma_wait3A_131 = tpu.memref_slice %arg3[%dma_wait3A_129, %dma_wait3A_130] : memref<10240x16xf32, #tpu.memory_space<hbm>> -> memref<10240x16xf32, #tpu.memory_space<hbm>>
      tpu.wait_indirect_dma semaphore(%arg18 : memref<!tpu.dma_semaphore, #tpu.memory_space<semaphore_mem>>) src(%dma_wait3A_131 : memref<10240x16xf32, #tpu.memory_space<hbm>>) dst(%arg13 : memref<128x16xf32, #tpu.memory_space<vmem>>)
      %parallel_loop3A_132 = arith.constant 0 : i32
      %parallel_loop3A_133 = arith.constant 128 : i32
      %parallel_loop3A_134 = arith.constant 1 : i32
      scf.for %parallel_loop3A_205 = %parallel_loop3A_132 to %parallel_loop3A_133 step %parallel_loop3A_134  : i32 {
        %parallel_loop3A_206 = arith.index_cast %parallel_loop3A_205 : i32 to index
        %parallel_loop3A_207 = arith.constant 0 : index
        %parallel_loop3A_208 = tpu.vector_load %arg11[%parallel_loop3A_206, %parallel_loop3A_207] {strides = array<i32>} : memref<128x16xf32, #tpu.memory_space<vmem>>, vector<1x16xf32>,
        %parallel_loop3A_209 = vector.shape_cast %parallel_loop3A_208 : vector<1x16xf32> to vector<16xf32>
        %parallel_loop3A_210 = arith.index_cast %parallel_loop3A_205 : i32 to index
        %parallel_loop3A_211 = arith.constant 0 : index
        %parallel_loop3A_212 = tpu.vector_load %arg13[%parallel_loop3A_210, %parallel_loop3A_211] {strides = array<i32>} : memref<128x16xf32, #tpu.memory_space<vmem>>, vector<1x16xf32>,
        %parallel_loop3A_213 = vector.shape_cast %parallel_loop3A_212 : vector<1x16xf32> to vector<16xf32>
        %parallel_loop3A_214 = arith.addf %parallel_loop3A_209, %parallel_loop3A_213 : vector<16xf32>
        %parallel_loop3A_215 = arith.constant 2.000000e-01 : f32
        %parallel_loop3A_216 = vector.broadcast %parallel_loop3A_215 : f32 to vector<16xf32>
        %parallel_loop3A_217 = arith.mulf %parallel_loop3A_216, %parallel_loop3A_214 : vector<16xf32>
        %parallel_loop3A_218 = arith.maximumf %parallel_loop3A_214, %parallel_loop3A_217 : vector<16xf32>
        %parallel_loop3A_219 = math.exp %parallel_loop3A_218 : vector<16xf32>
        %parallel_loop3A_220 = arith.index_cast %parallel_loop3A_205 : i32 to index
        %parallel_loop3A_221 = arith.constant 0 : index
        %parallel_loop3A_222 = tpu.vector_load %arg13[%parallel_loop3A_220, %parallel_loop3A_221] {strides = array<i32>} : memref<128x16xf32, #tpu.memory_space<vmem>>, vector<1x16xf32>,
        %parallel_loop3A_223 = vector.shape_cast %parallel_loop3A_222 : vector<1x16xf32> to vector<16xf32>
        %parallel_loop3A_224 = vector.shape_cast %parallel_loop3A_219 : vector<16xf32> to vector<1x16xf32>
        tpu.vector_store %arg13[%parallel_loop3A_220, %parallel_loop3A_221], %parallel_loop3A_224 {strides = array<i32>} : memref<128x16xf32, #tpu.memory_space<vmem>>, vector<1x16xf32>,
      } {sc.loop_unroll_factor = 4 : i64, sc.parallel_access}
      %and3A = arith.constant 3 : i32
      %and3A_135 = arith.andi %add3A_102, %and3A : i32
      %dma_start3A_136 = arith.constant 0 : i32
      %dma_start3A_137 = tpu.memref_slice %arg10[%and3A_135, %dma_start3A_136] : memref<4x128xi32, #tpu.memory_space<vmem>> -> memref<1x128xi32, #tpu.memory_space<vmem>>
      %dma_start3A_138 = tpu.memref_squeeze %dma_start3A_137 : memref<1x128xi32, #tpu.memory_space<vmem>> -> memref<128xi32, #tpu.memory_space<vmem>>
      %dma_start3A_139 = arith.constant 0 : i32
      %dma_start3A_140 = arith.constant 0 : i32
      %dma_start3A_141 = tpu.memref_slice %arg15[%dma_start3A_139, %dma_start3A_140] : memref<10240x16xf32, #tpu.memory_space<vmem_shared>> -> memref<10240x16xf32, #tpu.memory_space<vmem_shared>>
      tpu.enqueue_indirect_dma source(%arg13 : memref<128x16xf32, #tpu.memory_space<vmem>>) target(%dma_start3A_141 : memref<10240x16xf32, #tpu.memory_space<vmem_shared>>) offsets(%dma_start3A_138 : memref<128xi32, #tpu.memory_space<vmem>>) semaphore(%arg20 : memref<!tpu.dma_semaphore, #tpu.memory_space<semaphore_mem>>) {add = true}
      %mul3A_142 = arith.constant 128 : i32
      %mul3A_143 = arith.muli %add3A_102, %mul3A_142 : i32
      %add3A_144 = arith.addi %mul3A_2, %mul3A_143 : i32
      %dma_start3A_145 = arith.constant 0 : i32
      %dma_start3A_146 = tpu.memref_slice %arg7[%add3A_144, %dma_start3A_145] : memref<331776x16xf32, #tpu.memory_space<hbm>> -> memref<128x16xf32, #tpu.memory_space<hbm>>
      %dma_start3A_147 = arith.constant 0 : i32
      %dma_start3A_148 = tpu.memref_slice %arg7[%add3A_144, %dma_start3A_147] : memref<331776x16xf32, #tpu.memory_space<hbm>> -> memref<128x16xf32, #tpu.memory_space<hbm>>
      tpu.enqueue_dma source(%arg13 : memref<128x16xf32, #tpu.memory_space<vmem>>) target(%dma_start3A_148 : memref<128x16xf32, #tpu.memory_space<hbm>>) target_semaphore(%arg22 : memref<!tpu.dma_semaphore, #tpu.memory_space<semaphore_mem>>)
      %mul3A_149 = arith.constant 2 : i32
      %mul3A_150 = arith.muli %mul3A_149, %scan3A_97 : i32
      %add3A_151 = arith.constant 1 : i32
      %add3A_152 = arith.addi %mul3A_150, %add3A_151 : i32
      %ge3A_153 = arith.constant 1 : i32
      %ge3A_154 = arith.cmpi sge, %add3A_152, %ge3A_153 : i32
      %convert_element_type3A_155 = arith.extui %ge3A_154 : i1 to i32
      %cond3A_156 = arith.constant 0 : i32
      %cond3A_157 = arith.cmpi ne, %convert_element_type3A_155, %cond3A_156 : i32
      scf.if %cond3A_157 {
        %dma_wait3A_205 = arith.constant 0 : i32
        %dma_wait3A_206 = arith.constant 0 : i32
        %dma_wait3A_207 = tpu.memref_slice %arg10[%dma_wait3A_205, %dma_wait3A_206] : memref<4x128xi32, #tpu.memory_space<vmem>> -> memref<1x128xi32, #tpu.memory_space<vmem>>
        %dma_wait3A_208 = tpu.memref_squeeze %dma_wait3A_207 : memref<1x128xi32, #tpu.memory_space<vmem>> -> memref<128xi32, #tpu.memory_space<vmem>>
        %dma_wait3A_209 = arith.constant 0 : i32
        %dma_wait3A_210 = arith.constant 0 : i32
        %dma_wait3A_211 = tpu.memref_slice %arg15[%dma_wait3A_209, %dma_wait3A_210] : memref<10240x16xf32, #tpu.memory_space<vmem_shared>> -> memref<10240x16xf32, #tpu.memory_space<vmem_shared>>
        tpu.wait_indirect_dma semaphore(%arg20 : memref<!tpu.dma_semaphore, #tpu.memory_space<semaphore_mem>>) src(%arg13 : memref<128x16xf32, #tpu.memory_space<vmem>>) dst(%dma_wait3A_211 : memref<10240x16xf32, #tpu.memory_space<vmem_shared>>)
        %dma_wait3A_212 = arith.constant 0 : i32
        %dma_wait3A_213 = arith.constant 0 : i32
        %dma_wait3A_214 = tpu.memref_slice %arg7[%dma_wait3A_212, %dma_wait3A_213] : memref<331776x16xf32, #tpu.memory_space<hbm>> -> memref<128x16xf32, #tpu.memory_space<hbm>>
        %dma_wait3A_215 = arith.constant 0 : i32
        %dma_wait3A_216 = arith.constant 0 : i32
        %dma_wait3A_217 = tpu.memref_slice %arg7[%dma_wait3A_215, %dma_wait3A_216] : memref<331776x16xf32, #tpu.memory_space<hbm>> -> memref<128x16xf32, #tpu.memory_space<hbm>>
        tpu.wait_dma2 semaphore(%arg22 : memref<!tpu.dma_semaphore, #tpu.memory_space<semaphore_mem>>) src(%arg13 : memref<128x16xf32, #tpu.memory_space<vmem>>) dst(%dma_wait3A_217 : memref<128x16xf32, #tpu.memory_space<hbm>>)
      } else {
      }
      %add3A_158 = arith.constant 2 : i32
      %add3A_159 = arith.addi %add3A_152, %add3A_158 : i32
      %lt3A_160 = arith.constant 81 : i32
      %lt3A_161 = arith.cmpi slt, %add3A_159, %lt3A_160 : i32
      %convert_element_type3A_162 = arith.extui %lt3A_161 : i1 to i32
      %cond3A_163 = arith.constant 0 : i32
      %cond3A_164 = arith.cmpi ne, %convert_element_type3A_162, %cond3A_163 : i32
      scf.if %cond3A_164 {
        %add3A_205 = arith.constant 2 : i32
        %add3A_206 = arith.addi %add3A_152, %add3A_205 : i32
        %mul3A_207 = arith.constant 128 : i32
        %mul3A_208 = arith.muli %add3A_206, %mul3A_207 : i32
        %add3A_209 = arith.addi %mul3A_2, %mul3A_208 : i32
        %add3A_210 = arith.constant 2 : i32
        %add3A_211 = arith.addi %add3A_152, %add3A_210 : i32
        %and3A_212 = arith.constant 3 : i32
        %and3A_213 = arith.andi %add3A_211, %and3A_212 : i32
        %dma_start3A_214 = arith.constant 0 : i32
        %dma_start3A_215 = tpu.memref_slice %arg9[%and3A_213, %dma_start3A_214] : memref<4x128xi32, #tpu.memory_space<vmem>> -> memref<1x128xi32, #tpu.memory_space<vmem>>
        %dma_start3A_216 = tpu.memref_squeeze %dma_start3A_215 : memref<1x128xi32, #tpu.memory_space<vmem>> -> memref<128xi32, #tpu.memory_space<vmem>>
        %dma_start3A_217 = tpu.memref_slice %arg4[%add3A_209] : memref<331776xi32, #tpu.memory_space<hbm>> -> memref<128xi32, #tpu.memory_space<hbm>>
        %dma_start3A_218 = arith.constant 0 : i32
        %dma_start3A_219 = tpu.memref_slice %arg9[%and3A_213, %dma_start3A_218] : memref<4x128xi32, #tpu.memory_space<vmem>> -> memref<1x128xi32, #tpu.memory_space<vmem>>
        %dma_start3A_220 = tpu.memref_squeeze %dma_start3A_219 : memref<1x128xi32, #tpu.memory_space<vmem>> -> memref<128xi32, #tpu.memory_space<vmem>>
        %dma_start3A_221 = tpu.memref_slice %arg4[%add3A_209] : memref<331776xi32, #tpu.memory_space<hbm>> -> memref<128xi32, #tpu.memory_space<hbm>>
        tpu.enqueue_dma source(%dma_start3A_221 : memref<128xi32, #tpu.memory_space<hbm>>) target(%dma_start3A_220 : memref<128xi32, #tpu.memory_space<vmem>>) target_semaphore(%arg25 : memref<!tpu.dma_semaphore, #tpu.memory_space<semaphore_mem>>)
        %add3A_222 = arith.constant 2 : i32
        %add3A_223 = arith.addi %add3A_152, %add3A_222 : i32
        %mul3A_224 = arith.constant 128 : i32
        %mul3A_225 = arith.muli %add3A_223, %mul3A_224 : i32
        %add3A_226 = arith.addi %mul3A_2, %mul3A_225 : i32
        %add3A_227 = arith.constant 2 : i32
        %add3A_228 = arith.addi %add3A_152, %add3A_227 : i32
        %and3A_229 = arith.constant 3 : i32
        %and3A_230 = arith.andi %add3A_228, %and3A_229 : i32
        %dma_start3A_231 = arith.constant 0 : i32
        %dma_start3A_232 = tpu.memref_slice %arg10[%and3A_230, %dma_start3A_231] : memref<4x128xi32, #tpu.memory_space<vmem>> -> memref<1x128xi32, #tpu.memory_space<vmem>>
        %dma_start3A_233 = tpu.memref_squeeze %dma_start3A_232 : memref<1x128xi32, #tpu.memory_space<vmem>> -> memref<128xi32, #tpu.memory_space<vmem>>
        %dma_start3A_234 = tpu.memref_slice %arg5[%add3A_226] : memref<331776xi32, #tpu.memory_space<hbm>> -> memref<128xi32, #tpu.memory_space<hbm>>
        %dma_start3A_235 = arith.constant 0 : i32
        %dma_start3A_236 = tpu.memref_slice %arg10[%and3A_230, %dma_start3A_235] : memref<4x128xi32, #tpu.memory_space<vmem>> -> memref<1x128xi32, #tpu.memory_space<vmem>>
        %dma_start3A_237 = tpu.memref_squeeze %dma_start3A_236 : memref<1x128xi32, #tpu.memory_space<vmem>> -> memref<128xi32, #tpu.memory_space<vmem>>
        %dma_start3A_238 = tpu.memref_slice %arg5[%add3A_226] : memref<331776xi32, #tpu.memory_space<hbm>> -> memref<128xi32, #tpu.memory_space<hbm>>
        tpu.enqueue_dma source(%dma_start3A_238 : memref<128xi32, #tpu.memory_space<hbm>>) target(%dma_start3A_237 : memref<128xi32, #tpu.memory_space<vmem>>) target_semaphore(%arg27 : memref<!tpu.dma_semaphore, #tpu.memory_space<semaphore_mem>>)
      } else {
      }
      %add3A_165 = arith.constant 1 : i32
      %add3A_166 = arith.addi %add3A_152, %add3A_165 : i32
      %lt3A_167 = arith.constant 81 : i32
      %lt3A_168 = arith.cmpi slt, %add3A_166, %lt3A_167 : i32
      %convert_element_type3A_169 = arith.extui %lt3A_168 : i1 to i32
      %cond3A_170 = arith.constant 0 : i32
      %cond3A_171 = arith.cmpi ne, %convert_element_type3A_169, %cond3A_170 : i32
      scf.if %cond3A_171 {
        %add3A_205 = arith.constant 1 : i32
        %add3A_206 = arith.addi %add3A_152, %add3A_205 : i32
        %ge3A_207 = arith.constant 2 : i32
        %ge3A_208 = arith.cmpi sge, %add3A_206, %ge3A_207 : i32
        %convert_element_type3A_209 = arith.extui %ge3A_208 : i1 to i32
        %cond3A_210 = arith.constant 0 : i32
        %cond3A_211 = arith.cmpi ne, %convert_element_type3A_209, %cond3A_210 : i32
        scf.if %cond3A_211 {
          %dma_wait3A_232 = arith.constant 0 : i32
          %dma_wait3A_233 = arith.constant 0 : i32
          %dma_wait3A_234 = tpu.memref_slice %arg9[%dma_wait3A_232, %dma_wait3A_233] : memref<4x128xi32, #tpu.memory_space<vmem>> -> memref<1x128xi32, #tpu.memory_space<vmem>>
          %dma_wait3A_235 = tpu.memref_squeeze %dma_wait3A_234 : memref<1x128xi32, #tpu.memory_space<vmem>> -> memref<128xi32, #tpu.memory_space<vmem>>
          %dma_wait3A_236 = tpu.memref_slice %arg4[%mul3A_2] : memref<331776xi32, #tpu.memory_space<hbm>> -> memref<128xi32, #tpu.memory_space<hbm>>
          %dma_wait3A_237 = arith.constant 0 : i32
          %dma_wait3A_238 = tpu.memref_slice %arg9[%dma_wait3A_232, %dma_wait3A_237] : memref<4x128xi32, #tpu.memory_space<vmem>> -> memref<1x128xi32, #tpu.memory_space<vmem>>
          %dma_wait3A_239 = tpu.memref_squeeze %dma_wait3A_238 : memref<1x128xi32, #tpu.memory_space<vmem>> -> memref<128xi32, #tpu.memory_space<vmem>>
          %dma_wait3A_240 = tpu.memref_slice %arg4[%mul3A_2] : memref<331776xi32, #tpu.memory_space<hbm>> -> memref<128xi32, #tpu.memory_space<hbm>>
          tpu.wait_dma2 semaphore(%arg24 : memref<!tpu.dma_semaphore, #tpu.memory_space<semaphore_mem>>) src(%dma_wait3A_240 : memref<128xi32, #tpu.memory_space<hbm>>) dst(%dma_wait3A_239 : memref<128xi32, #tpu.memory_space<vmem>>)
          %dma_wait3A_241 = arith.constant 0 : i32
          %dma_wait3A_242 = arith.constant 0 : i32
          %dma_wait3A_243 = tpu.memref_slice %arg10[%dma_wait3A_241, %dma_wait3A_242] : memref<4x128xi32, #tpu.memory_space<vmem>> -> memref<1x128xi32, #tpu.memory_space<vmem>>
          %dma_wait3A_244 = tpu.memref_squeeze %dma_wait3A_243 : memref<1x128xi32, #tpu.memory_space<vmem>> -> memref<128xi32, #tpu.memory_space<vmem>>
          %dma_wait3A_245 = tpu.memref_slice %arg5[%mul3A_2] : memref<331776xi32, #tpu.memory_space<hbm>> -> memref<128xi32, #tpu.memory_space<hbm>>
          %dma_wait3A_246 = arith.constant 0 : i32
          %dma_wait3A_247 = tpu.memref_slice %arg10[%dma_wait3A_241, %dma_wait3A_246] : memref<4x128xi32, #tpu.memory_space<vmem>> -> memref<1x128xi32, #tpu.memory_space<vmem>>
          %dma_wait3A_248 = tpu.memref_squeeze %dma_wait3A_247 : memref<1x128xi32, #tpu.memory_space<vmem>> -> memref<128xi32, #tpu.memory_space<vmem>>
          %dma_wait3A_249 = tpu.memref_slice %arg5[%mul3A_2] : memref<331776xi32, #tpu.memory_space<hbm>> -> memref<128xi32, #tpu.memory_space<hbm>>
          tpu.wait_dma2 semaphore(%arg26 : memref<!tpu.dma_semaphore, #tpu.memory_space<semaphore_mem>>) src(%dma_wait3A_249 : memref<128xi32, #tpu.memory_space<hbm>>) dst(%dma_wait3A_248 : memref<128xi32, #tpu.memory_space<vmem>>)
        } else {
        }
        %add3A_212 = arith.constant 1 : i32
        %add3A_213 = arith.addi %add3A_152, %add3A_212 : i32
        %and3A_214 = arith.constant 3 : i32
        %and3A_215 = arith.andi %add3A_213, %and3A_214 : i32
        %dma_start3A_216 = arith.constant 0 : i32
        %dma_start3A_217 = tpu.memref_slice %arg9[%and3A_215, %dma_start3A_216] : memref<4x128xi32, #tpu.memory_space<vmem>> -> memref<1x128xi32, #tpu.memory_space<vmem>>
        %dma_start3A_218 = tpu.memref_squeeze %dma_start3A_217 : memref<1x128xi32, #tpu.memory_space<vmem>> -> memref<128xi32, #tpu.memory_space<vmem>>
        %dma_start3A_219 = arith.constant 0 : i32
        %dma_start3A_220 = arith.constant 0 : i32
        %dma_start3A_221 = tpu.memref_slice %arg2[%dma_start3A_219, %dma_start3A_220] : memref<10240x16xf32, #tpu.memory_space<hbm>> -> memref<10240x16xf32, #tpu.memory_space<hbm>>
        tpu.enqueue_indirect_dma source(%dma_start3A_221 : memref<10240x16xf32, #tpu.memory_space<hbm>>) target(%arg11 : memref<128x16xf32, #tpu.memory_space<vmem>>) offsets(%dma_start3A_218 : memref<128xi32, #tpu.memory_space<vmem>>) semaphore(%arg16 : memref<!tpu.dma_semaphore, #tpu.memory_space<semaphore_mem>>)
        %add3A_222 = arith.constant 1 : i32
        %add3A_223 = arith.addi %add3A_152, %add3A_222 : i32
        %and3A_224 = arith.constant 3 : i32
        %and3A_225 = arith.andi %add3A_223, %and3A_224 : i32
        %dma_start3A_226 = arith.constant 0 : i32
        %dma_start3A_227 = tpu.memref_slice %arg10[%and3A_225, %dma_start3A_226] : memref<4x128xi32, #tpu.memory_space<vmem>> -> memref<1x128xi32, #tpu.memory_space<vmem>>
        %dma_start3A_228 = tpu.memref_squeeze %dma_start3A_227 : memref<1x128xi32, #tpu.memory_space<vmem>> -> memref<128xi32, #tpu.memory_space<vmem>>
        %dma_start3A_229 = arith.constant 0 : i32
        %dma_start3A_230 = arith.constant 0 : i32
        %dma_start3A_231 = tpu.memref_slice %arg3[%dma_start3A_229, %dma_start3A_230] : memref<10240x16xf32, #tpu.memory_space<hbm>> -> memref<10240x16xf32, #tpu.memory_space<hbm>>
        tpu.enqueue_indirect_dma source(%dma_start3A_231 : memref<10240x16xf32, #tpu.memory_space<hbm>>) target(%arg13 : memref<128x16xf32, #tpu.memory_space<vmem>>) offsets(%dma_start3A_228 : memref<128xi32, #tpu.memory_space<vmem>>) semaphore(%arg18 : memref<!tpu.dma_semaphore, #tpu.memory_space<semaphore_mem>>)
      } else {
      }
      %dma_wait3A_172 = arith.constant 0 : i32
      %dma_wait3A_173 = arith.constant 0 : i32
      %dma_wait3A_174 = tpu.memref_slice %arg9[%dma_wait3A_172, %dma_wait3A_173] : memref<4x128xi32, #tpu.memory_space<vmem>> -> memref<1x128xi32, #tpu.memory_space<vmem>>
      %dma_wait3A_175 = tpu.memref_squeeze %dma_wait3A_174 : memref<1x128xi32, #tpu.memory_space<vmem>> -> memref<128xi32, #tpu.memory_space<vmem>>
      %dma_wait3A_176 = arith.constant 0 : i32
      %dma_wait3A_177 = arith.constant 0 : i32
      %dma_wait3A_178 = tpu.memref_slice %arg2[%dma_wait3A_176, %dma_wait3A_177] : memref<10240x16xf32, #tpu.memory_space<hbm>> -> memref<10240x16xf32, #tpu.memory_space<hbm>>
      tpu.wait_indirect_dma semaphore(%arg17 : memref<!tpu.dma_semaphore, #tpu.memory_space<semaphore_mem>>) src(%dma_wait3A_178 : memref<10240x16xf32, #tpu.memory_space<hbm>>) dst(%arg12 : memref<128x16xf32, #tpu.memory_space<vmem>>)
      %dma_wait3A_179 = arith.constant 0 : i32
      %dma_wait3A_180 = arith.constant 0 : i32
      %dma_wait3A_181 = tpu.memref_slice %arg10[%dma_wait3A_179, %dma_wait3A_180] : memref<4x128xi32, #tpu.memory_space<vmem>> -> memref<1x128xi32, #tpu.memory_space<vmem>>
      %dma_wait3A_182 = tpu.memref_squeeze %dma_wait3A_181 : memref<1x128xi32, #tpu.memory_space<vmem>> -> memref<128xi32, #tpu.memory_space<vmem>>
      %dma_wait3A_183 = arith.constant 0 : i32
      %dma_wait3A_184 = arith.constant 0 : i32
      %dma_wait3A_185 = tpu.memref_slice %arg3[%dma_wait3A_183, %dma_wait3A_184] : memref<10240x16xf32, #tpu.memory_space<hbm>> -> memref<10240x16xf32, #tpu.memory_space<hbm>>
      tpu.wait_indirect_dma semaphore(%arg19 : memref<!tpu.dma_semaphore, #tpu.memory_space<semaphore_mem>>) src(%dma_wait3A_185 : memref<10240x16xf32, #tpu.memory_space<hbm>>) dst(%arg14 : memref<128x16xf32, #tpu.memory_space<vmem>>)
      %parallel_loop3A_186 = arith.constant 0 : i32
      %parallel_loop3A_187 = arith.constant 128 : i32
      %parallel_loop3A_188 = arith.constant 1 : i32
      scf.for %parallel_loop3A_205 = %parallel_loop3A_186 to %parallel_loop3A_187 step %parallel_loop3A_188  : i32 {
        %parallel_loop3A_206 = arith.index_cast %parallel_loop3A_205 : i32 to index
        %parallel_loop3A_207 = arith.constant 0 : index
        %parallel_loop3A_208 = tpu.vector_load %arg12[%parallel_loop3A_206, %parallel_loop3A_207] {strides = array<i32>} : memref<128x16xf32, #tpu.memory_space<vmem>>, vector<1x16xf32>,
        %parallel_loop3A_209 = vector.shape_cast %parallel_loop3A_208 : vector<1x16xf32> to vector<16xf32>
        %parallel_loop3A_210 = arith.index_cast %parallel_loop3A_205 : i32 to index
        %parallel_loop3A_211 = arith.constant 0 : index
        %parallel_loop3A_212 = tpu.vector_load %arg14[%parallel_loop3A_210, %parallel_loop3A_211] {strides = array<i32>} : memref<128x16xf32, #tpu.memory_space<vmem>>, vector<1x16xf32>,
        %parallel_loop3A_213 = vector.shape_cast %parallel_loop3A_212 : vector<1x16xf32> to vector<16xf32>
        %parallel_loop3A_214 = arith.addf %parallel_loop3A_209, %parallel_loop3A_213 : vector<16xf32>
        %parallel_loop3A_215 = arith.constant 2.000000e-01 : f32
        %parallel_loop3A_216 = vector.broadcast %parallel_loop3A_215 : f32 to vector<16xf32>
        %parallel_loop3A_217 = arith.mulf %parallel_loop3A_216, %parallel_loop3A_214 : vector<16xf32>
        %parallel_loop3A_218 = arith.maximumf %parallel_loop3A_214, %parallel_loop3A_217 : vector<16xf32>
        %parallel_loop3A_219 = math.exp %parallel_loop3A_218 : vector<16xf32>
        %parallel_loop3A_220 = arith.index_cast %parallel_loop3A_205 : i32 to index
        %parallel_loop3A_221 = arith.constant 0 : index
        %parallel_loop3A_222 = tpu.vector_load %arg14[%parallel_loop3A_220, %parallel_loop3A_221] {strides = array<i32>} : memref<128x16xf32, #tpu.memory_space<vmem>>, vector<1x16xf32>,
        %parallel_loop3A_223 = vector.shape_cast %parallel_loop3A_222 : vector<1x16xf32> to vector<16xf32>
        %parallel_loop3A_224 = vector.shape_cast %parallel_loop3A_219 : vector<16xf32> to vector<1x16xf32>
        tpu.vector_store %arg14[%parallel_loop3A_220, %parallel_loop3A_221], %parallel_loop3A_224 {strides = array<i32>} : memref<128x16xf32, #tpu.memory_space<vmem>>, vector<1x16xf32>,
      } {sc.loop_unroll_factor = 4 : i64, sc.parallel_access}
      %and3A_189 = arith.constant 3 : i32
      %and3A_190 = arith.andi %add3A_152, %and3A_189 : i32
      %dma_start3A_191 = arith.constant 0 : i32
      %dma_start3A_192 = tpu.memref_slice %arg10[%and3A_190, %dma_start3A_191] : memref<4x128xi32, #tpu.memory_space<vmem>> -> memref<1x128xi32, #tpu.memory_space<vmem>>
      %dma_start3A_193 = tpu.memref_squeeze %dma_start3A_192 : memref<1x128xi32, #tpu.memory_space<vmem>> -> memref<128xi32, #tpu.memory_space<vmem>>
      %dma_start3A_194 = arith.constant 0 : i32
      %dma_start3A_195 = arith.constant 0 : i32
      %dma_start3A_196 = tpu.memref_slice %arg15[%dma_start3A_194, %dma_start3A_195] : memref<10240x16xf32, #tpu.memory_space<vmem_shared>> -> memref<10240x16xf32, #tpu.memory_space<vmem_shared>>
      tpu.enqueue_indirect_dma source(%arg14 : memref<128x16xf32, #tpu.memory_space<vmem>>) target(%dma_start3A_196 : memref<10240x16xf32, #tpu.memory_space<vmem_shared>>) offsets(%dma_start3A_193 : memref<128xi32, #tpu.memory_space<vmem>>) semaphore(%arg21 : memref<!tpu.dma_semaphore, #tpu.memory_space<semaphore_mem>>) {add = true}
      %mul3A_197 = arith.constant 128 : i32
      %mul3A_198 = arith.muli %add3A_152, %mul3A_197 : i32
      %add3A_199 = arith.addi %mul3A_2, %mul3A_198 : i32
      %dma_start3A_200 = arith.constant 0 : i32
      %dma_start3A_201 = tpu.memref_slice %arg7[%add3A_199, %dma_start3A_200] : memref<331776x16xf32, #tpu.memory_space<hbm>> -> memref<128x16xf32, #tpu.memory_space<hbm>>
      %dma_start3A_202 = arith.constant 0 : i32
      %dma_start3A_203 = tpu.memref_slice %arg7[%add3A_199, %dma_start3A_202] : memref<331776x16xf32, #tpu.memory_space<hbm>> -> memref<128x16xf32, #tpu.memory_space<hbm>>
      tpu.enqueue_dma source(%arg14 : memref<128x16xf32, #tpu.memory_space<vmem>>) target(%dma_start3A_203 : memref<128x16xf32, #tpu.memory_space<hbm>>) target_semaphore(%arg23 : memref<!tpu.dma_semaphore, #tpu.memory_space<semaphore_mem>>)
      %scan3A_204 = arith.constant 0 : i32
      scf.yield %scan3A_204 : i32
    }
    %scan3A_34 = arith.constant 40 : i32
    %dma_wait3A = arith.constant 0 : i32
    %dma_wait3A_35 = arith.constant 0 : i32
    %dma_wait3A_36 = tpu.memref_slice %arg10[%dma_wait3A, %dma_wait3A_35] : memref<4x128xi32, #tpu.memory_space<vmem>> -> memref<1x128xi32, #tpu.memory_space<vmem>>
    %dma_wait3A_37 = tpu.memref_squeeze %dma_wait3A_36 : memref<1x128xi32, #tpu.memory_space<vmem>> -> memref<128xi32, #tpu.memory_space<vmem>>
    %dma_wait3A_38 = arith.constant 0 : i32
    %dma_wait3A_39 = arith.constant 0 : i32
    %dma_wait3A_40 = tpu.memref_slice %arg15[%dma_wait3A_38, %dma_wait3A_39] : memref<10240x16xf32, #tpu.memory_space<vmem_shared>> -> memref<10240x16xf32, #tpu.memory_space<vmem_shared>>
    tpu.wait_indirect_dma semaphore(%arg21 : memref<!tpu.dma_semaphore, #tpu.memory_space<semaphore_mem>>) src(%arg14 : memref<128x16xf32, #tpu.memory_space<vmem>>) dst(%dma_wait3A_40 : memref<10240x16xf32, #tpu.memory_space<vmem_shared>>)
    %dma_wait3A_41 = arith.constant 0 : i32
    %dma_wait3A_42 = arith.constant 0 : i32
    %dma_wait3A_43 = tpu.memref_slice %arg7[%dma_wait3A_41, %dma_wait3A_42] : memref<331776x16xf32, #tpu.memory_space<hbm>> -> memref<128x16xf32, #tpu.memory_space<hbm>>
    %dma_wait3A_44 = arith.constant 0 : i32
    %dma_wait3A_45 = arith.constant 0 : i32
    %dma_wait3A_46 = tpu.memref_slice %arg7[%dma_wait3A_44, %dma_wait3A_45] : memref<331776x16xf32, #tpu.memory_space<hbm>> -> memref<128x16xf32, #tpu.memory_space<hbm>>
    tpu.wait_dma2 semaphore(%arg23 : memref<!tpu.dma_semaphore, #tpu.memory_space<semaphore_mem>>) src(%arg14 : memref<128x16xf32, #tpu.memory_space<vmem>>) dst(%dma_wait3A_46 : memref<128x16xf32, #tpu.memory_space<hbm>>)
    %dma_wait3A_47 = arith.constant 0 : i32
    %dma_wait3A_48 = arith.constant 0 : i32
    %dma_wait3A_49 = tpu.memref_slice %arg9[%dma_wait3A_47, %dma_wait3A_48] : memref<4x128xi32, #tpu.memory_space<vmem>> -> memref<1x128xi32, #tpu.memory_space<vmem>>
    %dma_wait3A_50 = tpu.memref_squeeze %dma_wait3A_49 : memref<1x128xi32, #tpu.memory_space<vmem>> -> memref<128xi32, #tpu.memory_space<vmem>>
    %dma_wait3A_51 = arith.constant 0 : i32
    %dma_wait3A_52 = arith.constant 0 : i32
    %dma_wait3A_53 = tpu.memref_slice %arg2[%dma_wait3A_51, %dma_wait3A_52] : memref<10240x16xf32, #tpu.memory_space<hbm>> -> memref<10240x16xf32, #tpu.memory_space<hbm>>
    tpu.wait_indirect_dma semaphore(%arg16 : memref<!tpu.dma_semaphore, #tpu.memory_space<semaphore_mem>>) src(%dma_wait3A_53 : memref<10240x16xf32, #tpu.memory_space<hbm>>) dst(%arg11 : memref<128x16xf32, #tpu.memory_space<vmem>>)
    %dma_wait3A_54 = arith.constant 0 : i32
    %dma_wait3A_55 = arith.constant 0 : i32
    %dma_wait3A_56 = tpu.memref_slice %arg10[%dma_wait3A_54, %dma_wait3A_55] : memref<4x128xi32, #tpu.memory_space<vmem>> -> memref<1x128xi32, #tpu.memory_space<vmem>>
    %dma_wait3A_57 = tpu.memref_squeeze %dma_wait3A_56 : memref<1x128xi32, #tpu.memory_space<vmem>> -> memref<128xi32, #tpu.memory_space<vmem>>
    %dma_wait3A_58 = arith.constant 0 : i32
    %dma_wait3A_59 = arith.constant 0 : i32
    %dma_wait3A_60 = tpu.memref_slice %arg3[%dma_wait3A_58, %dma_wait3A_59] : memref<10240x16xf32, #tpu.memory_space<hbm>> -> memref<10240x16xf32, #tpu.memory_space<hbm>>
    tpu.wait_indirect_dma semaphore(%arg18 : memref<!tpu.dma_semaphore, #tpu.memory_space<semaphore_mem>>) src(%dma_wait3A_60 : memref<10240x16xf32, #tpu.memory_space<hbm>>) dst(%arg13 : memref<128x16xf32, #tpu.memory_space<vmem>>)
    %parallel_loop3A = arith.constant 0 : i32
    %parallel_loop3A_61 = arith.constant 128 : i32
    %parallel_loop3A_62 = arith.constant 1 : i32
    scf.for %parallel_loop3A_97 = %parallel_loop3A to %parallel_loop3A_61 step %parallel_loop3A_62  : i32 {
      %parallel_loop3A_98 = arith.index_cast %parallel_loop3A_97 : i32 to index
      %parallel_loop3A_99 = arith.constant 0 : index
      %parallel_loop3A_100 = tpu.vector_load %arg11[%parallel_loop3A_98, %parallel_loop3A_99] {strides = array<i32>} : memref<128x16xf32, #tpu.memory_space<vmem>>, vector<1x16xf32>,
      %parallel_loop3A_101 = vector.shape_cast %parallel_loop3A_100 : vector<1x16xf32> to vector<16xf32>
      %parallel_loop3A_102 = arith.index_cast %parallel_loop3A_97 : i32 to index
      %parallel_loop3A_103 = arith.constant 0 : index
      %parallel_loop3A_104 = tpu.vector_load %arg13[%parallel_loop3A_102, %parallel_loop3A_103] {strides = array<i32>} : memref<128x16xf32, #tpu.memory_space<vmem>>, vector<1x16xf32>,
      %parallel_loop3A_105 = vector.shape_cast %parallel_loop3A_104 : vector<1x16xf32> to vector<16xf32>
      %parallel_loop3A_106 = arith.addf %parallel_loop3A_101, %parallel_loop3A_105 : vector<16xf32>
      %parallel_loop3A_107 = arith.constant 2.000000e-01 : f32
      %parallel_loop3A_108 = vector.broadcast %parallel_loop3A_107 : f32 to vector<16xf32>
      %parallel_loop3A_109 = arith.mulf %parallel_loop3A_108, %parallel_loop3A_106 : vector<16xf32>
      %parallel_loop3A_110 = arith.maximumf %parallel_loop3A_106, %parallel_loop3A_109 : vector<16xf32>
      %parallel_loop3A_111 = math.exp %parallel_loop3A_110 : vector<16xf32>
      %parallel_loop3A_112 = arith.index_cast %parallel_loop3A_97 : i32 to index
      %parallel_loop3A_113 = arith.constant 0 : index
      %parallel_loop3A_114 = tpu.vector_load %arg13[%parallel_loop3A_112, %parallel_loop3A_113] {strides = array<i32>} : memref<128x16xf32, #tpu.memory_space<vmem>>, vector<1x16xf32>,
      %parallel_loop3A_115 = vector.shape_cast %parallel_loop3A_114 : vector<1x16xf32> to vector<16xf32>
      %parallel_loop3A_116 = vector.shape_cast %parallel_loop3A_111 : vector<16xf32> to vector<1x16xf32>
      tpu.vector_store %arg13[%parallel_loop3A_112, %parallel_loop3A_113], %parallel_loop3A_116 {strides = array<i32>} : memref<128x16xf32, #tpu.memory_space<vmem>>, vector<1x16xf32>,
    } {sc.loop_unroll_factor = 4 : i64, sc.parallel_access}
    %dma_start3A_63 = arith.constant 0 : i32
    %dma_start3A_64 = arith.constant 0 : i32
    %dma_start3A_65 = tpu.memref_slice %arg10[%dma_start3A_63, %dma_start3A_64] : memref<4x128xi32, #tpu.memory_space<vmem>> -> memref<1x128xi32, #tpu.memory_space<vmem>>
    %dma_start3A_66 = tpu.memref_squeeze %dma_start3A_65 : memref<1x128xi32, #tpu.memory_space<vmem>> -> memref<128xi32, #tpu.memory_space<vmem>>
    %dma_start3A_67 = arith.constant 0 : i32
    %dma_start3A_68 = arith.constant 0 : i32
    %dma_start3A_69 = tpu.memref_slice %arg15[%dma_start3A_67, %dma_start3A_68] : memref<10240x16xf32, #tpu.memory_space<vmem_shared>> -> memref<10240x16xf32, #tpu.memory_space<vmem_shared>>
    tpu.enqueue_indirect_dma source(%arg13 : memref<128x16xf32, #tpu.memory_space<vmem>>) target(%dma_start3A_69 : memref<10240x16xf32, #tpu.memory_space<vmem_shared>>) offsets(%dma_start3A_66 : memref<128xi32, #tpu.memory_space<vmem>>) semaphore(%arg20 : memref<!tpu.dma_semaphore, #tpu.memory_space<semaphore_mem>>) {add = true}
    %add3A_70 = arith.constant 10240 : i32
    %add3A_71 = arith.addi %mul3A_2, %add3A_70 : i32
    %dma_start3A_72 = arith.constant 0 : i32
    %dma_start3A_73 = tpu.memref_slice %arg7[%add3A_71, %dma_start3A_72] : memref<331776x16xf32, #tpu.memory_space<hbm>> -> memref<128x16xf32, #tpu.memory_space<hbm>>
    %dma_start3A_74 = arith.constant 0 : i32
    %dma_start3A_75 = tpu.memref_slice %arg7[%add3A_71, %dma_start3A_74] : memref<331776x16xf32, #tpu.memory_space<hbm>> -> memref<128x16xf32, #tpu.memory_space<hbm>>
    tpu.enqueue_dma source(%arg13 : memref<128x16xf32, #tpu.memory_space<vmem>>) target(%dma_start3A_75 : memref<128x16xf32, #tpu.memory_space<hbm>>) target_semaphore(%arg22 : memref<!tpu.dma_semaphore, #tpu.memory_space<semaphore_mem>>)
    %dma_wait3A_76 = arith.constant 0 : i32
    %dma_wait3A_77 = arith.constant 0 : i32
    %dma_wait3A_78 = tpu.memref_slice %arg10[%dma_wait3A_76, %dma_wait3A_77] : memref<4x128xi32, #tpu.memory_space<vmem>> -> memref<1x128xi32, #tpu.memory_space<vmem>>
    %dma_wait3A_79 = tpu.memref_squeeze %dma_wait3A_78 : memref<1x128xi32, #tpu.memory_space<vmem>> -> memref<128xi32, #tpu.memory_space<vmem>>
    %dma_wait3A_80 = arith.constant 0 : i32
    %dma_wait3A_81 = arith.constant 0 : i32
    %dma_wait3A_82 = tpu.memref_slice %arg15[%dma_wait3A_80, %dma_wait3A_81] : memref<10240x16xf32, #tpu.memory_space<vmem_shared>> -> memref<10240x16xf32, #tpu.memory_space<vmem_shared>>
    tpu.wait_indirect_dma semaphore(%arg20 : memref<!tpu.dma_semaphore, #tpu.memory_space<semaphore_mem>>) src(%arg13 : memref<128x16xf32, #tpu.memory_space<vmem>>) dst(%dma_wait3A_82 : memref<10240x16xf32, #tpu.memory_space<vmem_shared>>)
    %dma_wait3A_83 = arith.constant 0 : i32
    %dma_wait3A_84 = arith.constant 0 : i32
    %dma_wait3A_85 = tpu.memref_slice %arg7[%dma_wait3A_83, %dma_wait3A_84] : memref<331776x16xf32, #tpu.memory_space<hbm>> -> memref<128x16xf32, #tpu.memory_space<hbm>>
    %dma_wait3A_86 = arith.constant 0 : i32
    %dma_wait3A_87 = arith.constant 0 : i32
    %dma_wait3A_88 = tpu.memref_slice %arg7[%dma_wait3A_86, %dma_wait3A_87] : memref<331776x16xf32, #tpu.memory_space<hbm>> -> memref<128x16xf32, #tpu.memory_space<hbm>>
    tpu.wait_dma2 semaphore(%arg22 : memref<!tpu.dma_semaphore, #tpu.memory_space<semaphore_mem>>) src(%arg13 : memref<128x16xf32, #tpu.memory_space<vmem>>) dst(%dma_wait3A_88 : memref<128x16xf32, #tpu.memory_space<hbm>>)
    %barrier3A_89 = arith.constant 0 : index
    tpu.barrier barrier_id(%barrier3A_89)
    %mul3A_90 = arith.constant 640 : i32
    %mul3A_91 = arith.muli %arg1, %mul3A_90 : i32
    %mul3A_92 = arith.constant 10240 : i32
    %mul3A_93 = arith.muli %arg0, %mul3A_92 : i32
    %mul3A_94 = arith.constant 640 : i32
    %mul3A_95 = arith.muli %arg1, %mul3A_94 : i32
    %add3A_96 = arith.addi %mul3A_93, %mul3A_95 : i32
    "tpu.region"() ({
      %run_scoped3A_97 = tpu.sem_alloc : memref<!tpu.dma_semaphore, #tpu.memory_space<semaphore_mem>>
      %dma_start3A_98 = arith.constant 0 : i32
      %dma_start3A_99 = tpu.memref_slice %arg8[%add3A_96, %dma_start3A_98] : memref<20480x16xf32, #tpu.memory_space<hbm>> -> memref<640x16xf32, #tpu.memory_space<hbm>>
      %dma_start3A_100 = arith.constant 0 : i32
      %dma_start3A_101 = tpu.memref_slice %arg15[%mul3A_91, %dma_start3A_100] : memref<10240x16xf32, #tpu.memory_space<vmem_shared>> -> memref<640x16xf32, #tpu.memory_space<vmem_shared>>
      tpu.enqueue_dma source(%dma_start3A_101 : memref<640x16xf32, #tpu.memory_space<vmem_shared>>) target(%dma_start3A_99 : memref<640x16xf32, #tpu.memory_space<hbm>>) target_semaphore(%run_scoped3A_97 : memref<!tpu.dma_semaphore, #tpu.memory_space<semaphore_mem>>)
      %dma_wait3A_102 = arith.constant 0 : i32
      %dma_wait3A_103 = tpu.memref_slice %arg8[%add3A_96, %dma_wait3A_102] : memref<20480x16xf32, #tpu.memory_space<hbm>> -> memref<640x16xf32, #tpu.memory_space<hbm>>
      %dma_wait3A_104 = arith.constant 0 : i32
      %dma_wait3A_105 = tpu.memref_slice %arg15[%mul3A_91, %dma_wait3A_104] : memref<10240x16xf32, #tpu.memory_space<vmem_shared>> -> memref<640x16xf32, #tpu.memory_space<vmem_shared>>
      tpu.wait_dma2 semaphore(%run_scoped3A_97 : memref<!tpu.dma_semaphore, #tpu.memory_space<semaphore_mem>>) src(%dma_wait3A_105 : memref<640x16xf32, #tpu.memory_space<vmem_shared>>) dst(%dma_wait3A_103 : memref<640x16xf32, #tpu.memory_space<hbm>>)
      tpu.yield
    }) : () -> ()
    return
  }
}

#map = affine_map<(d0, d1) -> (0, 0)>
#map1 = affine_map<(d0, d1) -> (0)>
module attributes {stable_mosaic.version = 14 : i64} {
  func.func @sc_b1(%arg0: i32, %arg1: i32, %arg2: memref<40960x128xf32, #tpu.memory_space<hbm>>, %arg3: memref<331776x16xf32, #tpu.memory_space<hbm>>, %arg4: memref<1327104xi32, #tpu.memory_space<hbm>>, %arg5: memref<331776xi32, #tpu.memory_space<hbm>>, %arg6: memref<640x128xf32, #tpu.memory_space<hbm>>, %arg7: memref<40960x128xf32, #tpu.memory_space<hbm>>, %arg8: memref<4x128xi32, #tpu.memory_space<vmem>>, %arg9: memref<4x128xi32, #tpu.memory_space<vmem>>, %arg10: memref<128x128xf32, #tpu.memory_space<vmem>>, %arg11: memref<128x128xf32, #tpu.memory_space<vmem>>, %arg12: memref<128x16xf32, #tpu.memory_space<vmem>>, %arg13: memref<128x16xf32, #tpu.memory_space<vmem>>, %arg14: memref<10240x128xf32, #tpu.memory_space<vmem_shared>>, %arg15: memref<!tpu.dma_semaphore, #tpu.memory_space<semaphore_mem>>, %arg16: memref<!tpu.dma_semaphore, #tpu.memory_space<semaphore_mem>>, %arg17: memref<!tpu.dma_semaphore, #tpu.memory_space<semaphore_mem>>, %arg18: memref<!tpu.dma_semaphore, #tpu.memory_space<semaphore_mem>>, %arg19: memref<!tpu.dma_semaphore, #tpu.memory_space<semaphore_mem>>, %arg20: memref<!tpu.dma_semaphore, #tpu.memory_space<semaphore_mem>>, %arg21: memref<!tpu.dma_semaphore, #tpu.memory_space<semaphore_mem>>, %arg22: memref<!tpu.dma_semaphore, #tpu.memory_space<semaphore_mem>>, %arg23: memref<!tpu.dma_semaphore, #tpu.memory_space<semaphore_mem>>, %arg24: memref<!tpu.dma_semaphore, #tpu.memory_space<semaphore_mem>>) attributes {dimension_semantics = [#tpu.dimension_semantics<core_parallel>, #tpu.dimension_semantics<subcore_parallel>], iteration_bounds = array<i64: 2, 16>, scalar_prefetch = 0 : i64, scratch_operands = 17 : i64, tpu.core_type = #tpu.core_type<sc_vector_subcore>, window_params = [{transform_indices = #map}, {transform_indices = #map}, {transform_indices = #map1}, {transform_indices = #map1}, {transform_indices = #map}, {transform_indices = #map}]} {
    %mul3A = arith.constant 2 : i32
    %mul3A_0 = arith.muli %arg0, %mul3A : i32
    %add3A = arith.constant 0 : i32
    %add3A_1 = arith.addi %mul3A_0, %add3A : i32
    %mul3A_2 = arith.constant 10240 : i32
    %mul3A_3 = arith.muli %add3A_1, %mul3A_2 : i32
    %mul3A_4 = arith.constant 2 : i32
    %mul3A_5 = arith.muli %add3A_1, %mul3A_4 : i32
    %mul3A_6 = arith.constant 20736 : i32
    %mul3A_7 = arith.muli %arg1, %mul3A_6 : i32
    %mul3A_8 = arith.constant 331776 : i32
    %mul3A_9 = arith.muli %add3A_1, %mul3A_8 : i32
    %add3A_10 = arith.addi %mul3A_9, %mul3A_7 : i32
    %mul3A_11 = arith.constant 640 : i32
    %mul3A_12 = arith.muli %arg1, %mul3A_11 : i32
    "tpu.region"() ({
      %run_scoped3A_111 = tpu.sem_alloc : memref<!tpu.dma_semaphore, #tpu.memory_space<semaphore_mem>>
      %dma_start3A_112 = arith.constant 0 : i32
      %dma_start3A_113 = tpu.memref_slice %arg14[%mul3A_12, %dma_start3A_112] : memref<10240x128xf32, #tpu.memory_space<vmem_shared>> -> memref<640x128xf32, #tpu.memory_space<vmem_shared>>
      tpu.enqueue_dma source(%arg6 : memref<640x128xf32, #tpu.memory_space<hbm>>) target(%dma_start3A_113 : memref<640x128xf32, #tpu.memory_space<vmem_shared>>) target_semaphore(%run_scoped3A_111 : memref<!tpu.dma_semaphore, #tpu.memory_space<semaphore_mem>>)
      %dma_wait3A_114 = arith.constant 0 : i32
      %dma_wait3A_115 = tpu.memref_slice %arg14[%mul3A_12, %dma_wait3A_114] : memref<10240x128xf32, #tpu.memory_space<vmem_shared>> -> memref<640x128xf32, #tpu.memory_space<vmem_shared>>
      tpu.wait_dma2 semaphore(%run_scoped3A_111 : memref<!tpu.dma_semaphore, #tpu.memory_space<semaphore_mem>>) src(%arg6 : memref<640x128xf32, #tpu.memory_space<hbm>>) dst(%dma_wait3A_115 : memref<640x128xf32, #tpu.memory_space<vmem_shared>>)
      tpu.yield
    }) : () -> ()
    %barrier3A = arith.constant 0 : index
    tpu.barrier barrier_id(%barrier3A)
    %add3A_13 = arith.constant 0 : i32
    %add3A_14 = arith.addi %add3A_10, %add3A_13 : i32
    %run_scoped3A = arith.constant 0 : i32
    "tpu.region"() ({
      %run_scoped3A_111 = tpu.sem_alloc : memref<!tpu.dma_semaphore, #tpu.memory_space<semaphore_mem>>
      %dma_start3A_112 = arith.constant 0 : i32
      %dma_start3A_113 = tpu.memref_slice %arg8[%run_scoped3A, %dma_start3A_112] : memref<4x128xi32, #tpu.memory_space<vmem>> -> memref<1x128xi32, #tpu.memory_space<vmem>>
      %dma_start3A_114 = tpu.memref_squeeze %dma_start3A_113 : memref<1x128xi32, #tpu.memory_space<vmem>> -> memref<128xi32, #tpu.memory_space<vmem>>
      %dma_start3A_115 = tpu.memref_slice %arg4[%add3A_14] : memref<1327104xi32, #tpu.memory_space<hbm>> -> memref<128xi32, #tpu.memory_space<hbm>>
      %dma_start3A_116 = arith.constant 0 : i32
      %dma_start3A_117 = tpu.memref_slice %arg8[%run_scoped3A, %dma_start3A_116] : memref<4x128xi32, #tpu.memory_space<vmem>> -> memref<1x128xi32, #tpu.memory_space<vmem>>
      %dma_start3A_118 = tpu.memref_squeeze %dma_start3A_117 : memref<1x128xi32, #tpu.memory_space<vmem>> -> memref<128xi32, #tpu.memory_space<vmem>>
      %dma_start3A_119 = tpu.memref_slice %arg4[%add3A_14] : memref<1327104xi32, #tpu.memory_space<hbm>> -> memref<128xi32, #tpu.memory_space<hbm>>
      tpu.enqueue_dma source(%dma_start3A_119 : memref<128xi32, #tpu.memory_space<hbm>>) target(%dma_start3A_118 : memref<128xi32, #tpu.memory_space<vmem>>) target_semaphore(%run_scoped3A_111 : memref<!tpu.dma_semaphore, #tpu.memory_space<semaphore_mem>>)
      %dma_wait3A_120 = arith.constant 0 : i32
      %dma_wait3A_121 = tpu.memref_slice %arg8[%run_scoped3A, %dma_wait3A_120] : memref<4x128xi32, #tpu.memory_space<vmem>> -> memref<1x128xi32, #tpu.memory_space<vmem>>
      %dma_wait3A_122 = tpu.memref_squeeze %dma_wait3A_121 : memref<1x128xi32, #tpu.memory_space<vmem>> -> memref<128xi32, #tpu.memory_space<vmem>>
      %dma_wait3A_123 = tpu.memref_slice %arg4[%add3A_14] : memref<1327104xi32, #tpu.memory_space<hbm>> -> memref<128xi32, #tpu.memory_space<hbm>>
      %dma_wait3A_124 = arith.constant 0 : i32
      %dma_wait3A_125 = tpu.memref_slice %arg8[%run_scoped3A, %dma_wait3A_124] : memref<4x128xi32, #tpu.memory_space<vmem>> -> memref<1x128xi32, #tpu.memory_space<vmem>>
      %dma_wait3A_126 = tpu.memref_squeeze %dma_wait3A_125 : memref<1x128xi32, #tpu.memory_space<vmem>> -> memref<128xi32, #tpu.memory_space<vmem>>
      %dma_wait3A_127 = tpu.memref_slice %arg4[%add3A_14] : memref<1327104xi32, #tpu.memory_space<hbm>> -> memref<128xi32, #tpu.memory_space<hbm>>
      tpu.wait_dma2 semaphore(%run_scoped3A_111 : memref<!tpu.dma_semaphore, #tpu.memory_space<semaphore_mem>>) src(%dma_wait3A_127 : memref<128xi32, #tpu.memory_space<hbm>>) dst(%dma_wait3A_126 : memref<128xi32, #tpu.memory_space<vmem>>)
      tpu.yield
    }) : () -> ()
    %add3A_15 = arith.constant 0 : i32
    %add3A_16 = arith.addi %mul3A_7, %add3A_15 : i32
    %run_scoped3A_17 = arith.constant 0 : i32
    "tpu.region"() ({
      %run_scoped3A_111 = tpu.sem_alloc : memref<!tpu.dma_semaphore, #tpu.memory_space<semaphore_mem>>
      %dma_start3A_112 = arith.constant 0 : i32
      %dma_start3A_113 = tpu.memref_slice %arg9[%run_scoped3A_17, %dma_start3A_112] : memref<4x128xi32, #tpu.memory_space<vmem>> -> memref<1x128xi32, #tpu.memory_space<vmem>>
      %dma_start3A_114 = tpu.memref_squeeze %dma_start3A_113 : memref<1x128xi32, #tpu.memory_space<vmem>> -> memref<128xi32, #tpu.memory_space<vmem>>
      %dma_start3A_115 = tpu.memref_slice %arg5[%add3A_16] : memref<331776xi32, #tpu.memory_space<hbm>> -> memref<128xi32, #tpu.memory_space<hbm>>
      %dma_start3A_116 = arith.constant 0 : i32
      %dma_start3A_117 = tpu.memref_slice %arg9[%run_scoped3A_17, %dma_start3A_116] : memref<4x128xi32, #tpu.memory_space<vmem>> -> memref<1x128xi32, #tpu.memory_space<vmem>>
      %dma_start3A_118 = tpu.memref_squeeze %dma_start3A_117 : memref<1x128xi32, #tpu.memory_space<vmem>> -> memref<128xi32, #tpu.memory_space<vmem>>
      %dma_start3A_119 = tpu.memref_slice %arg5[%add3A_16] : memref<331776xi32, #tpu.memory_space<hbm>> -> memref<128xi32, #tpu.memory_space<hbm>>
      tpu.enqueue_dma source(%dma_start3A_119 : memref<128xi32, #tpu.memory_space<hbm>>) target(%dma_start3A_118 : memref<128xi32, #tpu.memory_space<vmem>>) target_semaphore(%run_scoped3A_111 : memref<!tpu.dma_semaphore, #tpu.memory_space<semaphore_mem>>)
      %dma_wait3A_120 = arith.constant 0 : i32
      %dma_wait3A_121 = tpu.memref_slice %arg9[%run_scoped3A_17, %dma_wait3A_120] : memref<4x128xi32, #tpu.memory_space<vmem>> -> memref<1x128xi32, #tpu.memory_space<vmem>>
      %dma_wait3A_122 = tpu.memref_squeeze %dma_wait3A_121 : memref<1x128xi32, #tpu.memory_space<vmem>> -> memref<128xi32, #tpu.memory_space<vmem>>
      %dma_wait3A_123 = tpu.memref_slice %arg5[%add3A_16] : memref<331776xi32, #tpu.memory_space<hbm>> -> memref<128xi32, #tpu.memory_space<hbm>>
      %dma_wait3A_124 = arith.constant 0 : i32
      %dma_wait3A_125 = tpu.memref_slice %arg9[%run_scoped3A_17, %dma_wait3A_124] : memref<4x128xi32, #tpu.memory_space<vmem>> -> memref<1x128xi32, #tpu.memory_space<vmem>>
      %dma_wait3A_126 = tpu.memref_squeeze %dma_wait3A_125 : memref<1x128xi32, #tpu.memory_space<vmem>> -> memref<128xi32, #tpu.memory_space<vmem>>
      %dma_wait3A_127 = tpu.memref_slice %arg5[%add3A_16] : memref<331776xi32, #tpu.memory_space<hbm>> -> memref<128xi32, #tpu.memory_space<hbm>>
      tpu.wait_dma2 semaphore(%run_scoped3A_111 : memref<!tpu.dma_semaphore, #tpu.memory_space<semaphore_mem>>) src(%dma_wait3A_127 : memref<128xi32, #tpu.memory_space<hbm>>) dst(%dma_wait3A_126 : memref<128xi32, #tpu.memory_space<vmem>>)
      tpu.yield
    }) : () -> ()
    %add3A_18 = arith.constant 128 : i32
    %add3A_19 = arith.addi %add3A_10, %add3A_18 : i32
    %run_scoped3A_20 = arith.constant 1 : i32
    "tpu.region"() ({
      %run_scoped3A_111 = tpu.sem_alloc : memref<!tpu.dma_semaphore, #tpu.memory_space<semaphore_mem>>
      %dma_start3A_112 = arith.constant 0 : i32
      %dma_start3A_113 = tpu.memref_slice %arg8[%run_scoped3A_20, %dma_start3A_112] : memref<4x128xi32, #tpu.memory_space<vmem>> -> memref<1x128xi32, #tpu.memory_space<vmem>>
      %dma_start3A_114 = tpu.memref_squeeze %dma_start3A_113 : memref<1x128xi32, #tpu.memory_space<vmem>> -> memref<128xi32, #tpu.memory_space<vmem>>
      %dma_start3A_115 = tpu.memref_slice %arg4[%add3A_19] : memref<1327104xi32, #tpu.memory_space<hbm>> -> memref<128xi32, #tpu.memory_space<hbm>>
      %dma_start3A_116 = arith.constant 0 : i32
      %dma_start3A_117 = tpu.memref_slice %arg8[%run_scoped3A_20, %dma_start3A_116] : memref<4x128xi32, #tpu.memory_space<vmem>> -> memref<1x128xi32, #tpu.memory_space<vmem>>
      %dma_start3A_118 = tpu.memref_squeeze %dma_start3A_117 : memref<1x128xi32, #tpu.memory_space<vmem>> -> memref<128xi32, #tpu.memory_space<vmem>>
      %dma_start3A_119 = tpu.memref_slice %arg4[%add3A_19] : memref<1327104xi32, #tpu.memory_space<hbm>> -> memref<128xi32, #tpu.memory_space<hbm>>
      tpu.enqueue_dma source(%dma_start3A_119 : memref<128xi32, #tpu.memory_space<hbm>>) target(%dma_start3A_118 : memref<128xi32, #tpu.memory_space<vmem>>) target_semaphore(%run_scoped3A_111 : memref<!tpu.dma_semaphore, #tpu.memory_space<semaphore_mem>>)
      %dma_wait3A_120 = arith.constant 0 : i32
      %dma_wait3A_121 = tpu.memref_slice %arg8[%run_scoped3A_20, %dma_wait3A_120] : memref<4x128xi32, #tpu.memory_space<vmem>> -> memref<1x128xi32, #tpu.memory_space<vmem>>
      %dma_wait3A_122 = tpu.memref_squeeze %dma_wait3A_121 : memref<1x128xi32, #tpu.memory_space<vmem>> -> memref<128xi32, #tpu.memory_space<vmem>>
      %dma_wait3A_123 = tpu.memref_slice %arg4[%add3A_19] : memref<1327104xi32, #tpu.memory_space<hbm>> -> memref<128xi32, #tpu.memory_space<hbm>>
      %dma_wait3A_124 = arith.constant 0 : i32
      %dma_wait3A_125 = tpu.memref_slice %arg8[%run_scoped3A_20, %dma_wait3A_124] : memref<4x128xi32, #tpu.memory_space<vmem>> -> memref<1x128xi32, #tpu.memory_space<vmem>>
      %dma_wait3A_126 = tpu.memref_squeeze %dma_wait3A_125 : memref<1x128xi32, #tpu.memory_space<vmem>> -> memref<128xi32, #tpu.memory_space<vmem>>
      %dma_wait3A_127 = tpu.memref_slice %arg4[%add3A_19] : memref<1327104xi32, #tpu.memory_space<hbm>> -> memref<128xi32, #tpu.memory_space<hbm>>
      tpu.wait_dma2 semaphore(%run_scoped3A_111 : memref<!tpu.dma_semaphore, #tpu.memory_space<semaphore_mem>>) src(%dma_wait3A_127 : memref<128xi32, #tpu.memory_space<hbm>>) dst(%dma_wait3A_126 : memref<128xi32, #tpu.memory_space<vmem>>)
      tpu.yield
    }) : () -> ()
    %add3A_21 = arith.constant 128 : i32
    %add3A_22 = arith.addi %mul3A_7, %add3A_21 : i32
    %run_scoped3A_23 = arith.constant 1 : i32
    "tpu.region"() ({
      %run_scoped3A_111 = tpu.sem_alloc : memref<!tpu.dma_semaphore, #tpu.memory_space<semaphore_mem>>
      %dma_start3A_112 = arith.constant 0 : i32
      %dma_start3A_113 = tpu.memref_slice %arg9[%run_scoped3A_23, %dma_start3A_112] : memref<4x128xi32, #tpu.memory_space<vmem>> -> memref<1x128xi32, #tpu.memory_space<vmem>>
      %dma_start3A_114 = tpu.memref_squeeze %dma_start3A_113 : memref<1x128xi32, #tpu.memory_space<vmem>> -> memref<128xi32, #tpu.memory_space<vmem>>
      %dma_start3A_115 = tpu.memref_slice %arg5[%add3A_22] : memref<331776xi32, #tpu.memory_space<hbm>> -> memref<128xi32, #tpu.memory_space<hbm>>
      %dma_start3A_116 = arith.constant 0 : i32
      %dma_start3A_117 = tpu.memref_slice %arg9[%run_scoped3A_23, %dma_start3A_116] : memref<4x128xi32, #tpu.memory_space<vmem>> -> memref<1x128xi32, #tpu.memory_space<vmem>>
      %dma_start3A_118 = tpu.memref_squeeze %dma_start3A_117 : memref<1x128xi32, #tpu.memory_space<vmem>> -> memref<128xi32, #tpu.memory_space<vmem>>
      %dma_start3A_119 = tpu.memref_slice %arg5[%add3A_22] : memref<331776xi32, #tpu.memory_space<hbm>> -> memref<128xi32, #tpu.memory_space<hbm>>
      tpu.enqueue_dma source(%dma_start3A_119 : memref<128xi32, #tpu.memory_space<hbm>>) target(%dma_start3A_118 : memref<128xi32, #tpu.memory_space<vmem>>) target_semaphore(%run_scoped3A_111 : memref<!tpu.dma_semaphore, #tpu.memory_space<semaphore_mem>>)
      %dma_wait3A_120 = arith.constant 0 : i32
      %dma_wait3A_121 = tpu.memref_slice %arg9[%run_scoped3A_23, %dma_wait3A_120] : memref<4x128xi32, #tpu.memory_space<vmem>> -> memref<1x128xi32, #tpu.memory_space<vmem>>
      %dma_wait3A_122 = tpu.memref_squeeze %dma_wait3A_121 : memref<1x128xi32, #tpu.memory_space<vmem>> -> memref<128xi32, #tpu.memory_space<vmem>>
      %dma_wait3A_123 = tpu.memref_slice %arg5[%add3A_22] : memref<331776xi32, #tpu.memory_space<hbm>> -> memref<128xi32, #tpu.memory_space<hbm>>
      %dma_wait3A_124 = arith.constant 0 : i32
      %dma_wait3A_125 = tpu.memref_slice %arg9[%run_scoped3A_23, %dma_wait3A_124] : memref<4x128xi32, #tpu.memory_space<vmem>> -> memref<1x128xi32, #tpu.memory_space<vmem>>
      %dma_wait3A_126 = tpu.memref_squeeze %dma_wait3A_125 : memref<1x128xi32, #tpu.memory_space<vmem>> -> memref<128xi32, #tpu.memory_space<vmem>>
      %dma_wait3A_127 = tpu.memref_slice %arg5[%add3A_22] : memref<331776xi32, #tpu.memory_space<hbm>> -> memref<128xi32, #tpu.memory_space<hbm>>
      tpu.wait_dma2 semaphore(%run_scoped3A_111 : memref<!tpu.dma_semaphore, #tpu.memory_space<semaphore_mem>>) src(%dma_wait3A_127 : memref<128xi32, #tpu.memory_space<hbm>>) dst(%dma_wait3A_126 : memref<128xi32, #tpu.memory_space<vmem>>)
      tpu.yield
    }) : () -> ()
    %dma_start3A = arith.constant 0 : i32
    %dma_start3A_24 = arith.constant 0 : i32
    %dma_start3A_25 = tpu.memref_slice %arg8[%dma_start3A, %dma_start3A_24] : memref<4x128xi32, #tpu.memory_space<vmem>> -> memref<1x128xi32, #tpu.memory_space<vmem>>
    %dma_start3A_26 = tpu.memref_squeeze %dma_start3A_25 : memref<1x128xi32, #tpu.memory_space<vmem>> -> memref<128xi32, #tpu.memory_space<vmem>>
    %dma_start3A_27 = arith.constant 0 : i32
    %dma_start3A_28 = arith.constant 0 : i32
    %dma_start3A_29 = tpu.memref_slice %arg2[%dma_start3A_27, %dma_start3A_28] : memref<40960x128xf32, #tpu.memory_space<hbm>> -> memref<40960x128xf32, #tpu.memory_space<hbm>>
    tpu.enqueue_indirect_dma source(%dma_start3A_29 : memref<40960x128xf32, #tpu.memory_space<hbm>>) target(%arg10 : memref<128x128xf32, #tpu.memory_space<vmem>>) offsets(%dma_start3A_26 : memref<128xi32, #tpu.memory_space<vmem>>) semaphore(%arg15 : memref<!tpu.dma_semaphore, #tpu.memory_space<semaphore_mem>>)
    %dma_start3A_30 = arith.constant 0 : i32
    %dma_start3A_31 = tpu.memref_slice %arg3[%mul3A_7, %dma_start3A_30] : memref<331776x16xf32, #tpu.memory_space<hbm>> -> memref<128x16xf32, #tpu.memory_space<hbm>>
    %dma_start3A_32 = arith.constant 0 : i32
    %dma_start3A_33 = tpu.memref_slice %arg3[%mul3A_7, %dma_start3A_32] : memref<331776x16xf32, #tpu.memory_space<hbm>> -> memref<128x16xf32, #tpu.memory_space<hbm>>
    tpu.enqueue_dma source(%dma_start3A_33 : memref<128x16xf32, #tpu.memory_space<hbm>>) target(%arg12 : memref<128x16xf32, #tpu.memory_space<vmem>>) target_semaphore(%arg17 : memref<!tpu.dma_semaphore, #tpu.memory_space<semaphore_mem>>)
    %scan3A = arith.constant 0 : i32
    %scan3A_34 = arith.constant 0 : i32
    %scan3A_35 = arith.constant 81 : i32
    %scan3A_36 = arith.addi %scan3A_34, %scan3A_35 : i32
    %scan3A_37 = arith.constant 1 : i32
    %scan3A_38 = scf.for %scan3A_111 = %scan3A_34 to %scan3A_36 step %scan3A_37 iter_args(%scan3A_112 = %scan3A) -> (i32)  : i32 {
      %mul3A_113 = arith.constant 2 : i32
      %mul3A_114 = arith.muli %mul3A_113, %scan3A_111 : i32
      %add3A_115 = arith.constant 0 : i32
      %add3A_116 = arith.addi %mul3A_114, %add3A_115 : i32
      %ge3A = arith.constant 1 : i32
      %ge3A_117 = arith.cmpi sge, %add3A_116, %ge3A : i32
      %convert_element_type3A = arith.extui %ge3A_117 : i1 to i32
      %cond3A = arith.constant 0 : i32
      %cond3A_118 = arith.cmpi ne, %convert_element_type3A, %cond3A : i32
      scf.if %cond3A_118 {
        %dma_wait3A_202 = arith.constant 0 : i32
        %dma_wait3A_203 = arith.constant 0 : i32
        %dma_wait3A_204 = tpu.memref_slice %arg9[%dma_wait3A_202, %dma_wait3A_203] : memref<4x128xi32, #tpu.memory_space<vmem>> -> memref<1x128xi32, #tpu.memory_space<vmem>>
        %dma_wait3A_205 = tpu.memref_squeeze %dma_wait3A_204 : memref<1x128xi32, #tpu.memory_space<vmem>> -> memref<128xi32, #tpu.memory_space<vmem>>
        %dma_wait3A_206 = arith.constant 0 : i32
        %dma_wait3A_207 = arith.constant 0 : i32
        %dma_wait3A_208 = tpu.memref_slice %arg14[%dma_wait3A_206, %dma_wait3A_207] : memref<10240x128xf32, #tpu.memory_space<vmem_shared>> -> memref<10240x128xf32, #tpu.memory_space<vmem_shared>>
        tpu.wait_indirect_dma semaphore(%arg20 : memref<!tpu.dma_semaphore, #tpu.memory_space<semaphore_mem>>) src(%arg11 : memref<128x128xf32, #tpu.memory_space<vmem>>) dst(%dma_wait3A_208 : memref<10240x128xf32, #tpu.memory_space<vmem_shared>>)
      } else {
      }
      %add3A_119 = arith.constant 2 : i32
      %add3A_120 = arith.addi %add3A_116, %add3A_119 : i32
      %lt3A = arith.constant 162 : i32
      %lt3A_121 = arith.cmpi slt, %add3A_120, %lt3A : i32
      %convert_element_type3A_122 = arith.extui %lt3A_121 : i1 to i32
      %cond3A_123 = arith.constant 0 : i32
      %cond3A_124 = arith.cmpi ne, %convert_element_type3A_122, %cond3A_123 : i32
      scf.if %cond3A_124 {
        %add3A_202 = arith.constant 2 : i32
        %add3A_203 = arith.addi %add3A_116, %add3A_202 : i32
        %mul3A_204 = arith.constant 128 : i32
        %mul3A_205 = arith.muli %add3A_203, %mul3A_204 : i32
        %add3A_206 = arith.addi %add3A_10, %mul3A_205 : i32
        %add3A_207 = arith.constant 2 : i32
        %add3A_208 = arith.addi %add3A_116, %add3A_207 : i32
        %and3A_209 = arith.constant 3 : i32
        %and3A_210 = arith.andi %add3A_208, %and3A_209 : i32
        %dma_start3A_211 = arith.constant 0 : i32
        %dma_start3A_212 = tpu.memref_slice %arg8[%and3A_210, %dma_start3A_211] : memref<4x128xi32, #tpu.memory_space<vmem>> -> memref<1x128xi32, #tpu.memory_space<vmem>>
        %dma_start3A_213 = tpu.memref_squeeze %dma_start3A_212 : memref<1x128xi32, #tpu.memory_space<vmem>> -> memref<128xi32, #tpu.memory_space<vmem>>
        %dma_start3A_214 = tpu.memref_slice %arg4[%add3A_206] : memref<1327104xi32, #tpu.memory_space<hbm>> -> memref<128xi32, #tpu.memory_space<hbm>>
        %dma_start3A_215 = arith.constant 0 : i32
        %dma_start3A_216 = tpu.memref_slice %arg8[%and3A_210, %dma_start3A_215] : memref<4x128xi32, #tpu.memory_space<vmem>> -> memref<1x128xi32, #tpu.memory_space<vmem>>
        %dma_start3A_217 = tpu.memref_squeeze %dma_start3A_216 : memref<1x128xi32, #tpu.memory_space<vmem>> -> memref<128xi32, #tpu.memory_space<vmem>>
        %dma_start3A_218 = tpu.memref_slice %arg4[%add3A_206] : memref<1327104xi32, #tpu.memory_space<hbm>> -> memref<128xi32, #tpu.memory_space<hbm>>
        tpu.enqueue_dma source(%dma_start3A_218 : memref<128xi32, #tpu.memory_space<hbm>>) target(%dma_start3A_217 : memref<128xi32, #tpu.memory_space<vmem>>) target_semaphore(%arg21 : memref<!tpu.dma_semaphore, #tpu.memory_space<semaphore_mem>>)
        %add3A_219 = arith.constant 2 : i32
        %add3A_220 = arith.addi %add3A_116, %add3A_219 : i32
        %mul3A_221 = arith.constant 128 : i32
        %mul3A_222 = arith.muli %add3A_220, %mul3A_221 : i32
        %add3A_223 = arith.addi %mul3A_7, %mul3A_222 : i32
        %add3A_224 = arith.constant 2 : i32
        %add3A_225 = arith.addi %add3A_116, %add3A_224 : i32
        %and3A_226 = arith.constant 3 : i32
        %and3A_227 = arith.andi %add3A_225, %and3A_226 : i32
        %dma_start3A_228 = arith.constant 0 : i32
        %dma_start3A_229 = tpu.memref_slice %arg9[%and3A_227, %dma_start3A_228] : memref<4x128xi32, #tpu.memory_space<vmem>> -> memref<1x128xi32, #tpu.memory_space<vmem>>
        %dma_start3A_230 = tpu.memref_squeeze %dma_start3A_229 : memref<1x128xi32, #tpu.memory_space<vmem>> -> memref<128xi32, #tpu.memory_space<vmem>>
        %dma_start3A_231 = tpu.memref_slice %arg5[%add3A_223] : memref<331776xi32, #tpu.memory_space<hbm>> -> memref<128xi32, #tpu.memory_space<hbm>>
        %dma_start3A_232 = arith.constant 0 : i32
        %dma_start3A_233 = tpu.memref_slice %arg9[%and3A_227, %dma_start3A_232] : memref<4x128xi32, #tpu.memory_space<vmem>> -> memref<1x128xi32, #tpu.memory_space<vmem>>
        %dma_start3A_234 = tpu.memref_squeeze %dma_start3A_233 : memref<1x128xi32, #tpu.memory_space<vmem>> -> memref<128xi32, #tpu.memory_space<vmem>>
        %dma_start3A_235 = tpu.memref_slice %arg5[%add3A_223] : memref<331776xi32, #tpu.memory_space<hbm>> -> memref<128xi32, #tpu.memory_space<hbm>>
        tpu.enqueue_dma source(%dma_start3A_235 : memref<128xi32, #tpu.memory_space<hbm>>) target(%dma_start3A_234 : memref<128xi32, #tpu.memory_space<vmem>>) target_semaphore(%arg23 : memref<!tpu.dma_semaphore, #tpu.memory_space<semaphore_mem>>)
      } else {
      }
      %add3A_125 = arith.constant 1 : i32
      %add3A_126 = arith.addi %add3A_116, %add3A_125 : i32
      %lt3A_127 = arith.constant 162 : i32
      %lt3A_128 = arith.cmpi slt, %add3A_126, %lt3A_127 : i32
      %convert_element_type3A_129 = arith.extui %lt3A_128 : i1 to i32
      %cond3A_130 = arith.constant 0 : i32
      %cond3A_131 = arith.cmpi ne, %convert_element_type3A_129, %cond3A_130 : i32
      scf.if %cond3A_131 {
        %add3A_202 = arith.constant 1 : i32
        %add3A_203 = arith.addi %add3A_116, %add3A_202 : i32
        %ge3A_204 = arith.constant 2 : i32
        %ge3A_205 = arith.cmpi sge, %add3A_203, %ge3A_204 : i32
        %convert_element_type3A_206 = arith.extui %ge3A_205 : i1 to i32
        %cond3A_207 = arith.constant 0 : i32
        %cond3A_208 = arith.cmpi ne, %convert_element_type3A_206, %cond3A_207 : i32
        scf.if %cond3A_208 {
          %dma_wait3A_228 = arith.constant 0 : i32
          %dma_wait3A_229 = arith.constant 0 : i32
          %dma_wait3A_230 = tpu.memref_slice %arg8[%dma_wait3A_228, %dma_wait3A_229] : memref<4x128xi32, #tpu.memory_space<vmem>> -> memref<1x128xi32, #tpu.memory_space<vmem>>
          %dma_wait3A_231 = tpu.memref_squeeze %dma_wait3A_230 : memref<1x128xi32, #tpu.memory_space<vmem>> -> memref<128xi32, #tpu.memory_space<vmem>>
          %dma_wait3A_232 = tpu.memref_slice %arg4[%add3A_10] : memref<1327104xi32, #tpu.memory_space<hbm>> -> memref<128xi32, #tpu.memory_space<hbm>>
          %dma_wait3A_233 = arith.constant 0 : i32
          %dma_wait3A_234 = tpu.memref_slice %arg8[%dma_wait3A_228, %dma_wait3A_233] : memref<4x128xi32, #tpu.memory_space<vmem>> -> memref<1x128xi32, #tpu.memory_space<vmem>>
          %dma_wait3A_235 = tpu.memref_squeeze %dma_wait3A_234 : memref<1x128xi32, #tpu.memory_space<vmem>> -> memref<128xi32, #tpu.memory_space<vmem>>
          %dma_wait3A_236 = tpu.memref_slice %arg4[%add3A_10] : memref<1327104xi32, #tpu.memory_space<hbm>> -> memref<128xi32, #tpu.memory_space<hbm>>
          tpu.wait_dma2 semaphore(%arg22 : memref<!tpu.dma_semaphore, #tpu.memory_space<semaphore_mem>>) src(%dma_wait3A_236 : memref<128xi32, #tpu.memory_space<hbm>>) dst(%dma_wait3A_235 : memref<128xi32, #tpu.memory_space<vmem>>)
          %dma_wait3A_237 = arith.constant 0 : i32
          %dma_wait3A_238 = arith.constant 0 : i32
          %dma_wait3A_239 = tpu.memref_slice %arg9[%dma_wait3A_237, %dma_wait3A_238] : memref<4x128xi32, #tpu.memory_space<vmem>> -> memref<1x128xi32, #tpu.memory_space<vmem>>
          %dma_wait3A_240 = tpu.memref_squeeze %dma_wait3A_239 : memref<1x128xi32, #tpu.memory_space<vmem>> -> memref<128xi32, #tpu.memory_space<vmem>>
          %dma_wait3A_241 = tpu.memref_slice %arg5[%mul3A_7] : memref<331776xi32, #tpu.memory_space<hbm>> -> memref<128xi32, #tpu.memory_space<hbm>>
          %dma_wait3A_242 = arith.constant 0 : i32
          %dma_wait3A_243 = tpu.memref_slice %arg9[%dma_wait3A_237, %dma_wait3A_242] : memref<4x128xi32, #tpu.memory_space<vmem>> -> memref<1x128xi32, #tpu.memory_space<vmem>>
          %dma_wait3A_244 = tpu.memref_squeeze %dma_wait3A_243 : memref<1x128xi32, #tpu.memory_space<vmem>> -> memref<128xi32, #tpu.memory_space<vmem>>
          %dma_wait3A_245 = tpu.memref_slice %arg5[%mul3A_7] : memref<331776xi32, #tpu.memory_space<hbm>> -> memref<128xi32, #tpu.memory_space<hbm>>
          tpu.wait_dma2 semaphore(%arg24 : memref<!tpu.dma_semaphore, #tpu.memory_space<semaphore_mem>>) src(%dma_wait3A_245 : memref<128xi32, #tpu.memory_space<hbm>>) dst(%dma_wait3A_244 : memref<128xi32, #tpu.memory_space<vmem>>)
        } else {
        }
        %add3A_209 = arith.constant 1 : i32
        %add3A_210 = arith.addi %add3A_116, %add3A_209 : i32
        %and3A_211 = arith.constant 3 : i32
        %and3A_212 = arith.andi %add3A_210, %and3A_211 : i32
        %dma_start3A_213 = arith.constant 0 : i32
        %dma_start3A_214 = tpu.memref_slice %arg8[%and3A_212, %dma_start3A_213] : memref<4x128xi32, #tpu.memory_space<vmem>> -> memref<1x128xi32, #tpu.memory_space<vmem>>
        %dma_start3A_215 = tpu.memref_squeeze %dma_start3A_214 : memref<1x128xi32, #tpu.memory_space<vmem>> -> memref<128xi32, #tpu.memory_space<vmem>>
        %dma_start3A_216 = arith.constant 0 : i32
        %dma_start3A_217 = arith.constant 0 : i32
        %dma_start3A_218 = tpu.memref_slice %arg2[%dma_start3A_216, %dma_start3A_217] : memref<40960x128xf32, #tpu.memory_space<hbm>> -> memref<40960x128xf32, #tpu.memory_space<hbm>>
        tpu.enqueue_indirect_dma source(%dma_start3A_218 : memref<40960x128xf32, #tpu.memory_space<hbm>>) target(%arg11 : memref<128x128xf32, #tpu.memory_space<vmem>>) offsets(%dma_start3A_215 : memref<128xi32, #tpu.memory_space<vmem>>) semaphore(%arg16 : memref<!tpu.dma_semaphore, #tpu.memory_space<semaphore_mem>>)
        %add3A_219 = arith.constant 1 : i32
        %add3A_220 = arith.addi %add3A_116, %add3A_219 : i32
        %mul3A_221 = arith.constant 128 : i32
        %mul3A_222 = arith.muli %add3A_220, %mul3A_221 : i32
        %add3A_223 = arith.addi %mul3A_7, %mul3A_222 : i32
        %dma_start3A_224 = arith.constant 0 : i32
        %dma_start3A_225 = tpu.memref_slice %arg3[%add3A_223, %dma_start3A_224] : memref<331776x16xf32, #tpu.memory_space<hbm>> -> memref<128x16xf32, #tpu.memory_space<hbm>>
        %dma_start3A_226 = arith.constant 0 : i32
        %dma_start3A_227 = tpu.memref_slice %arg3[%add3A_223, %dma_start3A_226] : memref<331776x16xf32, #tpu.memory_space<hbm>> -> memref<128x16xf32, #tpu.memory_space<hbm>>
        tpu.enqueue_dma source(%dma_start3A_227 : memref<128x16xf32, #tpu.memory_space<hbm>>) target(%arg13 : memref<128x16xf32, #tpu.memory_space<vmem>>) target_semaphore(%arg18 : memref<!tpu.dma_semaphore, #tpu.memory_space<semaphore_mem>>)
      } else {
      }
      %dma_wait3A_132 = arith.constant 0 : i32
      %dma_wait3A_133 = arith.constant 0 : i32
      %dma_wait3A_134 = tpu.memref_slice %arg8[%dma_wait3A_132, %dma_wait3A_133] : memref<4x128xi32, #tpu.memory_space<vmem>> -> memref<1x128xi32, #tpu.memory_space<vmem>>
      %dma_wait3A_135 = tpu.memref_squeeze %dma_wait3A_134 : memref<1x128xi32, #tpu.memory_space<vmem>> -> memref<128xi32, #tpu.memory_space<vmem>>
      %dma_wait3A_136 = arith.constant 0 : i32
      %dma_wait3A_137 = arith.constant 0 : i32
      %dma_wait3A_138 = tpu.memref_slice %arg2[%dma_wait3A_136, %dma_wait3A_137] : memref<40960x128xf32, #tpu.memory_space<hbm>> -> memref<40960x128xf32, #tpu.memory_space<hbm>>
      tpu.wait_indirect_dma semaphore(%arg15 : memref<!tpu.dma_semaphore, #tpu.memory_space<semaphore_mem>>) src(%dma_wait3A_138 : memref<40960x128xf32, #tpu.memory_space<hbm>>) dst(%arg10 : memref<128x128xf32, #tpu.memory_space<vmem>>)
      %dma_wait3A_139 = arith.constant 0 : i32
      %dma_wait3A_140 = arith.constant 0 : i32
      %dma_wait3A_141 = tpu.memref_slice %arg3[%dma_wait3A_139, %dma_wait3A_140] : memref<331776x16xf32, #tpu.memory_space<hbm>> -> memref<128x16xf32, #tpu.memory_space<hbm>>
      %dma_wait3A_142 = arith.constant 0 : i32
      %dma_wait3A_143 = arith.constant 0 : i32
      %dma_wait3A_144 = tpu.memref_slice %arg3[%dma_wait3A_142, %dma_wait3A_143] : memref<331776x16xf32, #tpu.memory_space<hbm>> -> memref<128x16xf32, #tpu.memory_space<hbm>>
      tpu.wait_dma2 semaphore(%arg17 : memref<!tpu.dma_semaphore, #tpu.memory_space<semaphore_mem>>) src(%dma_wait3A_144 : memref<128x16xf32, #tpu.memory_space<hbm>>) dst(%arg12 : memref<128x16xf32, #tpu.memory_space<vmem>>)
      %parallel_loop3A = arith.constant 0 : i32
      %parallel_loop3A_145 = arith.constant 128 : i32
      %parallel_loop3A_146 = arith.constant 1 : i32
      scf.for %parallel_loop3A_202 = %parallel_loop3A to %parallel_loop3A_145 step %parallel_loop3A_146  : i32 {
        %parallel_loop3A_203 = arith.index_cast %parallel_loop3A_202 : i32 to index
        %parallel_loop3A_204 = arith.constant 0 : index
        %parallel_loop3A_205 = tpu.vector_load %arg12[%parallel_loop3A_203, %parallel_loop3A_204] {strides = array<i32>} : memref<128x16xf32, #tpu.memory_space<vmem>>, vector<1x16xf32>,
        %parallel_loop3A_206 = vector.shape_cast %parallel_loop3A_205 : vector<1x16xf32> to vector<16xf32>
        %parallel_loop3A_207 = vector.broadcast %mul3A_5 : i32 to vector<16xi32>
        %parallel_loop3A_208 = arith.constant 0 : i32
        %parallel_loop3A_209 = vector.broadcast %parallel_loop3A_208 : i32 to vector<16xi32>
        %parallel_loop3A_210 = arith.cmpi slt, %parallel_loop3A_207, %parallel_loop3A_209 : vector<16xi32>
        %parallel_loop3A_211 = arith.constant 16 : i32
        %parallel_loop3A_212 = vector.broadcast %parallel_loop3A_211 : i32 to vector<16xi32>
        %parallel_loop3A_213 = arith.addi %parallel_loop3A_207, %parallel_loop3A_212 : vector<16xi32>
        %parallel_loop3A_214 = arith.select %parallel_loop3A_210, %parallel_loop3A_213, %parallel_loop3A_207 : vector<16xi1>, vector<16xi32>
        %parallel_loop3A_215 = vector.shape_cast %parallel_loop3A_214 : vector<16xi32> to vector<16x1xi32>
        %parallel_loop3A_216 = vector.shape_cast %parallel_loop3A_215 : vector<16x1xi32> to vector<16xi32>
        %parallel_loop3A_217 = tpu.dynamic_gather %parallel_loop3A_206[%parallel_loop3A_216] in [0] : vector<16xf32>, vector<16xi32> -> vector<16xf32>
        %parallel_loop3A_218 = arith.constant 1 : i32
        %parallel_loop3A_219 = arith.addi %mul3A_5, %parallel_loop3A_218 : i32
        %parallel_loop3A_220 = vector.broadcast %parallel_loop3A_219 : i32 to vector<16xi32>
        %parallel_loop3A_221 = arith.constant 0 : i32
        %parallel_loop3A_222 = vector.broadcast %parallel_loop3A_221 : i32 to vector<16xi32>
        %parallel_loop3A_223 = arith.cmpi slt, %parallel_loop3A_220, %parallel_loop3A_222 : vector<16xi32>
        %parallel_loop3A_224 = arith.constant 16 : i32
        %parallel_loop3A_225 = vector.broadcast %parallel_loop3A_224 : i32 to vector<16xi32>
        %parallel_loop3A_226 = arith.addi %parallel_loop3A_220, %parallel_loop3A_225 : vector<16xi32>
        %parallel_loop3A_227 = arith.select %parallel_loop3A_223, %parallel_loop3A_226, %parallel_loop3A_220 : vector<16xi1>, vector<16xi32>
        %parallel_loop3A_228 = vector.shape_cast %parallel_loop3A_227 : vector<16xi32> to vector<16x1xi32>
        %parallel_loop3A_229 = vector.shape_cast %parallel_loop3A_228 : vector<16x1xi32> to vector<16xi32>
        %parallel_loop3A_230 = tpu.dynamic_gather %parallel_loop3A_206[%parallel_loop3A_229] in [0] : vector<16xf32>, vector<16xi32> -> vector<16xf32>
        %parallel_loop3A_231 = arith.index_cast %parallel_loop3A_202 : i32 to index
        %parallel_loop3A_232 = arith.constant 0 : index
        %parallel_loop3A_233 = tpu.vector_load %arg10[%parallel_loop3A_231, %parallel_loop3A_232] {strides = array<i32>} : memref<128x128xf32, #tpu.memory_space<vmem>>, vector<1x16xf32>,
        %parallel_loop3A_234 = vector.shape_cast %parallel_loop3A_233 : vector<1x16xf32> to vector<16xf32>
        %parallel_loop3A_235 = arith.mulf %parallel_loop3A_234, %parallel_loop3A_217 : vector<16xf32>
        %parallel_loop3A_236 = arith.index_cast %parallel_loop3A_202 : i32 to index
        %parallel_loop3A_237 = arith.constant 0 : index
        %parallel_loop3A_238 = tpu.vector_load %arg10[%parallel_loop3A_236, %parallel_loop3A_237] {strides = array<i32>} : memref<128x128xf32, #tpu.memory_space<vmem>>, vector<1x16xf32>,
        %parallel_loop3A_239 = vector.shape_cast %parallel_loop3A_238 : vector<1x16xf32> to vector<16xf32>
        %parallel_loop3A_240 = vector.shape_cast %parallel_loop3A_235 : vector<16xf32> to vector<1x16xf32>
        tpu.vector_store %arg10[%parallel_loop3A_236, %parallel_loop3A_237], %parallel_loop3A_240 {strides = array<i32>} : memref<128x128xf32, #tpu.memory_space<vmem>>, vector<1x16xf32>,
        %parallel_loop3A_241 = arith.index_cast %parallel_loop3A_202 : i32 to index
        %parallel_loop3A_242 = arith.constant 16 : index
        %parallel_loop3A_243 = tpu.vector_load %arg10[%parallel_loop3A_241, %parallel_loop3A_242] {strides = array<i32>} : memref<128x128xf32, #tpu.memory_space<vmem>>, vector<1x16xf32>,
        %parallel_loop3A_244 = vector.shape_cast %parallel_loop3A_243 : vector<1x16xf32> to vector<16xf32>
        %parallel_loop3A_245 = arith.mulf %parallel_loop3A_244, %parallel_loop3A_217 : vector<16xf32>
        %parallel_loop3A_246 = arith.index_cast %parallel_loop3A_202 : i32 to index
        %parallel_loop3A_247 = arith.constant 16 : index
        %parallel_loop3A_248 = tpu.vector_load %arg10[%parallel_loop3A_246, %parallel_loop3A_247] {strides = array<i32>} : memref<128x128xf32, #tpu.memory_space<vmem>>, vector<1x16xf32>,
        %parallel_loop3A_249 = vector.shape_cast %parallel_loop3A_248 : vector<1x16xf32> to vector<16xf32>
        %parallel_loop3A_250 = vector.shape_cast %parallel_loop3A_245 : vector<16xf32> to vector<1x16xf32>
        tpu.vector_store %arg10[%parallel_loop3A_246, %parallel_loop3A_247], %parallel_loop3A_250 {strides = array<i32>} : memref<128x128xf32, #tpu.memory_space<vmem>>, vector<1x16xf32>,
        %parallel_loop3A_251 = arith.index_cast %parallel_loop3A_202 : i32 to index
        %parallel_loop3A_252 = arith.constant 32 : index
        %parallel_loop3A_253 = tpu.vector_load %arg10[%parallel_loop3A_251, %parallel_loop3A_252] {strides = array<i32>} : memref<128x128xf32, #tpu.memory_space<vmem>>, vector<1x16xf32>,
        %parallel_loop3A_254 = vector.shape_cast %parallel_loop3A_253 : vector<1x16xf32> to vector<16xf32>
        %parallel_loop3A_255 = arith.mulf %parallel_loop3A_254, %parallel_loop3A_217 : vector<16xf32>
        %parallel_loop3A_256 = arith.index_cast %parallel_loop3A_202 : i32 to index
        %parallel_loop3A_257 = arith.constant 32 : index
        %parallel_loop3A_258 = tpu.vector_load %arg10[%parallel_loop3A_256, %parallel_loop3A_257] {strides = array<i32>} : memref<128x128xf32, #tpu.memory_space<vmem>>, vector<1x16xf32>,
        %parallel_loop3A_259 = vector.shape_cast %parallel_loop3A_258 : vector<1x16xf32> to vector<16xf32>
        %parallel_loop3A_260 = vector.shape_cast %parallel_loop3A_255 : vector<16xf32> to vector<1x16xf32>
        tpu.vector_store %arg10[%parallel_loop3A_256, %parallel_loop3A_257], %parallel_loop3A_260 {strides = array<i32>} : memref<128x128xf32, #tpu.memory_space<vmem>>, vector<1x16xf32>,
        %parallel_loop3A_261 = arith.index_cast %parallel_loop3A_202 : i32 to index
        %parallel_loop3A_262 = arith.constant 48 : index
        %parallel_loop3A_263 = tpu.vector_load %arg10[%parallel_loop3A_261, %parallel_loop3A_262] {strides = array<i32>} : memref<128x128xf32, #tpu.memory_space<vmem>>, vector<1x16xf32>,
        %parallel_loop3A_264 = vector.shape_cast %parallel_loop3A_263 : vector<1x16xf32> to vector<16xf32>
        %parallel_loop3A_265 = arith.mulf %parallel_loop3A_264, %parallel_loop3A_217 : vector<16xf32>
        %parallel_loop3A_266 = arith.index_cast %parallel_loop3A_202 : i32 to index
        %parallel_loop3A_267 = arith.constant 48 : index
        %parallel_loop3A_268 = tpu.vector_load %arg10[%parallel_loop3A_266, %parallel_loop3A_267] {strides = array<i32>} : memref<128x128xf32, #tpu.memory_space<vmem>>, vector<1x16xf32>,
        %parallel_loop3A_269 = vector.shape_cast %parallel_loop3A_268 : vector<1x16xf32> to vector<16xf32>
        %parallel_loop3A_270 = vector.shape_cast %parallel_loop3A_265 : vector<16xf32> to vector<1x16xf32>
        tpu.vector_store %arg10[%parallel_loop3A_266, %parallel_loop3A_267], %parallel_loop3A_270 {strides = array<i32>} : memref<128x128xf32, #tpu.memory_space<vmem>>, vector<1x16xf32>,
        %parallel_loop3A_271 = arith.index_cast %parallel_loop3A_202 : i32 to index
        %parallel_loop3A_272 = arith.constant 64 : index
        %parallel_loop3A_273 = tpu.vector_load %arg10[%parallel_loop3A_271, %parallel_loop3A_272] {strides = array<i32>} : memref<128x128xf32, #tpu.memory_space<vmem>>, vector<1x16xf32>,
        %parallel_loop3A_274 = vector.shape_cast %parallel_loop3A_273 : vector<1x16xf32> to vector<16xf32>
        %parallel_loop3A_275 = arith.mulf %parallel_loop3A_274, %parallel_loop3A_230 : vector<16xf32>
        %parallel_loop3A_276 = arith.index_cast %parallel_loop3A_202 : i32 to index
        %parallel_loop3A_277 = arith.constant 64 : index
        %parallel_loop3A_278 = tpu.vector_load %arg10[%parallel_loop3A_276, %parallel_loop3A_277] {strides = array<i32>} : memref<128x128xf32, #tpu.memory_space<vmem>>, vector<1x16xf32>,
        %parallel_loop3A_279 = vector.shape_cast %parallel_loop3A_278 : vector<1x16xf32> to vector<16xf32>
        %parallel_loop3A_280 = vector.shape_cast %parallel_loop3A_275 : vector<16xf32> to vector<1x16xf32>
        tpu.vector_store %arg10[%parallel_loop3A_276, %parallel_loop3A_277], %parallel_loop3A_280 {strides = array<i32>} : memref<128x128xf32, #tpu.memory_space<vmem>>, vector<1x16xf32>,
        %parallel_loop3A_281 = arith.index_cast %parallel_loop3A_202 : i32 to index
        %parallel_loop3A_282 = arith.constant 80 : index
        %parallel_loop3A_283 = tpu.vector_load %arg10[%parallel_loop3A_281, %parallel_loop3A_282] {strides = array<i32>} : memref<128x128xf32, #tpu.memory_space<vmem>>, vector<1x16xf32>,
        %parallel_loop3A_284 = vector.shape_cast %parallel_loop3A_283 : vector<1x16xf32> to vector<16xf32>
        %parallel_loop3A_285 = arith.mulf %parallel_loop3A_284, %parallel_loop3A_230 : vector<16xf32>
        %parallel_loop3A_286 = arith.index_cast %parallel_loop3A_202 : i32 to index
        %parallel_loop3A_287 = arith.constant 80 : index
        %parallel_loop3A_288 = tpu.vector_load %arg10[%parallel_loop3A_286, %parallel_loop3A_287] {strides = array<i32>} : memref<128x128xf32, #tpu.memory_space<vmem>>, vector<1x16xf32>,
        %parallel_loop3A_289 = vector.shape_cast %parallel_loop3A_288 : vector<1x16xf32> to vector<16xf32>
        %parallel_loop3A_290 = vector.shape_cast %parallel_loop3A_285 : vector<16xf32> to vector<1x16xf32>
        tpu.vector_store %arg10[%parallel_loop3A_286, %parallel_loop3A_287], %parallel_loop3A_290 {strides = array<i32>} : memref<128x128xf32, #tpu.memory_space<vmem>>, vector<1x16xf32>,
        %parallel_loop3A_291 = arith.index_cast %parallel_loop3A_202 : i32 to index
        %parallel_loop3A_292 = arith.constant 96 : index
        %parallel_loop3A_293 = tpu.vector_load %arg10[%parallel_loop3A_291, %parallel_loop3A_292] {strides = array<i32>} : memref<128x128xf32, #tpu.memory_space<vmem>>, vector<1x16xf32>,
        %parallel_loop3A_294 = vector.shape_cast %parallel_loop3A_293 : vector<1x16xf32> to vector<16xf32>
        %parallel_loop3A_295 = arith.mulf %parallel_loop3A_294, %parallel_loop3A_230 : vector<16xf32>
        %parallel_loop3A_296 = arith.index_cast %parallel_loop3A_202 : i32 to index
        %parallel_loop3A_297 = arith.constant 96 : index
        %parallel_loop3A_298 = tpu.vector_load %arg10[%parallel_loop3A_296, %parallel_loop3A_297] {strides = array<i32>} : memref<128x128xf32, #tpu.memory_space<vmem>>, vector<1x16xf32>,
        %parallel_loop3A_299 = vector.shape_cast %parallel_loop3A_298 : vector<1x16xf32> to vector<16xf32>
        %parallel_loop3A_300 = vector.shape_cast %parallel_loop3A_295 : vector<16xf32> to vector<1x16xf32>
        tpu.vector_store %arg10[%parallel_loop3A_296, %parallel_loop3A_297], %parallel_loop3A_300 {strides = array<i32>} : memref<128x128xf32, #tpu.memory_space<vmem>>, vector<1x16xf32>,
        %parallel_loop3A_301 = arith.index_cast %parallel_loop3A_202 : i32 to index
        %parallel_loop3A_302 = arith.constant 112 : index
        %parallel_loop3A_303 = tpu.vector_load %arg10[%parallel_loop3A_301, %parallel_loop3A_302] {strides = array<i32>} : memref<128x128xf32, #tpu.memory_space<vmem>>, vector<1x16xf32>,
        %parallel_loop3A_304 = vector.shape_cast %parallel_loop3A_303 : vector<1x16xf32> to vector<16xf32>
        %parallel_loop3A_305 = arith.mulf %parallel_loop3A_304, %parallel_loop3A_230 : vector<16xf32>
        %parallel_loop3A_306 = arith.index_cast %parallel_loop3A_202 : i32 to index
        %parallel_loop3A_307 = arith.constant 112 : index
        %parallel_loop3A_308 = tpu.vector_load %arg10[%parallel_loop3A_306, %parallel_loop3A_307] {strides = array<i32>} : memref<128x128xf32, #tpu.memory_space<vmem>>, vector<1x16xf32>,
        %parallel_loop3A_309 = vector.shape_cast %parallel_loop3A_308 : vector<1x16xf32> to vector<16xf32>
        %parallel_loop3A_310 = vector.shape_cast %parallel_loop3A_305 : vector<16xf32> to vector<1x16xf32>
        tpu.vector_store %arg10[%parallel_loop3A_306, %parallel_loop3A_307], %parallel_loop3A_310 {strides = array<i32>} : memref<128x128xf32, #tpu.memory_space<vmem>>, vector<1x16xf32>,
      } {sc.loop_unroll_factor = 4 : i64, sc.parallel_access}
      %and3A = arith.constant 3 : i32
      %and3A_147 = arith.andi %add3A_116, %and3A : i32
      %dma_start3A_148 = arith.constant 0 : i32
      %dma_start3A_149 = tpu.memref_slice %arg9[%and3A_147, %dma_start3A_148] : memref<4x128xi32, #tpu.memory_space<vmem>> -> memref<1x128xi32, #tpu.memory_space<vmem>>
      %dma_start3A_150 = tpu.memref_squeeze %dma_start3A_149 : memref<1x128xi32, #tpu.memory_space<vmem>> -> memref<128xi32, #tpu.memory_space<vmem>>
      %dma_start3A_151 = arith.constant 0 : i32
      %dma_start3A_152 = arith.constant 0 : i32
      %dma_start3A_153 = tpu.memref_slice %arg14[%dma_start3A_151, %dma_start3A_152] : memref<10240x128xf32, #tpu.memory_space<vmem_shared>> -> memref<10240x128xf32, #tpu.memory_space<vmem_shared>>
      tpu.enqueue_indirect_dma source(%arg10 : memref<128x128xf32, #tpu.memory_space<vmem>>) target(%dma_start3A_153 : memref<10240x128xf32, #tpu.memory_space<vmem_shared>>) offsets(%dma_start3A_150 : memref<128xi32, #tpu.memory_space<vmem>>) semaphore(%arg19 : memref<!tpu.dma_semaphore, #tpu.memory_space<semaphore_mem>>) {add = true}
      %mul3A_154 = arith.constant 2 : i32
      %mul3A_155 = arith.muli %mul3A_154, %scan3A_111 : i32
      %add3A_156 = arith.constant 1 : i32
      %add3A_157 = arith.addi %mul3A_155, %add3A_156 : i32
      %ge3A_158 = arith.constant 1 : i32
      %ge3A_159 = arith.cmpi sge, %add3A_157, %ge3A_158 : i32
      %convert_element_type3A_160 = arith.extui %ge3A_159 : i1 to i32
      %cond3A_161 = arith.constant 0 : i32
      %cond3A_162 = arith.cmpi ne, %convert_element_type3A_160, %cond3A_161 : i32
      scf.if %cond3A_162 {
        %dma_wait3A_202 = arith.constant 0 : i32
        %dma_wait3A_203 = arith.constant 0 : i32
        %dma_wait3A_204 = tpu.memref_slice %arg9[%dma_wait3A_202, %dma_wait3A_203] : memref<4x128xi32, #tpu.memory_space<vmem>> -> memref<1x128xi32, #tpu.memory_space<vmem>>
        %dma_wait3A_205 = tpu.memref_squeeze %dma_wait3A_204 : memref<1x128xi32, #tpu.memory_space<vmem>> -> memref<128xi32, #tpu.memory_space<vmem>>
        %dma_wait3A_206 = arith.constant 0 : i32
        %dma_wait3A_207 = arith.constant 0 : i32
        %dma_wait3A_208 = tpu.memref_slice %arg14[%dma_wait3A_206, %dma_wait3A_207] : memref<10240x128xf32, #tpu.memory_space<vmem_shared>> -> memref<10240x128xf32, #tpu.memory_space<vmem_shared>>
        tpu.wait_indirect_dma semaphore(%arg19 : memref<!tpu.dma_semaphore, #tpu.memory_space<semaphore_mem>>) src(%arg10 : memref<128x128xf32, #tpu.memory_space<vmem>>) dst(%dma_wait3A_208 : memref<10240x128xf32, #tpu.memory_space<vmem_shared>>)
      } else {
      }
      %add3A_163 = arith.constant 2 : i32
      %add3A_164 = arith.addi %add3A_157, %add3A_163 : i32
      %lt3A_165 = arith.constant 162 : i32
      %lt3A_166 = arith.cmpi slt, %add3A_164, %lt3A_165 : i32
      %convert_element_type3A_167 = arith.extui %lt3A_166 : i1 to i32
      %cond3A_168 = arith.constant 0 : i32
      %cond3A_169 = arith.cmpi ne, %convert_element_type3A_167, %cond3A_168 : i32
      scf.if %cond3A_169 {
        %add3A_202 = arith.constant 2 : i32
        %add3A_203 = arith.addi %add3A_157, %add3A_202 : i32
        %mul3A_204 = arith.constant 128 : i32
        %mul3A_205 = arith.muli %add3A_203, %mul3A_204 : i32
        %add3A_206 = arith.addi %add3A_10, %mul3A_205 : i32
        %add3A_207 = arith.constant 2 : i32
        %add3A_208 = arith.addi %add3A_157, %add3A_207 : i32
        %and3A_209 = arith.constant 3 : i32
        %and3A_210 = arith.andi %add3A_208, %and3A_209 : i32
        %dma_start3A_211 = arith.constant 0 : i32
        %dma_start3A_212 = tpu.memref_slice %arg8[%and3A_210, %dma_start3A_211] : memref<4x128xi32, #tpu.memory_space<vmem>> -> memref<1x128xi32, #tpu.memory_space<vmem>>
        %dma_start3A_213 = tpu.memref_squeeze %dma_start3A_212 : memref<1x128xi32, #tpu.memory_space<vmem>> -> memref<128xi32, #tpu.memory_space<vmem>>
        %dma_start3A_214 = tpu.memref_slice %arg4[%add3A_206] : memref<1327104xi32, #tpu.memory_space<hbm>> -> memref<128xi32, #tpu.memory_space<hbm>>
        %dma_start3A_215 = arith.constant 0 : i32
        %dma_start3A_216 = tpu.memref_slice %arg8[%and3A_210, %dma_start3A_215] : memref<4x128xi32, #tpu.memory_space<vmem>> -> memref<1x128xi32, #tpu.memory_space<vmem>>
        %dma_start3A_217 = tpu.memref_squeeze %dma_start3A_216 : memref<1x128xi32, #tpu.memory_space<vmem>> -> memref<128xi32, #tpu.memory_space<vmem>>
        %dma_start3A_218 = tpu.memref_slice %arg4[%add3A_206] : memref<1327104xi32, #tpu.memory_space<hbm>> -> memref<128xi32, #tpu.memory_space<hbm>>
        tpu.enqueue_dma source(%dma_start3A_218 : memref<128xi32, #tpu.memory_space<hbm>>) target(%dma_start3A_217 : memref<128xi32, #tpu.memory_space<vmem>>) target_semaphore(%arg22 : memref<!tpu.dma_semaphore, #tpu.memory_space<semaphore_mem>>)
        %add3A_219 = arith.constant 2 : i32
        %add3A_220 = arith.addi %add3A_157, %add3A_219 : i32
        %mul3A_221 = arith.constant 128 : i32
        %mul3A_222 = arith.muli %add3A_220, %mul3A_221 : i32
        %add3A_223 = arith.addi %mul3A_7, %mul3A_222 : i32
        %add3A_224 = arith.constant 2 : i32
        %add3A_225 = arith.addi %add3A_157, %add3A_224 : i32
        %and3A_226 = arith.constant 3 : i32
        %and3A_227 = arith.andi %add3A_225, %and3A_226 : i32
        %dma_start3A_228 = arith.constant 0 : i32
        %dma_start3A_229 = tpu.memref_slice %arg9[%and3A_227, %dma_start3A_228] : memref<4x128xi32, #tpu.memory_space<vmem>> -> memref<1x128xi32, #tpu.memory_space<vmem>>
        %dma_start3A_230 = tpu.memref_squeeze %dma_start3A_229 : memref<1x128xi32, #tpu.memory_space<vmem>> -> memref<128xi32, #tpu.memory_space<vmem>>
        %dma_start3A_231 = tpu.memref_slice %arg5[%add3A_223] : memref<331776xi32, #tpu.memory_space<hbm>> -> memref<128xi32, #tpu.memory_space<hbm>>
        %dma_start3A_232 = arith.constant 0 : i32
        %dma_start3A_233 = tpu.memref_slice %arg9[%and3A_227, %dma_start3A_232] : memref<4x128xi32, #tpu.memory_space<vmem>> -> memref<1x128xi32, #tpu.memory_space<vmem>>
        %dma_start3A_234 = tpu.memref_squeeze %dma_start3A_233 : memref<1x128xi32, #tpu.memory_space<vmem>> -> memref<128xi32, #tpu.memory_space<vmem>>
        %dma_start3A_235 = tpu.memref_slice %arg5[%add3A_223] : memref<331776xi32, #tpu.memory_space<hbm>> -> memref<128xi32, #tpu.memory_space<hbm>>
        tpu.enqueue_dma source(%dma_start3A_235 : memref<128xi32, #tpu.memory_space<hbm>>) target(%dma_start3A_234 : memref<128xi32, #tpu.memory_space<vmem>>) target_semaphore(%arg24 : memref<!tpu.dma_semaphore, #tpu.memory_space<semaphore_mem>>)
      } else {
      }
      %add3A_170 = arith.constant 1 : i32
      %add3A_171 = arith.addi %add3A_157, %add3A_170 : i32
      %lt3A_172 = arith.constant 162 : i32
      %lt3A_173 = arith.cmpi slt, %add3A_171, %lt3A_172 : i32
      %convert_element_type3A_174 = arith.extui %lt3A_173 : i1 to i32
      %cond3A_175 = arith.constant 0 : i32
      %cond3A_176 = arith.cmpi ne, %convert_element_type3A_174, %cond3A_175 : i32
      scf.if %cond3A_176 {
        %add3A_202 = arith.constant 1 : i32
        %add3A_203 = arith.addi %add3A_157, %add3A_202 : i32
        %ge3A_204 = arith.constant 2 : i32
        %ge3A_205 = arith.cmpi sge, %add3A_203, %ge3A_204 : i32
        %convert_element_type3A_206 = arith.extui %ge3A_205 : i1 to i32
        %cond3A_207 = arith.constant 0 : i32
        %cond3A_208 = arith.cmpi ne, %convert_element_type3A_206, %cond3A_207 : i32
        scf.if %cond3A_208 {
          %dma_wait3A_228 = arith.constant 0 : i32
          %dma_wait3A_229 = arith.constant 0 : i32
          %dma_wait3A_230 = tpu.memref_slice %arg8[%dma_wait3A_228, %dma_wait3A_229] : memref<4x128xi32, #tpu.memory_space<vmem>> -> memref<1x128xi32, #tpu.memory_space<vmem>>
          %dma_wait3A_231 = tpu.memref_squeeze %dma_wait3A_230 : memref<1x128xi32, #tpu.memory_space<vmem>> -> memref<128xi32, #tpu.memory_space<vmem>>
          %dma_wait3A_232 = tpu.memref_slice %arg4[%add3A_10] : memref<1327104xi32, #tpu.memory_space<hbm>> -> memref<128xi32, #tpu.memory_space<hbm>>
          %dma_wait3A_233 = arith.constant 0 : i32
          %dma_wait3A_234 = tpu.memref_slice %arg8[%dma_wait3A_228, %dma_wait3A_233] : memref<4x128xi32, #tpu.memory_space<vmem>> -> memref<1x128xi32, #tpu.memory_space<vmem>>
          %dma_wait3A_235 = tpu.memref_squeeze %dma_wait3A_234 : memref<1x128xi32, #tpu.memory_space<vmem>> -> memref<128xi32, #tpu.memory_space<vmem>>
          %dma_wait3A_236 = tpu.memref_slice %arg4[%add3A_10] : memref<1327104xi32, #tpu.memory_space<hbm>> -> memref<128xi32, #tpu.memory_space<hbm>>
          tpu.wait_dma2 semaphore(%arg21 : memref<!tpu.dma_semaphore, #tpu.memory_space<semaphore_mem>>) src(%dma_wait3A_236 : memref<128xi32, #tpu.memory_space<hbm>>) dst(%dma_wait3A_235 : memref<128xi32, #tpu.memory_space<vmem>>)
          %dma_wait3A_237 = arith.constant 0 : i32
          %dma_wait3A_238 = arith.constant 0 : i32
          %dma_wait3A_239 = tpu.memref_slice %arg9[%dma_wait3A_237, %dma_wait3A_238] : memref<4x128xi32, #tpu.memory_space<vmem>> -> memref<1x128xi32, #tpu.memory_space<vmem>>
          %dma_wait3A_240 = tpu.memref_squeeze %dma_wait3A_239 : memref<1x128xi32, #tpu.memory_space<vmem>> -> memref<128xi32, #tpu.memory_space<vmem>>
          %dma_wait3A_241 = tpu.memref_slice %arg5[%mul3A_7] : memref<331776xi32, #tpu.memory_space<hbm>> -> memref<128xi32, #tpu.memory_space<hbm>>
          %dma_wait3A_242 = arith.constant 0 : i32
          %dma_wait3A_243 = tpu.memref_slice %arg9[%dma_wait3A_237, %dma_wait3A_242] : memref<4x128xi32, #tpu.memory_space<vmem>> -> memref<1x128xi32, #tpu.memory_space<vmem>>
          %dma_wait3A_244 = tpu.memref_squeeze %dma_wait3A_243 : memref<1x128xi32, #tpu.memory_space<vmem>> -> memref<128xi32, #tpu.memory_space<vmem>>
          %dma_wait3A_245 = tpu.memref_slice %arg5[%mul3A_7] : memref<331776xi32, #tpu.memory_space<hbm>> -> memref<128xi32, #tpu.memory_space<hbm>>
          tpu.wait_dma2 semaphore(%arg23 : memref<!tpu.dma_semaphore, #tpu.memory_space<semaphore_mem>>) src(%dma_wait3A_245 : memref<128xi32, #tpu.memory_space<hbm>>) dst(%dma_wait3A_244 : memref<128xi32, #tpu.memory_space<vmem>>)
        } else {
        }
        %add3A_209 = arith.constant 1 : i32
        %add3A_210 = arith.addi %add3A_157, %add3A_209 : i32
        %and3A_211 = arith.constant 3 : i32
        %and3A_212 = arith.andi %add3A_210, %and3A_211 : i32
        %dma_start3A_213 = arith.constant 0 : i32
        %dma_start3A_214 = tpu.memref_slice %arg8[%and3A_212, %dma_start3A_213] : memref<4x128xi32, #tpu.memory_space<vmem>> -> memref<1x128xi32, #tpu.memory_space<vmem>>
        %dma_start3A_215 = tpu.memref_squeeze %dma_start3A_214 : memref<1x128xi32, #tpu.memory_space<vmem>> -> memref<128xi32, #tpu.memory_space<vmem>>
        %dma_start3A_216 = arith.constant 0 : i32
        %dma_start3A_217 = arith.constant 0 : i32
        %dma_start3A_218 = tpu.memref_slice %arg2[%dma_start3A_216, %dma_start3A_217] : memref<40960x128xf32, #tpu.memory_space<hbm>> -> memref<40960x128xf32, #tpu.memory_space<hbm>>
        tpu.enqueue_indirect_dma source(%dma_start3A_218 : memref<40960x128xf32, #tpu.memory_space<hbm>>) target(%arg10 : memref<128x128xf32, #tpu.memory_space<vmem>>) offsets(%dma_start3A_215 : memref<128xi32, #tpu.memory_space<vmem>>) semaphore(%arg15 : memref<!tpu.dma_semaphore, #tpu.memory_space<semaphore_mem>>)
        %add3A_219 = arith.constant 1 : i32
        %add3A_220 = arith.addi %add3A_157, %add3A_219 : i32
        %mul3A_221 = arith.constant 128 : i32
        %mul3A_222 = arith.muli %add3A_220, %mul3A_221 : i32
        %add3A_223 = arith.addi %mul3A_7, %mul3A_222 : i32
        %dma_start3A_224 = arith.constant 0 : i32
        %dma_start3A_225 = tpu.memref_slice %arg3[%add3A_223, %dma_start3A_224] : memref<331776x16xf32, #tpu.memory_space<hbm>> -> memref<128x16xf32, #tpu.memory_space<hbm>>
        %dma_start3A_226 = arith.constant 0 : i32
        %dma_start3A_227 = tpu.memref_slice %arg3[%add3A_223, %dma_start3A_226] : memref<331776x16xf32, #tpu.memory_space<hbm>> -> memref<128x16xf32, #tpu.memory_space<hbm>>
        tpu.enqueue_dma source(%dma_start3A_227 : memref<128x16xf32, #tpu.memory_space<hbm>>) target(%arg12 : memref<128x16xf32, #tpu.memory_space<vmem>>) target_semaphore(%arg17 : memref<!tpu.dma_semaphore, #tpu.memory_space<semaphore_mem>>)
      } else {
      }
      %dma_wait3A_177 = arith.constant 0 : i32
      %dma_wait3A_178 = arith.constant 0 : i32
      %dma_wait3A_179 = tpu.memref_slice %arg8[%dma_wait3A_177, %dma_wait3A_178] : memref<4x128xi32, #tpu.memory_space<vmem>> -> memref<1x128xi32, #tpu.memory_space<vmem>>
      %dma_wait3A_180 = tpu.memref_squeeze %dma_wait3A_179 : memref<1x128xi32, #tpu.memory_space<vmem>> -> memref<128xi32, #tpu.memory_space<vmem>>
      %dma_wait3A_181 = arith.constant 0 : i32
      %dma_wait3A_182 = arith.constant 0 : i32
      %dma_wait3A_183 = tpu.memref_slice %arg2[%dma_wait3A_181, %dma_wait3A_182] : memref<40960x128xf32, #tpu.memory_space<hbm>> -> memref<40960x128xf32, #tpu.memory_space<hbm>>
      tpu.wait_indirect_dma semaphore(%arg16 : memref<!tpu.dma_semaphore, #tpu.memory_space<semaphore_mem>>) src(%dma_wait3A_183 : memref<40960x128xf32, #tpu.memory_space<hbm>>) dst(%arg11 : memref<128x128xf32, #tpu.memory_space<vmem>>)
      %dma_wait3A_184 = arith.constant 0 : i32
      %dma_wait3A_185 = arith.constant 0 : i32
      %dma_wait3A_186 = tpu.memref_slice %arg3[%dma_wait3A_184, %dma_wait3A_185] : memref<331776x16xf32, #tpu.memory_space<hbm>> -> memref<128x16xf32, #tpu.memory_space<hbm>>
      %dma_wait3A_187 = arith.constant 0 : i32
      %dma_wait3A_188 = arith.constant 0 : i32
      %dma_wait3A_189 = tpu.memref_slice %arg3[%dma_wait3A_187, %dma_wait3A_188] : memref<331776x16xf32, #tpu.memory_space<hbm>> -> memref<128x16xf32, #tpu.memory_space<hbm>>
      tpu.wait_dma2 semaphore(%arg18 : memref<!tpu.dma_semaphore, #tpu.memory_space<semaphore_mem>>) src(%dma_wait3A_189 : memref<128x16xf32, #tpu.memory_space<hbm>>) dst(%arg13 : memref<128x16xf32, #tpu.memory_space<vmem>>)
      %parallel_loop3A_190 = arith.constant 0 : i32
      %parallel_loop3A_191 = arith.constant 128 : i32
      %parallel_loop3A_192 = arith.constant 1 : i32
      scf.for %parallel_loop3A_202 = %parallel_loop3A_190 to %parallel_loop3A_191 step %parallel_loop3A_192  : i32 {
        %parallel_loop3A_203 = arith.index_cast %parallel_loop3A_202 : i32 to index
        %parallel_loop3A_204 = arith.constant 0 : index
        %parallel_loop3A_205 = tpu.vector_load %arg13[%parallel_loop3A_203, %parallel_loop3A_204] {strides = array<i32>} : memref<128x16xf32, #tpu.memory_space<vmem>>, vector<1x16xf32>,
        %parallel_loop3A_206 = vector.shape_cast %parallel_loop3A_205 : vector<1x16xf32> to vector<16xf32>
        %parallel_loop3A_207 = vector.broadcast %mul3A_5 : i32 to vector<16xi32>
        %parallel_loop3A_208 = arith.constant 0 : i32
        %parallel_loop3A_209 = vector.broadcast %parallel_loop3A_208 : i32 to vector<16xi32>
        %parallel_loop3A_210 = arith.cmpi slt, %parallel_loop3A_207, %parallel_loop3A_209 : vector<16xi32>
        %parallel_loop3A_211 = arith.constant 16 : i32
        %parallel_loop3A_212 = vector.broadcast %parallel_loop3A_211 : i32 to vector<16xi32>
        %parallel_loop3A_213 = arith.addi %parallel_loop3A_207, %parallel_loop3A_212 : vector<16xi32>
        %parallel_loop3A_214 = arith.select %parallel_loop3A_210, %parallel_loop3A_213, %parallel_loop3A_207 : vector<16xi1>, vector<16xi32>
        %parallel_loop3A_215 = vector.shape_cast %parallel_loop3A_214 : vector<16xi32> to vector<16x1xi32>
        %parallel_loop3A_216 = vector.shape_cast %parallel_loop3A_215 : vector<16x1xi32> to vector<16xi32>
        %parallel_loop3A_217 = tpu.dynamic_gather %parallel_loop3A_206[%parallel_loop3A_216] in [0] : vector<16xf32>, vector<16xi32> -> vector<16xf32>
        %parallel_loop3A_218 = arith.constant 1 : i32
        %parallel_loop3A_219 = arith.addi %mul3A_5, %parallel_loop3A_218 : i32
        %parallel_loop3A_220 = vector.broadcast %parallel_loop3A_219 : i32 to vector<16xi32>
        %parallel_loop3A_221 = arith.constant 0 : i32
        %parallel_loop3A_222 = vector.broadcast %parallel_loop3A_221 : i32 to vector<16xi32>
        %parallel_loop3A_223 = arith.cmpi slt, %parallel_loop3A_220, %parallel_loop3A_222 : vector<16xi32>
        %parallel_loop3A_224 = arith.constant 16 : i32
        %parallel_loop3A_225 = vector.broadcast %parallel_loop3A_224 : i32 to vector<16xi32>
        %parallel_loop3A_226 = arith.addi %parallel_loop3A_220, %parallel_loop3A_225 : vector<16xi32>
        %parallel_loop3A_227 = arith.select %parallel_loop3A_223, %parallel_loop3A_226, %parallel_loop3A_220 : vector<16xi1>, vector<16xi32>
        %parallel_loop3A_228 = vector.shape_cast %parallel_loop3A_227 : vector<16xi32> to vector<16x1xi32>
        %parallel_loop3A_229 = vector.shape_cast %parallel_loop3A_228 : vector<16x1xi32> to vector<16xi32>
        %parallel_loop3A_230 = tpu.dynamic_gather %parallel_loop3A_206[%parallel_loop3A_229] in [0] : vector<16xf32>, vector<16xi32> -> vector<16xf32>
        %parallel_loop3A_231 = arith.index_cast %parallel_loop3A_202 : i32 to index
        %parallel_loop3A_232 = arith.constant 0 : index
        %parallel_loop3A_233 = tpu.vector_load %arg11[%parallel_loop3A_231, %parallel_loop3A_232] {strides = array<i32>} : memref<128x128xf32, #tpu.memory_space<vmem>>, vector<1x16xf32>,
        %parallel_loop3A_234 = vector.shape_cast %parallel_loop3A_233 : vector<1x16xf32> to vector<16xf32>
        %parallel_loop3A_235 = arith.mulf %parallel_loop3A_234, %parallel_loop3A_217 : vector<16xf32>
        %parallel_loop3A_236 = arith.index_cast %parallel_loop3A_202 : i32 to index
        %parallel_loop3A_237 = arith.constant 0 : index
        %parallel_loop3A_238 = tpu.vector_load %arg11[%parallel_loop3A_236, %parallel_loop3A_237] {strides = array<i32>} : memref<128x128xf32, #tpu.memory_space<vmem>>, vector<1x16xf32>,
        %parallel_loop3A_239 = vector.shape_cast %parallel_loop3A_238 : vector<1x16xf32> to vector<16xf32>
        %parallel_loop3A_240 = vector.shape_cast %parallel_loop3A_235 : vector<16xf32> to vector<1x16xf32>
        tpu.vector_store %arg11[%parallel_loop3A_236, %parallel_loop3A_237], %parallel_loop3A_240 {strides = array<i32>} : memref<128x128xf32, #tpu.memory_space<vmem>>, vector<1x16xf32>,
        %parallel_loop3A_241 = arith.index_cast %parallel_loop3A_202 : i32 to index
        %parallel_loop3A_242 = arith.constant 16 : index
        %parallel_loop3A_243 = tpu.vector_load %arg11[%parallel_loop3A_241, %parallel_loop3A_242] {strides = array<i32>} : memref<128x128xf32, #tpu.memory_space<vmem>>, vector<1x16xf32>,
        %parallel_loop3A_244 = vector.shape_cast %parallel_loop3A_243 : vector<1x16xf32> to vector<16xf32>
        %parallel_loop3A_245 = arith.mulf %parallel_loop3A_244, %parallel_loop3A_217 : vector<16xf32>
        %parallel_loop3A_246 = arith.index_cast %parallel_loop3A_202 : i32 to index
        %parallel_loop3A_247 = arith.constant 16 : index
        %parallel_loop3A_248 = tpu.vector_load %arg11[%parallel_loop3A_246, %parallel_loop3A_247] {strides = array<i32>} : memref<128x128xf32, #tpu.memory_space<vmem>>, vector<1x16xf32>,
        %parallel_loop3A_249 = vector.shape_cast %parallel_loop3A_248 : vector<1x16xf32> to vector<16xf32>
        %parallel_loop3A_250 = vector.shape_cast %parallel_loop3A_245 : vector<16xf32> to vector<1x16xf32>
        tpu.vector_store %arg11[%parallel_loop3A_246, %parallel_loop3A_247], %parallel_loop3A_250 {strides = array<i32>} : memref<128x128xf32, #tpu.memory_space<vmem>>, vector<1x16xf32>,
        %parallel_loop3A_251 = arith.index_cast %parallel_loop3A_202 : i32 to index
        %parallel_loop3A_252 = arith.constant 32 : index
        %parallel_loop3A_253 = tpu.vector_load %arg11[%parallel_loop3A_251, %parallel_loop3A_252] {strides = array<i32>} : memref<128x128xf32, #tpu.memory_space<vmem>>, vector<1x16xf32>,
        %parallel_loop3A_254 = vector.shape_cast %parallel_loop3A_253 : vector<1x16xf32> to vector<16xf32>
        %parallel_loop3A_255 = arith.mulf %parallel_loop3A_254, %parallel_loop3A_217 : vector<16xf32>
        %parallel_loop3A_256 = arith.index_cast %parallel_loop3A_202 : i32 to index
        %parallel_loop3A_257 = arith.constant 32 : index
        %parallel_loop3A_258 = tpu.vector_load %arg11[%parallel_loop3A_256, %parallel_loop3A_257] {strides = array<i32>} : memref<128x128xf32, #tpu.memory_space<vmem>>, vector<1x16xf32>,
        %parallel_loop3A_259 = vector.shape_cast %parallel_loop3A_258 : vector<1x16xf32> to vector<16xf32>
        %parallel_loop3A_260 = vector.shape_cast %parallel_loop3A_255 : vector<16xf32> to vector<1x16xf32>
        tpu.vector_store %arg11[%parallel_loop3A_256, %parallel_loop3A_257], %parallel_loop3A_260 {strides = array<i32>} : memref<128x128xf32, #tpu.memory_space<vmem>>, vector<1x16xf32>,
        %parallel_loop3A_261 = arith.index_cast %parallel_loop3A_202 : i32 to index
        %parallel_loop3A_262 = arith.constant 48 : index
        %parallel_loop3A_263 = tpu.vector_load %arg11[%parallel_loop3A_261, %parallel_loop3A_262] {strides = array<i32>} : memref<128x128xf32, #tpu.memory_space<vmem>>, vector<1x16xf32>,
        %parallel_loop3A_264 = vector.shape_cast %parallel_loop3A_263 : vector<1x16xf32> to vector<16xf32>
        %parallel_loop3A_265 = arith.mulf %parallel_loop3A_264, %parallel_loop3A_217 : vector<16xf32>
        %parallel_loop3A_266 = arith.index_cast %parallel_loop3A_202 : i32 to index
        %parallel_loop3A_267 = arith.constant 48 : index
        %parallel_loop3A_268 = tpu.vector_load %arg11[%parallel_loop3A_266, %parallel_loop3A_267] {strides = array<i32>} : memref<128x128xf32, #tpu.memory_space<vmem>>, vector<1x16xf32>,
        %parallel_loop3A_269 = vector.shape_cast %parallel_loop3A_268 : vector<1x16xf32> to vector<16xf32>
        %parallel_loop3A_270 = vector.shape_cast %parallel_loop3A_265 : vector<16xf32> to vector<1x16xf32>
        tpu.vector_store %arg11[%parallel_loop3A_266, %parallel_loop3A_267], %parallel_loop3A_270 {strides = array<i32>} : memref<128x128xf32, #tpu.memory_space<vmem>>, vector<1x16xf32>,
        %parallel_loop3A_271 = arith.index_cast %parallel_loop3A_202 : i32 to index
        %parallel_loop3A_272 = arith.constant 64 : index
        %parallel_loop3A_273 = tpu.vector_load %arg11[%parallel_loop3A_271, %parallel_loop3A_272] {strides = array<i32>} : memref<128x128xf32, #tpu.memory_space<vmem>>, vector<1x16xf32>,
        %parallel_loop3A_274 = vector.shape_cast %parallel_loop3A_273 : vector<1x16xf32> to vector<16xf32>
        %parallel_loop3A_275 = arith.mulf %parallel_loop3A_274, %parallel_loop3A_230 : vector<16xf32>
        %parallel_loop3A_276 = arith.index_cast %parallel_loop3A_202 : i32 to index
        %parallel_loop3A_277 = arith.constant 64 : index
        %parallel_loop3A_278 = tpu.vector_load %arg11[%parallel_loop3A_276, %parallel_loop3A_277] {strides = array<i32>} : memref<128x128xf32, #tpu.memory_space<vmem>>, vector<1x16xf32>,
        %parallel_loop3A_279 = vector.shape_cast %parallel_loop3A_278 : vector<1x16xf32> to vector<16xf32>
        %parallel_loop3A_280 = vector.shape_cast %parallel_loop3A_275 : vector<16xf32> to vector<1x16xf32>
        tpu.vector_store %arg11[%parallel_loop3A_276, %parallel_loop3A_277], %parallel_loop3A_280 {strides = array<i32>} : memref<128x128xf32, #tpu.memory_space<vmem>>, vector<1x16xf32>,
        %parallel_loop3A_281 = arith.index_cast %parallel_loop3A_202 : i32 to index
        %parallel_loop3A_282 = arith.constant 80 : index
        %parallel_loop3A_283 = tpu.vector_load %arg11[%parallel_loop3A_281, %parallel_loop3A_282] {strides = array<i32>} : memref<128x128xf32, #tpu.memory_space<vmem>>, vector<1x16xf32>,
        %parallel_loop3A_284 = vector.shape_cast %parallel_loop3A_283 : vector<1x16xf32> to vector<16xf32>
        %parallel_loop3A_285 = arith.mulf %parallel_loop3A_284, %parallel_loop3A_230 : vector<16xf32>
        %parallel_loop3A_286 = arith.index_cast %parallel_loop3A_202 : i32 to index
        %parallel_loop3A_287 = arith.constant 80 : index
        %parallel_loop3A_288 = tpu.vector_load %arg11[%parallel_loop3A_286, %parallel_loop3A_287] {strides = array<i32>} : memref<128x128xf32, #tpu.memory_space<vmem>>, vector<1x16xf32>,
        %parallel_loop3A_289 = vector.shape_cast %parallel_loop3A_288 : vector<1x16xf32> to vector<16xf32>
        %parallel_loop3A_290 = vector.shape_cast %parallel_loop3A_285 : vector<16xf32> to vector<1x16xf32>
        tpu.vector_store %arg11[%parallel_loop3A_286, %parallel_loop3A_287], %parallel_loop3A_290 {strides = array<i32>} : memref<128x128xf32, #tpu.memory_space<vmem>>, vector<1x16xf32>,
        %parallel_loop3A_291 = arith.index_cast %parallel_loop3A_202 : i32 to index
        %parallel_loop3A_292 = arith.constant 96 : index
        %parallel_loop3A_293 = tpu.vector_load %arg11[%parallel_loop3A_291, %parallel_loop3A_292] {strides = array<i32>} : memref<128x128xf32, #tpu.memory_space<vmem>>, vector<1x16xf32>,
        %parallel_loop3A_294 = vector.shape_cast %parallel_loop3A_293 : vector<1x16xf32> to vector<16xf32>
        %parallel_loop3A_295 = arith.mulf %parallel_loop3A_294, %parallel_loop3A_230 : vector<16xf32>
        %parallel_loop3A_296 = arith.index_cast %parallel_loop3A_202 : i32 to index
        %parallel_loop3A_297 = arith.constant 96 : index
        %parallel_loop3A_298 = tpu.vector_load %arg11[%parallel_loop3A_296, %parallel_loop3A_297] {strides = array<i32>} : memref<128x128xf32, #tpu.memory_space<vmem>>, vector<1x16xf32>,
        %parallel_loop3A_299 = vector.shape_cast %parallel_loop3A_298 : vector<1x16xf32> to vector<16xf32>
        %parallel_loop3A_300 = vector.shape_cast %parallel_loop3A_295 : vector<16xf32> to vector<1x16xf32>
        tpu.vector_store %arg11[%parallel_loop3A_296, %parallel_loop3A_297], %parallel_loop3A_300 {strides = array<i32>} : memref<128x128xf32, #tpu.memory_space<vmem>>, vector<1x16xf32>,
        %parallel_loop3A_301 = arith.index_cast %parallel_loop3A_202 : i32 to index
        %parallel_loop3A_302 = arith.constant 112 : index
        %parallel_loop3A_303 = tpu.vector_load %arg11[%parallel_loop3A_301, %parallel_loop3A_302] {strides = array<i32>} : memref<128x128xf32, #tpu.memory_space<vmem>>, vector<1x16xf32>,
        %parallel_loop3A_304 = vector.shape_cast %parallel_loop3A_303 : vector<1x16xf32> to vector<16xf32>
        %parallel_loop3A_305 = arith.mulf %parallel_loop3A_304, %parallel_loop3A_230 : vector<16xf32>
        %parallel_loop3A_306 = arith.index_cast %parallel_loop3A_202 : i32 to index
        %parallel_loop3A_307 = arith.constant 112 : index
        %parallel_loop3A_308 = tpu.vector_load %arg11[%parallel_loop3A_306, %parallel_loop3A_307] {strides = array<i32>} : memref<128x128xf32, #tpu.memory_space<vmem>>, vector<1x16xf32>,
        %parallel_loop3A_309 = vector.shape_cast %parallel_loop3A_308 : vector<1x16xf32> to vector<16xf32>
        %parallel_loop3A_310 = vector.shape_cast %parallel_loop3A_305 : vector<16xf32> to vector<1x16xf32>
        tpu.vector_store %arg11[%parallel_loop3A_306, %parallel_loop3A_307], %parallel_loop3A_310 {strides = array<i32>} : memref<128x128xf32, #tpu.memory_space<vmem>>, vector<1x16xf32>,
      } {sc.loop_unroll_factor = 4 : i64, sc.parallel_access}
      %and3A_193 = arith.constant 3 : i32
      %and3A_194 = arith.andi %add3A_157, %and3A_193 : i32
      %dma_start3A_195 = arith.constant 0 : i32
      %dma_start3A_196 = tpu.memref_slice %arg9[%and3A_194, %dma_start3A_195] : memref<4x128xi32, #tpu.memory_space<vmem>> -> memref<1x128xi32, #tpu.memory_space<vmem>>
      %dma_start3A_197 = tpu.memref_squeeze %dma_start3A_196 : memref<1x128xi32, #tpu.memory_space<vmem>> -> memref<128xi32, #tpu.memory_space<vmem>>
      %dma_start3A_198 = arith.constant 0 : i32
      %dma_start3A_199 = arith.constant 0 : i32
      %dma_start3A_200 = tpu.memref_slice %arg14[%dma_start3A_198, %dma_start3A_199] : memref<10240x128xf32, #tpu.memory_space<vmem_shared>> -> memref<10240x128xf32, #tpu.memory_space<vmem_shared>>
      tpu.enqueue_indirect_dma source(%arg11 : memref<128x128xf32, #tpu.memory_space<vmem>>) target(%dma_start3A_200 : memref<10240x128xf32, #tpu.memory_space<vmem_shared>>) offsets(%dma_start3A_197 : memref<128xi32, #tpu.memory_space<vmem>>) semaphore(%arg20 : memref<!tpu.dma_semaphore, #tpu.memory_space<semaphore_mem>>) {add = true}
      %scan3A_201 = arith.constant 0 : i32
      scf.yield %scan3A_201 : i32
    }
    %scan3A_39 = arith.constant 81 : i32
    %dma_wait3A = arith.constant 0 : i32
    %dma_wait3A_40 = arith.constant 0 : i32
    %dma_wait3A_41 = tpu.memref_slice %arg9[%dma_wait3A, %dma_wait3A_40] : memref<4x128xi32, #tpu.memory_space<vmem>> -> memref<1x128xi32, #tpu.memory_space<vmem>>
    %dma_wait3A_42 = tpu.memref_squeeze %dma_wait3A_41 : memref<1x128xi32, #tpu.memory_space<vmem>> -> memref<128xi32, #tpu.memory_space<vmem>>
    %dma_wait3A_43 = arith.constant 0 : i32
    %dma_wait3A_44 = arith.constant 0 : i32
    %dma_wait3A_45 = tpu.memref_slice %arg14[%dma_wait3A_43, %dma_wait3A_44] : memref<10240x128xf32, #tpu.memory_space<vmem_shared>> -> memref<10240x128xf32, #tpu.memory_space<vmem_shared>>
    tpu.wait_indirect_dma semaphore(%arg20 : memref<!tpu.dma_semaphore, #tpu.memory_space<semaphore_mem>>) src(%arg11 : memref<128x128xf32, #tpu.memory_space<vmem>>) dst(%dma_wait3A_45 : memref<10240x128xf32, #tpu.memory_space<vmem_shared>>)
    %barrier3A_46 = arith.constant 0 : index
    tpu.barrier barrier_id(%barrier3A_46)
    %mul3A_47 = arith.constant 640 : i32
    %mul3A_48 = arith.muli %arg1, %mul3A_47 : i32
    %mul3A_49 = arith.constant 640 : i32
    %mul3A_50 = arith.muli %arg1, %mul3A_49 : i32
    %add3A_51 = arith.addi %mul3A_3, %mul3A_50 : i32
    "tpu.region"() ({
      %run_scoped3A_111 = tpu.sem_alloc : memref<!tpu.dma_semaphore, #tpu.memory_space<semaphore_mem>>
      %dma_start3A_112 = arith.constant 0 : i32
      %dma_start3A_113 = tpu.memref_slice %arg7[%add3A_51, %dma_start3A_112] : memref<40960x128xf32, #tpu.memory_space<hbm>> -> memref<640x128xf32, #tpu.memory_space<hbm>>
      %dma_start3A_114 = arith.constant 0 : i32
      %dma_start3A_115 = tpu.memref_slice %arg14[%mul3A_48, %dma_start3A_114] : memref<10240x128xf32, #tpu.memory_space<vmem_shared>> -> memref<640x128xf32, #tpu.memory_space<vmem_shared>>
      tpu.enqueue_dma source(%dma_start3A_115 : memref<640x128xf32, #tpu.memory_space<vmem_shared>>) target(%dma_start3A_113 : memref<640x128xf32, #tpu.memory_space<hbm>>) target_semaphore(%run_scoped3A_111 : memref<!tpu.dma_semaphore, #tpu.memory_space<semaphore_mem>>)
      %dma_wait3A_116 = arith.constant 0 : i32
      %dma_wait3A_117 = tpu.memref_slice %arg7[%add3A_51, %dma_wait3A_116] : memref<40960x128xf32, #tpu.memory_space<hbm>> -> memref<640x128xf32, #tpu.memory_space<hbm>>
      %dma_wait3A_118 = arith.constant 0 : i32
      %dma_wait3A_119 = tpu.memref_slice %arg14[%mul3A_48, %dma_wait3A_118] : memref<10240x128xf32, #tpu.memory_space<vmem_shared>> -> memref<640x128xf32, #tpu.memory_space<vmem_shared>>
      tpu.wait_dma2 semaphore(%run_scoped3A_111 : memref<!tpu.dma_semaphore, #tpu.memory_space<semaphore_mem>>) src(%dma_wait3A_119 : memref<640x128xf32, #tpu.memory_space<vmem_shared>>) dst(%dma_wait3A_117 : memref<640x128xf32, #tpu.memory_space<hbm>>)
      tpu.yield
    }) : () -> ()
    %mul3A_52 = arith.constant 2 : i32
    %mul3A_53 = arith.muli %arg0, %mul3A_52 : i32
    %add3A_54 = arith.constant 1 : i32
    %add3A_55 = arith.addi %mul3A_53, %add3A_54 : i32
    %mul3A_56 = arith.constant 10240 : i32
    %mul3A_57 = arith.muli %add3A_55, %mul3A_56 : i32
    %mul3A_58 = arith.constant 2 : i32
    %mul3A_59 = arith.muli %add3A_55, %mul3A_58 : i32
    %mul3A_60 = arith.constant 20736 : i32
    %mul3A_61 = arith.muli %arg1, %mul3A_60 : i32
    %mul3A_62 = arith.constant 331776 : i32
    %mul3A_63 = arith.muli %add3A_55, %mul3A_62 : i32
    %add3A_64 = arith.addi %mul3A_63, %mul3A_61 : i32
    %mul3A_65 = arith.constant 640 : i32
    %mul3A_66 = arith.muli %arg1, %mul3A_65 : i32
    "tpu.region"() ({
      %run_scoped3A_111 = tpu.sem_alloc : memref<!tpu.dma_semaphore, #tpu.memory_space<semaphore_mem>>
      %dma_start3A_112 = arith.constant 0 : i32
      %dma_start3A_113 = tpu.memref_slice %arg14[%mul3A_66, %dma_start3A_112] : memref<10240x128xf32, #tpu.memory_space<vmem_shared>> -> memref<640x128xf32, #tpu.memory_space<vmem_shared>>
      tpu.enqueue_dma source(%arg6 : memref<640x128xf32, #tpu.memory_space<hbm>>) target(%dma_start3A_113 : memref<640x128xf32, #tpu.memory_space<vmem_shared>>) target_semaphore(%run_scoped3A_111 : memref<!tpu.dma_semaphore, #tpu.memory_space<semaphore_mem>>)
      %dma_wait3A_114 = arith.constant 0 : i32
      %dma_wait3A_115 = tpu.memref_slice %arg14[%mul3A_66, %dma_wait3A_114] : memref<10240x128xf32, #tpu.memory_space<vmem_shared>> -> memref<640x128xf32, #tpu.memory_space<vmem_shared>>
      tpu.wait_dma2 semaphore(%run_scoped3A_111 : memref<!tpu.dma_semaphore, #tpu.memory_space<semaphore_mem>>) src(%arg6 : memref<640x128xf32, #tpu.memory_space<hbm>>) dst(%dma_wait3A_115 : memref<640x128xf32, #tpu.memory_space<vmem_shared>>)
      tpu.yield
    }) : () -> ()
    %barrier3A_67 = arith.constant 0 : index
    tpu.barrier barrier_id(%barrier3A_67)
    %add3A_68 = arith.constant 0 : i32
    %add3A_69 = arith.addi %add3A_64, %add3A_68 : i32
    %run_scoped3A_70 = arith.constant 0 : i32
    "tpu.region"() ({
      %run_scoped3A_111 = tpu.sem_alloc : memref<!tpu.dma_semaphore, #tpu.memory_space<semaphore_mem>>
      %dma_start3A_112 = arith.constant 0 : i32
      %dma_start3A_113 = tpu.memref_slice %arg8[%run_scoped3A_70, %dma_start3A_112] : memref<4x128xi32, #tpu.memory_space<vmem>> -> memref<1x128xi32, #tpu.memory_space<vmem>>
      %dma_start3A_114 = tpu.memref_squeeze %dma_start3A_113 : memref<1x128xi32, #tpu.memory_space<vmem>> -> memref<128xi32, #tpu.memory_space<vmem>>
      %dma_start3A_115 = tpu.memref_slice %arg4[%add3A_69] : memref<1327104xi32, #tpu.memory_space<hbm>> -> memref<128xi32, #tpu.memory_space<hbm>>
      %dma_start3A_116 = arith.constant 0 : i32
      %dma_start3A_117 = tpu.memref_slice %arg8[%run_scoped3A_70, %dma_start3A_116] : memref<4x128xi32, #tpu.memory_space<vmem>> -> memref<1x128xi32, #tpu.memory_space<vmem>>
      %dma_start3A_118 = tpu.memref_squeeze %dma_start3A_117 : memref<1x128xi32, #tpu.memory_space<vmem>> -> memref<128xi32, #tpu.memory_space<vmem>>
      %dma_start3A_119 = tpu.memref_slice %arg4[%add3A_69] : memref<1327104xi32, #tpu.memory_space<hbm>> -> memref<128xi32, #tpu.memory_space<hbm>>
      tpu.enqueue_dma source(%dma_start3A_119 : memref<128xi32, #tpu.memory_space<hbm>>) target(%dma_start3A_118 : memref<128xi32, #tpu.memory_space<vmem>>) target_semaphore(%run_scoped3A_111 : memref<!tpu.dma_semaphore, #tpu.memory_space<semaphore_mem>>)
      %dma_wait3A_120 = arith.constant 0 : i32
      %dma_wait3A_121 = tpu.memref_slice %arg8[%run_scoped3A_70, %dma_wait3A_120] : memref<4x128xi32, #tpu.memory_space<vmem>> -> memref<1x128xi32, #tpu.memory_space<vmem>>
      %dma_wait3A_122 = tpu.memref_squeeze %dma_wait3A_121 : memref<1x128xi32, #tpu.memory_space<vmem>> -> memref<128xi32, #tpu.memory_space<vmem>>
      %dma_wait3A_123 = tpu.memref_slice %arg4[%add3A_69] : memref<1327104xi32, #tpu.memory_space<hbm>> -> memref<128xi32, #tpu.memory_space<hbm>>
      %dma_wait3A_124 = arith.constant 0 : i32
      %dma_wait3A_125 = tpu.memref_slice %arg8[%run_scoped3A_70, %dma_wait3A_124] : memref<4x128xi32, #tpu.memory_space<vmem>> -> memref<1x128xi32, #tpu.memory_space<vmem>>
      %dma_wait3A_126 = tpu.memref_squeeze %dma_wait3A_125 : memref<1x128xi32, #tpu.memory_space<vmem>> -> memref<128xi32, #tpu.memory_space<vmem>>
      %dma_wait3A_127 = tpu.memref_slice %arg4[%add3A_69] : memref<1327104xi32, #tpu.memory_space<hbm>> -> memref<128xi32, #tpu.memory_space<hbm>>
      tpu.wait_dma2 semaphore(%run_scoped3A_111 : memref<!tpu.dma_semaphore, #tpu.memory_space<semaphore_mem>>) src(%dma_wait3A_127 : memref<128xi32, #tpu.memory_space<hbm>>) dst(%dma_wait3A_126 : memref<128xi32, #tpu.memory_space<vmem>>)
      tpu.yield
    }) : () -> ()
    %add3A_71 = arith.constant 0 : i32
    %add3A_72 = arith.addi %mul3A_61, %add3A_71 : i32
    %run_scoped3A_73 = arith.constant 0 : i32
    "tpu.region"() ({
      %run_scoped3A_111 = tpu.sem_alloc : memref<!tpu.dma_semaphore, #tpu.memory_space<semaphore_mem>>
      %dma_start3A_112 = arith.constant 0 : i32
      %dma_start3A_113 = tpu.memref_slice %arg9[%run_scoped3A_73, %dma_start3A_112] : memref<4x128xi32, #tpu.memory_space<vmem>> -> memref<1x128xi32, #tpu.memory_space<vmem>>
      %dma_start3A_114 = tpu.memref_squeeze %dma_start3A_113 : memref<1x128xi32, #tpu.memory_space<vmem>> -> memref<128xi32, #tpu.memory_space<vmem>>
      %dma_start3A_115 = tpu.memref_slice %arg5[%add3A_72] : memref<331776xi32, #tpu.memory_space<hbm>> -> memref<128xi32, #tpu.memory_space<hbm>>
      %dma_start3A_116 = arith.constant 0 : i32
      %dma_start3A_117 = tpu.memref_slice %arg9[%run_scoped3A_73, %dma_start3A_116] : memref<4x128xi32, #tpu.memory_space<vmem>> -> memref<1x128xi32, #tpu.memory_space<vmem>>
      %dma_start3A_118 = tpu.memref_squeeze %dma_start3A_117 : memref<1x128xi32, #tpu.memory_space<vmem>> -> memref<128xi32, #tpu.memory_space<vmem>>
      %dma_start3A_119 = tpu.memref_slice %arg5[%add3A_72] : memref<331776xi32, #tpu.memory_space<hbm>> -> memref<128xi32, #tpu.memory_space<hbm>>
      tpu.enqueue_dma source(%dma_start3A_119 : memref<128xi32, #tpu.memory_space<hbm>>) target(%dma_start3A_118 : memref<128xi32, #tpu.memory_space<vmem>>) target_semaphore(%run_scoped3A_111 : memref<!tpu.dma_semaphore, #tpu.memory_space<semaphore_mem>>)
      %dma_wait3A_120 = arith.constant 0 : i32
      %dma_wait3A_121 = tpu.memref_slice %arg9[%run_scoped3A_73, %dma_wait3A_120] : memref<4x128xi32, #tpu.memory_space<vmem>> -> memref<1x128xi32, #tpu.memory_space<vmem>>
      %dma_wait3A_122 = tpu.memref_squeeze %dma_wait3A_121 : memref<1x128xi32, #tpu.memory_space<vmem>> -> memref<128xi32, #tpu.memory_space<vmem>>
      %dma_wait3A_123 = tpu.memref_slice %arg5[%add3A_72] : memref<331776xi32, #tpu.memory_space<hbm>> -> memref<128xi32, #tpu.memory_space<hbm>>
      %dma_wait3A_124 = arith.constant 0 : i32
      %dma_wait3A_125 = tpu.memref_slice %arg9[%run_scoped3A_73, %dma_wait3A_124] : memref<4x128xi32, #tpu.memory_space<vmem>> -> memref<1x128xi32, #tpu.memory_space<vmem>>
      %dma_wait3A_126 = tpu.memref_squeeze %dma_wait3A_125 : memref<1x128xi32, #tpu.memory_space<vmem>> -> memref<128xi32, #tpu.memory_space<vmem>>
      %dma_wait3A_127 = tpu.memref_slice %arg5[%add3A_72] : memref<331776xi32, #tpu.memory_space<hbm>> -> memref<128xi32, #tpu.memory_space<hbm>>
      tpu.wait_dma2 semaphore(%run_scoped3A_111 : memref<!tpu.dma_semaphore, #tpu.memory_space<semaphore_mem>>) src(%dma_wait3A_127 : memref<128xi32, #tpu.memory_space<hbm>>) dst(%dma_wait3A_126 : memref<128xi32, #tpu.memory_space<vmem>>)
      tpu.yield
    }) : () -> ()
    %add3A_74 = arith.constant 128 : i32
    %add3A_75 = arith.addi %add3A_64, %add3A_74 : i32
    %run_scoped3A_76 = arith.constant 1 : i32
    "tpu.region"() ({
      %run_scoped3A_111 = tpu.sem_alloc : memref<!tpu.dma_semaphore, #tpu.memory_space<semaphore_mem>>
      %dma_start3A_112 = arith.constant 0 : i32
      %dma_start3A_113 = tpu.memref_slice %arg8[%run_scoped3A_76, %dma_start3A_112] : memref<4x128xi32, #tpu.memory_space<vmem>> -> memref<1x128xi32, #tpu.memory_space<vmem>>
      %dma_start3A_114 = tpu.memref_squeeze %dma_start3A_113 : memref<1x128xi32, #tpu.memory_space<vmem>> -> memref<128xi32, #tpu.memory_space<vmem>>
      %dma_start3A_115 = tpu.memref_slice %arg4[%add3A_75] : memref<1327104xi32, #tpu.memory_space<hbm>> -> memref<128xi32, #tpu.memory_space<hbm>>
      %dma_start3A_116 = arith.constant 0 : i32
      %dma_start3A_117 = tpu.memref_slice %arg8[%run_scoped3A_76, %dma_start3A_116] : memref<4x128xi32, #tpu.memory_space<vmem>> -> memref<1x128xi32, #tpu.memory_space<vmem>>
      %dma_start3A_118 = tpu.memref_squeeze %dma_start3A_117 : memref<1x128xi32, #tpu.memory_space<vmem>> -> memref<128xi32, #tpu.memory_space<vmem>>
      %dma_start3A_119 = tpu.memref_slice %arg4[%add3A_75] : memref<1327104xi32, #tpu.memory_space<hbm>> -> memref<128xi32, #tpu.memory_space<hbm>>
      tpu.enqueue_dma source(%dma_start3A_119 : memref<128xi32, #tpu.memory_space<hbm>>) target(%dma_start3A_118 : memref<128xi32, #tpu.memory_space<vmem>>) target_semaphore(%run_scoped3A_111 : memref<!tpu.dma_semaphore, #tpu.memory_space<semaphore_mem>>)
      %dma_wait3A_120 = arith.constant 0 : i32
      %dma_wait3A_121 = tpu.memref_slice %arg8[%run_scoped3A_76, %dma_wait3A_120] : memref<4x128xi32, #tpu.memory_space<vmem>> -> memref<1x128xi32, #tpu.memory_space<vmem>>
      %dma_wait3A_122 = tpu.memref_squeeze %dma_wait3A_121 : memref<1x128xi32, #tpu.memory_space<vmem>> -> memref<128xi32, #tpu.memory_space<vmem>>
      %dma_wait3A_123 = tpu.memref_slice %arg4[%add3A_75] : memref<1327104xi32, #tpu.memory_space<hbm>> -> memref<128xi32, #tpu.memory_space<hbm>>
      %dma_wait3A_124 = arith.constant 0 : i32
      %dma_wait3A_125 = tpu.memref_slice %arg8[%run_scoped3A_76, %dma_wait3A_124] : memref<4x128xi32, #tpu.memory_space<vmem>> -> memref<1x128xi32, #tpu.memory_space<vmem>>
      %dma_wait3A_126 = tpu.memref_squeeze %dma_wait3A_125 : memref<1x128xi32, #tpu.memory_space<vmem>> -> memref<128xi32, #tpu.memory_space<vmem>>
      %dma_wait3A_127 = tpu.memref_slice %arg4[%add3A_75] : memref<1327104xi32, #tpu.memory_space<hbm>> -> memref<128xi32, #tpu.memory_space<hbm>>
      tpu.wait_dma2 semaphore(%run_scoped3A_111 : memref<!tpu.dma_semaphore, #tpu.memory_space<semaphore_mem>>) src(%dma_wait3A_127 : memref<128xi32, #tpu.memory_space<hbm>>) dst(%dma_wait3A_126 : memref<128xi32, #tpu.memory_space<vmem>>)
      tpu.yield
    }) : () -> ()
    %add3A_77 = arith.constant 128 : i32
    %add3A_78 = arith.addi %mul3A_61, %add3A_77 : i32
    %run_scoped3A_79 = arith.constant 1 : i32
    "tpu.region"() ({
      %run_scoped3A_111 = tpu.sem_alloc : memref<!tpu.dma_semaphore, #tpu.memory_space<semaphore_mem>>
      %dma_start3A_112 = arith.constant 0 : i32
      %dma_start3A_113 = tpu.memref_slice %arg9[%run_scoped3A_79, %dma_start3A_112] : memref<4x128xi32, #tpu.memory_space<vmem>> -> memref<1x128xi32, #tpu.memory_space<vmem>>
      %dma_start3A_114 = tpu.memref_squeeze %dma_start3A_113 : memref<1x128xi32, #tpu.memory_space<vmem>> -> memref<128xi32, #tpu.memory_space<vmem>>
      %dma_start3A_115 = tpu.memref_slice %arg5[%add3A_78] : memref<331776xi32, #tpu.memory_space<hbm>> -> memref<128xi32, #tpu.memory_space<hbm>>
      %dma_start3A_116 = arith.constant 0 : i32
      %dma_start3A_117 = tpu.memref_slice %arg9[%run_scoped3A_79, %dma_start3A_116] : memref<4x128xi32, #tpu.memory_space<vmem>> -> memref<1x128xi32, #tpu.memory_space<vmem>>
      %dma_start3A_118 = tpu.memref_squeeze %dma_start3A_117 : memref<1x128xi32, #tpu.memory_space<vmem>> -> memref<128xi32, #tpu.memory_space<vmem>>
      %dma_start3A_119 = tpu.memref_slice %arg5[%add3A_78] : memref<331776xi32, #tpu.memory_space<hbm>> -> memref<128xi32, #tpu.memory_space<hbm>>
      tpu.enqueue_dma source(%dma_start3A_119 : memref<128xi32, #tpu.memory_space<hbm>>) target(%dma_start3A_118 : memref<128xi32, #tpu.memory_space<vmem>>) target_semaphore(%run_scoped3A_111 : memref<!tpu.dma_semaphore, #tpu.memory_space<semaphore_mem>>)
      %dma_wait3A_120 = arith.constant 0 : i32
      %dma_wait3A_121 = tpu.memref_slice %arg9[%run_scoped3A_79, %dma_wait3A_120] : memref<4x128xi32, #tpu.memory_space<vmem>> -> memref<1x128xi32, #tpu.memory_space<vmem>>
      %dma_wait3A_122 = tpu.memref_squeeze %dma_wait3A_121 : memref<1x128xi32, #tpu.memory_space<vmem>> -> memref<128xi32, #tpu.memory_space<vmem>>
      %dma_wait3A_123 = tpu.memref_slice %arg5[%add3A_78] : memref<331776xi32, #tpu.memory_space<hbm>> -> memref<128xi32, #tpu.memory_space<hbm>>
      %dma_wait3A_124 = arith.constant 0 : i32
      %dma_wait3A_125 = tpu.memref_slice %arg9[%run_scoped3A_79, %dma_wait3A_124] : memref<4x128xi32, #tpu.memory_space<vmem>> -> memref<1x128xi32, #tpu.memory_space<vmem>>
      %dma_wait3A_126 = tpu.memref_squeeze %dma_wait3A_125 : memref<1x128xi32, #tpu.memory_space<vmem>> -> memref<128xi32, #tpu.memory_space<vmem>>
      %dma_wait3A_127 = tpu.memref_slice %arg5[%add3A_78] : memref<331776xi32, #tpu.memory_space<hbm>> -> memref<128xi32, #tpu.memory_space<hbm>>
      tpu.wait_dma2 semaphore(%run_scoped3A_111 : memref<!tpu.dma_semaphore, #tpu.memory_space<semaphore_mem>>) src(%dma_wait3A_127 : memref<128xi32, #tpu.memory_space<hbm>>) dst(%dma_wait3A_126 : memref<128xi32, #tpu.memory_space<vmem>>)
      tpu.yield
    }) : () -> ()
    %dma_start3A_80 = arith.constant 0 : i32
    %dma_start3A_81 = arith.constant 0 : i32
    %dma_start3A_82 = tpu.memref_slice %arg8[%dma_start3A_80, %dma_start3A_81] : memref<4x128xi32, #tpu.memory_space<vmem>> -> memref<1x128xi32, #tpu.memory_space<vmem>>
    %dma_start3A_83 = tpu.memref_squeeze %dma_start3A_82 : memref<1x128xi32, #tpu.memory_space<vmem>> -> memref<128xi32, #tpu.memory_space<vmem>>
    %dma_start3A_84 = arith.constant 0 : i32
    %dma_start3A_85 = arith.constant 0 : i32
    %dma_start3A_86 = tpu.memref_slice %arg2[%dma_start3A_84, %dma_start3A_85] : memref<40960x128xf32, #tpu.memory_space<hbm>> -> memref<40960x128xf32, #tpu.memory_space<hbm>>
    tpu.enqueue_indirect_dma source(%dma_start3A_86 : memref<40960x128xf32, #tpu.memory_space<hbm>>) target(%arg10 : memref<128x128xf32, #tpu.memory_space<vmem>>) offsets(%dma_start3A_83 : memref<128xi32, #tpu.memory_space<vmem>>) semaphore(%arg15 : memref<!tpu.dma_semaphore, #tpu.memory_space<semaphore_mem>>)
    %dma_start3A_87 = arith.constant 0 : i32
    %dma_start3A_88 = tpu.memref_slice %arg3[%mul3A_61, %dma_start3A_87] : memref<331776x16xf32, #tpu.memory_space<hbm>> -> memref<128x16xf32, #tpu.memory_space<hbm>>
    %dma_start3A_89 = arith.constant 0 : i32
    %dma_start3A_90 = tpu.memref_slice %arg3[%mul3A_61, %dma_start3A_89] : memref<331776x16xf32, #tpu.memory_space<hbm>> -> memref<128x16xf32, #tpu.memory_space<hbm>>
    tpu.enqueue_dma source(%dma_start3A_90 : memref<128x16xf32, #tpu.memory_space<hbm>>) target(%arg12 : memref<128x16xf32, #tpu.memory_space<vmem>>) target_semaphore(%arg17 : memref<!tpu.dma_semaphore, #tpu.memory_space<semaphore_mem>>)
    %scan3A_91 = arith.constant 0 : i32
    %scan3A_92 = arith.constant 0 : i32
    %scan3A_93 = arith.constant 81 : i32
    %scan3A_94 = arith.addi %scan3A_92, %scan3A_93 : i32
    %scan3A_95 = arith.constant 1 : i32
    %scan3A_96 = scf.for %scan3A_111 = %scan3A_92 to %scan3A_94 step %scan3A_95 iter_args(%scan3A_112 = %scan3A_91) -> (i32)  : i32 {
      %mul3A_113 = arith.constant 2 : i32
      %mul3A_114 = arith.muli %mul3A_113, %scan3A_111 : i32
      %add3A_115 = arith.constant 0 : i32
      %add3A_116 = arith.addi %mul3A_114, %add3A_115 : i32
      %ge3A = arith.constant 1 : i32
      %ge3A_117 = arith.cmpi sge, %add3A_116, %ge3A : i32
      %convert_element_type3A = arith.extui %ge3A_117 : i1 to i32
      %cond3A = arith.constant 0 : i32
      %cond3A_118 = arith.cmpi ne, %convert_element_type3A, %cond3A : i32
      scf.if %cond3A_118 {
        %dma_wait3A_202 = arith.constant 0 : i32
        %dma_wait3A_203 = arith.constant 0 : i32
        %dma_wait3A_204 = tpu.memref_slice %arg9[%dma_wait3A_202, %dma_wait3A_203] : memref<4x128xi32, #tpu.memory_space<vmem>> -> memref<1x128xi32, #tpu.memory_space<vmem>>
        %dma_wait3A_205 = tpu.memref_squeeze %dma_wait3A_204 : memref<1x128xi32, #tpu.memory_space<vmem>> -> memref<128xi32, #tpu.memory_space<vmem>>
        %dma_wait3A_206 = arith.constant 0 : i32
        %dma_wait3A_207 = arith.constant 0 : i32
        %dma_wait3A_208 = tpu.memref_slice %arg14[%dma_wait3A_206, %dma_wait3A_207] : memref<10240x128xf32, #tpu.memory_space<vmem_shared>> -> memref<10240x128xf32, #tpu.memory_space<vmem_shared>>
        tpu.wait_indirect_dma semaphore(%arg20 : memref<!tpu.dma_semaphore, #tpu.memory_space<semaphore_mem>>) src(%arg11 : memref<128x128xf32, #tpu.memory_space<vmem>>) dst(%dma_wait3A_208 : memref<10240x128xf32, #tpu.memory_space<vmem_shared>>)
      } else {
      }
      %add3A_119 = arith.constant 2 : i32
      %add3A_120 = arith.addi %add3A_116, %add3A_119 : i32
      %lt3A = arith.constant 162 : i32
      %lt3A_121 = arith.cmpi slt, %add3A_120, %lt3A : i32
      %convert_element_type3A_122 = arith.extui %lt3A_121 : i1 to i32
      %cond3A_123 = arith.constant 0 : i32
      %cond3A_124 = arith.cmpi ne, %convert_element_type3A_122, %cond3A_123 : i32
      scf.if %cond3A_124 {
        %add3A_202 = arith.constant 2 : i32
        %add3A_203 = arith.addi %add3A_116, %add3A_202 : i32
        %mul3A_204 = arith.constant 128 : i32
        %mul3A_205 = arith.muli %add3A_203, %mul3A_204 : i32
        %add3A_206 = arith.addi %add3A_64, %mul3A_205 : i32
        %add3A_207 = arith.constant 2 : i32
        %add3A_208 = arith.addi %add3A_116, %add3A_207 : i32
        %and3A_209 = arith.constant 3 : i32
        %and3A_210 = arith.andi %add3A_208, %and3A_209 : i32
        %dma_start3A_211 = arith.constant 0 : i32
        %dma_start3A_212 = tpu.memref_slice %arg8[%and3A_210, %dma_start3A_211] : memref<4x128xi32, #tpu.memory_space<vmem>> -> memref<1x128xi32, #tpu.memory_space<vmem>>
        %dma_start3A_213 = tpu.memref_squeeze %dma_start3A_212 : memref<1x128xi32, #tpu.memory_space<vmem>> -> memref<128xi32, #tpu.memory_space<vmem>>
        %dma_start3A_214 = tpu.memref_slice %arg4[%add3A_206] : memref<1327104xi32, #tpu.memory_space<hbm>> -> memref<128xi32, #tpu.memory_space<hbm>>
        %dma_start3A_215 = arith.constant 0 : i32
        %dma_start3A_216 = tpu.memref_slice %arg8[%and3A_210, %dma_start3A_215] : memref<4x128xi32, #tpu.memory_space<vmem>> -> memref<1x128xi32, #tpu.memory_space<vmem>>
        %dma_start3A_217 = tpu.memref_squeeze %dma_start3A_216 : memref<1x128xi32, #tpu.memory_space<vmem>> -> memref<128xi32, #tpu.memory_space<vmem>>
        %dma_start3A_218 = tpu.memref_slice %arg4[%add3A_206] : memref<1327104xi32, #tpu.memory_space<hbm>> -> memref<128xi32, #tpu.memory_space<hbm>>
        tpu.enqueue_dma source(%dma_start3A_218 : memref<128xi32, #tpu.memory_space<hbm>>) target(%dma_start3A_217 : memref<128xi32, #tpu.memory_space<vmem>>) target_semaphore(%arg21 : memref<!tpu.dma_semaphore, #tpu.memory_space<semaphore_mem>>)
        %add3A_219 = arith.constant 2 : i32
        %add3A_220 = arith.addi %add3A_116, %add3A_219 : i32
        %mul3A_221 = arith.constant 128 : i32
        %mul3A_222 = arith.muli %add3A_220, %mul3A_221 : i32
        %add3A_223 = arith.addi %mul3A_61, %mul3A_222 : i32
        %add3A_224 = arith.constant 2 : i32
        %add3A_225 = arith.addi %add3A_116, %add3A_224 : i32
        %and3A_226 = arith.constant 3 : i32
        %and3A_227 = arith.andi %add3A_225, %and3A_226 : i32
        %dma_start3A_228 = arith.constant 0 : i32
        %dma_start3A_229 = tpu.memref_slice %arg9[%and3A_227, %dma_start3A_228] : memref<4x128xi32, #tpu.memory_space<vmem>> -> memref<1x128xi32, #tpu.memory_space<vmem>>
        %dma_start3A_230 = tpu.memref_squeeze %dma_start3A_229 : memref<1x128xi32, #tpu.memory_space<vmem>> -> memref<128xi32, #tpu.memory_space<vmem>>
        %dma_start3A_231 = tpu.memref_slice %arg5[%add3A_223] : memref<331776xi32, #tpu.memory_space<hbm>> -> memref<128xi32, #tpu.memory_space<hbm>>
        %dma_start3A_232 = arith.constant 0 : i32
        %dma_start3A_233 = tpu.memref_slice %arg9[%and3A_227, %dma_start3A_232] : memref<4x128xi32, #tpu.memory_space<vmem>> -> memref<1x128xi32, #tpu.memory_space<vmem>>
        %dma_start3A_234 = tpu.memref_squeeze %dma_start3A_233 : memref<1x128xi32, #tpu.memory_space<vmem>> -> memref<128xi32, #tpu.memory_space<vmem>>
        %dma_start3A_235 = tpu.memref_slice %arg5[%add3A_223] : memref<331776xi32, #tpu.memory_space<hbm>> -> memref<128xi32, #tpu.memory_space<hbm>>
        tpu.enqueue_dma source(%dma_start3A_235 : memref<128xi32, #tpu.memory_space<hbm>>) target(%dma_start3A_234 : memref<128xi32, #tpu.memory_space<vmem>>) target_semaphore(%arg23 : memref<!tpu.dma_semaphore, #tpu.memory_space<semaphore_mem>>)
      } else {
      }
      %add3A_125 = arith.constant 1 : i32
      %add3A_126 = arith.addi %add3A_116, %add3A_125 : i32
      %lt3A_127 = arith.constant 162 : i32
      %lt3A_128 = arith.cmpi slt, %add3A_126, %lt3A_127 : i32
      %convert_element_type3A_129 = arith.extui %lt3A_128 : i1 to i32
      %cond3A_130 = arith.constant 0 : i32
      %cond3A_131 = arith.cmpi ne, %convert_element_type3A_129, %cond3A_130 : i32
      scf.if %cond3A_131 {
        %add3A_202 = arith.constant 1 : i32
        %add3A_203 = arith.addi %add3A_116, %add3A_202 : i32
        %ge3A_204 = arith.constant 2 : i32
        %ge3A_205 = arith.cmpi sge, %add3A_203, %ge3A_204 : i32
        %convert_element_type3A_206 = arith.extui %ge3A_205 : i1 to i32
        %cond3A_207 = arith.constant 0 : i32
        %cond3A_208 = arith.cmpi ne, %convert_element_type3A_206, %cond3A_207 : i32
        scf.if %cond3A_208 {
          %dma_wait3A_228 = arith.constant 0 : i32
          %dma_wait3A_229 = arith.constant 0 : i32
          %dma_wait3A_230 = tpu.memref_slice %arg8[%dma_wait3A_228, %dma_wait3A_229] : memref<4x128xi32, #tpu.memory_space<vmem>> -> memref<1x128xi32, #tpu.memory_space<vmem>>
          %dma_wait3A_231 = tpu.memref_squeeze %dma_wait3A_230 : memref<1x128xi32, #tpu.memory_space<vmem>> -> memref<128xi32, #tpu.memory_space<vmem>>
          %dma_wait3A_232 = tpu.memref_slice %arg4[%add3A_64] : memref<1327104xi32, #tpu.memory_space<hbm>> -> memref<128xi32, #tpu.memory_space<hbm>>
          %dma_wait3A_233 = arith.constant 0 : i32
          %dma_wait3A_234 = tpu.memref_slice %arg8[%dma_wait3A_228, %dma_wait3A_233] : memref<4x128xi32, #tpu.memory_space<vmem>> -> memref<1x128xi32, #tpu.memory_space<vmem>>
          %dma_wait3A_235 = tpu.memref_squeeze %dma_wait3A_234 : memref<1x128xi32, #tpu.memory_space<vmem>> -> memref<128xi32, #tpu.memory_space<vmem>>
          %dma_wait3A_236 = tpu.memref_slice %arg4[%add3A_64] : memref<1327104xi32, #tpu.memory_space<hbm>> -> memref<128xi32, #tpu.memory_space<hbm>>
          tpu.wait_dma2 semaphore(%arg22 : memref<!tpu.dma_semaphore, #tpu.memory_space<semaphore_mem>>) src(%dma_wait3A_236 : memref<128xi32, #tpu.memory_space<hbm>>) dst(%dma_wait3A_235 : memref<128xi32, #tpu.memory_space<vmem>>)
          %dma_wait3A_237 = arith.constant 0 : i32
          %dma_wait3A_238 = arith.constant 0 : i32
          %dma_wait3A_239 = tpu.memref_slice %arg9[%dma_wait3A_237, %dma_wait3A_238] : memref<4x128xi32, #tpu.memory_space<vmem>> -> memref<1x128xi32, #tpu.memory_space<vmem>>
          %dma_wait3A_240 = tpu.memref_squeeze %dma_wait3A_239 : memref<1x128xi32, #tpu.memory_space<vmem>> -> memref<128xi32, #tpu.memory_space<vmem>>
          %dma_wait3A_241 = tpu.memref_slice %arg5[%mul3A_61] : memref<331776xi32, #tpu.memory_space<hbm>> -> memref<128xi32, #tpu.memory_space<hbm>>
          %dma_wait3A_242 = arith.constant 0 : i32
          %dma_wait3A_243 = tpu.memref_slice %arg9[%dma_wait3A_237, %dma_wait3A_242] : memref<4x128xi32, #tpu.memory_space<vmem>> -> memref<1x128xi32, #tpu.memory_space<vmem>>
          %dma_wait3A_244 = tpu.memref_squeeze %dma_wait3A_243 : memref<1x128xi32, #tpu.memory_space<vmem>> -> memref<128xi32, #tpu.memory_space<vmem>>
          %dma_wait3A_245 = tpu.memref_slice %arg5[%mul3A_61] : memref<331776xi32, #tpu.memory_space<hbm>> -> memref<128xi32, #tpu.memory_space<hbm>>
          tpu.wait_dma2 semaphore(%arg24 : memref<!tpu.dma_semaphore, #tpu.memory_space<semaphore_mem>>) src(%dma_wait3A_245 : memref<128xi32, #tpu.memory_space<hbm>>) dst(%dma_wait3A_244 : memref<128xi32, #tpu.memory_space<vmem>>)
        } else {
        }
        %add3A_209 = arith.constant 1 : i32
        %add3A_210 = arith.addi %add3A_116, %add3A_209 : i32
        %and3A_211 = arith.constant 3 : i32
        %and3A_212 = arith.andi %add3A_210, %and3A_211 : i32
        %dma_start3A_213 = arith.constant 0 : i32
        %dma_start3A_214 = tpu.memref_slice %arg8[%and3A_212, %dma_start3A_213] : memref<4x128xi32, #tpu.memory_space<vmem>> -> memref<1x128xi32, #tpu.memory_space<vmem>>
        %dma_start3A_215 = tpu.memref_squeeze %dma_start3A_214 : memref<1x128xi32, #tpu.memory_space<vmem>> -> memref<128xi32, #tpu.memory_space<vmem>>
        %dma_start3A_216 = arith.constant 0 : i32
        %dma_start3A_217 = arith.constant 0 : i32
        %dma_start3A_218 = tpu.memref_slice %arg2[%dma_start3A_216, %dma_start3A_217] : memref<40960x128xf32, #tpu.memory_space<hbm>> -> memref<40960x128xf32, #tpu.memory_space<hbm>>
        tpu.enqueue_indirect_dma source(%dma_start3A_218 : memref<40960x128xf32, #tpu.memory_space<hbm>>) target(%arg11 : memref<128x128xf32, #tpu.memory_space<vmem>>) offsets(%dma_start3A_215 : memref<128xi32, #tpu.memory_space<vmem>>) semaphore(%arg16 : memref<!tpu.dma_semaphore, #tpu.memory_space<semaphore_mem>>)
        %add3A_219 = arith.constant 1 : i32
        %add3A_220 = arith.addi %add3A_116, %add3A_219 : i32
        %mul3A_221 = arith.constant 128 : i32
        %mul3A_222 = arith.muli %add3A_220, %mul3A_221 : i32
        %add3A_223 = arith.addi %mul3A_61, %mul3A_222 : i32
        %dma_start3A_224 = arith.constant 0 : i32
        %dma_start3A_225 = tpu.memref_slice %arg3[%add3A_223, %dma_start3A_224] : memref<331776x16xf32, #tpu.memory_space<hbm>> -> memref<128x16xf32, #tpu.memory_space<hbm>>
        %dma_start3A_226 = arith.constant 0 : i32
        %dma_start3A_227 = tpu.memref_slice %arg3[%add3A_223, %dma_start3A_226] : memref<331776x16xf32, #tpu.memory_space<hbm>> -> memref<128x16xf32, #tpu.memory_space<hbm>>
        tpu.enqueue_dma source(%dma_start3A_227 : memref<128x16xf32, #tpu.memory_space<hbm>>) target(%arg13 : memref<128x16xf32, #tpu.memory_space<vmem>>) target_semaphore(%arg18 : memref<!tpu.dma_semaphore, #tpu.memory_space<semaphore_mem>>)
      } else {
      }
      %dma_wait3A_132 = arith.constant 0 : i32
      %dma_wait3A_133 = arith.constant 0 : i32
      %dma_wait3A_134 = tpu.memref_slice %arg8[%dma_wait3A_132, %dma_wait3A_133] : memref<4x128xi32, #tpu.memory_space<vmem>> -> memref<1x128xi32, #tpu.memory_space<vmem>>
      %dma_wait3A_135 = tpu.memref_squeeze %dma_wait3A_134 : memref<1x128xi32, #tpu.memory_space<vmem>> -> memref<128xi32, #tpu.memory_space<vmem>>
      %dma_wait3A_136 = arith.constant 0 : i32
      %dma_wait3A_137 = arith.constant 0 : i32
      %dma_wait3A_138 = tpu.memref_slice %arg2[%dma_wait3A_136, %dma_wait3A_137] : memref<40960x128xf32, #tpu.memory_space<hbm>> -> memref<40960x128xf32, #tpu.memory_space<hbm>>
      tpu.wait_indirect_dma semaphore(%arg15 : memref<!tpu.dma_semaphore, #tpu.memory_space<semaphore_mem>>) src(%dma_wait3A_138 : memref<40960x128xf32, #tpu.memory_space<hbm>>) dst(%arg10 : memref<128x128xf32, #tpu.memory_space<vmem>>)
      %dma_wait3A_139 = arith.constant 0 : i32
      %dma_wait3A_140 = arith.constant 0 : i32
      %dma_wait3A_141 = tpu.memref_slice %arg3[%dma_wait3A_139, %dma_wait3A_140] : memref<331776x16xf32, #tpu.memory_space<hbm>> -> memref<128x16xf32, #tpu.memory_space<hbm>>
      %dma_wait3A_142 = arith.constant 0 : i32
      %dma_wait3A_143 = arith.constant 0 : i32
      %dma_wait3A_144 = tpu.memref_slice %arg3[%dma_wait3A_142, %dma_wait3A_143] : memref<331776x16xf32, #tpu.memory_space<hbm>> -> memref<128x16xf32, #tpu.memory_space<hbm>>
      tpu.wait_dma2 semaphore(%arg17 : memref<!tpu.dma_semaphore, #tpu.memory_space<semaphore_mem>>) src(%dma_wait3A_144 : memref<128x16xf32, #tpu.memory_space<hbm>>) dst(%arg12 : memref<128x16xf32, #tpu.memory_space<vmem>>)
      %parallel_loop3A = arith.constant 0 : i32
      %parallel_loop3A_145 = arith.constant 128 : i32
      %parallel_loop3A_146 = arith.constant 1 : i32
      scf.for %parallel_loop3A_202 = %parallel_loop3A to %parallel_loop3A_145 step %parallel_loop3A_146  : i32 {
        %parallel_loop3A_203 = arith.index_cast %parallel_loop3A_202 : i32 to index
        %parallel_loop3A_204 = arith.constant 0 : index
        %parallel_loop3A_205 = tpu.vector_load %arg12[%parallel_loop3A_203, %parallel_loop3A_204] {strides = array<i32>} : memref<128x16xf32, #tpu.memory_space<vmem>>, vector<1x16xf32>,
        %parallel_loop3A_206 = vector.shape_cast %parallel_loop3A_205 : vector<1x16xf32> to vector<16xf32>
        %parallel_loop3A_207 = vector.broadcast %mul3A_59 : i32 to vector<16xi32>
        %parallel_loop3A_208 = arith.constant 0 : i32
        %parallel_loop3A_209 = vector.broadcast %parallel_loop3A_208 : i32 to vector<16xi32>
        %parallel_loop3A_210 = arith.cmpi slt, %parallel_loop3A_207, %parallel_loop3A_209 : vector<16xi32>
        %parallel_loop3A_211 = arith.constant 16 : i32
        %parallel_loop3A_212 = vector.broadcast %parallel_loop3A_211 : i32 to vector<16xi32>
        %parallel_loop3A_213 = arith.addi %parallel_loop3A_207, %parallel_loop3A_212 : vector<16xi32>
        %parallel_loop3A_214 = arith.select %parallel_loop3A_210, %parallel_loop3A_213, %parallel_loop3A_207 : vector<16xi1>, vector<16xi32>
        %parallel_loop3A_215 = vector.shape_cast %parallel_loop3A_214 : vector<16xi32> to vector<16x1xi32>
        %parallel_loop3A_216 = vector.shape_cast %parallel_loop3A_215 : vector<16x1xi32> to vector<16xi32>
        %parallel_loop3A_217 = tpu.dynamic_gather %parallel_loop3A_206[%parallel_loop3A_216] in [0] : vector<16xf32>, vector<16xi32> -> vector<16xf32>
        %parallel_loop3A_218 = arith.constant 1 : i32
        %parallel_loop3A_219 = arith.addi %mul3A_59, %parallel_loop3A_218 : i32
        %parallel_loop3A_220 = vector.broadcast %parallel_loop3A_219 : i32 to vector<16xi32>
        %parallel_loop3A_221 = arith.constant 0 : i32
        %parallel_loop3A_222 = vector.broadcast %parallel_loop3A_221 : i32 to vector<16xi32>
        %parallel_loop3A_223 = arith.cmpi slt, %parallel_loop3A_220, %parallel_loop3A_222 : vector<16xi32>
        %parallel_loop3A_224 = arith.constant 16 : i32
        %parallel_loop3A_225 = vector.broadcast %parallel_loop3A_224 : i32 to vector<16xi32>
        %parallel_loop3A_226 = arith.addi %parallel_loop3A_220, %parallel_loop3A_225 : vector<16xi32>
        %parallel_loop3A_227 = arith.select %parallel_loop3A_223, %parallel_loop3A_226, %parallel_loop3A_220 : vector<16xi1>, vector<16xi32>
        %parallel_loop3A_228 = vector.shape_cast %parallel_loop3A_227 : vector<16xi32> to vector<16x1xi32>
        %parallel_loop3A_229 = vector.shape_cast %parallel_loop3A_228 : vector<16x1xi32> to vector<16xi32>
        %parallel_loop3A_230 = tpu.dynamic_gather %parallel_loop3A_206[%parallel_loop3A_229] in [0] : vector<16xf32>, vector<16xi32> -> vector<16xf32>
        %parallel_loop3A_231 = arith.index_cast %parallel_loop3A_202 : i32 to index
        %parallel_loop3A_232 = arith.constant 0 : index
        %parallel_loop3A_233 = tpu.vector_load %arg10[%parallel_loop3A_231, %parallel_loop3A_232] {strides = array<i32>} : memref<128x128xf32, #tpu.memory_space<vmem>>, vector<1x16xf32>,
        %parallel_loop3A_234 = vector.shape_cast %parallel_loop3A_233 : vector<1x16xf32> to vector<16xf32>
        %parallel_loop3A_235 = arith.mulf %parallel_loop3A_234, %parallel_loop3A_217 : vector<16xf32>
        %parallel_loop3A_236 = arith.index_cast %parallel_loop3A_202 : i32 to index
        %parallel_loop3A_237 = arith.constant 0 : index
        %parallel_loop3A_238 = tpu.vector_load %arg10[%parallel_loop3A_236, %parallel_loop3A_237] {strides = array<i32>} : memref<128x128xf32, #tpu.memory_space<vmem>>, vector<1x16xf32>,
        %parallel_loop3A_239 = vector.shape_cast %parallel_loop3A_238 : vector<1x16xf32> to vector<16xf32>
        %parallel_loop3A_240 = vector.shape_cast %parallel_loop3A_235 : vector<16xf32> to vector<1x16xf32>
        tpu.vector_store %arg10[%parallel_loop3A_236, %parallel_loop3A_237], %parallel_loop3A_240 {strides = array<i32>} : memref<128x128xf32, #tpu.memory_space<vmem>>, vector<1x16xf32>,
        %parallel_loop3A_241 = arith.index_cast %parallel_loop3A_202 : i32 to index
        %parallel_loop3A_242 = arith.constant 16 : index
        %parallel_loop3A_243 = tpu.vector_load %arg10[%parallel_loop3A_241, %parallel_loop3A_242] {strides = array<i32>} : memref<128x128xf32, #tpu.memory_space<vmem>>, vector<1x16xf32>,
        %parallel_loop3A_244 = vector.shape_cast %parallel_loop3A_243 : vector<1x16xf32> to vector<16xf32>
        %parallel_loop3A_245 = arith.mulf %parallel_loop3A_244, %parallel_loop3A_217 : vector<16xf32>
        %parallel_loop3A_246 = arith.index_cast %parallel_loop3A_202 : i32 to index
        %parallel_loop3A_247 = arith.constant 16 : index
        %parallel_loop3A_248 = tpu.vector_load %arg10[%parallel_loop3A_246, %parallel_loop3A_247] {strides = array<i32>} : memref<128x128xf32, #tpu.memory_space<vmem>>, vector<1x16xf32>,
        %parallel_loop3A_249 = vector.shape_cast %parallel_loop3A_248 : vector<1x16xf32> to vector<16xf32>
        %parallel_loop3A_250 = vector.shape_cast %parallel_loop3A_245 : vector<16xf32> to vector<1x16xf32>
        tpu.vector_store %arg10[%parallel_loop3A_246, %parallel_loop3A_247], %parallel_loop3A_250 {strides = array<i32>} : memref<128x128xf32, #tpu.memory_space<vmem>>, vector<1x16xf32>,
        %parallel_loop3A_251 = arith.index_cast %parallel_loop3A_202 : i32 to index
        %parallel_loop3A_252 = arith.constant 32 : index
        %parallel_loop3A_253 = tpu.vector_load %arg10[%parallel_loop3A_251, %parallel_loop3A_252] {strides = array<i32>} : memref<128x128xf32, #tpu.memory_space<vmem>>, vector<1x16xf32>,
        %parallel_loop3A_254 = vector.shape_cast %parallel_loop3A_253 : vector<1x16xf32> to vector<16xf32>
        %parallel_loop3A_255 = arith.mulf %parallel_loop3A_254, %parallel_loop3A_217 : vector<16xf32>
        %parallel_loop3A_256 = arith.index_cast %parallel_loop3A_202 : i32 to index
        %parallel_loop3A_257 = arith.constant 32 : index
        %parallel_loop3A_258 = tpu.vector_load %arg10[%parallel_loop3A_256, %parallel_loop3A_257] {strides = array<i32>} : memref<128x128xf32, #tpu.memory_space<vmem>>, vector<1x16xf32>,
        %parallel_loop3A_259 = vector.shape_cast %parallel_loop3A_258 : vector<1x16xf32> to vector<16xf32>
        %parallel_loop3A_260 = vector.shape_cast %parallel_loop3A_255 : vector<16xf32> to vector<1x16xf32>
        tpu.vector_store %arg10[%parallel_loop3A_256, %parallel_loop3A_257], %parallel_loop3A_260 {strides = array<i32>} : memref<128x128xf32, #tpu.memory_space<vmem>>, vector<1x16xf32>,
        %parallel_loop3A_261 = arith.index_cast %parallel_loop3A_202 : i32 to index
        %parallel_loop3A_262 = arith.constant 48 : index
        %parallel_loop3A_263 = tpu.vector_load %arg10[%parallel_loop3A_261, %parallel_loop3A_262] {strides = array<i32>} : memref<128x128xf32, #tpu.memory_space<vmem>>, vector<1x16xf32>,
        %parallel_loop3A_264 = vector.shape_cast %parallel_loop3A_263 : vector<1x16xf32> to vector<16xf32>
        %parallel_loop3A_265 = arith.mulf %parallel_loop3A_264, %parallel_loop3A_217 : vector<16xf32>
        %parallel_loop3A_266 = arith.index_cast %parallel_loop3A_202 : i32 to index
        %parallel_loop3A_267 = arith.constant 48 : index
        %parallel_loop3A_268 = tpu.vector_load %arg10[%parallel_loop3A_266, %parallel_loop3A_267] {strides = array<i32>} : memref<128x128xf32, #tpu.memory_space<vmem>>, vector<1x16xf32>,
        %parallel_loop3A_269 = vector.shape_cast %parallel_loop3A_268 : vector<1x16xf32> to vector<16xf32>
        %parallel_loop3A_270 = vector.shape_cast %parallel_loop3A_265 : vector<16xf32> to vector<1x16xf32>
        tpu.vector_store %arg10[%parallel_loop3A_266, %parallel_loop3A_267], %parallel_loop3A_270 {strides = array<i32>} : memref<128x128xf32, #tpu.memory_space<vmem>>, vector<1x16xf32>,
        %parallel_loop3A_271 = arith.index_cast %parallel_loop3A_202 : i32 to index
        %parallel_loop3A_272 = arith.constant 64 : index
        %parallel_loop3A_273 = tpu.vector_load %arg10[%parallel_loop3A_271, %parallel_loop3A_272] {strides = array<i32>} : memref<128x128xf32, #tpu.memory_space<vmem>>, vector<1x16xf32>,
        %parallel_loop3A_274 = vector.shape_cast %parallel_loop3A_273 : vector<1x16xf32> to vector<16xf32>
        %parallel_loop3A_275 = arith.mulf %parallel_loop3A_274, %parallel_loop3A_230 : vector<16xf32>
        %parallel_loop3A_276 = arith.index_cast %parallel_loop3A_202 : i32 to index
        %parallel_loop3A_277 = arith.constant 64 : index
        %parallel_loop3A_278 = tpu.vector_load %arg10[%parallel_loop3A_276, %parallel_loop3A_277] {strides = array<i32>} : memref<128x128xf32, #tpu.memory_space<vmem>>, vector<1x16xf32>,
        %parallel_loop3A_279 = vector.shape_cast %parallel_loop3A_278 : vector<1x16xf32> to vector<16xf32>
        %parallel_loop3A_280 = vector.shape_cast %parallel_loop3A_275 : vector<16xf32> to vector<1x16xf32>
        tpu.vector_store %arg10[%parallel_loop3A_276, %parallel_loop3A_277], %parallel_loop3A_280 {strides = array<i32>} : memref<128x128xf32, #tpu.memory_space<vmem>>, vector<1x16xf32>,
        %parallel_loop3A_281 = arith.index_cast %parallel_loop3A_202 : i32 to index
        %parallel_loop3A_282 = arith.constant 80 : index
        %parallel_loop3A_283 = tpu.vector_load %arg10[%parallel_loop3A_281, %parallel_loop3A_282] {strides = array<i32>} : memref<128x128xf32, #tpu.memory_space<vmem>>, vector<1x16xf32>,
        %parallel_loop3A_284 = vector.shape_cast %parallel_loop3A_283 : vector<1x16xf32> to vector<16xf32>
        %parallel_loop3A_285 = arith.mulf %parallel_loop3A_284, %parallel_loop3A_230 : vector<16xf32>
        %parallel_loop3A_286 = arith.index_cast %parallel_loop3A_202 : i32 to index
        %parallel_loop3A_287 = arith.constant 80 : index
        %parallel_loop3A_288 = tpu.vector_load %arg10[%parallel_loop3A_286, %parallel_loop3A_287] {strides = array<i32>} : memref<128x128xf32, #tpu.memory_space<vmem>>, vector<1x16xf32>,
        %parallel_loop3A_289 = vector.shape_cast %parallel_loop3A_288 : vector<1x16xf32> to vector<16xf32>
        %parallel_loop3A_290 = vector.shape_cast %parallel_loop3A_285 : vector<16xf32> to vector<1x16xf32>
        tpu.vector_store %arg10[%parallel_loop3A_286, %parallel_loop3A_287], %parallel_loop3A_290 {strides = array<i32>} : memref<128x128xf32, #tpu.memory_space<vmem>>, vector<1x16xf32>,
        %parallel_loop3A_291 = arith.index_cast %parallel_loop3A_202 : i32 to index
        %parallel_loop3A_292 = arith.constant 96 : index
        %parallel_loop3A_293 = tpu.vector_load %arg10[%parallel_loop3A_291, %parallel_loop3A_292] {strides = array<i32>} : memref<128x128xf32, #tpu.memory_space<vmem>>, vector<1x16xf32>,
        %parallel_loop3A_294 = vector.shape_cast %parallel_loop3A_293 : vector<1x16xf32> to vector<16xf32>
        %parallel_loop3A_295 = arith.mulf %parallel_loop3A_294, %parallel_loop3A_230 : vector<16xf32>
        %parallel_loop3A_296 = arith.index_cast %parallel_loop3A_202 : i32 to index
        %parallel_loop3A_297 = arith.constant 96 : index
        %parallel_loop3A_298 = tpu.vector_load %arg10[%parallel_loop3A_296, %parallel_loop3A_297] {strides = array<i32>} : memref<128x128xf32, #tpu.memory_space<vmem>>, vector<1x16xf32>,
        %parallel_loop3A_299 = vector.shape_cast %parallel_loop3A_298 : vector<1x16xf32> to vector<16xf32>
        %parallel_loop3A_300 = vector.shape_cast %parallel_loop3A_295 : vector<16xf32> to vector<1x16xf32>
        tpu.vector_store %arg10[%parallel_loop3A_296, %parallel_loop3A_297], %parallel_loop3A_300 {strides = array<i32>} : memref<128x128xf32, #tpu.memory_space<vmem>>, vector<1x16xf32>,
        %parallel_loop3A_301 = arith.index_cast %parallel_loop3A_202 : i32 to index
        %parallel_loop3A_302 = arith.constant 112 : index
        %parallel_loop3A_303 = tpu.vector_load %arg10[%parallel_loop3A_301, %parallel_loop3A_302] {strides = array<i32>} : memref<128x128xf32, #tpu.memory_space<vmem>>, vector<1x16xf32>,
        %parallel_loop3A_304 = vector.shape_cast %parallel_loop3A_303 : vector<1x16xf32> to vector<16xf32>
        %parallel_loop3A_305 = arith.mulf %parallel_loop3A_304, %parallel_loop3A_230 : vector<16xf32>
        %parallel_loop3A_306 = arith.index_cast %parallel_loop3A_202 : i32 to index
        %parallel_loop3A_307 = arith.constant 112 : index
        %parallel_loop3A_308 = tpu.vector_load %arg10[%parallel_loop3A_306, %parallel_loop3A_307] {strides = array<i32>} : memref<128x128xf32, #tpu.memory_space<vmem>>, vector<1x16xf32>,
        %parallel_loop3A_309 = vector.shape_cast %parallel_loop3A_308 : vector<1x16xf32> to vector<16xf32>
        %parallel_loop3A_310 = vector.shape_cast %parallel_loop3A_305 : vector<16xf32> to vector<1x16xf32>
        tpu.vector_store %arg10[%parallel_loop3A_306, %parallel_loop3A_307], %parallel_loop3A_310 {strides = array<i32>} : memref<128x128xf32, #tpu.memory_space<vmem>>, vector<1x16xf32>,
      } {sc.loop_unroll_factor = 4 : i64, sc.parallel_access}
      %and3A = arith.constant 3 : i32
      %and3A_147 = arith.andi %add3A_116, %and3A : i32
      %dma_start3A_148 = arith.constant 0 : i32
      %dma_start3A_149 = tpu.memref_slice %arg9[%and3A_147, %dma_start3A_148] : memref<4x128xi32, #tpu.memory_space<vmem>> -> memref<1x128xi32, #tpu.memory_space<vmem>>
      %dma_start3A_150 = tpu.memref_squeeze %dma_start3A_149 : memref<1x128xi32, #tpu.memory_space<vmem>> -> memref<128xi32, #tpu.memory_space<vmem>>
      %dma_start3A_151 = arith.constant 0 : i32
      %dma_start3A_152 = arith.constant 0 : i32
      %dma_start3A_153 = tpu.memref_slice %arg14[%dma_start3A_151, %dma_start3A_152] : memref<10240x128xf32, #tpu.memory_space<vmem_shared>> -> memref<10240x128xf32, #tpu.memory_space<vmem_shared>>
      tpu.enqueue_indirect_dma source(%arg10 : memref<128x128xf32, #tpu.memory_space<vmem>>) target(%dma_start3A_153 : memref<10240x128xf32, #tpu.memory_space<vmem_shared>>) offsets(%dma_start3A_150 : memref<128xi32, #tpu.memory_space<vmem>>) semaphore(%arg19 : memref<!tpu.dma_semaphore, #tpu.memory_space<semaphore_mem>>) {add = true}
      %mul3A_154 = arith.constant 2 : i32
      %mul3A_155 = arith.muli %mul3A_154, %scan3A_111 : i32
      %add3A_156 = arith.constant 1 : i32
      %add3A_157 = arith.addi %mul3A_155, %add3A_156 : i32
      %ge3A_158 = arith.constant 1 : i32
      %ge3A_159 = arith.cmpi sge, %add3A_157, %ge3A_158 : i32
      %convert_element_type3A_160 = arith.extui %ge3A_159 : i1 to i32
      %cond3A_161 = arith.constant 0 : i32
      %cond3A_162 = arith.cmpi ne, %convert_element_type3A_160, %cond3A_161 : i32
      scf.if %cond3A_162 {
        %dma_wait3A_202 = arith.constant 0 : i32
        %dma_wait3A_203 = arith.constant 0 : i32
        %dma_wait3A_204 = tpu.memref_slice %arg9[%dma_wait3A_202, %dma_wait3A_203] : memref<4x128xi32, #tpu.memory_space<vmem>> -> memref<1x128xi32, #tpu.memory_space<vmem>>
        %dma_wait3A_205 = tpu.memref_squeeze %dma_wait3A_204 : memref<1x128xi32, #tpu.memory_space<vmem>> -> memref<128xi32, #tpu.memory_space<vmem>>
        %dma_wait3A_206 = arith.constant 0 : i32
        %dma_wait3A_207 = arith.constant 0 : i32
        %dma_wait3A_208 = tpu.memref_slice %arg14[%dma_wait3A_206, %dma_wait3A_207] : memref<10240x128xf32, #tpu.memory_space<vmem_shared>> -> memref<10240x128xf32, #tpu.memory_space<vmem_shared>>
        tpu.wait_indirect_dma semaphore(%arg19 : memref<!tpu.dma_semaphore, #tpu.memory_space<semaphore_mem>>) src(%arg10 : memref<128x128xf32, #tpu.memory_space<vmem>>) dst(%dma_wait3A_208 : memref<10240x128xf32, #tpu.memory_space<vmem_shared>>)
      } else {
      }
      %add3A_163 = arith.constant 2 : i32
      %add3A_164 = arith.addi %add3A_157, %add3A_163 : i32
      %lt3A_165 = arith.constant 162 : i32
      %lt3A_166 = arith.cmpi slt, %add3A_164, %lt3A_165 : i32
      %convert_element_type3A_167 = arith.extui %lt3A_166 : i1 to i32
      %cond3A_168 = arith.constant 0 : i32
      %cond3A_169 = arith.cmpi ne, %convert_element_type3A_167, %cond3A_168 : i32
      scf.if %cond3A_169 {
        %add3A_202 = arith.constant 2 : i32
        %add3A_203 = arith.addi %add3A_157, %add3A_202 : i32
        %mul3A_204 = arith.constant 128 : i32
        %mul3A_205 = arith.muli %add3A_203, %mul3A_204 : i32
        %add3A_206 = arith.addi %add3A_64, %mul3A_205 : i32
        %add3A_207 = arith.constant 2 : i32
        %add3A_208 = arith.addi %add3A_157, %add3A_207 : i32
        %and3A_209 = arith.constant 3 : i32
        %and3A_210 = arith.andi %add3A_208, %and3A_209 : i32
        %dma_start3A_211 = arith.constant 0 : i32
        %dma_start3A_212 = tpu.memref_slice %arg8[%and3A_210, %dma_start3A_211] : memref<4x128xi32, #tpu.memory_space<vmem>> -> memref<1x128xi32, #tpu.memory_space<vmem>>
        %dma_start3A_213 = tpu.memref_squeeze %dma_start3A_212 : memref<1x128xi32, #tpu.memory_space<vmem>> -> memref<128xi32, #tpu.memory_space<vmem>>
        %dma_start3A_214 = tpu.memref_slice %arg4[%add3A_206] : memref<1327104xi32, #tpu.memory_space<hbm>> -> memref<128xi32, #tpu.memory_space<hbm>>
        %dma_start3A_215 = arith.constant 0 : i32
        %dma_start3A_216 = tpu.memref_slice %arg8[%and3A_210, %dma_start3A_215] : memref<4x128xi32, #tpu.memory_space<vmem>> -> memref<1x128xi32, #tpu.memory_space<vmem>>
        %dma_start3A_217 = tpu.memref_squeeze %dma_start3A_216 : memref<1x128xi32, #tpu.memory_space<vmem>> -> memref<128xi32, #tpu.memory_space<vmem>>
        %dma_start3A_218 = tpu.memref_slice %arg4[%add3A_206] : memref<1327104xi32, #tpu.memory_space<hbm>> -> memref<128xi32, #tpu.memory_space<hbm>>
        tpu.enqueue_dma source(%dma_start3A_218 : memref<128xi32, #tpu.memory_space<hbm>>) target(%dma_start3A_217 : memref<128xi32, #tpu.memory_space<vmem>>) target_semaphore(%arg22 : memref<!tpu.dma_semaphore, #tpu.memory_space<semaphore_mem>>)
        %add3A_219 = arith.constant 2 : i32
        %add3A_220 = arith.addi %add3A_157, %add3A_219 : i32
        %mul3A_221 = arith.constant 128 : i32
        %mul3A_222 = arith.muli %add3A_220, %mul3A_221 : i32
        %add3A_223 = arith.addi %mul3A_61, %mul3A_222 : i32
        %add3A_224 = arith.constant 2 : i32
        %add3A_225 = arith.addi %add3A_157, %add3A_224 : i32
        %and3A_226 = arith.constant 3 : i32
        %and3A_227 = arith.andi %add3A_225, %and3A_226 : i32
        %dma_start3A_228 = arith.constant 0 : i32
        %dma_start3A_229 = tpu.memref_slice %arg9[%and3A_227, %dma_start3A_228] : memref<4x128xi32, #tpu.memory_space<vmem>> -> memref<1x128xi32, #tpu.memory_space<vmem>>
        %dma_start3A_230 = tpu.memref_squeeze %dma_start3A_229 : memref<1x128xi32, #tpu.memory_space<vmem>> -> memref<128xi32, #tpu.memory_space<vmem>>
        %dma_start3A_231 = tpu.memref_slice %arg5[%add3A_223] : memref<331776xi32, #tpu.memory_space<hbm>> -> memref<128xi32, #tpu.memory_space<hbm>>
        %dma_start3A_232 = arith.constant 0 : i32
        %dma_start3A_233 = tpu.memref_slice %arg9[%and3A_227, %dma_start3A_232] : memref<4x128xi32, #tpu.memory_space<vmem>> -> memref<1x128xi32, #tpu.memory_space<vmem>>
        %dma_start3A_234 = tpu.memref_squeeze %dma_start3A_233 : memref<1x128xi32, #tpu.memory_space<vmem>> -> memref<128xi32, #tpu.memory_space<vmem>>
        %dma_start3A_235 = tpu.memref_slice %arg5[%add3A_223] : memref<331776xi32, #tpu.memory_space<hbm>> -> memref<128xi32, #tpu.memory_space<hbm>>
        tpu.enqueue_dma source(%dma_start3A_235 : memref<128xi32, #tpu.memory_space<hbm>>) target(%dma_start3A_234 : memref<128xi32, #tpu.memory_space<vmem>>) target_semaphore(%arg24 : memref<!tpu.dma_semaphore, #tpu.memory_space<semaphore_mem>>)
      } else {
      }
      %add3A_170 = arith.constant 1 : i32
      %add3A_171 = arith.addi %add3A_157, %add3A_170 : i32
      %lt3A_172 = arith.constant 162 : i32
      %lt3A_173 = arith.cmpi slt, %add3A_171, %lt3A_172 : i32
      %convert_element_type3A_174 = arith.extui %lt3A_173 : i1 to i32
      %cond3A_175 = arith.constant 0 : i32
      %cond3A_176 = arith.cmpi ne, %convert_element_type3A_174, %cond3A_175 : i32
      scf.if %cond3A_176 {
        %add3A_202 = arith.constant 1 : i32
        %add3A_203 = arith.addi %add3A_157, %add3A_202 : i32
        %ge3A_204 = arith.constant 2 : i32
        %ge3A_205 = arith.cmpi sge, %add3A_203, %ge3A_204 : i32
        %convert_element_type3A_206 = arith.extui %ge3A_205 : i1 to i32
        %cond3A_207 = arith.constant 0 : i32
        %cond3A_208 = arith.cmpi ne, %convert_element_type3A_206, %cond3A_207 : i32
        scf.if %cond3A_208 {
          %dma_wait3A_228 = arith.constant 0 : i32
          %dma_wait3A_229 = arith.constant 0 : i32
          %dma_wait3A_230 = tpu.memref_slice %arg8[%dma_wait3A_228, %dma_wait3A_229] : memref<4x128xi32, #tpu.memory_space<vmem>> -> memref<1x128xi32, #tpu.memory_space<vmem>>
          %dma_wait3A_231 = tpu.memref_squeeze %dma_wait3A_230 : memref<1x128xi32, #tpu.memory_space<vmem>> -> memref<128xi32, #tpu.memory_space<vmem>>
          %dma_wait3A_232 = tpu.memref_slice %arg4[%add3A_64] : memref<1327104xi32, #tpu.memory_space<hbm>> -> memref<128xi32, #tpu.memory_space<hbm>>
          %dma_wait3A_233 = arith.constant 0 : i32
          %dma_wait3A_234 = tpu.memref_slice %arg8[%dma_wait3A_228, %dma_wait3A_233] : memref<4x128xi32, #tpu.memory_space<vmem>> -> memref<1x128xi32, #tpu.memory_space<vmem>>
          %dma_wait3A_235 = tpu.memref_squeeze %dma_wait3A_234 : memref<1x128xi32, #tpu.memory_space<vmem>> -> memref<128xi32, #tpu.memory_space<vmem>>
          %dma_wait3A_236 = tpu.memref_slice %arg4[%add3A_64] : memref<1327104xi32, #tpu.memory_space<hbm>> -> memref<128xi32, #tpu.memory_space<hbm>>
          tpu.wait_dma2 semaphore(%arg21 : memref<!tpu.dma_semaphore, #tpu.memory_space<semaphore_mem>>) src(%dma_wait3A_236 : memref<128xi32, #tpu.memory_space<hbm>>) dst(%dma_wait3A_235 : memref<128xi32, #tpu.memory_space<vmem>>)
          %dma_wait3A_237 = arith.constant 0 : i32
          %dma_wait3A_238 = arith.constant 0 : i32
          %dma_wait3A_239 = tpu.memref_slice %arg9[%dma_wait3A_237, %dma_wait3A_238] : memref<4x128xi32, #tpu.memory_space<vmem>> -> memref<1x128xi32, #tpu.memory_space<vmem>>
          %dma_wait3A_240 = tpu.memref_squeeze %dma_wait3A_239 : memref<1x128xi32, #tpu.memory_space<vmem>> -> memref<128xi32, #tpu.memory_space<vmem>>
          %dma_wait3A_241 = tpu.memref_slice %arg5[%mul3A_61] : memref<331776xi32, #tpu.memory_space<hbm>> -> memref<128xi32, #tpu.memory_space<hbm>>
          %dma_wait3A_242 = arith.constant 0 : i32
          %dma_wait3A_243 = tpu.memref_slice %arg9[%dma_wait3A_237, %dma_wait3A_242] : memref<4x128xi32, #tpu.memory_space<vmem>> -> memref<1x128xi32, #tpu.memory_space<vmem>>
          %dma_wait3A_244 = tpu.memref_squeeze %dma_wait3A_243 : memref<1x128xi32, #tpu.memory_space<vmem>> -> memref<128xi32, #tpu.memory_space<vmem>>
          %dma_wait3A_245 = tpu.memref_slice %arg5[%mul3A_61] : memref<331776xi32, #tpu.memory_space<hbm>> -> memref<128xi32, #tpu.memory_space<hbm>>
          tpu.wait_dma2 semaphore(%arg23 : memref<!tpu.dma_semaphore, #tpu.memory_space<semaphore_mem>>) src(%dma_wait3A_245 : memref<128xi32, #tpu.memory_space<hbm>>) dst(%dma_wait3A_244 : memref<128xi32, #tpu.memory_space<vmem>>)
        } else {
        }
        %add3A_209 = arith.constant 1 : i32
        %add3A_210 = arith.addi %add3A_157, %add3A_209 : i32
        %and3A_211 = arith.constant 3 : i32
        %and3A_212 = arith.andi %add3A_210, %and3A_211 : i32
        %dma_start3A_213 = arith.constant 0 : i32
        %dma_start3A_214 = tpu.memref_slice %arg8[%and3A_212, %dma_start3A_213] : memref<4x128xi32, #tpu.memory_space<vmem>> -> memref<1x128xi32, #tpu.memory_space<vmem>>
        %dma_start3A_215 = tpu.memref_squeeze %dma_start3A_214 : memref<1x128xi32, #tpu.memory_space<vmem>> -> memref<128xi32, #tpu.memory_space<vmem>>
        %dma_start3A_216 = arith.constant 0 : i32
        %dma_start3A_217 = arith.constant 0 : i32
        %dma_start3A_218 = tpu.memref_slice %arg2[%dma_start3A_216, %dma_start3A_217] : memref<40960x128xf32, #tpu.memory_space<hbm>> -> memref<40960x128xf32, #tpu.memory_space<hbm>>
        tpu.enqueue_indirect_dma source(%dma_start3A_218 : memref<40960x128xf32, #tpu.memory_space<hbm>>) target(%arg10 : memref<128x128xf32, #tpu.memory_space<vmem>>) offsets(%dma_start3A_215 : memref<128xi32, #tpu.memory_space<vmem>>) semaphore(%arg15 : memref<!tpu.dma_semaphore, #tpu.memory_space<semaphore_mem>>)
        %add3A_219 = arith.constant 1 : i32
        %add3A_220 = arith.addi %add3A_157, %add3A_219 : i32
        %mul3A_221 = arith.constant 128 : i32
        %mul3A_222 = arith.muli %add3A_220, %mul3A_221 : i32
        %add3A_223 = arith.addi %mul3A_61, %mul3A_222 : i32
        %dma_start3A_224 = arith.constant 0 : i32
        %dma_start3A_225 = tpu.memref_slice %arg3[%add3A_223, %dma_start3A_224] : memref<331776x16xf32, #tpu.memory_space<hbm>> -> memref<128x16xf32, #tpu.memory_space<hbm>>
        %dma_start3A_226 = arith.constant 0 : i32
        %dma_start3A_227 = tpu.memref_slice %arg3[%add3A_223, %dma_start3A_226] : memref<331776x16xf32, #tpu.memory_space<hbm>> -> memref<128x16xf32, #tpu.memory_space<hbm>>
        tpu.enqueue_dma source(%dma_start3A_227 : memref<128x16xf32, #tpu.memory_space<hbm>>) target(%arg12 : memref<128x16xf32, #tpu.memory_space<vmem>>) target_semaphore(%arg17 : memref<!tpu.dma_semaphore, #tpu.memory_space<semaphore_mem>>)
      } else {
      }
      %dma_wait3A_177 = arith.constant 0 : i32
      %dma_wait3A_178 = arith.constant 0 : i32
      %dma_wait3A_179 = tpu.memref_slice %arg8[%dma_wait3A_177, %dma_wait3A_178] : memref<4x128xi32, #tpu.memory_space<vmem>> -> memref<1x128xi32, #tpu.memory_space<vmem>>
      %dma_wait3A_180 = tpu.memref_squeeze %dma_wait3A_179 : memref<1x128xi32, #tpu.memory_space<vmem>> -> memref<128xi32, #tpu.memory_space<vmem>>
      %dma_wait3A_181 = arith.constant 0 : i32
      %dma_wait3A_182 = arith.constant 0 : i32
      %dma_wait3A_183 = tpu.memref_slice %arg2[%dma_wait3A_181, %dma_wait3A_182] : memref<40960x128xf32, #tpu.memory_space<hbm>> -> memref<40960x128xf32, #tpu.memory_space<hbm>>
      tpu.wait_indirect_dma semaphore(%arg16 : memref<!tpu.dma_semaphore, #tpu.memory_space<semaphore_mem>>) src(%dma_wait3A_183 : memref<40960x128xf32, #tpu.memory_space<hbm>>) dst(%arg11 : memref<128x128xf32, #tpu.memory_space<vmem>>)
      %dma_wait3A_184 = arith.constant 0 : i32
      %dma_wait3A_185 = arith.constant 0 : i32
      %dma_wait3A_186 = tpu.memref_slice %arg3[%dma_wait3A_184, %dma_wait3A_185] : memref<331776x16xf32, #tpu.memory_space<hbm>> -> memref<128x16xf32, #tpu.memory_space<hbm>>
      %dma_wait3A_187 = arith.constant 0 : i32
      %dma_wait3A_188 = arith.constant 0 : i32
      %dma_wait3A_189 = tpu.memref_slice %arg3[%dma_wait3A_187, %dma_wait3A_188] : memref<331776x16xf32, #tpu.memory_space<hbm>> -> memref<128x16xf32, #tpu.memory_space<hbm>>
      tpu.wait_dma2 semaphore(%arg18 : memref<!tpu.dma_semaphore, #tpu.memory_space<semaphore_mem>>) src(%dma_wait3A_189 : memref<128x16xf32, #tpu.memory_space<hbm>>) dst(%arg13 : memref<128x16xf32, #tpu.memory_space<vmem>>)
      %parallel_loop3A_190 = arith.constant 0 : i32
      %parallel_loop3A_191 = arith.constant 128 : i32
      %parallel_loop3A_192 = arith.constant 1 : i32
      scf.for %parallel_loop3A_202 = %parallel_loop3A_190 to %parallel_loop3A_191 step %parallel_loop3A_192  : i32 {
        %parallel_loop3A_203 = arith.index_cast %parallel_loop3A_202 : i32 to index
        %parallel_loop3A_204 = arith.constant 0 : index
        %parallel_loop3A_205 = tpu.vector_load %arg13[%parallel_loop3A_203, %parallel_loop3A_204] {strides = array<i32>} : memref<128x16xf32, #tpu.memory_space<vmem>>, vector<1x16xf32>,
        %parallel_loop3A_206 = vector.shape_cast %parallel_loop3A_205 : vector<1x16xf32> to vector<16xf32>
        %parallel_loop3A_207 = vector.broadcast %mul3A_59 : i32 to vector<16xi32>
        %parallel_loop3A_208 = arith.constant 0 : i32
        %parallel_loop3A_209 = vector.broadcast %parallel_loop3A_208 : i32 to vector<16xi32>
        %parallel_loop3A_210 = arith.cmpi slt, %parallel_loop3A_207, %parallel_loop3A_209 : vector<16xi32>
        %parallel_loop3A_211 = arith.constant 16 : i32
        %parallel_loop3A_212 = vector.broadcast %parallel_loop3A_211 : i32 to vector<16xi32>
        %parallel_loop3A_213 = arith.addi %parallel_loop3A_207, %parallel_loop3A_212 : vector<16xi32>
        %parallel_loop3A_214 = arith.select %parallel_loop3A_210, %parallel_loop3A_213, %parallel_loop3A_207 : vector<16xi1>, vector<16xi32>
        %parallel_loop3A_215 = vector.shape_cast %parallel_loop3A_214 : vector<16xi32> to vector<16x1xi32>
        %parallel_loop3A_216 = vector.shape_cast %parallel_loop3A_215 : vector<16x1xi32> to vector<16xi32>
        %parallel_loop3A_217 = tpu.dynamic_gather %parallel_loop3A_206[%parallel_loop3A_216] in [0] : vector<16xf32>, vector<16xi32> -> vector<16xf32>
        %parallel_loop3A_218 = arith.constant 1 : i32
        %parallel_loop3A_219 = arith.addi %mul3A_59, %parallel_loop3A_218 : i32
        %parallel_loop3A_220 = vector.broadcast %parallel_loop3A_219 : i32 to vector<16xi32>
        %parallel_loop3A_221 = arith.constant 0 : i32
        %parallel_loop3A_222 = vector.broadcast %parallel_loop3A_221 : i32 to vector<16xi32>
        %parallel_loop3A_223 = arith.cmpi slt, %parallel_loop3A_220, %parallel_loop3A_222 : vector<16xi32>
        %parallel_loop3A_224 = arith.constant 16 : i32
        %parallel_loop3A_225 = vector.broadcast %parallel_loop3A_224 : i32 to vector<16xi32>
        %parallel_loop3A_226 = arith.addi %parallel_loop3A_220, %parallel_loop3A_225 : vector<16xi32>
        %parallel_loop3A_227 = arith.select %parallel_loop3A_223, %parallel_loop3A_226, %parallel_loop3A_220 : vector<16xi1>, vector<16xi32>
        %parallel_loop3A_228 = vector.shape_cast %parallel_loop3A_227 : vector<16xi32> to vector<16x1xi32>
        %parallel_loop3A_229 = vector.shape_cast %parallel_loop3A_228 : vector<16x1xi32> to vector<16xi32>
        %parallel_loop3A_230 = tpu.dynamic_gather %parallel_loop3A_206[%parallel_loop3A_229] in [0] : vector<16xf32>, vector<16xi32> -> vector<16xf32>
        %parallel_loop3A_231 = arith.index_cast %parallel_loop3A_202 : i32 to index
        %parallel_loop3A_232 = arith.constant 0 : index
        %parallel_loop3A_233 = tpu.vector_load %arg11[%parallel_loop3A_231, %parallel_loop3A_232] {strides = array<i32>} : memref<128x128xf32, #tpu.memory_space<vmem>>, vector<1x16xf32>,
        %parallel_loop3A_234 = vector.shape_cast %parallel_loop3A_233 : vector<1x16xf32> to vector<16xf32>
        %parallel_loop3A_235 = arith.mulf %parallel_loop3A_234, %parallel_loop3A_217 : vector<16xf32>
        %parallel_loop3A_236 = arith.index_cast %parallel_loop3A_202 : i32 to index
        %parallel_loop3A_237 = arith.constant 0 : index
        %parallel_loop3A_238 = tpu.vector_load %arg11[%parallel_loop3A_236, %parallel_loop3A_237] {strides = array<i32>} : memref<128x128xf32, #tpu.memory_space<vmem>>, vector<1x16xf32>,
        %parallel_loop3A_239 = vector.shape_cast %parallel_loop3A_238 : vector<1x16xf32> to vector<16xf32>
        %parallel_loop3A_240 = vector.shape_cast %parallel_loop3A_235 : vector<16xf32> to vector<1x16xf32>
        tpu.vector_store %arg11[%parallel_loop3A_236, %parallel_loop3A_237], %parallel_loop3A_240 {strides = array<i32>} : memref<128x128xf32, #tpu.memory_space<vmem>>, vector<1x16xf32>,
        %parallel_loop3A_241 = arith.index_cast %parallel_loop3A_202 : i32 to index
        %parallel_loop3A_242 = arith.constant 16 : index
        %parallel_loop3A_243 = tpu.vector_load %arg11[%parallel_loop3A_241, %parallel_loop3A_242] {strides = array<i32>} : memref<128x128xf32, #tpu.memory_space<vmem>>, vector<1x16xf32>,
        %parallel_loop3A_244 = vector.shape_cast %parallel_loop3A_243 : vector<1x16xf32> to vector<16xf32>
        %parallel_loop3A_245 = arith.mulf %parallel_loop3A_244, %parallel_loop3A_217 : vector<16xf32>
        %parallel_loop3A_246 = arith.index_cast %parallel_loop3A_202 : i32 to index
        %parallel_loop3A_247 = arith.constant 16 : index
        %parallel_loop3A_248 = tpu.vector_load %arg11[%parallel_loop3A_246, %parallel_loop3A_247] {strides = array<i32>} : memref<128x128xf32, #tpu.memory_space<vmem>>, vector<1x16xf32>,
        %parallel_loop3A_249 = vector.shape_cast %parallel_loop3A_248 : vector<1x16xf32> to vector<16xf32>
        %parallel_loop3A_250 = vector.shape_cast %parallel_loop3A_245 : vector<16xf32> to vector<1x16xf32>
        tpu.vector_store %arg11[%parallel_loop3A_246, %parallel_loop3A_247], %parallel_loop3A_250 {strides = array<i32>} : memref<128x128xf32, #tpu.memory_space<vmem>>, vector<1x16xf32>,
        %parallel_loop3A_251 = arith.index_cast %parallel_loop3A_202 : i32 to index
        %parallel_loop3A_252 = arith.constant 32 : index
        %parallel_loop3A_253 = tpu.vector_load %arg11[%parallel_loop3A_251, %parallel_loop3A_252] {strides = array<i32>} : memref<128x128xf32, #tpu.memory_space<vmem>>, vector<1x16xf32>,
        %parallel_loop3A_254 = vector.shape_cast %parallel_loop3A_253 : vector<1x16xf32> to vector<16xf32>
        %parallel_loop3A_255 = arith.mulf %parallel_loop3A_254, %parallel_loop3A_217 : vector<16xf32>
        %parallel_loop3A_256 = arith.index_cast %parallel_loop3A_202 : i32 to index
        %parallel_loop3A_257 = arith.constant 32 : index
        %parallel_loop3A_258 = tpu.vector_load %arg11[%parallel_loop3A_256, %parallel_loop3A_257] {strides = array<i32>} : memref<128x128xf32, #tpu.memory_space<vmem>>, vector<1x16xf32>,
        %parallel_loop3A_259 = vector.shape_cast %parallel_loop3A_258 : vector<1x16xf32> to vector<16xf32>
        %parallel_loop3A_260 = vector.shape_cast %parallel_loop3A_255 : vector<16xf32> to vector<1x16xf32>
        tpu.vector_store %arg11[%parallel_loop3A_256, %parallel_loop3A_257], %parallel_loop3A_260 {strides = array<i32>} : memref<128x128xf32, #tpu.memory_space<vmem>>, vector<1x16xf32>,
        %parallel_loop3A_261 = arith.index_cast %parallel_loop3A_202 : i32 to index
        %parallel_loop3A_262 = arith.constant 48 : index
        %parallel_loop3A_263 = tpu.vector_load %arg11[%parallel_loop3A_261, %parallel_loop3A_262] {strides = array<i32>} : memref<128x128xf32, #tpu.memory_space<vmem>>, vector<1x16xf32>,
        %parallel_loop3A_264 = vector.shape_cast %parallel_loop3A_263 : vector<1x16xf32> to vector<16xf32>
        %parallel_loop3A_265 = arith.mulf %parallel_loop3A_264, %parallel_loop3A_217 : vector<16xf32>
        %parallel_loop3A_266 = arith.index_cast %parallel_loop3A_202 : i32 to index
        %parallel_loop3A_267 = arith.constant 48 : index
        %parallel_loop3A_268 = tpu.vector_load %arg11[%parallel_loop3A_266, %parallel_loop3A_267] {strides = array<i32>} : memref<128x128xf32, #tpu.memory_space<vmem>>, vector<1x16xf32>,
        %parallel_loop3A_269 = vector.shape_cast %parallel_loop3A_268 : vector<1x16xf32> to vector<16xf32>
        %parallel_loop3A_270 = vector.shape_cast %parallel_loop3A_265 : vector<16xf32> to vector<1x16xf32>
        tpu.vector_store %arg11[%parallel_loop3A_266, %parallel_loop3A_267], %parallel_loop3A_270 {strides = array<i32>} : memref<128x128xf32, #tpu.memory_space<vmem>>, vector<1x16xf32>,
        %parallel_loop3A_271 = arith.index_cast %parallel_loop3A_202 : i32 to index
        %parallel_loop3A_272 = arith.constant 64 : index
        %parallel_loop3A_273 = tpu.vector_load %arg11[%parallel_loop3A_271, %parallel_loop3A_272] {strides = array<i32>} : memref<128x128xf32, #tpu.memory_space<vmem>>, vector<1x16xf32>,
        %parallel_loop3A_274 = vector.shape_cast %parallel_loop3A_273 : vector<1x16xf32> to vector<16xf32>
        %parallel_loop3A_275 = arith.mulf %parallel_loop3A_274, %parallel_loop3A_230 : vector<16xf32>
        %parallel_loop3A_276 = arith.index_cast %parallel_loop3A_202 : i32 to index
        %parallel_loop3A_277 = arith.constant 64 : index
        %parallel_loop3A_278 = tpu.vector_load %arg11[%parallel_loop3A_276, %parallel_loop3A_277] {strides = array<i32>} : memref<128x128xf32, #tpu.memory_space<vmem>>, vector<1x16xf32>,
        %parallel_loop3A_279 = vector.shape_cast %parallel_loop3A_278 : vector<1x16xf32> to vector<16xf32>
        %parallel_loop3A_280 = vector.shape_cast %parallel_loop3A_275 : vector<16xf32> to vector<1x16xf32>
        tpu.vector_store %arg11[%parallel_loop3A_276, %parallel_loop3A_277], %parallel_loop3A_280 {strides = array<i32>} : memref<128x128xf32, #tpu.memory_space<vmem>>, vector<1x16xf32>,
        %parallel_loop3A_281 = arith.index_cast %parallel_loop3A_202 : i32 to index
        %parallel_loop3A_282 = arith.constant 80 : index
        %parallel_loop3A_283 = tpu.vector_load %arg11[%parallel_loop3A_281, %parallel_loop3A_282] {strides = array<i32>} : memref<128x128xf32, #tpu.memory_space<vmem>>, vector<1x16xf32>,
        %parallel_loop3A_284 = vector.shape_cast %parallel_loop3A_283 : vector<1x16xf32> to vector<16xf32>
        %parallel_loop3A_285 = arith.mulf %parallel_loop3A_284, %parallel_loop3A_230 : vector<16xf32>
        %parallel_loop3A_286 = arith.index_cast %parallel_loop3A_202 : i32 to index
        %parallel_loop3A_287 = arith.constant 80 : index
        %parallel_loop3A_288 = tpu.vector_load %arg11[%parallel_loop3A_286, %parallel_loop3A_287] {strides = array<i32>} : memref<128x128xf32, #tpu.memory_space<vmem>>, vector<1x16xf32>,
        %parallel_loop3A_289 = vector.shape_cast %parallel_loop3A_288 : vector<1x16xf32> to vector<16xf32>
        %parallel_loop3A_290 = vector.shape_cast %parallel_loop3A_285 : vector<16xf32> to vector<1x16xf32>
        tpu.vector_store %arg11[%parallel_loop3A_286, %parallel_loop3A_287], %parallel_loop3A_290 {strides = array<i32>} : memref<128x128xf32, #tpu.memory_space<vmem>>, vector<1x16xf32>,
        %parallel_loop3A_291 = arith.index_cast %parallel_loop3A_202 : i32 to index
        %parallel_loop3A_292 = arith.constant 96 : index
        %parallel_loop3A_293 = tpu.vector_load %arg11[%parallel_loop3A_291, %parallel_loop3A_292] {strides = array<i32>} : memref<128x128xf32, #tpu.memory_space<vmem>>, vector<1x16xf32>,
        %parallel_loop3A_294 = vector.shape_cast %parallel_loop3A_293 : vector<1x16xf32> to vector<16xf32>
        %parallel_loop3A_295 = arith.mulf %parallel_loop3A_294, %parallel_loop3A_230 : vector<16xf32>
        %parallel_loop3A_296 = arith.index_cast %parallel_loop3A_202 : i32 to index
        %parallel_loop3A_297 = arith.constant 96 : index
        %parallel_loop3A_298 = tpu.vector_load %arg11[%parallel_loop3A_296, %parallel_loop3A_297] {strides = array<i32>} : memref<128x128xf32, #tpu.memory_space<vmem>>, vector<1x16xf32>,
        %parallel_loop3A_299 = vector.shape_cast %parallel_loop3A_298 : vector<1x16xf32> to vector<16xf32>
        %parallel_loop3A_300 = vector.shape_cast %parallel_loop3A_295 : vector<16xf32> to vector<1x16xf32>
        tpu.vector_store %arg11[%parallel_loop3A_296, %parallel_loop3A_297], %parallel_loop3A_300 {strides = array<i32>} : memref<128x128xf32, #tpu.memory_space<vmem>>, vector<1x16xf32>,
        %parallel_loop3A_301 = arith.index_cast %parallel_loop3A_202 : i32 to index
        %parallel_loop3A_302 = arith.constant 112 : index
        %parallel_loop3A_303 = tpu.vector_load %arg11[%parallel_loop3A_301, %parallel_loop3A_302] {strides = array<i32>} : memref<128x128xf32, #tpu.memory_space<vmem>>, vector<1x16xf32>,
        %parallel_loop3A_304 = vector.shape_cast %parallel_loop3A_303 : vector<1x16xf32> to vector<16xf32>
        %parallel_loop3A_305 = arith.mulf %parallel_loop3A_304, %parallel_loop3A_230 : vector<16xf32>
        %parallel_loop3A_306 = arith.index_cast %parallel_loop3A_202 : i32 to index
        %parallel_loop3A_307 = arith.constant 112 : index
        %parallel_loop3A_308 = tpu.vector_load %arg11[%parallel_loop3A_306, %parallel_loop3A_307] {strides = array<i32>} : memref<128x128xf32, #tpu.memory_space<vmem>>, vector<1x16xf32>,
        %parallel_loop3A_309 = vector.shape_cast %parallel_loop3A_308 : vector<1x16xf32> to vector<16xf32>
        %parallel_loop3A_310 = vector.shape_cast %parallel_loop3A_305 : vector<16xf32> to vector<1x16xf32>
        tpu.vector_store %arg11[%parallel_loop3A_306, %parallel_loop3A_307], %parallel_loop3A_310 {strides = array<i32>} : memref<128x128xf32, #tpu.memory_space<vmem>>, vector<1x16xf32>,
      } {sc.loop_unroll_factor = 4 : i64, sc.parallel_access}
      %and3A_193 = arith.constant 3 : i32
      %and3A_194 = arith.andi %add3A_157, %and3A_193 : i32
      %dma_start3A_195 = arith.constant 0 : i32
      %dma_start3A_196 = tpu.memref_slice %arg9[%and3A_194, %dma_start3A_195] : memref<4x128xi32, #tpu.memory_space<vmem>> -> memref<1x128xi32, #tpu.memory_space<vmem>>
      %dma_start3A_197 = tpu.memref_squeeze %dma_start3A_196 : memref<1x128xi32, #tpu.memory_space<vmem>> -> memref<128xi32, #tpu.memory_space<vmem>>
      %dma_start3A_198 = arith.constant 0 : i32
      %dma_start3A_199 = arith.constant 0 : i32
      %dma_start3A_200 = tpu.memref_slice %arg14[%dma_start3A_198, %dma_start3A_199] : memref<10240x128xf32, #tpu.memory_space<vmem_shared>> -> memref<10240x128xf32, #tpu.memory_space<vmem_shared>>
      tpu.enqueue_indirect_dma source(%arg11 : memref<128x128xf32, #tpu.memory_space<vmem>>) target(%dma_start3A_200 : memref<10240x128xf32, #tpu.memory_space<vmem_shared>>) offsets(%dma_start3A_197 : memref<128xi32, #tpu.memory_space<vmem>>) semaphore(%arg20 : memref<!tpu.dma_semaphore, #tpu.memory_space<semaphore_mem>>) {add = true}
      %scan3A_201 = arith.constant 0 : i32
      scf.yield %scan3A_201 : i32
    }
    %scan3A_97 = arith.constant 81 : i32
    %dma_wait3A_98 = arith.constant 0 : i32
    %dma_wait3A_99 = arith.constant 0 : i32
    %dma_wait3A_100 = tpu.memref_slice %arg9[%dma_wait3A_98, %dma_wait3A_99] : memref<4x128xi32, #tpu.memory_space<vmem>> -> memref<1x128xi32, #tpu.memory_space<vmem>>
    %dma_wait3A_101 = tpu.memref_squeeze %dma_wait3A_100 : memref<1x128xi32, #tpu.memory_space<vmem>> -> memref<128xi32, #tpu.memory_space<vmem>>
    %dma_wait3A_102 = arith.constant 0 : i32
    %dma_wait3A_103 = arith.constant 0 : i32
    %dma_wait3A_104 = tpu.memref_slice %arg14[%dma_wait3A_102, %dma_wait3A_103] : memref<10240x128xf32, #tpu.memory_space<vmem_shared>> -> memref<10240x128xf32, #tpu.memory_space<vmem_shared>>
    tpu.wait_indirect_dma semaphore(%arg20 : memref<!tpu.dma_semaphore, #tpu.memory_space<semaphore_mem>>) src(%arg11 : memref<128x128xf32, #tpu.memory_space<vmem>>) dst(%dma_wait3A_104 : memref<10240x128xf32, #tpu.memory_space<vmem_shared>>)
    %barrier3A_105 = arith.constant 0 : index
    tpu.barrier barrier_id(%barrier3A_105)
    %mul3A_106 = arith.constant 640 : i32
    %mul3A_107 = arith.muli %arg1, %mul3A_106 : i32
    %mul3A_108 = arith.constant 640 : i32
    %mul3A_109 = arith.muli %arg1, %mul3A_108 : i32
    %add3A_110 = arith.addi %mul3A_57, %mul3A_109 : i32
    "tpu.region"() ({
      %run_scoped3A_111 = tpu.sem_alloc : memref<!tpu.dma_semaphore, #tpu.memory_space<semaphore_mem>>
      %dma_start3A_112 = arith.constant 0 : i32
      %dma_start3A_113 = tpu.memref_slice %arg7[%add3A_110, %dma_start3A_112] : memref<40960x128xf32, #tpu.memory_space<hbm>> -> memref<640x128xf32, #tpu.memory_space<hbm>>
      %dma_start3A_114 = arith.constant 0 : i32
      %dma_start3A_115 = tpu.memref_slice %arg14[%mul3A_107, %dma_start3A_114] : memref<10240x128xf32, #tpu.memory_space<vmem_shared>> -> memref<640x128xf32, #tpu.memory_space<vmem_shared>>
      tpu.enqueue_dma source(%dma_start3A_115 : memref<640x128xf32, #tpu.memory_space<vmem_shared>>) target(%dma_start3A_113 : memref<640x128xf32, #tpu.memory_space<hbm>>) target_semaphore(%run_scoped3A_111 : memref<!tpu.dma_semaphore, #tpu.memory_space<semaphore_mem>>)
      %dma_wait3A_116 = arith.constant 0 : i32
      %dma_wait3A_117 = tpu.memref_slice %arg7[%add3A_110, %dma_wait3A_116] : memref<40960x128xf32, #tpu.memory_space<hbm>> -> memref<640x128xf32, #tpu.memory_space<hbm>>
      %dma_wait3A_118 = arith.constant 0 : i32
      %dma_wait3A_119 = tpu.memref_slice %arg14[%mul3A_107, %dma_wait3A_118] : memref<10240x128xf32, #tpu.memory_space<vmem_shared>> -> memref<640x128xf32, #tpu.memory_space<vmem_shared>>
      tpu.wait_dma2 semaphore(%run_scoped3A_111 : memref<!tpu.dma_semaphore, #tpu.memory_space<semaphore_mem>>) src(%dma_wait3A_119 : memref<640x128xf32, #tpu.memory_space<vmem_shared>>) dst(%dma_wait3A_117 : memref<640x128xf32, #tpu.memory_space<hbm>>)
      tpu.yield
    }) : () -> ()
    return
  }
}

#map = affine_map<(d0, d1) -> (0, 0)>
#map1 = affine_map<(d0, d1) -> (0)>
module attributes {stable_mosaic.version = 14 : i64} {
  func.func @sc_b2(%arg0: i32, %arg1: i32, %arg2: memref<10240x80xf32, #tpu.memory_space<hbm>>, %arg3: memref<10240x16xf32, #tpu.memory_space<hbm>>, %arg4: memref<331776xi32, #tpu.memory_space<hbm>>, %arg5: memref<331776xi32, #tpu.memory_space<hbm>>, %arg6: memref<640x80xf32, #tpu.memory_space<hbm>>, %arg7: memref<20480x80xf32, #tpu.memory_space<hbm>>, %arg8: memref<4x128xi32, #tpu.memory_space<vmem>>, %arg9: memref<4x128xi32, #tpu.memory_space<vmem>>, %arg10: memref<128x80xf32, #tpu.memory_space<vmem>>, %arg11: memref<128x80xf32, #tpu.memory_space<vmem>>, %arg12: memref<128x16xf32, #tpu.memory_space<vmem>>, %arg13: memref<128x16xf32, #tpu.memory_space<vmem>>, %arg14: memref<10240x80xf32, #tpu.memory_space<vmem_shared>>, %arg15: memref<!tpu.dma_semaphore, #tpu.memory_space<semaphore_mem>>, %arg16: memref<!tpu.dma_semaphore, #tpu.memory_space<semaphore_mem>>, %arg17: memref<!tpu.dma_semaphore, #tpu.memory_space<semaphore_mem>>, %arg18: memref<!tpu.dma_semaphore, #tpu.memory_space<semaphore_mem>>, %arg19: memref<!tpu.dma_semaphore, #tpu.memory_space<semaphore_mem>>, %arg20: memref<!tpu.dma_semaphore, #tpu.memory_space<semaphore_mem>>, %arg21: memref<!tpu.dma_semaphore, #tpu.memory_space<semaphore_mem>>, %arg22: memref<!tpu.dma_semaphore, #tpu.memory_space<semaphore_mem>>, %arg23: memref<!tpu.dma_semaphore, #tpu.memory_space<semaphore_mem>>, %arg24: memref<!tpu.dma_semaphore, #tpu.memory_space<semaphore_mem>>) attributes {dimension_semantics = [#tpu.dimension_semantics<core_parallel>, #tpu.dimension_semantics<subcore_parallel>], iteration_bounds = array<i64: 2, 16>, scalar_prefetch = 0 : i64, scratch_operands = 17 : i64, tpu.core_type = #tpu.core_type<sc_vector_subcore>, window_params = [{transform_indices = #map}, {transform_indices = #map}, {transform_indices = #map1}, {transform_indices = #map1}, {transform_indices = #map}, {transform_indices = #map}]} {
    %mul3A = arith.constant 16 : i32
    %mul3A_0 = arith.muli %arg0, %mul3A : i32
    %add3A = arith.addi %mul3A_0, %arg1 : i32
    %mul3A_1 = arith.constant 10368 : i32
    %mul3A_2 = arith.muli %add3A, %mul3A_1 : i32
    %mul3A_3 = arith.constant 640 : i32
    %mul3A_4 = arith.muli %arg1, %mul3A_3 : i32
    "tpu.region"() ({
      %run_scoped3A_79 = tpu.sem_alloc : memref<!tpu.dma_semaphore, #tpu.memory_space<semaphore_mem>>
      %dma_start3A_80 = arith.constant 0 : i32
      %dma_start3A_81 = tpu.memref_slice %arg14[%mul3A_4, %dma_start3A_80] : memref<10240x80xf32, #tpu.memory_space<vmem_shared>> -> memref<640x80xf32, #tpu.memory_space<vmem_shared>>
      tpu.enqueue_dma source(%arg6 : memref<640x80xf32, #tpu.memory_space<hbm>>) target(%dma_start3A_81 : memref<640x80xf32, #tpu.memory_space<vmem_shared>>) target_semaphore(%run_scoped3A_79 : memref<!tpu.dma_semaphore, #tpu.memory_space<semaphore_mem>>)
      %dma_wait3A_82 = arith.constant 0 : i32
      %dma_wait3A_83 = tpu.memref_slice %arg14[%mul3A_4, %dma_wait3A_82] : memref<10240x80xf32, #tpu.memory_space<vmem_shared>> -> memref<640x80xf32, #tpu.memory_space<vmem_shared>>
      tpu.wait_dma2 semaphore(%run_scoped3A_79 : memref<!tpu.dma_semaphore, #tpu.memory_space<semaphore_mem>>) src(%arg6 : memref<640x80xf32, #tpu.memory_space<hbm>>) dst(%dma_wait3A_83 : memref<640x80xf32, #tpu.memory_space<vmem_shared>>)
      tpu.yield
    }) : () -> ()
    %barrier3A = arith.constant 0 : index
    tpu.barrier barrier_id(%barrier3A)
    %add3A_5 = arith.constant 0 : i32
    %add3A_6 = arith.addi %mul3A_2, %add3A_5 : i32
    %run_scoped3A = arith.constant 0 : i32
    "tpu.region"() ({
      %run_scoped3A_79 = tpu.sem_alloc : memref<!tpu.dma_semaphore, #tpu.memory_space<semaphore_mem>>
      %dma_start3A_80 = arith.constant 0 : i32
      %dma_start3A_81 = tpu.memref_slice %arg8[%run_scoped3A, %dma_start3A_80] : memref<4x128xi32, #tpu.memory_space<vmem>> -> memref<1x128xi32, #tpu.memory_space<vmem>>
      %dma_start3A_82 = tpu.memref_squeeze %dma_start3A_81 : memref<1x128xi32, #tpu.memory_space<vmem>> -> memref<128xi32, #tpu.memory_space<vmem>>
      %dma_start3A_83 = tpu.memref_slice %arg4[%add3A_6] : memref<331776xi32, #tpu.memory_space<hbm>> -> memref<128xi32, #tpu.memory_space<hbm>>
      %dma_start3A_84 = arith.constant 0 : i32
      %dma_start3A_85 = tpu.memref_slice %arg8[%run_scoped3A, %dma_start3A_84] : memref<4x128xi32, #tpu.memory_space<vmem>> -> memref<1x128xi32, #tpu.memory_space<vmem>>
      %dma_start3A_86 = tpu.memref_squeeze %dma_start3A_85 : memref<1x128xi32, #tpu.memory_space<vmem>> -> memref<128xi32, #tpu.memory_space<vmem>>
      %dma_start3A_87 = tpu.memref_slice %arg4[%add3A_6] : memref<331776xi32, #tpu.memory_space<hbm>> -> memref<128xi32, #tpu.memory_space<hbm>>
      tpu.enqueue_dma source(%dma_start3A_87 : memref<128xi32, #tpu.memory_space<hbm>>) target(%dma_start3A_86 : memref<128xi32, #tpu.memory_space<vmem>>) target_semaphore(%run_scoped3A_79 : memref<!tpu.dma_semaphore, #tpu.memory_space<semaphore_mem>>)
      %dma_wait3A_88 = arith.constant 0 : i32
      %dma_wait3A_89 = tpu.memref_slice %arg8[%run_scoped3A, %dma_wait3A_88] : memref<4x128xi32, #tpu.memory_space<vmem>> -> memref<1x128xi32, #tpu.memory_space<vmem>>
      %dma_wait3A_90 = tpu.memref_squeeze %dma_wait3A_89 : memref<1x128xi32, #tpu.memory_space<vmem>> -> memref<128xi32, #tpu.memory_space<vmem>>
      %dma_wait3A_91 = tpu.memref_slice %arg4[%add3A_6] : memref<331776xi32, #tpu.memory_space<hbm>> -> memref<128xi32, #tpu.memory_space<hbm>>
      %dma_wait3A_92 = arith.constant 0 : i32
      %dma_wait3A_93 = tpu.memref_slice %arg8[%run_scoped3A, %dma_wait3A_92] : memref<4x128xi32, #tpu.memory_space<vmem>> -> memref<1x128xi32, #tpu.memory_space<vmem>>
      %dma_wait3A_94 = tpu.memref_squeeze %dma_wait3A_93 : memref<1x128xi32, #tpu.memory_space<vmem>> -> memref<128xi32, #tpu.memory_space<vmem>>
      %dma_wait3A_95 = tpu.memref_slice %arg4[%add3A_6] : memref<331776xi32, #tpu.memory_space<hbm>> -> memref<128xi32, #tpu.memory_space<hbm>>
      tpu.wait_dma2 semaphore(%run_scoped3A_79 : memref<!tpu.dma_semaphore, #tpu.memory_space<semaphore_mem>>) src(%dma_wait3A_95 : memref<128xi32, #tpu.memory_space<hbm>>) dst(%dma_wait3A_94 : memref<128xi32, #tpu.memory_space<vmem>>)
      tpu.yield
    }) : () -> ()
    %add3A_7 = arith.constant 0 : i32
    %add3A_8 = arith.addi %mul3A_2, %add3A_7 : i32
    %run_scoped3A_9 = arith.constant 0 : i32
    "tpu.region"() ({
      %run_scoped3A_79 = tpu.sem_alloc : memref<!tpu.dma_semaphore, #tpu.memory_space<semaphore_mem>>
      %dma_start3A_80 = arith.constant 0 : i32
      %dma_start3A_81 = tpu.memref_slice %arg9[%run_scoped3A_9, %dma_start3A_80] : memref<4x128xi32, #tpu.memory_space<vmem>> -> memref<1x128xi32, #tpu.memory_space<vmem>>
      %dma_start3A_82 = tpu.memref_squeeze %dma_start3A_81 : memref<1x128xi32, #tpu.memory_space<vmem>> -> memref<128xi32, #tpu.memory_space<vmem>>
      %dma_start3A_83 = tpu.memref_slice %arg5[%add3A_8] : memref<331776xi32, #tpu.memory_space<hbm>> -> memref<128xi32, #tpu.memory_space<hbm>>
      %dma_start3A_84 = arith.constant 0 : i32
      %dma_start3A_85 = tpu.memref_slice %arg9[%run_scoped3A_9, %dma_start3A_84] : memref<4x128xi32, #tpu.memory_space<vmem>> -> memref<1x128xi32, #tpu.memory_space<vmem>>
      %dma_start3A_86 = tpu.memref_squeeze %dma_start3A_85 : memref<1x128xi32, #tpu.memory_space<vmem>> -> memref<128xi32, #tpu.memory_space<vmem>>
      %dma_start3A_87 = tpu.memref_slice %arg5[%add3A_8] : memref<331776xi32, #tpu.memory_space<hbm>> -> memref<128xi32, #tpu.memory_space<hbm>>
      tpu.enqueue_dma source(%dma_start3A_87 : memref<128xi32, #tpu.memory_space<hbm>>) target(%dma_start3A_86 : memref<128xi32, #tpu.memory_space<vmem>>) target_semaphore(%run_scoped3A_79 : memref<!tpu.dma_semaphore, #tpu.memory_space<semaphore_mem>>)
      %dma_wait3A_88 = arith.constant 0 : i32
      %dma_wait3A_89 = tpu.memref_slice %arg9[%run_scoped3A_9, %dma_wait3A_88] : memref<4x128xi32, #tpu.memory_space<vmem>> -> memref<1x128xi32, #tpu.memory_space<vmem>>
      %dma_wait3A_90 = tpu.memref_squeeze %dma_wait3A_89 : memref<1x128xi32, #tpu.memory_space<vmem>> -> memref<128xi32, #tpu.memory_space<vmem>>
      %dma_wait3A_91 = tpu.memref_slice %arg5[%add3A_8] : memref<331776xi32, #tpu.memory_space<hbm>> -> memref<128xi32, #tpu.memory_space<hbm>>
      %dma_wait3A_92 = arith.constant 0 : i32
      %dma_wait3A_93 = tpu.memref_slice %arg9[%run_scoped3A_9, %dma_wait3A_92] : memref<4x128xi32, #tpu.memory_space<vmem>> -> memref<1x128xi32, #tpu.memory_space<vmem>>
      %dma_wait3A_94 = tpu.memref_squeeze %dma_wait3A_93 : memref<1x128xi32, #tpu.memory_space<vmem>> -> memref<128xi32, #tpu.memory_space<vmem>>
      %dma_wait3A_95 = tpu.memref_slice %arg5[%add3A_8] : memref<331776xi32, #tpu.memory_space<hbm>> -> memref<128xi32, #tpu.memory_space<hbm>>
      tpu.wait_dma2 semaphore(%run_scoped3A_79 : memref<!tpu.dma_semaphore, #tpu.memory_space<semaphore_mem>>) src(%dma_wait3A_95 : memref<128xi32, #tpu.memory_space<hbm>>) dst(%dma_wait3A_94 : memref<128xi32, #tpu.memory_space<vmem>>)
      tpu.yield
    }) : () -> ()
    %add3A_10 = arith.constant 128 : i32
    %add3A_11 = arith.addi %mul3A_2, %add3A_10 : i32
    %run_scoped3A_12 = arith.constant 1 : i32
    "tpu.region"() ({
      %run_scoped3A_79 = tpu.sem_alloc : memref<!tpu.dma_semaphore, #tpu.memory_space<semaphore_mem>>
      %dma_start3A_80 = arith.constant 0 : i32
      %dma_start3A_81 = tpu.memref_slice %arg8[%run_scoped3A_12, %dma_start3A_80] : memref<4x128xi32, #tpu.memory_space<vmem>> -> memref<1x128xi32, #tpu.memory_space<vmem>>
      %dma_start3A_82 = tpu.memref_squeeze %dma_start3A_81 : memref<1x128xi32, #tpu.memory_space<vmem>> -> memref<128xi32, #tpu.memory_space<vmem>>
      %dma_start3A_83 = tpu.memref_slice %arg4[%add3A_11] : memref<331776xi32, #tpu.memory_space<hbm>> -> memref<128xi32, #tpu.memory_space<hbm>>
      %dma_start3A_84 = arith.constant 0 : i32
      %dma_start3A_85 = tpu.memref_slice %arg8[%run_scoped3A_12, %dma_start3A_84] : memref<4x128xi32, #tpu.memory_space<vmem>> -> memref<1x128xi32, #tpu.memory_space<vmem>>
      %dma_start3A_86 = tpu.memref_squeeze %dma_start3A_85 : memref<1x128xi32, #tpu.memory_space<vmem>> -> memref<128xi32, #tpu.memory_space<vmem>>
      %dma_start3A_87 = tpu.memref_slice %arg4[%add3A_11] : memref<331776xi32, #tpu.memory_space<hbm>> -> memref<128xi32, #tpu.memory_space<hbm>>
      tpu.enqueue_dma source(%dma_start3A_87 : memref<128xi32, #tpu.memory_space<hbm>>) target(%dma_start3A_86 : memref<128xi32, #tpu.memory_space<vmem>>) target_semaphore(%run_scoped3A_79 : memref<!tpu.dma_semaphore, #tpu.memory_space<semaphore_mem>>)
      %dma_wait3A_88 = arith.constant 0 : i32
      %dma_wait3A_89 = tpu.memref_slice %arg8[%run_scoped3A_12, %dma_wait3A_88] : memref<4x128xi32, #tpu.memory_space<vmem>> -> memref<1x128xi32, #tpu.memory_space<vmem>>
      %dma_wait3A_90 = tpu.memref_squeeze %dma_wait3A_89 : memref<1x128xi32, #tpu.memory_space<vmem>> -> memref<128xi32, #tpu.memory_space<vmem>>
      %dma_wait3A_91 = tpu.memref_slice %arg4[%add3A_11] : memref<331776xi32, #tpu.memory_space<hbm>> -> memref<128xi32, #tpu.memory_space<hbm>>
      %dma_wait3A_92 = arith.constant 0 : i32
      %dma_wait3A_93 = tpu.memref_slice %arg8[%run_scoped3A_12, %dma_wait3A_92] : memref<4x128xi32, #tpu.memory_space<vmem>> -> memref<1x128xi32, #tpu.memory_space<vmem>>
      %dma_wait3A_94 = tpu.memref_squeeze %dma_wait3A_93 : memref<1x128xi32, #tpu.memory_space<vmem>> -> memref<128xi32, #tpu.memory_space<vmem>>
      %dma_wait3A_95 = tpu.memref_slice %arg4[%add3A_11] : memref<331776xi32, #tpu.memory_space<hbm>> -> memref<128xi32, #tpu.memory_space<hbm>>
      tpu.wait_dma2 semaphore(%run_scoped3A_79 : memref<!tpu.dma_semaphore, #tpu.memory_space<semaphore_mem>>) src(%dma_wait3A_95 : memref<128xi32, #tpu.memory_space<hbm>>) dst(%dma_wait3A_94 : memref<128xi32, #tpu.memory_space<vmem>>)
      tpu.yield
    }) : () -> ()
    %add3A_13 = arith.constant 128 : i32
    %add3A_14 = arith.addi %mul3A_2, %add3A_13 : i32
    %run_scoped3A_15 = arith.constant 1 : i32
    "tpu.region"() ({
      %run_scoped3A_79 = tpu.sem_alloc : memref<!tpu.dma_semaphore, #tpu.memory_space<semaphore_mem>>
      %dma_start3A_80 = arith.constant 0 : i32
      %dma_start3A_81 = tpu.memref_slice %arg9[%run_scoped3A_15, %dma_start3A_80] : memref<4x128xi32, #tpu.memory_space<vmem>> -> memref<1x128xi32, #tpu.memory_space<vmem>>
      %dma_start3A_82 = tpu.memref_squeeze %dma_start3A_81 : memref<1x128xi32, #tpu.memory_space<vmem>> -> memref<128xi32, #tpu.memory_space<vmem>>
      %dma_start3A_83 = tpu.memref_slice %arg5[%add3A_14] : memref<331776xi32, #tpu.memory_space<hbm>> -> memref<128xi32, #tpu.memory_space<hbm>>
      %dma_start3A_84 = arith.constant 0 : i32
      %dma_start3A_85 = tpu.memref_slice %arg9[%run_scoped3A_15, %dma_start3A_84] : memref<4x128xi32, #tpu.memory_space<vmem>> -> memref<1x128xi32, #tpu.memory_space<vmem>>
      %dma_start3A_86 = tpu.memref_squeeze %dma_start3A_85 : memref<1x128xi32, #tpu.memory_space<vmem>> -> memref<128xi32, #tpu.memory_space<vmem>>
      %dma_start3A_87 = tpu.memref_slice %arg5[%add3A_14] : memref<331776xi32, #tpu.memory_space<hbm>> -> memref<128xi32, #tpu.memory_space<hbm>>
      tpu.enqueue_dma source(%dma_start3A_87 : memref<128xi32, #tpu.memory_space<hbm>>) target(%dma_start3A_86 : memref<128xi32, #tpu.memory_space<vmem>>) target_semaphore(%run_scoped3A_79 : memref<!tpu.dma_semaphore, #tpu.memory_space<semaphore_mem>>)
      %dma_wait3A_88 = arith.constant 0 : i32
      %dma_wait3A_89 = tpu.memref_slice %arg9[%run_scoped3A_15, %dma_wait3A_88] : memref<4x128xi32, #tpu.memory_space<vmem>> -> memref<1x128xi32, #tpu.memory_space<vmem>>
      %dma_wait3A_90 = tpu.memref_squeeze %dma_wait3A_89 : memref<1x128xi32, #tpu.memory_space<vmem>> -> memref<128xi32, #tpu.memory_space<vmem>>
      %dma_wait3A_91 = tpu.memref_slice %arg5[%add3A_14] : memref<331776xi32, #tpu.memory_space<hbm>> -> memref<128xi32, #tpu.memory_space<hbm>>
      %dma_wait3A_92 = arith.constant 0 : i32
      %dma_wait3A_93 = tpu.memref_slice %arg9[%run_scoped3A_15, %dma_wait3A_92] : memref<4x128xi32, #tpu.memory_space<vmem>> -> memref<1x128xi32, #tpu.memory_space<vmem>>
      %dma_wait3A_94 = tpu.memref_squeeze %dma_wait3A_93 : memref<1x128xi32, #tpu.memory_space<vmem>> -> memref<128xi32, #tpu.memory_space<vmem>>
      %dma_wait3A_95 = tpu.memref_slice %arg5[%add3A_14] : memref<331776xi32, #tpu.memory_space<hbm>> -> memref<128xi32, #tpu.memory_space<hbm>>
      tpu.wait_dma2 semaphore(%run_scoped3A_79 : memref<!tpu.dma_semaphore, #tpu.memory_space<semaphore_mem>>) src(%dma_wait3A_95 : memref<128xi32, #tpu.memory_space<hbm>>) dst(%dma_wait3A_94 : memref<128xi32, #tpu.memory_space<vmem>>)
      tpu.yield
    }) : () -> ()
    %dma_start3A = arith.constant 0 : i32
    %dma_start3A_16 = arith.constant 0 : i32
    %dma_start3A_17 = tpu.memref_slice %arg8[%dma_start3A, %dma_start3A_16] : memref<4x128xi32, #tpu.memory_space<vmem>> -> memref<1x128xi32, #tpu.memory_space<vmem>>
    %dma_start3A_18 = tpu.memref_squeeze %dma_start3A_17 : memref<1x128xi32, #tpu.memory_space<vmem>> -> memref<128xi32, #tpu.memory_space<vmem>>
    %dma_start3A_19 = arith.constant 0 : i32
    %dma_start3A_20 = arith.constant 0 : i32
    %dma_start3A_21 = tpu.memref_slice %arg2[%dma_start3A_19, %dma_start3A_20] : memref<10240x80xf32, #tpu.memory_space<hbm>> -> memref<10240x80xf32, #tpu.memory_space<hbm>>
    tpu.enqueue_indirect_dma source(%dma_start3A_21 : memref<10240x80xf32, #tpu.memory_space<hbm>>) target(%arg10 : memref<128x80xf32, #tpu.memory_space<vmem>>) offsets(%dma_start3A_18 : memref<128xi32, #tpu.memory_space<vmem>>) semaphore(%arg15 : memref<!tpu.dma_semaphore, #tpu.memory_space<semaphore_mem>>)
    %dma_start3A_22 = arith.constant 0 : i32
    %dma_start3A_23 = arith.constant 0 : i32
    %dma_start3A_24 = tpu.memref_slice %arg9[%dma_start3A_22, %dma_start3A_23] : memref<4x128xi32, #tpu.memory_space<vmem>> -> memref<1x128xi32, #tpu.memory_space<vmem>>
    %dma_start3A_25 = tpu.memref_squeeze %dma_start3A_24 : memref<1x128xi32, #tpu.memory_space<vmem>> -> memref<128xi32, #tpu.memory_space<vmem>>
    %dma_start3A_26 = arith.constant 0 : i32
    %dma_start3A_27 = arith.constant 0 : i32
    %dma_start3A_28 = tpu.memref_slice %arg3[%dma_start3A_26, %dma_start3A_27] : memref<10240x16xf32, #tpu.memory_space<hbm>> -> memref<10240x16xf32, #tpu.memory_space<hbm>>
    tpu.enqueue_indirect_dma source(%dma_start3A_28 : memref<10240x16xf32, #tpu.memory_space<hbm>>) target(%arg12 : memref<128x16xf32, #tpu.memory_space<vmem>>) offsets(%dma_start3A_25 : memref<128xi32, #tpu.memory_space<vmem>>) semaphore(%arg17 : memref<!tpu.dma_semaphore, #tpu.memory_space<semaphore_mem>>)
    %scan3A = arith.constant 0 : i32
    %scan3A_29 = arith.constant 0 : i32
    %scan3A_30 = arith.constant 40 : i32
    %scan3A_31 = arith.addi %scan3A_29, %scan3A_30 : i32
    %scan3A_32 = arith.constant 1 : i32
    %scan3A_33 = scf.for %scan3A_79 = %scan3A_29 to %scan3A_31 step %scan3A_32 iter_args(%scan3A_80 = %scan3A) -> (i32)  : i32 {
      %mul3A_81 = arith.constant 2 : i32
      %mul3A_82 = arith.muli %mul3A_81, %scan3A_79 : i32
      %add3A_83 = arith.constant 0 : i32
      %add3A_84 = arith.addi %mul3A_82, %add3A_83 : i32
      %ge3A = arith.constant 1 : i32
      %ge3A_85 = arith.cmpi sge, %add3A_84, %ge3A : i32
      %convert_element_type3A = arith.extui %ge3A_85 : i1 to i32
      %cond3A = arith.constant 0 : i32
      %cond3A_86 = arith.cmpi ne, %convert_element_type3A, %cond3A : i32
      scf.if %cond3A_86 {
        %dma_wait3A_173 = arith.constant 0 : i32
        %dma_wait3A_174 = arith.constant 0 : i32
        %dma_wait3A_175 = tpu.memref_slice %arg9[%dma_wait3A_173, %dma_wait3A_174] : memref<4x128xi32, #tpu.memory_space<vmem>> -> memref<1x128xi32, #tpu.memory_space<vmem>>
        %dma_wait3A_176 = tpu.memref_squeeze %dma_wait3A_175 : memref<1x128xi32, #tpu.memory_space<vmem>> -> memref<128xi32, #tpu.memory_space<vmem>>
        %dma_wait3A_177 = arith.constant 0 : i32
        %dma_wait3A_178 = arith.constant 0 : i32
        %dma_wait3A_179 = tpu.memref_slice %arg14[%dma_wait3A_177, %dma_wait3A_178] : memref<10240x80xf32, #tpu.memory_space<vmem_shared>> -> memref<10240x80xf32, #tpu.memory_space<vmem_shared>>
        tpu.wait_indirect_dma semaphore(%arg20 : memref<!tpu.dma_semaphore, #tpu.memory_space<semaphore_mem>>) src(%arg11 : memref<128x80xf32, #tpu.memory_space<vmem>>) dst(%dma_wait3A_179 : memref<10240x80xf32, #tpu.memory_space<vmem_shared>>)
      } else {
      }
      %add3A_87 = arith.constant 2 : i32
      %add3A_88 = arith.addi %add3A_84, %add3A_87 : i32
      %lt3A = arith.constant 81 : i32
      %lt3A_89 = arith.cmpi slt, %add3A_88, %lt3A : i32
      %convert_element_type3A_90 = arith.extui %lt3A_89 : i1 to i32
      %cond3A_91 = arith.constant 0 : i32
      %cond3A_92 = arith.cmpi ne, %convert_element_type3A_90, %cond3A_91 : i32
      scf.if %cond3A_92 {
        %add3A_173 = arith.constant 2 : i32
        %add3A_174 = arith.addi %add3A_84, %add3A_173 : i32
        %mul3A_175 = arith.constant 128 : i32
        %mul3A_176 = arith.muli %add3A_174, %mul3A_175 : i32
        %add3A_177 = arith.addi %mul3A_2, %mul3A_176 : i32
        %add3A_178 = arith.constant 2 : i32
        %add3A_179 = arith.addi %add3A_84, %add3A_178 : i32
        %and3A_180 = arith.constant 3 : i32
        %and3A_181 = arith.andi %add3A_179, %and3A_180 : i32
        %dma_start3A_182 = arith.constant 0 : i32
        %dma_start3A_183 = tpu.memref_slice %arg8[%and3A_181, %dma_start3A_182] : memref<4x128xi32, #tpu.memory_space<vmem>> -> memref<1x128xi32, #tpu.memory_space<vmem>>
        %dma_start3A_184 = tpu.memref_squeeze %dma_start3A_183 : memref<1x128xi32, #tpu.memory_space<vmem>> -> memref<128xi32, #tpu.memory_space<vmem>>
        %dma_start3A_185 = tpu.memref_slice %arg4[%add3A_177] : memref<331776xi32, #tpu.memory_space<hbm>> -> memref<128xi32, #tpu.memory_space<hbm>>
        %dma_start3A_186 = arith.constant 0 : i32
        %dma_start3A_187 = tpu.memref_slice %arg8[%and3A_181, %dma_start3A_186] : memref<4x128xi32, #tpu.memory_space<vmem>> -> memref<1x128xi32, #tpu.memory_space<vmem>>
        %dma_start3A_188 = tpu.memref_squeeze %dma_start3A_187 : memref<1x128xi32, #tpu.memory_space<vmem>> -> memref<128xi32, #tpu.memory_space<vmem>>
        %dma_start3A_189 = tpu.memref_slice %arg4[%add3A_177] : memref<331776xi32, #tpu.memory_space<hbm>> -> memref<128xi32, #tpu.memory_space<hbm>>
        tpu.enqueue_dma source(%dma_start3A_189 : memref<128xi32, #tpu.memory_space<hbm>>) target(%dma_start3A_188 : memref<128xi32, #tpu.memory_space<vmem>>) target_semaphore(%arg21 : memref<!tpu.dma_semaphore, #tpu.memory_space<semaphore_mem>>)
        %add3A_190 = arith.constant 2 : i32
        %add3A_191 = arith.addi %add3A_84, %add3A_190 : i32
        %mul3A_192 = arith.constant 128 : i32
        %mul3A_193 = arith.muli %add3A_191, %mul3A_192 : i32
        %add3A_194 = arith.addi %mul3A_2, %mul3A_193 : i32
        %add3A_195 = arith.constant 2 : i32
        %add3A_196 = arith.addi %add3A_84, %add3A_195 : i32
        %and3A_197 = arith.constant 3 : i32
        %and3A_198 = arith.andi %add3A_196, %and3A_197 : i32
        %dma_start3A_199 = arith.constant 0 : i32
        %dma_start3A_200 = tpu.memref_slice %arg9[%and3A_198, %dma_start3A_199] : memref<4x128xi32, #tpu.memory_space<vmem>> -> memref<1x128xi32, #tpu.memory_space<vmem>>
        %dma_start3A_201 = tpu.memref_squeeze %dma_start3A_200 : memref<1x128xi32, #tpu.memory_space<vmem>> -> memref<128xi32, #tpu.memory_space<vmem>>
        %dma_start3A_202 = tpu.memref_slice %arg5[%add3A_194] : memref<331776xi32, #tpu.memory_space<hbm>> -> memref<128xi32, #tpu.memory_space<hbm>>
        %dma_start3A_203 = arith.constant 0 : i32
        %dma_start3A_204 = tpu.memref_slice %arg9[%and3A_198, %dma_start3A_203] : memref<4x128xi32, #tpu.memory_space<vmem>> -> memref<1x128xi32, #tpu.memory_space<vmem>>
        %dma_start3A_205 = tpu.memref_squeeze %dma_start3A_204 : memref<1x128xi32, #tpu.memory_space<vmem>> -> memref<128xi32, #tpu.memory_space<vmem>>
        %dma_start3A_206 = tpu.memref_slice %arg5[%add3A_194] : memref<331776xi32, #tpu.memory_space<hbm>> -> memref<128xi32, #tpu.memory_space<hbm>>
        tpu.enqueue_dma source(%dma_start3A_206 : memref<128xi32, #tpu.memory_space<hbm>>) target(%dma_start3A_205 : memref<128xi32, #tpu.memory_space<vmem>>) target_semaphore(%arg23 : memref<!tpu.dma_semaphore, #tpu.memory_space<semaphore_mem>>)
      } else {
      }
      %add3A_93 = arith.constant 1 : i32
      %add3A_94 = arith.addi %add3A_84, %add3A_93 : i32
      %lt3A_95 = arith.constant 81 : i32
      %lt3A_96 = arith.cmpi slt, %add3A_94, %lt3A_95 : i32
      %convert_element_type3A_97 = arith.extui %lt3A_96 : i1 to i32
      %cond3A_98 = arith.constant 0 : i32
      %cond3A_99 = arith.cmpi ne, %convert_element_type3A_97, %cond3A_98 : i32
      scf.if %cond3A_99 {
        %add3A_173 = arith.constant 1 : i32
        %add3A_174 = arith.addi %add3A_84, %add3A_173 : i32
        %ge3A_175 = arith.constant 2 : i32
        %ge3A_176 = arith.cmpi sge, %add3A_174, %ge3A_175 : i32
        %convert_element_type3A_177 = arith.extui %ge3A_176 : i1 to i32
        %cond3A_178 = arith.constant 0 : i32
        %cond3A_179 = arith.cmpi ne, %convert_element_type3A_177, %cond3A_178 : i32
        scf.if %cond3A_179 {
          %dma_wait3A_200 = arith.constant 0 : i32
          %dma_wait3A_201 = arith.constant 0 : i32
          %dma_wait3A_202 = tpu.memref_slice %arg8[%dma_wait3A_200, %dma_wait3A_201] : memref<4x128xi32, #tpu.memory_space<vmem>> -> memref<1x128xi32, #tpu.memory_space<vmem>>
          %dma_wait3A_203 = tpu.memref_squeeze %dma_wait3A_202 : memref<1x128xi32, #tpu.memory_space<vmem>> -> memref<128xi32, #tpu.memory_space<vmem>>
          %dma_wait3A_204 = tpu.memref_slice %arg4[%mul3A_2] : memref<331776xi32, #tpu.memory_space<hbm>> -> memref<128xi32, #tpu.memory_space<hbm>>
          %dma_wait3A_205 = arith.constant 0 : i32
          %dma_wait3A_206 = tpu.memref_slice %arg8[%dma_wait3A_200, %dma_wait3A_205] : memref<4x128xi32, #tpu.memory_space<vmem>> -> memref<1x128xi32, #tpu.memory_space<vmem>>
          %dma_wait3A_207 = tpu.memref_squeeze %dma_wait3A_206 : memref<1x128xi32, #tpu.memory_space<vmem>> -> memref<128xi32, #tpu.memory_space<vmem>>
          %dma_wait3A_208 = tpu.memref_slice %arg4[%mul3A_2] : memref<331776xi32, #tpu.memory_space<hbm>> -> memref<128xi32, #tpu.memory_space<hbm>>
          tpu.wait_dma2 semaphore(%arg22 : memref<!tpu.dma_semaphore, #tpu.memory_space<semaphore_mem>>) src(%dma_wait3A_208 : memref<128xi32, #tpu.memory_space<hbm>>) dst(%dma_wait3A_207 : memref<128xi32, #tpu.memory_space<vmem>>)
          %dma_wait3A_209 = arith.constant 0 : i32
          %dma_wait3A_210 = arith.constant 0 : i32
          %dma_wait3A_211 = tpu.memref_slice %arg9[%dma_wait3A_209, %dma_wait3A_210] : memref<4x128xi32, #tpu.memory_space<vmem>> -> memref<1x128xi32, #tpu.memory_space<vmem>>
          %dma_wait3A_212 = tpu.memref_squeeze %dma_wait3A_211 : memref<1x128xi32, #tpu.memory_space<vmem>> -> memref<128xi32, #tpu.memory_space<vmem>>
          %dma_wait3A_213 = tpu.memref_slice %arg5[%mul3A_2] : memref<331776xi32, #tpu.memory_space<hbm>> -> memref<128xi32, #tpu.memory_space<hbm>>
          %dma_wait3A_214 = arith.constant 0 : i32
          %dma_wait3A_215 = tpu.memref_slice %arg9[%dma_wait3A_209, %dma_wait3A_214] : memref<4x128xi32, #tpu.memory_space<vmem>> -> memref<1x128xi32, #tpu.memory_space<vmem>>
          %dma_wait3A_216 = tpu.memref_squeeze %dma_wait3A_215 : memref<1x128xi32, #tpu.memory_space<vmem>> -> memref<128xi32, #tpu.memory_space<vmem>>
          %dma_wait3A_217 = tpu.memref_slice %arg5[%mul3A_2] : memref<331776xi32, #tpu.memory_space<hbm>> -> memref<128xi32, #tpu.memory_space<hbm>>
          tpu.wait_dma2 semaphore(%arg24 : memref<!tpu.dma_semaphore, #tpu.memory_space<semaphore_mem>>) src(%dma_wait3A_217 : memref<128xi32, #tpu.memory_space<hbm>>) dst(%dma_wait3A_216 : memref<128xi32, #tpu.memory_space<vmem>>)
        } else {
        }
        %add3A_180 = arith.constant 1 : i32
        %add3A_181 = arith.addi %add3A_84, %add3A_180 : i32
        %and3A_182 = arith.constant 3 : i32
        %and3A_183 = arith.andi %add3A_181, %and3A_182 : i32
        %dma_start3A_184 = arith.constant 0 : i32
        %dma_start3A_185 = tpu.memref_slice %arg8[%and3A_183, %dma_start3A_184] : memref<4x128xi32, #tpu.memory_space<vmem>> -> memref<1x128xi32, #tpu.memory_space<vmem>>
        %dma_start3A_186 = tpu.memref_squeeze %dma_start3A_185 : memref<1x128xi32, #tpu.memory_space<vmem>> -> memref<128xi32, #tpu.memory_space<vmem>>
        %dma_start3A_187 = arith.constant 0 : i32
        %dma_start3A_188 = arith.constant 0 : i32
        %dma_start3A_189 = tpu.memref_slice %arg2[%dma_start3A_187, %dma_start3A_188] : memref<10240x80xf32, #tpu.memory_space<hbm>> -> memref<10240x80xf32, #tpu.memory_space<hbm>>
        tpu.enqueue_indirect_dma source(%dma_start3A_189 : memref<10240x80xf32, #tpu.memory_space<hbm>>) target(%arg11 : memref<128x80xf32, #tpu.memory_space<vmem>>) offsets(%dma_start3A_186 : memref<128xi32, #tpu.memory_space<vmem>>) semaphore(%arg16 : memref<!tpu.dma_semaphore, #tpu.memory_space<semaphore_mem>>)
        %add3A_190 = arith.constant 1 : i32
        %add3A_191 = arith.addi %add3A_84, %add3A_190 : i32
        %and3A_192 = arith.constant 3 : i32
        %and3A_193 = arith.andi %add3A_191, %and3A_192 : i32
        %dma_start3A_194 = arith.constant 0 : i32
        %dma_start3A_195 = tpu.memref_slice %arg9[%and3A_193, %dma_start3A_194] : memref<4x128xi32, #tpu.memory_space<vmem>> -> memref<1x128xi32, #tpu.memory_space<vmem>>
        %dma_start3A_196 = tpu.memref_squeeze %dma_start3A_195 : memref<1x128xi32, #tpu.memory_space<vmem>> -> memref<128xi32, #tpu.memory_space<vmem>>
        %dma_start3A_197 = arith.constant 0 : i32
        %dma_start3A_198 = arith.constant 0 : i32
        %dma_start3A_199 = tpu.memref_slice %arg3[%dma_start3A_197, %dma_start3A_198] : memref<10240x16xf32, #tpu.memory_space<hbm>> -> memref<10240x16xf32, #tpu.memory_space<hbm>>
        tpu.enqueue_indirect_dma source(%dma_start3A_199 : memref<10240x16xf32, #tpu.memory_space<hbm>>) target(%arg13 : memref<128x16xf32, #tpu.memory_space<vmem>>) offsets(%dma_start3A_196 : memref<128xi32, #tpu.memory_space<vmem>>) semaphore(%arg18 : memref<!tpu.dma_semaphore, #tpu.memory_space<semaphore_mem>>)
      } else {
      }
      %dma_wait3A_100 = arith.constant 0 : i32
      %dma_wait3A_101 = arith.constant 0 : i32
      %dma_wait3A_102 = tpu.memref_slice %arg8[%dma_wait3A_100, %dma_wait3A_101] : memref<4x128xi32, #tpu.memory_space<vmem>> -> memref<1x128xi32, #tpu.memory_space<vmem>>
      %dma_wait3A_103 = tpu.memref_squeeze %dma_wait3A_102 : memref<1x128xi32, #tpu.memory_space<vmem>> -> memref<128xi32, #tpu.memory_space<vmem>>
      %dma_wait3A_104 = arith.constant 0 : i32
      %dma_wait3A_105 = arith.constant 0 : i32
      %dma_wait3A_106 = tpu.memref_slice %arg2[%dma_wait3A_104, %dma_wait3A_105] : memref<10240x80xf32, #tpu.memory_space<hbm>> -> memref<10240x80xf32, #tpu.memory_space<hbm>>
      tpu.wait_indirect_dma semaphore(%arg15 : memref<!tpu.dma_semaphore, #tpu.memory_space<semaphore_mem>>) src(%dma_wait3A_106 : memref<10240x80xf32, #tpu.memory_space<hbm>>) dst(%arg10 : memref<128x80xf32, #tpu.memory_space<vmem>>)
      %dma_wait3A_107 = arith.constant 0 : i32
      %dma_wait3A_108 = arith.constant 0 : i32
      %dma_wait3A_109 = tpu.memref_slice %arg9[%dma_wait3A_107, %dma_wait3A_108] : memref<4x128xi32, #tpu.memory_space<vmem>> -> memref<1x128xi32, #tpu.memory_space<vmem>>
      %dma_wait3A_110 = tpu.memref_squeeze %dma_wait3A_109 : memref<1x128xi32, #tpu.memory_space<vmem>> -> memref<128xi32, #tpu.memory_space<vmem>>
      %dma_wait3A_111 = arith.constant 0 : i32
      %dma_wait3A_112 = arith.constant 0 : i32
      %dma_wait3A_113 = tpu.memref_slice %arg3[%dma_wait3A_111, %dma_wait3A_112] : memref<10240x16xf32, #tpu.memory_space<hbm>> -> memref<10240x16xf32, #tpu.memory_space<hbm>>
      tpu.wait_indirect_dma semaphore(%arg17 : memref<!tpu.dma_semaphore, #tpu.memory_space<semaphore_mem>>) src(%dma_wait3A_113 : memref<10240x16xf32, #tpu.memory_space<hbm>>) dst(%arg12 : memref<128x16xf32, #tpu.memory_space<vmem>>)
      %parallel_loop3A_114 = arith.constant 0 : i32
      %parallel_loop3A_115 = arith.constant 128 : i32
      %parallel_loop3A_116 = arith.constant 1 : i32
      scf.for %parallel_loop3A_173 = %parallel_loop3A_114 to %parallel_loop3A_115 step %parallel_loop3A_116  : i32 {
        %parallel_loop3A_174 = arith.index_cast %parallel_loop3A_173 : i32 to index
        %parallel_loop3A_175 = arith.constant 64 : index
        %parallel_loop3A_176 = tpu.vector_load %arg10[%parallel_loop3A_174, %parallel_loop3A_175] {strides = array<i32>} : memref<128x80xf32, #tpu.memory_space<vmem>>, vector<1x16xf32>,
        %parallel_loop3A_177 = vector.shape_cast %parallel_loop3A_176 : vector<1x16xf32> to vector<16xf32>
        %parallel_loop3A_178 = arith.index_cast %parallel_loop3A_173 : i32 to index
        %parallel_loop3A_179 = arith.constant 0 : index
        %parallel_loop3A_180 = tpu.vector_load %arg12[%parallel_loop3A_178, %parallel_loop3A_179] {strides = array<i32>} : memref<128x16xf32, #tpu.memory_space<vmem>>, vector<1x16xf32>,
        %parallel_loop3A_181 = vector.shape_cast %parallel_loop3A_180 : vector<1x16xf32> to vector<16xf32>
        %parallel_loop3A_182 = arith.addf %parallel_loop3A_177, %parallel_loop3A_181 : vector<16xf32>
        %parallel_loop3A_183 = arith.constant 2.000000e-01 : f32
        %parallel_loop3A_184 = vector.broadcast %parallel_loop3A_183 : f32 to vector<16xf32>
        %parallel_loop3A_185 = arith.mulf %parallel_loop3A_184, %parallel_loop3A_182 : vector<16xf32>
        %parallel_loop3A_186 = arith.maximumf %parallel_loop3A_182, %parallel_loop3A_185 : vector<16xf32>
        %parallel_loop3A_187 = math.exp %parallel_loop3A_186 : vector<16xf32>
        %parallel_loop3A_188 = arith.index_cast %parallel_loop3A_173 : i32 to index
        %parallel_loop3A_189 = arith.constant 0 : index
        %parallel_loop3A_190 = tpu.vector_load %arg10[%parallel_loop3A_188, %parallel_loop3A_189] {strides = array<i32>} : memref<128x80xf32, #tpu.memory_space<vmem>>, vector<1x16xf32>,
        %parallel_loop3A_191 = vector.shape_cast %parallel_loop3A_190 : vector<1x16xf32> to vector<16xf32>
        %parallel_loop3A_192 = arith.mulf %parallel_loop3A_191, %parallel_loop3A_187 : vector<16xf32>
        %parallel_loop3A_193 = arith.index_cast %parallel_loop3A_173 : i32 to index
        %parallel_loop3A_194 = arith.constant 0 : index
        %parallel_loop3A_195 = tpu.vector_load %arg10[%parallel_loop3A_193, %parallel_loop3A_194] {strides = array<i32>} : memref<128x80xf32, #tpu.memory_space<vmem>>, vector<1x16xf32>,
        %parallel_loop3A_196 = vector.shape_cast %parallel_loop3A_195 : vector<1x16xf32> to vector<16xf32>
        %parallel_loop3A_197 = vector.shape_cast %parallel_loop3A_192 : vector<16xf32> to vector<1x16xf32>
        tpu.vector_store %arg10[%parallel_loop3A_193, %parallel_loop3A_194], %parallel_loop3A_197 {strides = array<i32>} : memref<128x80xf32, #tpu.memory_space<vmem>>, vector<1x16xf32>,
        %parallel_loop3A_198 = arith.index_cast %parallel_loop3A_173 : i32 to index
        %parallel_loop3A_199 = arith.constant 16 : index
        %parallel_loop3A_200 = tpu.vector_load %arg10[%parallel_loop3A_198, %parallel_loop3A_199] {strides = array<i32>} : memref<128x80xf32, #tpu.memory_space<vmem>>, vector<1x16xf32>,
        %parallel_loop3A_201 = vector.shape_cast %parallel_loop3A_200 : vector<1x16xf32> to vector<16xf32>
        %parallel_loop3A_202 = arith.mulf %parallel_loop3A_201, %parallel_loop3A_187 : vector<16xf32>
        %parallel_loop3A_203 = arith.index_cast %parallel_loop3A_173 : i32 to index
        %parallel_loop3A_204 = arith.constant 16 : index
        %parallel_loop3A_205 = tpu.vector_load %arg10[%parallel_loop3A_203, %parallel_loop3A_204] {strides = array<i32>} : memref<128x80xf32, #tpu.memory_space<vmem>>, vector<1x16xf32>,
        %parallel_loop3A_206 = vector.shape_cast %parallel_loop3A_205 : vector<1x16xf32> to vector<16xf32>
        %parallel_loop3A_207 = vector.shape_cast %parallel_loop3A_202 : vector<16xf32> to vector<1x16xf32>
        tpu.vector_store %arg10[%parallel_loop3A_203, %parallel_loop3A_204], %parallel_loop3A_207 {strides = array<i32>} : memref<128x80xf32, #tpu.memory_space<vmem>>, vector<1x16xf32>,
        %parallel_loop3A_208 = arith.index_cast %parallel_loop3A_173 : i32 to index
        %parallel_loop3A_209 = arith.constant 32 : index
        %parallel_loop3A_210 = tpu.vector_load %arg10[%parallel_loop3A_208, %parallel_loop3A_209] {strides = array<i32>} : memref<128x80xf32, #tpu.memory_space<vmem>>, vector<1x16xf32>,
        %parallel_loop3A_211 = vector.shape_cast %parallel_loop3A_210 : vector<1x16xf32> to vector<16xf32>
        %parallel_loop3A_212 = arith.mulf %parallel_loop3A_211, %parallel_loop3A_187 : vector<16xf32>
        %parallel_loop3A_213 = arith.index_cast %parallel_loop3A_173 : i32 to index
        %parallel_loop3A_214 = arith.constant 32 : index
        %parallel_loop3A_215 = tpu.vector_load %arg10[%parallel_loop3A_213, %parallel_loop3A_214] {strides = array<i32>} : memref<128x80xf32, #tpu.memory_space<vmem>>, vector<1x16xf32>,
        %parallel_loop3A_216 = vector.shape_cast %parallel_loop3A_215 : vector<1x16xf32> to vector<16xf32>
        %parallel_loop3A_217 = vector.shape_cast %parallel_loop3A_212 : vector<16xf32> to vector<1x16xf32>
        tpu.vector_store %arg10[%parallel_loop3A_213, %parallel_loop3A_214], %parallel_loop3A_217 {strides = array<i32>} : memref<128x80xf32, #tpu.memory_space<vmem>>, vector<1x16xf32>,
        %parallel_loop3A_218 = arith.index_cast %parallel_loop3A_173 : i32 to index
        %parallel_loop3A_219 = arith.constant 48 : index
        %parallel_loop3A_220 = tpu.vector_load %arg10[%parallel_loop3A_218, %parallel_loop3A_219] {strides = array<i32>} : memref<128x80xf32, #tpu.memory_space<vmem>>, vector<1x16xf32>,
        %parallel_loop3A_221 = vector.shape_cast %parallel_loop3A_220 : vector<1x16xf32> to vector<16xf32>
        %parallel_loop3A_222 = arith.mulf %parallel_loop3A_221, %parallel_loop3A_187 : vector<16xf32>
        %parallel_loop3A_223 = arith.index_cast %parallel_loop3A_173 : i32 to index
        %parallel_loop3A_224 = arith.constant 48 : index
        %parallel_loop3A_225 = tpu.vector_load %arg10[%parallel_loop3A_223, %parallel_loop3A_224] {strides = array<i32>} : memref<128x80xf32, #tpu.memory_space<vmem>>, vector<1x16xf32>,
        %parallel_loop3A_226 = vector.shape_cast %parallel_loop3A_225 : vector<1x16xf32> to vector<16xf32>
        %parallel_loop3A_227 = vector.shape_cast %parallel_loop3A_222 : vector<16xf32> to vector<1x16xf32>
        tpu.vector_store %arg10[%parallel_loop3A_223, %parallel_loop3A_224], %parallel_loop3A_227 {strides = array<i32>} : memref<128x80xf32, #tpu.memory_space<vmem>>, vector<1x16xf32>,
        %parallel_loop3A_228 = arith.index_cast %parallel_loop3A_173 : i32 to index
        %parallel_loop3A_229 = arith.constant 64 : index
        %parallel_loop3A_230 = tpu.vector_load %arg10[%parallel_loop3A_228, %parallel_loop3A_229] {strides = array<i32>} : memref<128x80xf32, #tpu.memory_space<vmem>>, vector<1x16xf32>,
        %parallel_loop3A_231 = vector.shape_cast %parallel_loop3A_230 : vector<1x16xf32> to vector<16xf32>
        %parallel_loop3A_232 = vector.shape_cast %parallel_loop3A_187 : vector<16xf32> to vector<1x16xf32>
        tpu.vector_store %arg10[%parallel_loop3A_228, %parallel_loop3A_229], %parallel_loop3A_232 {strides = array<i32>} : memref<128x80xf32, #tpu.memory_space<vmem>>, vector<1x16xf32>,
      } {sc.loop_unroll_factor = 4 : i64, sc.parallel_access}
      %and3A = arith.constant 3 : i32
      %and3A_117 = arith.andi %add3A_84, %and3A : i32
      %dma_start3A_118 = arith.constant 0 : i32
      %dma_start3A_119 = tpu.memref_slice %arg9[%and3A_117, %dma_start3A_118] : memref<4x128xi32, #tpu.memory_space<vmem>> -> memref<1x128xi32, #tpu.memory_space<vmem>>
      %dma_start3A_120 = tpu.memref_squeeze %dma_start3A_119 : memref<1x128xi32, #tpu.memory_space<vmem>> -> memref<128xi32, #tpu.memory_space<vmem>>
      %dma_start3A_121 = arith.constant 0 : i32
      %dma_start3A_122 = arith.constant 0 : i32
      %dma_start3A_123 = tpu.memref_slice %arg14[%dma_start3A_121, %dma_start3A_122] : memref<10240x80xf32, #tpu.memory_space<vmem_shared>> -> memref<10240x80xf32, #tpu.memory_space<vmem_shared>>
      tpu.enqueue_indirect_dma source(%arg10 : memref<128x80xf32, #tpu.memory_space<vmem>>) target(%dma_start3A_123 : memref<10240x80xf32, #tpu.memory_space<vmem_shared>>) offsets(%dma_start3A_120 : memref<128xi32, #tpu.memory_space<vmem>>) semaphore(%arg19 : memref<!tpu.dma_semaphore, #tpu.memory_space<semaphore_mem>>) {add = true}
      %mul3A_124 = arith.constant 2 : i32
      %mul3A_125 = arith.muli %mul3A_124, %scan3A_79 : i32
      %add3A_126 = arith.constant 1 : i32
      %add3A_127 = arith.addi %mul3A_125, %add3A_126 : i32
      %ge3A_128 = arith.constant 1 : i32
      %ge3A_129 = arith.cmpi sge, %add3A_127, %ge3A_128 : i32
      %convert_element_type3A_130 = arith.extui %ge3A_129 : i1 to i32
      %cond3A_131 = arith.constant 0 : i32
      %cond3A_132 = arith.cmpi ne, %convert_element_type3A_130, %cond3A_131 : i32
      scf.if %cond3A_132 {
        %dma_wait3A_173 = arith.constant 0 : i32
        %dma_wait3A_174 = arith.constant 0 : i32
        %dma_wait3A_175 = tpu.memref_slice %arg9[%dma_wait3A_173, %dma_wait3A_174] : memref<4x128xi32, #tpu.memory_space<vmem>> -> memref<1x128xi32, #tpu.memory_space<vmem>>
        %dma_wait3A_176 = tpu.memref_squeeze %dma_wait3A_175 : memref<1x128xi32, #tpu.memory_space<vmem>> -> memref<128xi32, #tpu.memory_space<vmem>>
        %dma_wait3A_177 = arith.constant 0 : i32
        %dma_wait3A_178 = arith.constant 0 : i32
        %dma_wait3A_179 = tpu.memref_slice %arg14[%dma_wait3A_177, %dma_wait3A_178] : memref<10240x80xf32, #tpu.memory_space<vmem_shared>> -> memref<10240x80xf32, #tpu.memory_space<vmem_shared>>
        tpu.wait_indirect_dma semaphore(%arg19 : memref<!tpu.dma_semaphore, #tpu.memory_space<semaphore_mem>>) src(%arg10 : memref<128x80xf32, #tpu.memory_space<vmem>>) dst(%dma_wait3A_179 : memref<10240x80xf32, #tpu.memory_space<vmem_shared>>)
      } else {
      }
      %add3A_133 = arith.constant 2 : i32
      %add3A_134 = arith.addi %add3A_127, %add3A_133 : i32
      %lt3A_135 = arith.constant 81 : i32
      %lt3A_136 = arith.cmpi slt, %add3A_134, %lt3A_135 : i32
      %convert_element_type3A_137 = arith.extui %lt3A_136 : i1 to i32
      %cond3A_138 = arith.constant 0 : i32
      %cond3A_139 = arith.cmpi ne, %convert_element_type3A_137, %cond3A_138 : i32
      scf.if %cond3A_139 {
        %add3A_173 = arith.constant 2 : i32
        %add3A_174 = arith.addi %add3A_127, %add3A_173 : i32
        %mul3A_175 = arith.constant 128 : i32
        %mul3A_176 = arith.muli %add3A_174, %mul3A_175 : i32
        %add3A_177 = arith.addi %mul3A_2, %mul3A_176 : i32
        %add3A_178 = arith.constant 2 : i32
        %add3A_179 = arith.addi %add3A_127, %add3A_178 : i32
        %and3A_180 = arith.constant 3 : i32
        %and3A_181 = arith.andi %add3A_179, %and3A_180 : i32
        %dma_start3A_182 = arith.constant 0 : i32
        %dma_start3A_183 = tpu.memref_slice %arg8[%and3A_181, %dma_start3A_182] : memref<4x128xi32, #tpu.memory_space<vmem>> -> memref<1x128xi32, #tpu.memory_space<vmem>>
        %dma_start3A_184 = tpu.memref_squeeze %dma_start3A_183 : memref<1x128xi32, #tpu.memory_space<vmem>> -> memref<128xi32, #tpu.memory_space<vmem>>
        %dma_start3A_185 = tpu.memref_slice %arg4[%add3A_177] : memref<331776xi32, #tpu.memory_space<hbm>> -> memref<128xi32, #tpu.memory_space<hbm>>
        %dma_start3A_186 = arith.constant 0 : i32
        %dma_start3A_187 = tpu.memref_slice %arg8[%and3A_181, %dma_start3A_186] : memref<4x128xi32, #tpu.memory_space<vmem>> -> memref<1x128xi32, #tpu.memory_space<vmem>>
        %dma_start3A_188 = tpu.memref_squeeze %dma_start3A_187 : memref<1x128xi32, #tpu.memory_space<vmem>> -> memref<128xi32, #tpu.memory_space<vmem>>
        %dma_start3A_189 = tpu.memref_slice %arg4[%add3A_177] : memref<331776xi32, #tpu.memory_space<hbm>> -> memref<128xi32, #tpu.memory_space<hbm>>
        tpu.enqueue_dma source(%dma_start3A_189 : memref<128xi32, #tpu.memory_space<hbm>>) target(%dma_start3A_188 : memref<128xi32, #tpu.memory_space<vmem>>) target_semaphore(%arg22 : memref<!tpu.dma_semaphore, #tpu.memory_space<semaphore_mem>>)
        %add3A_190 = arith.constant 2 : i32
        %add3A_191 = arith.addi %add3A_127, %add3A_190 : i32
        %mul3A_192 = arith.constant 128 : i32
        %mul3A_193 = arith.muli %add3A_191, %mul3A_192 : i32
        %add3A_194 = arith.addi %mul3A_2, %mul3A_193 : i32
        %add3A_195 = arith.constant 2 : i32
        %add3A_196 = arith.addi %add3A_127, %add3A_195 : i32
        %and3A_197 = arith.constant 3 : i32
        %and3A_198 = arith.andi %add3A_196, %and3A_197 : i32
        %dma_start3A_199 = arith.constant 0 : i32
        %dma_start3A_200 = tpu.memref_slice %arg9[%and3A_198, %dma_start3A_199] : memref<4x128xi32, #tpu.memory_space<vmem>> -> memref<1x128xi32, #tpu.memory_space<vmem>>
        %dma_start3A_201 = tpu.memref_squeeze %dma_start3A_200 : memref<1x128xi32, #tpu.memory_space<vmem>> -> memref<128xi32, #tpu.memory_space<vmem>>
        %dma_start3A_202 = tpu.memref_slice %arg5[%add3A_194] : memref<331776xi32, #tpu.memory_space<hbm>> -> memref<128xi32, #tpu.memory_space<hbm>>
        %dma_start3A_203 = arith.constant 0 : i32
        %dma_start3A_204 = tpu.memref_slice %arg9[%and3A_198, %dma_start3A_203] : memref<4x128xi32, #tpu.memory_space<vmem>> -> memref<1x128xi32, #tpu.memory_space<vmem>>
        %dma_start3A_205 = tpu.memref_squeeze %dma_start3A_204 : memref<1x128xi32, #tpu.memory_space<vmem>> -> memref<128xi32, #tpu.memory_space<vmem>>
        %dma_start3A_206 = tpu.memref_slice %arg5[%add3A_194] : memref<331776xi32, #tpu.memory_space<hbm>> -> memref<128xi32, #tpu.memory_space<hbm>>
        tpu.enqueue_dma source(%dma_start3A_206 : memref<128xi32, #tpu.memory_space<hbm>>) target(%dma_start3A_205 : memref<128xi32, #tpu.memory_space<vmem>>) target_semaphore(%arg24 : memref<!tpu.dma_semaphore, #tpu.memory_space<semaphore_mem>>)
      } else {
      }
      %add3A_140 = arith.constant 1 : i32
      %add3A_141 = arith.addi %add3A_127, %add3A_140 : i32
      %lt3A_142 = arith.constant 81 : i32
      %lt3A_143 = arith.cmpi slt, %add3A_141, %lt3A_142 : i32
      %convert_element_type3A_144 = arith.extui %lt3A_143 : i1 to i32
      %cond3A_145 = arith.constant 0 : i32
      %cond3A_146 = arith.cmpi ne, %convert_element_type3A_144, %cond3A_145 : i32
      scf.if %cond3A_146 {
        %add3A_173 = arith.constant 1 : i32
        %add3A_174 = arith.addi %add3A_127, %add3A_173 : i32
        %ge3A_175 = arith.constant 2 : i32
        %ge3A_176 = arith.cmpi sge, %add3A_174, %ge3A_175 : i32
        %convert_element_type3A_177 = arith.extui %ge3A_176 : i1 to i32
        %cond3A_178 = arith.constant 0 : i32
        %cond3A_179 = arith.cmpi ne, %convert_element_type3A_177, %cond3A_178 : i32
        scf.if %cond3A_179 {
          %dma_wait3A_200 = arith.constant 0 : i32
          %dma_wait3A_201 = arith.constant 0 : i32
          %dma_wait3A_202 = tpu.memref_slice %arg8[%dma_wait3A_200, %dma_wait3A_201] : memref<4x128xi32, #tpu.memory_space<vmem>> -> memref<1x128xi32, #tpu.memory_space<vmem>>
          %dma_wait3A_203 = tpu.memref_squeeze %dma_wait3A_202 : memref<1x128xi32, #tpu.memory_space<vmem>> -> memref<128xi32, #tpu.memory_space<vmem>>
          %dma_wait3A_204 = tpu.memref_slice %arg4[%mul3A_2] : memref<331776xi32, #tpu.memory_space<hbm>> -> memref<128xi32, #tpu.memory_space<hbm>>
          %dma_wait3A_205 = arith.constant 0 : i32
          %dma_wait3A_206 = tpu.memref_slice %arg8[%dma_wait3A_200, %dma_wait3A_205] : memref<4x128xi32, #tpu.memory_space<vmem>> -> memref<1x128xi32, #tpu.memory_space<vmem>>
          %dma_wait3A_207 = tpu.memref_squeeze %dma_wait3A_206 : memref<1x128xi32, #tpu.memory_space<vmem>> -> memref<128xi32, #tpu.memory_space<vmem>>
          %dma_wait3A_208 = tpu.memref_slice %arg4[%mul3A_2] : memref<331776xi32, #tpu.memory_space<hbm>> -> memref<128xi32, #tpu.memory_space<hbm>>
          tpu.wait_dma2 semaphore(%arg21 : memref<!tpu.dma_semaphore, #tpu.memory_space<semaphore_mem>>) src(%dma_wait3A_208 : memref<128xi32, #tpu.memory_space<hbm>>) dst(%dma_wait3A_207 : memref<128xi32, #tpu.memory_space<vmem>>)
          %dma_wait3A_209 = arith.constant 0 : i32
          %dma_wait3A_210 = arith.constant 0 : i32
          %dma_wait3A_211 = tpu.memref_slice %arg9[%dma_wait3A_209, %dma_wait3A_210] : memref<4x128xi32, #tpu.memory_space<vmem>> -> memref<1x128xi32, #tpu.memory_space<vmem>>
          %dma_wait3A_212 = tpu.memref_squeeze %dma_wait3A_211 : memref<1x128xi32, #tpu.memory_space<vmem>> -> memref<128xi32, #tpu.memory_space<vmem>>
          %dma_wait3A_213 = tpu.memref_slice %arg5[%mul3A_2] : memref<331776xi32, #tpu.memory_space<hbm>> -> memref<128xi32, #tpu.memory_space<hbm>>
          %dma_wait3A_214 = arith.constant 0 : i32
          %dma_wait3A_215 = tpu.memref_slice %arg9[%dma_wait3A_209, %dma_wait3A_214] : memref<4x128xi32, #tpu.memory_space<vmem>> -> memref<1x128xi32, #tpu.memory_space<vmem>>
          %dma_wait3A_216 = tpu.memref_squeeze %dma_wait3A_215 : memref<1x128xi32, #tpu.memory_space<vmem>> -> memref<128xi32, #tpu.memory_space<vmem>>
          %dma_wait3A_217 = tpu.memref_slice %arg5[%mul3A_2] : memref<331776xi32, #tpu.memory_space<hbm>> -> memref<128xi32, #tpu.memory_space<hbm>>
          tpu.wait_dma2 semaphore(%arg23 : memref<!tpu.dma_semaphore, #tpu.memory_space<semaphore_mem>>) src(%dma_wait3A_217 : memref<128xi32, #tpu.memory_space<hbm>>) dst(%dma_wait3A_216 : memref<128xi32, #tpu.memory_space<vmem>>)
        } else {
        }
        %add3A_180 = arith.constant 1 : i32
        %add3A_181 = arith.addi %add3A_127, %add3A_180 : i32
        %and3A_182 = arith.constant 3 : i32
        %and3A_183 = arith.andi %add3A_181, %and3A_182 : i32
        %dma_start3A_184 = arith.constant 0 : i32
        %dma_start3A_185 = tpu.memref_slice %arg8[%and3A_183, %dma_start3A_184] : memref<4x128xi32, #tpu.memory_space<vmem>> -> memref<1x128xi32, #tpu.memory_space<vmem>>
        %dma_start3A_186 = tpu.memref_squeeze %dma_start3A_185 : memref<1x128xi32, #tpu.memory_space<vmem>> -> memref<128xi32, #tpu.memory_space<vmem>>
        %dma_start3A_187 = arith.constant 0 : i32
        %dma_start3A_188 = arith.constant 0 : i32
        %dma_start3A_189 = tpu.memref_slice %arg2[%dma_start3A_187, %dma_start3A_188] : memref<10240x80xf32, #tpu.memory_space<hbm>> -> memref<10240x80xf32, #tpu.memory_space<hbm>>
        tpu.enqueue_indirect_dma source(%dma_start3A_189 : memref<10240x80xf32, #tpu.memory_space<hbm>>) target(%arg10 : memref<128x80xf32, #tpu.memory_space<vmem>>) offsets(%dma_start3A_186 : memref<128xi32, #tpu.memory_space<vmem>>) semaphore(%arg15 : memref<!tpu.dma_semaphore, #tpu.memory_space<semaphore_mem>>)
        %add3A_190 = arith.constant 1 : i32
        %add3A_191 = arith.addi %add3A_127, %add3A_190 : i32
        %and3A_192 = arith.constant 3 : i32
        %and3A_193 = arith.andi %add3A_191, %and3A_192 : i32
        %dma_start3A_194 = arith.constant 0 : i32
        %dma_start3A_195 = tpu.memref_slice %arg9[%and3A_193, %dma_start3A_194] : memref<4x128xi32, #tpu.memory_space<vmem>> -> memref<1x128xi32, #tpu.memory_space<vmem>>
        %dma_start3A_196 = tpu.memref_squeeze %dma_start3A_195 : memref<1x128xi32, #tpu.memory_space<vmem>> -> memref<128xi32, #tpu.memory_space<vmem>>
        %dma_start3A_197 = arith.constant 0 : i32
        %dma_start3A_198 = arith.constant 0 : i32
        %dma_start3A_199 = tpu.memref_slice %arg3[%dma_start3A_197, %dma_start3A_198] : memref<10240x16xf32, #tpu.memory_space<hbm>> -> memref<10240x16xf32, #tpu.memory_space<hbm>>
        tpu.enqueue_indirect_dma source(%dma_start3A_199 : memref<10240x16xf32, #tpu.memory_space<hbm>>) target(%arg12 : memref<128x16xf32, #tpu.memory_space<vmem>>) offsets(%dma_start3A_196 : memref<128xi32, #tpu.memory_space<vmem>>) semaphore(%arg17 : memref<!tpu.dma_semaphore, #tpu.memory_space<semaphore_mem>>)
      } else {
      }
      %dma_wait3A_147 = arith.constant 0 : i32
      %dma_wait3A_148 = arith.constant 0 : i32
      %dma_wait3A_149 = tpu.memref_slice %arg8[%dma_wait3A_147, %dma_wait3A_148] : memref<4x128xi32, #tpu.memory_space<vmem>> -> memref<1x128xi32, #tpu.memory_space<vmem>>
      %dma_wait3A_150 = tpu.memref_squeeze %dma_wait3A_149 : memref<1x128xi32, #tpu.memory_space<vmem>> -> memref<128xi32, #tpu.memory_space<vmem>>
      %dma_wait3A_151 = arith.constant 0 : i32
      %dma_wait3A_152 = arith.constant 0 : i32
      %dma_wait3A_153 = tpu.memref_slice %arg2[%dma_wait3A_151, %dma_wait3A_152] : memref<10240x80xf32, #tpu.memory_space<hbm>> -> memref<10240x80xf32, #tpu.memory_space<hbm>>
      tpu.wait_indirect_dma semaphore(%arg16 : memref<!tpu.dma_semaphore, #tpu.memory_space<semaphore_mem>>) src(%dma_wait3A_153 : memref<10240x80xf32, #tpu.memory_space<hbm>>) dst(%arg11 : memref<128x80xf32, #tpu.memory_space<vmem>>)
      %dma_wait3A_154 = arith.constant 0 : i32
      %dma_wait3A_155 = arith.constant 0 : i32
      %dma_wait3A_156 = tpu.memref_slice %arg9[%dma_wait3A_154, %dma_wait3A_155] : memref<4x128xi32, #tpu.memory_space<vmem>> -> memref<1x128xi32, #tpu.memory_space<vmem>>
      %dma_wait3A_157 = tpu.memref_squeeze %dma_wait3A_156 : memref<1x128xi32, #tpu.memory_space<vmem>> -> memref<128xi32, #tpu.memory_space<vmem>>
      %dma_wait3A_158 = arith.constant 0 : i32
      %dma_wait3A_159 = arith.constant 0 : i32
      %dma_wait3A_160 = tpu.memref_slice %arg3[%dma_wait3A_158, %dma_wait3A_159] : memref<10240x16xf32, #tpu.memory_space<hbm>> -> memref<10240x16xf32, #tpu.memory_space<hbm>>
      tpu.wait_indirect_dma semaphore(%arg18 : memref<!tpu.dma_semaphore, #tpu.memory_space<semaphore_mem>>) src(%dma_wait3A_160 : memref<10240x16xf32, #tpu.memory_space<hbm>>) dst(%arg13 : memref<128x16xf32, #tpu.memory_space<vmem>>)
      %parallel_loop3A_161 = arith.constant 0 : i32
      %parallel_loop3A_162 = arith.constant 128 : i32
      %parallel_loop3A_163 = arith.constant 1 : i32
      scf.for %parallel_loop3A_173 = %parallel_loop3A_161 to %parallel_loop3A_162 step %parallel_loop3A_163  : i32 {
        %parallel_loop3A_174 = arith.index_cast %parallel_loop3A_173 : i32 to index
        %parallel_loop3A_175 = arith.constant 64 : index
        %parallel_loop3A_176 = tpu.vector_load %arg11[%parallel_loop3A_174, %parallel_loop3A_175] {strides = array<i32>} : memref<128x80xf32, #tpu.memory_space<vmem>>, vector<1x16xf32>,
        %parallel_loop3A_177 = vector.shape_cast %parallel_loop3A_176 : vector<1x16xf32> to vector<16xf32>
        %parallel_loop3A_178 = arith.index_cast %parallel_loop3A_173 : i32 to index
        %parallel_loop3A_179 = arith.constant 0 : index
        %parallel_loop3A_180 = tpu.vector_load %arg13[%parallel_loop3A_178, %parallel_loop3A_179] {strides = array<i32>} : memref<128x16xf32, #tpu.memory_space<vmem>>, vector<1x16xf32>,
        %parallel_loop3A_181 = vector.shape_cast %parallel_loop3A_180 : vector<1x16xf32> to vector<16xf32>
        %parallel_loop3A_182 = arith.addf %parallel_loop3A_177, %parallel_loop3A_181 : vector<16xf32>
        %parallel_loop3A_183 = arith.constant 2.000000e-01 : f32
        %parallel_loop3A_184 = vector.broadcast %parallel_loop3A_183 : f32 to vector<16xf32>
        %parallel_loop3A_185 = arith.mulf %parallel_loop3A_184, %parallel_loop3A_182 : vector<16xf32>
        %parallel_loop3A_186 = arith.maximumf %parallel_loop3A_182, %parallel_loop3A_185 : vector<16xf32>
        %parallel_loop3A_187 = math.exp %parallel_loop3A_186 : vector<16xf32>
        %parallel_loop3A_188 = arith.index_cast %parallel_loop3A_173 : i32 to index
        %parallel_loop3A_189 = arith.constant 0 : index
        %parallel_loop3A_190 = tpu.vector_load %arg11[%parallel_loop3A_188, %parallel_loop3A_189] {strides = array<i32>} : memref<128x80xf32, #tpu.memory_space<vmem>>, vector<1x16xf32>,
        %parallel_loop3A_191 = vector.shape_cast %parallel_loop3A_190 : vector<1x16xf32> to vector<16xf32>
        %parallel_loop3A_192 = arith.mulf %parallel_loop3A_191, %parallel_loop3A_187 : vector<16xf32>
        %parallel_loop3A_193 = arith.index_cast %parallel_loop3A_173 : i32 to index
        %parallel_loop3A_194 = arith.constant 0 : index
        %parallel_loop3A_195 = tpu.vector_load %arg11[%parallel_loop3A_193, %parallel_loop3A_194] {strides = array<i32>} : memref<128x80xf32, #tpu.memory_space<vmem>>, vector<1x16xf32>,
        %parallel_loop3A_196 = vector.shape_cast %parallel_loop3A_195 : vector<1x16xf32> to vector<16xf32>
        %parallel_loop3A_197 = vector.shape_cast %parallel_loop3A_192 : vector<16xf32> to vector<1x16xf32>
        tpu.vector_store %arg11[%parallel_loop3A_193, %parallel_loop3A_194], %parallel_loop3A_197 {strides = array<i32>} : memref<128x80xf32, #tpu.memory_space<vmem>>, vector<1x16xf32>,
        %parallel_loop3A_198 = arith.index_cast %parallel_loop3A_173 : i32 to index
        %parallel_loop3A_199 = arith.constant 16 : index
        %parallel_loop3A_200 = tpu.vector_load %arg11[%parallel_loop3A_198, %parallel_loop3A_199] {strides = array<i32>} : memref<128x80xf32, #tpu.memory_space<vmem>>, vector<1x16xf32>,
        %parallel_loop3A_201 = vector.shape_cast %parallel_loop3A_200 : vector<1x16xf32> to vector<16xf32>
        %parallel_loop3A_202 = arith.mulf %parallel_loop3A_201, %parallel_loop3A_187 : vector<16xf32>
        %parallel_loop3A_203 = arith.index_cast %parallel_loop3A_173 : i32 to index
        %parallel_loop3A_204 = arith.constant 16 : index
        %parallel_loop3A_205 = tpu.vector_load %arg11[%parallel_loop3A_203, %parallel_loop3A_204] {strides = array<i32>} : memref<128x80xf32, #tpu.memory_space<vmem>>, vector<1x16xf32>,
        %parallel_loop3A_206 = vector.shape_cast %parallel_loop3A_205 : vector<1x16xf32> to vector<16xf32>
        %parallel_loop3A_207 = vector.shape_cast %parallel_loop3A_202 : vector<16xf32> to vector<1x16xf32>
        tpu.vector_store %arg11[%parallel_loop3A_203, %parallel_loop3A_204], %parallel_loop3A_207 {strides = array<i32>} : memref<128x80xf32, #tpu.memory_space<vmem>>, vector<1x16xf32>,
        %parallel_loop3A_208 = arith.index_cast %parallel_loop3A_173 : i32 to index
        %parallel_loop3A_209 = arith.constant 32 : index
        %parallel_loop3A_210 = tpu.vector_load %arg11[%parallel_loop3A_208, %parallel_loop3A_209] {strides = array<i32>} : memref<128x80xf32, #tpu.memory_space<vmem>>, vector<1x16xf32>,
        %parallel_loop3A_211 = vector.shape_cast %parallel_loop3A_210 : vector<1x16xf32> to vector<16xf32>
        %parallel_loop3A_212 = arith.mulf %parallel_loop3A_211, %parallel_loop3A_187 : vector<16xf32>
        %parallel_loop3A_213 = arith.index_cast %parallel_loop3A_173 : i32 to index
        %parallel_loop3A_214 = arith.constant 32 : index
        %parallel_loop3A_215 = tpu.vector_load %arg11[%parallel_loop3A_213, %parallel_loop3A_214] {strides = array<i32>} : memref<128x80xf32, #tpu.memory_space<vmem>>, vector<1x16xf32>,
        %parallel_loop3A_216 = vector.shape_cast %parallel_loop3A_215 : vector<1x16xf32> to vector<16xf32>
        %parallel_loop3A_217 = vector.shape_cast %parallel_loop3A_212 : vector<16xf32> to vector<1x16xf32>
        tpu.vector_store %arg11[%parallel_loop3A_213, %parallel_loop3A_214], %parallel_loop3A_217 {strides = array<i32>} : memref<128x80xf32, #tpu.memory_space<vmem>>, vector<1x16xf32>,
        %parallel_loop3A_218 = arith.index_cast %parallel_loop3A_173 : i32 to index
        %parallel_loop3A_219 = arith.constant 48 : index
        %parallel_loop3A_220 = tpu.vector_load %arg11[%parallel_loop3A_218, %parallel_loop3A_219] {strides = array<i32>} : memref<128x80xf32, #tpu.memory_space<vmem>>, vector<1x16xf32>,
        %parallel_loop3A_221 = vector.shape_cast %parallel_loop3A_220 : vector<1x16xf32> to vector<16xf32>
        %parallel_loop3A_222 = arith.mulf %parallel_loop3A_221, %parallel_loop3A_187 : vector<16xf32>
        %parallel_loop3A_223 = arith.index_cast %parallel_loop3A_173 : i32 to index
        %parallel_loop3A_224 = arith.constant 48 : index
        %parallel_loop3A_225 = tpu.vector_load %arg11[%parallel_loop3A_223, %parallel_loop3A_224] {strides = array<i32>} : memref<128x80xf32, #tpu.memory_space<vmem>>, vector<1x16xf32>,
        %parallel_loop3A_226 = vector.shape_cast %parallel_loop3A_225 : vector<1x16xf32> to vector<16xf32>
        %parallel_loop3A_227 = vector.shape_cast %parallel_loop3A_222 : vector<16xf32> to vector<1x16xf32>
        tpu.vector_store %arg11[%parallel_loop3A_223, %parallel_loop3A_224], %parallel_loop3A_227 {strides = array<i32>} : memref<128x80xf32, #tpu.memory_space<vmem>>, vector<1x16xf32>,
        %parallel_loop3A_228 = arith.index_cast %parallel_loop3A_173 : i32 to index
        %parallel_loop3A_229 = arith.constant 64 : index
        %parallel_loop3A_230 = tpu.vector_load %arg11[%parallel_loop3A_228, %parallel_loop3A_229] {strides = array<i32>} : memref<128x80xf32, #tpu.memory_space<vmem>>, vector<1x16xf32>,
        %parallel_loop3A_231 = vector.shape_cast %parallel_loop3A_230 : vector<1x16xf32> to vector<16xf32>
        %parallel_loop3A_232 = vector.shape_cast %parallel_loop3A_187 : vector<16xf32> to vector<1x16xf32>
        tpu.vector_store %arg11[%parallel_loop3A_228, %parallel_loop3A_229], %parallel_loop3A_232 {strides = array<i32>} : memref<128x80xf32, #tpu.memory_space<vmem>>, vector<1x16xf32>,
      } {sc.loop_unroll_factor = 4 : i64, sc.parallel_access}
      %and3A_164 = arith.constant 3 : i32
      %and3A_165 = arith.andi %add3A_127, %and3A_164 : i32
      %dma_start3A_166 = arith.constant 0 : i32
      %dma_start3A_167 = tpu.memref_slice %arg9[%and3A_165, %dma_start3A_166] : memref<4x128xi32, #tpu.memory_space<vmem>> -> memref<1x128xi32, #tpu.memory_space<vmem>>
      %dma_start3A_168 = tpu.memref_squeeze %dma_start3A_167 : memref<1x128xi32, #tpu.memory_space<vmem>> -> memref<128xi32, #tpu.memory_space<vmem>>
      %dma_start3A_169 = arith.constant 0 : i32
      %dma_start3A_170 = arith.constant 0 : i32
      %dma_start3A_171 = tpu.memref_slice %arg14[%dma_start3A_169, %dma_start3A_170] : memref<10240x80xf32, #tpu.memory_space<vmem_shared>> -> memref<10240x80xf32, #tpu.memory_space<vmem_shared>>
      tpu.enqueue_indirect_dma source(%arg11 : memref<128x80xf32, #tpu.memory_space<vmem>>) target(%dma_start3A_171 : memref<10240x80xf32, #tpu.memory_space<vmem_shared>>) offsets(%dma_start3A_168 : memref<128xi32, #tpu.memory_space<vmem>>) semaphore(%arg20 : memref<!tpu.dma_semaphore, #tpu.memory_space<semaphore_mem>>) {add = true}
      %scan3A_172 = arith.constant 0 : i32
      scf.yield %scan3A_172 : i32
    }
    %scan3A_34 = arith.constant 40 : i32
    %dma_wait3A = arith.constant 0 : i32
    %dma_wait3A_35 = arith.constant 0 : i32
    %dma_wait3A_36 = tpu.memref_slice %arg9[%dma_wait3A, %dma_wait3A_35] : memref<4x128xi32, #tpu.memory_space<vmem>> -> memref<1x128xi32, #tpu.memory_space<vmem>>
    %dma_wait3A_37 = tpu.memref_squeeze %dma_wait3A_36 : memref<1x128xi32, #tpu.memory_space<vmem>> -> memref<128xi32, #tpu.memory_space<vmem>>
    %dma_wait3A_38 = arith.constant 0 : i32
    %dma_wait3A_39 = arith.constant 0 : i32
    %dma_wait3A_40 = tpu.memref_slice %arg14[%dma_wait3A_38, %dma_wait3A_39] : memref<10240x80xf32, #tpu.memory_space<vmem_shared>> -> memref<10240x80xf32, #tpu.memory_space<vmem_shared>>
    tpu.wait_indirect_dma semaphore(%arg20 : memref<!tpu.dma_semaphore, #tpu.memory_space<semaphore_mem>>) src(%arg11 : memref<128x80xf32, #tpu.memory_space<vmem>>) dst(%dma_wait3A_40 : memref<10240x80xf32, #tpu.memory_space<vmem_shared>>)
    %dma_wait3A_41 = arith.constant 0 : i32
    %dma_wait3A_42 = arith.constant 0 : i32
    %dma_wait3A_43 = tpu.memref_slice %arg8[%dma_wait3A_41, %dma_wait3A_42] : memref<4x128xi32, #tpu.memory_space<vmem>> -> memref<1x128xi32, #tpu.memory_space<vmem>>
    %dma_wait3A_44 = tpu.memref_squeeze %dma_wait3A_43 : memref<1x128xi32, #tpu.memory_space<vmem>> -> memref<128xi32, #tpu.memory_space<vmem>>
    %dma_wait3A_45 = arith.constant 0 : i32
    %dma_wait3A_46 = arith.constant 0 : i32
    %dma_wait3A_47 = tpu.memref_slice %arg2[%dma_wait3A_45, %dma_wait3A_46] : memref<10240x80xf32, #tpu.memory_space<hbm>> -> memref<10240x80xf32, #tpu.memory_space<hbm>>
    tpu.wait_indirect_dma semaphore(%arg15 : memref<!tpu.dma_semaphore, #tpu.memory_space<semaphore_mem>>) src(%dma_wait3A_47 : memref<10240x80xf32, #tpu.memory_space<hbm>>) dst(%arg10 : memref<128x80xf32, #tpu.memory_space<vmem>>)
    %dma_wait3A_48 = arith.constant 0 : i32
    %dma_wait3A_49 = arith.constant 0 : i32
    %dma_wait3A_50 = tpu.memref_slice %arg9[%dma_wait3A_48, %dma_wait3A_49] : memref<4x128xi32, #tpu.memory_space<vmem>> -> memref<1x128xi32, #tpu.memory_space<vmem>>
    %dma_wait3A_51 = tpu.memref_squeeze %dma_wait3A_50 : memref<1x128xi32, #tpu.memory_space<vmem>> -> memref<128xi32, #tpu.memory_space<vmem>>
    %dma_wait3A_52 = arith.constant 0 : i32
    %dma_wait3A_53 = arith.constant 0 : i32
    %dma_wait3A_54 = tpu.memref_slice %arg3[%dma_wait3A_52, %dma_wait3A_53] : memref<10240x16xf32, #tpu.memory_space<hbm>> -> memref<10240x16xf32, #tpu.memory_space<hbm>>
    tpu.wait_indirect_dma semaphore(%arg17 : memref<!tpu.dma_semaphore, #tpu.memory_space<semaphore_mem>>) src(%dma_wait3A_54 : memref<10240x16xf32, #tpu.memory_space<hbm>>) dst(%arg12 : memref<128x16xf32, #tpu.memory_space<vmem>>)
    %parallel_loop3A = arith.constant 0 : i32
    %parallel_loop3A_55 = arith.constant 128 : i32
    %parallel_loop3A_56 = arith.constant 1 : i32
    scf.for %parallel_loop3A_79 = %parallel_loop3A to %parallel_loop3A_55 step %parallel_loop3A_56  : i32 {
      %parallel_loop3A_80 = arith.index_cast %parallel_loop3A_79 : i32 to index
      %parallel_loop3A_81 = arith.constant 64 : index
      %parallel_loop3A_82 = tpu.vector_load %arg10[%parallel_loop3A_80, %parallel_loop3A_81] {strides = array<i32>} : memref<128x80xf32, #tpu.memory_space<vmem>>, vector<1x16xf32>,
      %parallel_loop3A_83 = vector.shape_cast %parallel_loop3A_82 : vector<1x16xf32> to vector<16xf32>
      %parallel_loop3A_84 = arith.index_cast %parallel_loop3A_79 : i32 to index
      %parallel_loop3A_85 = arith.constant 0 : index
      %parallel_loop3A_86 = tpu.vector_load %arg12[%parallel_loop3A_84, %parallel_loop3A_85] {strides = array<i32>} : memref<128x16xf32, #tpu.memory_space<vmem>>, vector<1x16xf32>,
      %parallel_loop3A_87 = vector.shape_cast %parallel_loop3A_86 : vector<1x16xf32> to vector<16xf32>
      %parallel_loop3A_88 = arith.addf %parallel_loop3A_83, %parallel_loop3A_87 : vector<16xf32>
      %parallel_loop3A_89 = arith.constant 2.000000e-01 : f32
      %parallel_loop3A_90 = vector.broadcast %parallel_loop3A_89 : f32 to vector<16xf32>
      %parallel_loop3A_91 = arith.mulf %parallel_loop3A_90, %parallel_loop3A_88 : vector<16xf32>
      %parallel_loop3A_92 = arith.maximumf %parallel_loop3A_88, %parallel_loop3A_91 : vector<16xf32>
      %parallel_loop3A_93 = math.exp %parallel_loop3A_92 : vector<16xf32>
      %parallel_loop3A_94 = arith.index_cast %parallel_loop3A_79 : i32 to index
      %parallel_loop3A_95 = arith.constant 0 : index
      %parallel_loop3A_96 = tpu.vector_load %arg10[%parallel_loop3A_94, %parallel_loop3A_95] {strides = array<i32>} : memref<128x80xf32, #tpu.memory_space<vmem>>, vector<1x16xf32>,
      %parallel_loop3A_97 = vector.shape_cast %parallel_loop3A_96 : vector<1x16xf32> to vector<16xf32>
      %parallel_loop3A_98 = arith.mulf %parallel_loop3A_97, %parallel_loop3A_93 : vector<16xf32>
      %parallel_loop3A_99 = arith.index_cast %parallel_loop3A_79 : i32 to index
      %parallel_loop3A_100 = arith.constant 0 : index
      %parallel_loop3A_101 = tpu.vector_load %arg10[%parallel_loop3A_99, %parallel_loop3A_100] {strides = array<i32>} : memref<128x80xf32, #tpu.memory_space<vmem>>, vector<1x16xf32>,
      %parallel_loop3A_102 = vector.shape_cast %parallel_loop3A_101 : vector<1x16xf32> to vector<16xf32>
      %parallel_loop3A_103 = vector.shape_cast %parallel_loop3A_98 : vector<16xf32> to vector<1x16xf32>
      tpu.vector_store %arg10[%parallel_loop3A_99, %parallel_loop3A_100], %parallel_loop3A_103 {strides = array<i32>} : memref<128x80xf32, #tpu.memory_space<vmem>>, vector<1x16xf32>,
      %parallel_loop3A_104 = arith.index_cast %parallel_loop3A_79 : i32 to index
      %parallel_loop3A_105 = arith.constant 16 : index
      %parallel_loop3A_106 = tpu.vector_load %arg10[%parallel_loop3A_104, %parallel_loop3A_105] {strides = array<i32>} : memref<128x80xf32, #tpu.memory_space<vmem>>, vector<1x16xf32>,
      %parallel_loop3A_107 = vector.shape_cast %parallel_loop3A_106 : vector<1x16xf32> to vector<16xf32>
      %parallel_loop3A_108 = arith.mulf %parallel_loop3A_107, %parallel_loop3A_93 : vector<16xf32>
      %parallel_loop3A_109 = arith.index_cast %parallel_loop3A_79 : i32 to index
      %parallel_loop3A_110 = arith.constant 16 : index
      %parallel_loop3A_111 = tpu.vector_load %arg10[%parallel_loop3A_109, %parallel_loop3A_110] {strides = array<i32>} : memref<128x80xf32, #tpu.memory_space<vmem>>, vector<1x16xf32>,
      %parallel_loop3A_112 = vector.shape_cast %parallel_loop3A_111 : vector<1x16xf32> to vector<16xf32>
      %parallel_loop3A_113 = vector.shape_cast %parallel_loop3A_108 : vector<16xf32> to vector<1x16xf32>
      tpu.vector_store %arg10[%parallel_loop3A_109, %parallel_loop3A_110], %parallel_loop3A_113 {strides = array<i32>} : memref<128x80xf32, #tpu.memory_space<vmem>>, vector<1x16xf32>,
      %parallel_loop3A_114 = arith.index_cast %parallel_loop3A_79 : i32 to index
      %parallel_loop3A_115 = arith.constant 32 : index
      %parallel_loop3A_116 = tpu.vector_load %arg10[%parallel_loop3A_114, %parallel_loop3A_115] {strides = array<i32>} : memref<128x80xf32, #tpu.memory_space<vmem>>, vector<1x16xf32>,
      %parallel_loop3A_117 = vector.shape_cast %parallel_loop3A_116 : vector<1x16xf32> to vector<16xf32>
      %parallel_loop3A_118 = arith.mulf %parallel_loop3A_117, %parallel_loop3A_93 : vector<16xf32>
      %parallel_loop3A_119 = arith.index_cast %parallel_loop3A_79 : i32 to index
      %parallel_loop3A_120 = arith.constant 32 : index
      %parallel_loop3A_121 = tpu.vector_load %arg10[%parallel_loop3A_119, %parallel_loop3A_120] {strides = array<i32>} : memref<128x80xf32, #tpu.memory_space<vmem>>, vector<1x16xf32>,
      %parallel_loop3A_122 = vector.shape_cast %parallel_loop3A_121 : vector<1x16xf32> to vector<16xf32>
      %parallel_loop3A_123 = vector.shape_cast %parallel_loop3A_118 : vector<16xf32> to vector<1x16xf32>
      tpu.vector_store %arg10[%parallel_loop3A_119, %parallel_loop3A_120], %parallel_loop3A_123 {strides = array<i32>} : memref<128x80xf32, #tpu.memory_space<vmem>>, vector<1x16xf32>,
      %parallel_loop3A_124 = arith.index_cast %parallel_loop3A_79 : i32 to index
      %parallel_loop3A_125 = arith.constant 48 : index
      %parallel_loop3A_126 = tpu.vector_load %arg10[%parallel_loop3A_124, %parallel_loop3A_125] {strides = array<i32>} : memref<128x80xf32, #tpu.memory_space<vmem>>, vector<1x16xf32>,
      %parallel_loop3A_127 = vector.shape_cast %parallel_loop3A_126 : vector<1x16xf32> to vector<16xf32>
      %parallel_loop3A_128 = arith.mulf %parallel_loop3A_127, %parallel_loop3A_93 : vector<16xf32>
      %parallel_loop3A_129 = arith.index_cast %parallel_loop3A_79 : i32 to index
      %parallel_loop3A_130 = arith.constant 48 : index
      %parallel_loop3A_131 = tpu.vector_load %arg10[%parallel_loop3A_129, %parallel_loop3A_130] {strides = array<i32>} : memref<128x80xf32, #tpu.memory_space<vmem>>, vector<1x16xf32>,
      %parallel_loop3A_132 = vector.shape_cast %parallel_loop3A_131 : vector<1x16xf32> to vector<16xf32>
      %parallel_loop3A_133 = vector.shape_cast %parallel_loop3A_128 : vector<16xf32> to vector<1x16xf32>
      tpu.vector_store %arg10[%parallel_loop3A_129, %parallel_loop3A_130], %parallel_loop3A_133 {strides = array<i32>} : memref<128x80xf32, #tpu.memory_space<vmem>>, vector<1x16xf32>,
      %parallel_loop3A_134 = arith.index_cast %parallel_loop3A_79 : i32 to index
      %parallel_loop3A_135 = arith.constant 64 : index
      %parallel_loop3A_136 = tpu.vector_load %arg10[%parallel_loop3A_134, %parallel_loop3A_135] {strides = array<i32>} : memref<128x80xf32, #tpu.memory_space<vmem>>, vector<1x16xf32>,
      %parallel_loop3A_137 = vector.shape_cast %parallel_loop3A_136 : vector<1x16xf32> to vector<16xf32>
      %parallel_loop3A_138 = vector.shape_cast %parallel_loop3A_93 : vector<16xf32> to vector<1x16xf32>
      tpu.vector_store %arg10[%parallel_loop3A_134, %parallel_loop3A_135], %parallel_loop3A_138 {strides = array<i32>} : memref<128x80xf32, #tpu.memory_space<vmem>>, vector<1x16xf32>,
    } {sc.loop_unroll_factor = 4 : i64, sc.parallel_access}
    %dma_start3A_57 = arith.constant 0 : i32
    %dma_start3A_58 = arith.constant 0 : i32
    %dma_start3A_59 = tpu.memref_slice %arg9[%dma_start3A_57, %dma_start3A_58] : memref<4x128xi32, #tpu.memory_space<vmem>> -> memref<1x128xi32, #tpu.memory_space<vmem>>
    %dma_start3A_60 = tpu.memref_squeeze %dma_start3A_59 : memref<1x128xi32, #tpu.memory_space<vmem>> -> memref<128xi32, #tpu.memory_space<vmem>>
    %dma_start3A_61 = arith.constant 0 : i32
    %dma_start3A_62 = arith.constant 0 : i32
    %dma_start3A_63 = tpu.memref_slice %arg14[%dma_start3A_61, %dma_start3A_62] : memref<10240x80xf32, #tpu.memory_space<vmem_shared>> -> memref<10240x80xf32, #tpu.memory_space<vmem_shared>>
    tpu.enqueue_indirect_dma source(%arg10 : memref<128x80xf32, #tpu.memory_space<vmem>>) target(%dma_start3A_63 : memref<10240x80xf32, #tpu.memory_space<vmem_shared>>) offsets(%dma_start3A_60 : memref<128xi32, #tpu.memory_space<vmem>>) semaphore(%arg19 : memref<!tpu.dma_semaphore, #tpu.memory_space<semaphore_mem>>) {add = true}
    %dma_wait3A_64 = arith.constant 0 : i32
    %dma_wait3A_65 = arith.constant 0 : i32
    %dma_wait3A_66 = tpu.memref_slice %arg9[%dma_wait3A_64, %dma_wait3A_65] : memref<4x128xi32, #tpu.memory_space<vmem>> -> memref<1x128xi32, #tpu.memory_space<vmem>>
    %dma_wait3A_67 = tpu.memref_squeeze %dma_wait3A_66 : memref<1x128xi32, #tpu.memory_space<vmem>> -> memref<128xi32, #tpu.memory_space<vmem>>
    %dma_wait3A_68 = arith.constant 0 : i32
    %dma_wait3A_69 = arith.constant 0 : i32
    %dma_wait3A_70 = tpu.memref_slice %arg14[%dma_wait3A_68, %dma_wait3A_69] : memref<10240x80xf32, #tpu.memory_space<vmem_shared>> -> memref<10240x80xf32, #tpu.memory_space<vmem_shared>>
    tpu.wait_indirect_dma semaphore(%arg19 : memref<!tpu.dma_semaphore, #tpu.memory_space<semaphore_mem>>) src(%arg10 : memref<128x80xf32, #tpu.memory_space<vmem>>) dst(%dma_wait3A_70 : memref<10240x80xf32, #tpu.memory_space<vmem_shared>>)
    %barrier3A_71 = arith.constant 0 : index
    tpu.barrier barrier_id(%barrier3A_71)
    %mul3A_72 = arith.constant 640 : i32
    %mul3A_73 = arith.muli %arg1, %mul3A_72 : i32
    %mul3A_74 = arith.constant 10240 : i32
    %mul3A_75 = arith.muli %arg0, %mul3A_74 : i32
    %mul3A_76 = arith.constant 640 : i32
    %mul3A_77 = arith.muli %arg1, %mul3A_76 : i32
    %add3A_78 = arith.addi %mul3A_75, %mul3A_77 : i32
    "tpu.region"() ({
      %run_scoped3A_79 = tpu.sem_alloc : memref<!tpu.dma_semaphore, #tpu.memory_space<semaphore_mem>>
      %dma_start3A_80 = arith.constant 0 : i32
      %dma_start3A_81 = tpu.memref_slice %arg7[%add3A_78, %dma_start3A_80] : memref<20480x80xf32, #tpu.memory_space<hbm>> -> memref<640x80xf32, #tpu.memory_space<hbm>>
      %dma_start3A_82 = arith.constant 0 : i32
      %dma_start3A_83 = tpu.memref_slice %arg14[%mul3A_73, %dma_start3A_82] : memref<10240x80xf32, #tpu.memory_space<vmem_shared>> -> memref<640x80xf32, #tpu.memory_space<vmem_shared>>
      tpu.enqueue_dma source(%dma_start3A_83 : memref<640x80xf32, #tpu.memory_space<vmem_shared>>) target(%dma_start3A_81 : memref<640x80xf32, #tpu.memory_space<hbm>>) target_semaphore(%run_scoped3A_79 : memref<!tpu.dma_semaphore, #tpu.memory_space<semaphore_mem>>)
      %dma_wait3A_84 = arith.constant 0 : i32
      %dma_wait3A_85 = tpu.memref_slice %arg7[%add3A_78, %dma_wait3A_84] : memref<20480x80xf32, #tpu.memory_space<hbm>> -> memref<640x80xf32, #tpu.memory_space<hbm>>
      %dma_wait3A_86 = arith.constant 0 : i32
      %dma_wait3A_87 = tpu.memref_slice %arg14[%mul3A_73, %dma_wait3A_86] : memref<10240x80xf32, #tpu.memory_space<vmem_shared>> -> memref<640x80xf32, #tpu.memory_space<vmem_shared>>
      tpu.wait_dma2 semaphore(%run_scoped3A_79 : memref<!tpu.dma_semaphore, #tpu.memory_space<semaphore_mem>>) src(%dma_wait3A_87 : memref<640x80xf32, #tpu.memory_space<vmem_shared>>) dst(%dma_wait3A_85 : memref<640x80xf32, #tpu.memory_space<hbm>>)
      tpu.yield
    }) : () -> ()
    return
  }
}

module attributes {stable_mosaic.version = 14 : i64} {
  func.func @_tc1_body(%arg0: i32, %arg1: i32, %arg2: memref<256x128xf32, #tpu.memory_space<vmem>>, %arg3: memref<128x128xf32, #tpu.memory_space<vmem>>, %arg4: memref<128x16xf32, #tpu.memory_space<vmem>>, %arg5: memref<128x16xf32, #tpu.memory_space<vmem>>, %arg6: memref<1x256x128xf32, #tpu.memory_space<vmem>>, %arg7: memref<256x16xf32, #tpu.memory_space<vmem>>, %arg8: memref<256x16xf32, #tpu.memory_space<vmem>>) attributes {dimension_semantics = [#tpu.dimension_semantics<arbitrary>, #tpu.dimension_semantics<arbitrary>], iteration_bounds = array<i64: 40, 4>, scalar_prefetch = 0 : i64, scratch_operands = 0 : i64, tpu.core_type = #tpu.core_type<tc>, window_params = [{transform_indices = @transform_0, window_bounds = array<i64: 256, 128>}, {transform_indices = @transform_1, window_bounds = array<i64: 128, 128>}, {transform_indices = @transform_2, window_bounds = array<i64: 128, 16>}, {transform_indices = @transform_3, window_bounds = array<i64: 128, 16>}, {transform_indices = @transform_4, window_bounds = array<i64: 1, 256, 128>}, {transform_indices = @transform_5, window_bounds = array<i64: 256, 16>}, {transform_indices = @transform_6, window_bounds = array<i64: 256, 16>}]} {
    %get3A = arith.constant 0 : index
    %get3A_0 = arith.constant 0 : index
    %get3A_1 = vector.load %arg2[%get3A, %get3A_0] : memref<256x128xf32, #tpu.memory_space<vmem>>, vector<256x128xf32>
    %get3A_2 = arith.constant 0 : index
    %get3A_3 = arith.constant 0 : index
    %get3A_4 = vector.load %arg3[%get3A_2, %get3A_3] : memref<128x128xf32, #tpu.memory_space<vmem>>, vector<128x128xf32>
    %dot_general3A = arith.constant dense<0.000000e+00> : vector<256x128xf32>
    %dot_general3A_5 = tpu.matmul %get3A_1, %get3A_4, %dot_general3A {dimension_numbers = #tpu.dot_dimension_numbers<[1], [0], [0], [1], [0, 0, 1, 1], [], []>, transpose_lhs_hint = false} : vector<256x128xf32>, vector<128x128xf32>, vector<256x128xf32> -> vector<256x128xf32>
    %swap3A = arith.constant 0 : index
    %swap3A_6 = arith.constant 0 : index
    %swap3A_7 = arith.constant 0 : index
    %swap3A_8 = vector.load %arg6[%swap3A, %swap3A_6, %swap3A_7] : memref<1x256x128xf32, #tpu.memory_space<vmem>>, vector<1x256x128xf32>
    %swap3A_9 = vector.shape_cast %swap3A_8 : vector<1x256x128xf32> to vector<256x128xf32>
    %swap3A_10 = vector.shape_cast %dot_general3A_5 : vector<256x128xf32> to vector<1x256x128xf32>
    tpu.vector_store %arg6[%swap3A, %swap3A_6, %swap3A_7], %swap3A_10 {strides = array<i32>} : memref<1x256x128xf32, #tpu.memory_space<vmem>>, vector<1x256x128xf32>,
    %eq3A = arith.constant 0 : i32
    %eq3A_11 = arith.cmpi eq, %arg1, %eq3A : i32
    %convert_element_type3A = arith.extui %eq3A_11 : i1 to i32
    %cond3A = arith.constant 0 : i32
    %cond3A_12 = arith.cmpi ne, %convert_element_type3A, %cond3A : i32
    scf.if %cond3A_12 {
      %broadcast_in_dim3A = arith.constant 0.000000e+00 : f32
      %broadcast_in_dim3A_36 = vector.broadcast %broadcast_in_dim3A : f32 to vector<256x16xf32>
      %swap3A_37 = arith.constant 0 : index
      %swap3A_38 = arith.constant 0 : index
      %swap3A_39 = vector.load %arg7[%swap3A_37, %swap3A_38] : memref<256x16xf32, #tpu.memory_space<vmem>>, vector<256x16xf32>
      tpu.vector_store %arg7[%swap3A_37, %swap3A_38], %broadcast_in_dim3A_36 {strides = array<i32>} : memref<256x16xf32, #tpu.memory_space<vmem>>, vector<256x16xf32>,
      %broadcast_in_dim3A_40 = arith.constant 0.000000e+00 : f32
      %broadcast_in_dim3A_41 = vector.broadcast %broadcast_in_dim3A_40 : f32 to vector<256x16xf32>
      %swap3A_42 = arith.constant 0 : index
      %swap3A_43 = arith.constant 0 : index
      %swap3A_44 = vector.load %arg8[%swap3A_42, %swap3A_43] : memref<256x16xf32, #tpu.memory_space<vmem>>, vector<256x16xf32>
      tpu.vector_store %arg8[%swap3A_42, %swap3A_43], %broadcast_in_dim3A_41 {strides = array<i32>} : memref<256x16xf32, #tpu.memory_space<vmem>>, vector<256x16xf32>,
    } else {
    }
    %get3A_13 = arith.constant 0 : index
    %get3A_14 = arith.constant 0 : index
    %get3A_15 = vector.load %arg7[%get3A_13, %get3A_14] : memref<256x16xf32, #tpu.memory_space<vmem>>, vector<256x16xf32>
    %get3A_16 = arith.constant 0 : index
    %get3A_17 = arith.constant 0 : index
    %get3A_18 = vector.load %arg4[%get3A_16, %get3A_17] : memref<128x16xf32, #tpu.memory_space<vmem>>, vector<128x16xf32>
    %dot_general3A_19 = arith.constant dense<0.000000e+00> : vector<256x16xf32>
    %dot_general3A_20 = tpu.matmul %dot_general3A_5, %get3A_18, %dot_general3A_19 {dimension_numbers = #tpu.dot_dimension_numbers<[1], [0], [0], [1], [0, 0, 1, 1], [], []>, transpose_lhs_hint = false} : vector<256x128xf32>, vector<128x16xf32>, vector<256x16xf32> -> vector<256x16xf32>
    %add3A = arith.addf %get3A_15, %dot_general3A_20 : vector<256x16xf32>
    %swap3A_21 = arith.constant 0 : index
    %swap3A_22 = arith.constant 0 : index
    %swap3A_23 = vector.load %arg7[%swap3A_21, %swap3A_22] : memref<256x16xf32, #tpu.memory_space<vmem>>, vector<256x16xf32>
    tpu.vector_store %arg7[%swap3A_21, %swap3A_22], %add3A {strides = array<i32>} : memref<256x16xf32, #tpu.memory_space<vmem>>, vector<256x16xf32>,
    %get3A_24 = arith.constant 0 : index
    %get3A_25 = arith.constant 0 : index
    %get3A_26 = vector.load %arg8[%get3A_24, %get3A_25] : memref<256x16xf32, #tpu.memory_space<vmem>>, vector<256x16xf32>
    %get3A_27 = arith.constant 0 : index
    %get3A_28 = arith.constant 0 : index
    %get3A_29 = vector.load %arg5[%get3A_27, %get3A_28] : memref<128x16xf32, #tpu.memory_space<vmem>>, vector<128x16xf32>
    %dot_general3A_30 = arith.constant dense<0.000000e+00> : vector<256x16xf32>
    %dot_general3A_31 = tpu.matmul %dot_general3A_5, %get3A_29, %dot_general3A_30 {dimension_numbers = #tpu.dot_dimension_numbers<[1], [0], [0], [1], [0, 0, 1, 1], [], []>, transpose_lhs_hint = false} : vector<256x128xf32>, vector<128x16xf32>, vector<256x16xf32> -> vector<256x16xf32>
    %add3A_32 = arith.addf %get3A_26, %dot_general3A_31 : vector<256x16xf32>
    %swap3A_33 = arith.constant 0 : index
    %swap3A_34 = arith.constant 0 : index
    %swap3A_35 = vector.load %arg8[%swap3A_33, %swap3A_34] : memref<256x16xf32, #tpu.memory_space<vmem>>, vector<256x16xf32>
    tpu.vector_store %arg8[%swap3A_33, %swap3A_34], %add3A_32 {strides = array<i32>} : memref<256x16xf32, #tpu.memory_space<vmem>>, vector<256x16xf32>,
    return
  }
  func.func @transform_0(%arg0: i32, %arg1: i32) -> (i32, i32) {
    %c0_i32 = arith.constant 0 : i32
    %c0_i32_0 = arith.constant 0 : i32
    return %arg0, %c0_i32 : i32, i32
  }
  func.func @transform_1(%arg0: i32, %arg1: i32) -> (i32, i32) {
    %c0_i32 = arith.constant 0 : i32
    %c0_i32_0 = arith.constant 0 : i32
    return %c0_i32, %arg1 : i32, i32
  }
  func.func @transform_2(%arg0: i32, %arg1: i32) -> (i32, i32) {
    %c0_i32 = arith.constant 0 : i32
    %c0_i32_0 = arith.constant 0 : i32
    return %arg1, %c0_i32 : i32, i32
  }
  func.func @transform_3(%arg0: i32, %arg1: i32) -> (i32, i32) {
    %c0_i32 = arith.constant 0 : i32
    %c0_i32_0 = arith.constant 0 : i32
    return %arg1, %c0_i32 : i32, i32
  }
  func.func @transform_4(%arg0: i32, %arg1: i32) -> (i32, i32, i32) {
    %c0_i32 = arith.constant 0 : i32
    %c0_i32_0 = arith.constant 0 : i32
    return %arg1, %arg0, %c0_i32 : i32, i32, i32
  }
  func.func @transform_5(%arg0: i32, %arg1: i32) -> (i32, i32) {
    %c0_i32 = arith.constant 0 : i32
    %c0_i32_0 = arith.constant 0 : i32
    return %arg0, %c0_i32 : i32, i32
  }
  func.func @transform_6(%arg0: i32, %arg1: i32) -> (i32, i32) {
    %c0_i32 = arith.constant 0 : i32
    %c0_i32_0 = arith.constant 0 : i32
    return %arg0, %c0_i32 : i32, i32
  }
}

module attributes {stable_mosaic.version = 14 : i64} {
  func.func @_tc2_body(%arg0: i32, %arg1: memref<4x256x128xf32, #tpu.memory_space<vmem>>, %arg2: memref<2x256x16xf32, #tpu.memory_space<vmem>>, %arg3: memref<1x512xf32, #tpu.memory_space<vmem>>, %arg4: memref<512x64xf32, #tpu.memory_space<vmem>>, %arg5: memref<64x1xf32, #tpu.memory_space<vmem>>, %arg6: memref<64x1xf32, #tpu.memory_space<vmem>>, %arg7: memref<2x128xf32, #tpu.memory_space<vmem>>, %arg8: memref<256x80xf32, #tpu.memory_space<vmem>>, %arg9: memref<256x16xf32, #tpu.memory_space<vmem>>) attributes {dimension_semantics = [#tpu.dimension_semantics<arbitrary>], iteration_bounds = array<i64: 40>, scalar_prefetch = 0 : i64, scratch_operands = 0 : i64, tpu.core_type = #tpu.core_type<tc>, window_params = [{transform_indices = @transform_0, window_bounds = array<i64: 4, 256, 128>}, {transform_indices = @transform_1, window_bounds = array<i64: 2, 256, 16>}, {pipeline_mode = #tpu.pipeline_mode<synchronous>, transform_indices = @transform_2, window_bounds = array<i64: 1, 512>}, {pipeline_mode = #tpu.pipeline_mode<synchronous>, transform_indices = @transform_3, window_bounds = array<i64: 512, 64>}, {pipeline_mode = #tpu.pipeline_mode<synchronous>, transform_indices = @transform_4, window_bounds = array<i64: 64, 1>}, {pipeline_mode = #tpu.pipeline_mode<synchronous>, transform_indices = @transform_5, window_bounds = array<i64: 64, 1>}, {pipeline_mode = #tpu.pipeline_mode<synchronous>, transform_indices = @transform_6, window_bounds = array<i64: 2, 128>}, {transform_indices = @transform_7, window_bounds = array<i64: 256, 80>}, {transform_indices = @transform_8, window_bounds = array<i64: 256, 16>}]} {
    %get3A = arith.constant 0 : index
    %get3A_0 = arith.constant 0 : index
    %get3A_1 = arith.constant 0 : index
    %get3A_2 = vector.load %arg1[%get3A, %get3A_0, %get3A_1] : memref<4x256x128xf32, #tpu.memory_space<vmem>>, vector<1x256x128xf32>
    %get3A_3 = vector.shape_cast %get3A_2 : vector<1x256x128xf32> to vector<256x128xf32>
    %get3A_4 = arith.constant 0 : index
    %get3A_5 = arith.constant 0 : index
    %get3A_6 = arith.constant 0 : index
    %get3A_7 = vector.load %arg2[%get3A_4, %get3A_5, %get3A_6] : memref<2x256x16xf32, #tpu.memory_space<vmem>>, vector<1x256x2xf32>
    %get3A_8 = vector.shape_cast %get3A_7 : vector<1x256x2xf32> to vector<256x2xf32>
    %get3A_9 = arith.constant 1 : index
    %get3A_10 = arith.constant 0 : index
    %get3A_11 = arith.constant 0 : index
    %get3A_12 = vector.load %arg2[%get3A_9, %get3A_10, %get3A_11] : memref<2x256x16xf32, #tpu.memory_space<vmem>>, vector<1x256x2xf32>
    %get3A_13 = vector.shape_cast %get3A_12 : vector<1x256x2xf32> to vector<256x2xf32>
    %add3A = arith.addf %get3A_8, %get3A_13 : vector<256x2xf32>
    %add3A_14 = arith.constant 1.000000e-16 : f32
    %add3A_15 = vector.broadcast %add3A_14 : f32 to vector<256x2xf32>
    %add3A_16 = arith.addf %add3A, %add3A_15 : vector<256x2xf32>
    %get3A_17 = arith.constant 0 : index
    %get3A_18 = arith.constant 0 : index
    %get3A_19 = vector.load %arg7[%get3A_17, %get3A_18] : memref<2x128xf32, #tpu.memory_space<vmem>>, vector<2x128xf32>
    %dot_general3A = arith.constant dense<0.000000e+00> : vector<256x128xf32>
    %dot_general3A_20 = tpu.matmul %add3A_16, %get3A_19, %dot_general3A {dimension_numbers = #tpu.dot_dimension_numbers<[1], [0], [0], [1], [0, 0, 1, 1], [], []>, transpose_lhs_hint = false} : vector<256x2xf32>, vector<2x128xf32>, vector<256x128xf32> -> vector<256x128xf32>
    %div3A = arith.divf %get3A_3, %dot_general3A_20 : vector<256x128xf32>
    %get3A_21 = arith.constant 0 : index
    %get3A_22 = arith.constant 0 : index
    %get3A_23 = vector.load %arg3[%get3A_21, %get3A_22] : memref<1x512xf32, #tpu.memory_space<vmem>>, vector<1x128xf32>
    %get3A_24 = vector.shape_cast %get3A_23 : vector<1x128xf32> to vector<128xf32>
    %broadcast_in_dim3A = vector.shape_cast %get3A_24 : vector<128xf32> to vector<1x128xf32>
    %add3A_25 = vector.broadcast %broadcast_in_dim3A : vector<1x128xf32> to vector<256x128xf32>
    %add3A_26 = arith.addf %div3A, %add3A_25 : vector<256x128xf32>
    %gt3A = arith.constant 0.000000e+00 : f32
    %gt3A_27 = vector.broadcast %gt3A : f32 to vector<256x128xf32>
    %gt3A_28 = arith.cmpf ogt, %add3A_26, %gt3A_27 : vector<256x128xf32>
    %exp3A = math.exp %add3A_26 : vector<256x128xf32>
    %sub3A = arith.constant 1.000000e+00 : f32
    %sub3A_29 = vector.broadcast %sub3A : f32 to vector<256x128xf32>
    %sub3A_30 = arith.subf %exp3A, %sub3A_29 : vector<256x128xf32>
    %select_n3A = arith.select %gt3A_28, %add3A_26, %sub3A_30 : vector<256x128xi1>, vector<256x128xf32>
    %get3A_31 = arith.constant 1 : index
    %get3A_32 = arith.constant 0 : index
    %get3A_33 = arith.constant 0 : index
    %get3A_34 = vector.load %arg1[%get3A_31, %get3A_32, %get3A_33] : memref<4x256x128xf32, #tpu.memory_space<vmem>>, vector<1x256x128xf32>
    %get3A_35 = vector.shape_cast %get3A_34 : vector<1x256x128xf32> to vector<256x128xf32>
    %get3A_36 = arith.constant 0 : index
    %get3A_37 = arith.constant 0 : index
    %get3A_38 = arith.constant 2 : index
    %get3A_39 = vector.load %arg2[%get3A_36, %get3A_37, %get3A_38] : memref<2x256x16xf32, #tpu.memory_space<vmem>>, vector<1x256x2xf32>
    %get3A_40 = vector.shape_cast %get3A_39 : vector<1x256x2xf32> to vector<256x2xf32>
    %get3A_41 = arith.constant 1 : index
    %get3A_42 = arith.constant 0 : index
    %get3A_43 = arith.constant 2 : index
    %get3A_44 = vector.load %arg2[%get3A_41, %get3A_42, %get3A_43] : memref<2x256x16xf32, #tpu.memory_space<vmem>>, vector<1x256x2xf32>
    %get3A_45 = vector.shape_cast %get3A_44 : vector<1x256x2xf32> to vector<256x2xf32>
    %add3A_46 = arith.addf %get3A_40, %get3A_45 : vector<256x2xf32>
    %add3A_47 = arith.constant 1.000000e-16 : f32
    %add3A_48 = vector.broadcast %add3A_47 : f32 to vector<256x2xf32>
    %add3A_49 = arith.addf %add3A_46, %add3A_48 : vector<256x2xf32>
    %get3A_50 = arith.constant 0 : index
    %get3A_51 = arith.constant 0 : index
    %get3A_52 = vector.load %arg7[%get3A_50, %get3A_51] : memref<2x128xf32, #tpu.memory_space<vmem>>, vector<2x128xf32>
    %dot_general3A_53 = arith.constant dense<0.000000e+00> : vector<256x128xf32>
    %dot_general3A_54 = tpu.matmul %add3A_49, %get3A_52, %dot_general3A_53 {dimension_numbers = #tpu.dot_dimension_numbers<[1], [0], [0], [1], [0, 0, 1, 1], [], []>, transpose_lhs_hint = false} : vector<256x2xf32>, vector<2x128xf32>, vector<256x128xf32> -> vector<256x128xf32>
    %div3A_55 = arith.divf %get3A_35, %dot_general3A_54 : vector<256x128xf32>
    %get3A_56 = arith.constant 0 : index
    %get3A_57 = arith.constant 128 : index
    %get3A_58 = vector.load %arg3[%get3A_56, %get3A_57] : memref<1x512xf32, #tpu.memory_space<vmem>>, vector<1x128xf32>
    %get3A_59 = vector.shape_cast %get3A_58 : vector<1x128xf32> to vector<128xf32>
    %broadcast_in_dim3A_60 = vector.shape_cast %get3A_59 : vector<128xf32> to vector<1x128xf32>
    %add3A_61 = vector.broadcast %broadcast_in_dim3A_60 : vector<1x128xf32> to vector<256x128xf32>
    %add3A_62 = arith.addf %div3A_55, %add3A_61 : vector<256x128xf32>
    %gt3A_63 = arith.constant 0.000000e+00 : f32
    %gt3A_64 = vector.broadcast %gt3A_63 : f32 to vector<256x128xf32>
    %gt3A_65 = arith.cmpf ogt, %add3A_62, %gt3A_64 : vector<256x128xf32>
    %exp3A_66 = math.exp %add3A_62 : vector<256x128xf32>
    %sub3A_67 = arith.constant 1.000000e+00 : f32
    %sub3A_68 = vector.broadcast %sub3A_67 : f32 to vector<256x128xf32>
    %sub3A_69 = arith.subf %exp3A_66, %sub3A_68 : vector<256x128xf32>
    %select_n3A_70 = arith.select %gt3A_65, %add3A_62, %sub3A_69 : vector<256x128xi1>, vector<256x128xf32>
    %get3A_71 = arith.constant 2 : index
    %get3A_72 = arith.constant 0 : index
    %get3A_73 = arith.constant 0 : index
    %get3A_74 = vector.load %arg1[%get3A_71, %get3A_72, %get3A_73] : memref<4x256x128xf32, #tpu.memory_space<vmem>>, vector<1x256x128xf32>
    %get3A_75 = vector.shape_cast %get3A_74 : vector<1x256x128xf32> to vector<256x128xf32>
    %get3A_76 = arith.constant 0 : index
    %get3A_77 = arith.constant 0 : index
    %get3A_78 = arith.constant 4 : index
    %get3A_79 = vector.load %arg2[%get3A_76, %get3A_77, %get3A_78] : memref<2x256x16xf32, #tpu.memory_space<vmem>>, vector<1x256x2xf32>
    %get3A_80 = vector.shape_cast %get3A_79 : vector<1x256x2xf32> to vector<256x2xf32>
    %get3A_81 = arith.constant 1 : index
    %get3A_82 = arith.constant 0 : index
    %get3A_83 = arith.constant 4 : index
    %get3A_84 = vector.load %arg2[%get3A_81, %get3A_82, %get3A_83] : memref<2x256x16xf32, #tpu.memory_space<vmem>>, vector<1x256x2xf32>
    %get3A_85 = vector.shape_cast %get3A_84 : vector<1x256x2xf32> to vector<256x2xf32>
    %add3A_86 = arith.addf %get3A_80, %get3A_85 : vector<256x2xf32>
    %add3A_87 = arith.constant 1.000000e-16 : f32
    %add3A_88 = vector.broadcast %add3A_87 : f32 to vector<256x2xf32>
    %add3A_89 = arith.addf %add3A_86, %add3A_88 : vector<256x2xf32>
    %get3A_90 = arith.constant 0 : index
    %get3A_91 = arith.constant 0 : index
    %get3A_92 = vector.load %arg7[%get3A_90, %get3A_91] : memref<2x128xf32, #tpu.memory_space<vmem>>, vector<2x128xf32>
    %dot_general3A_93 = arith.constant dense<0.000000e+00> : vector<256x128xf32>
    %dot_general3A_94 = tpu.matmul %add3A_89, %get3A_92, %dot_general3A_93 {dimension_numbers = #tpu.dot_dimension_numbers<[1], [0], [0], [1], [0, 0, 1, 1], [], []>, transpose_lhs_hint = false} : vector<256x2xf32>, vector<2x128xf32>, vector<256x128xf32> -> vector<256x128xf32>
    %div3A_95 = arith.divf %get3A_75, %dot_general3A_94 : vector<256x128xf32>
    %get3A_96 = arith.constant 0 : index
    %get3A_97 = arith.constant 256 : index
    %get3A_98 = vector.load %arg3[%get3A_96, %get3A_97] : memref<1x512xf32, #tpu.memory_space<vmem>>, vector<1x128xf32>
    %get3A_99 = vector.shape_cast %get3A_98 : vector<1x128xf32> to vector<128xf32>
    %broadcast_in_dim3A_100 = vector.shape_cast %get3A_99 : vector<128xf32> to vector<1x128xf32>
    %add3A_101 = vector.broadcast %broadcast_in_dim3A_100 : vector<1x128xf32> to vector<256x128xf32>
    %add3A_102 = arith.addf %div3A_95, %add3A_101 : vector<256x128xf32>
    %gt3A_103 = arith.constant 0.000000e+00 : f32
    %gt3A_104 = vector.broadcast %gt3A_103 : f32 to vector<256x128xf32>
    %gt3A_105 = arith.cmpf ogt, %add3A_102, %gt3A_104 : vector<256x128xf32>
    %exp3A_106 = math.exp %add3A_102 : vector<256x128xf32>
    %sub3A_107 = arith.constant 1.000000e+00 : f32
    %sub3A_108 = vector.broadcast %sub3A_107 : f32 to vector<256x128xf32>
    %sub3A_109 = arith.subf %exp3A_106, %sub3A_108 : vector<256x128xf32>
    %select_n3A_110 = arith.select %gt3A_105, %add3A_102, %sub3A_109 : vector<256x128xi1>, vector<256x128xf32>
    %get3A_111 = arith.constant 3 : index
    %get3A_112 = arith.constant 0 : index
    %get3A_113 = arith.constant 0 : index
    %get3A_114 = vector.load %arg1[%get3A_111, %get3A_112, %get3A_113] : memref<4x256x128xf32, #tpu.memory_space<vmem>>, vector<1x256x128xf32>
    %get3A_115 = vector.shape_cast %get3A_114 : vector<1x256x128xf32> to vector<256x128xf32>
    %get3A_116 = arith.constant 0 : index
    %get3A_117 = arith.constant 0 : index
    %get3A_118 = arith.constant 6 : index
    %get3A_119 = vector.load %arg2[%get3A_116, %get3A_117, %get3A_118] : memref<2x256x16xf32, #tpu.memory_space<vmem>>, vector<1x256x2xf32>
    %get3A_120 = vector.shape_cast %get3A_119 : vector<1x256x2xf32> to vector<256x2xf32>
    %get3A_121 = arith.constant 1 : index
    %get3A_122 = arith.constant 0 : index
    %get3A_123 = arith.constant 6 : index
    %get3A_124 = vector.load %arg2[%get3A_121, %get3A_122, %get3A_123] : memref<2x256x16xf32, #tpu.memory_space<vmem>>, vector<1x256x2xf32>
    %get3A_125 = vector.shape_cast %get3A_124 : vector<1x256x2xf32> to vector<256x2xf32>
    %add3A_126 = arith.addf %get3A_120, %get3A_125 : vector<256x2xf32>
    %add3A_127 = arith.constant 1.000000e-16 : f32
    %add3A_128 = vector.broadcast %add3A_127 : f32 to vector<256x2xf32>
    %add3A_129 = arith.addf %add3A_126, %add3A_128 : vector<256x2xf32>
    %get3A_130 = arith.constant 0 : index
    %get3A_131 = arith.constant 0 : index
    %get3A_132 = vector.load %arg7[%get3A_130, %get3A_131] : memref<2x128xf32, #tpu.memory_space<vmem>>, vector<2x128xf32>
    %dot_general3A_133 = arith.constant dense<0.000000e+00> : vector<256x128xf32>
    %dot_general3A_134 = tpu.matmul %add3A_129, %get3A_132, %dot_general3A_133 {dimension_numbers = #tpu.dot_dimension_numbers<[1], [0], [0], [1], [0, 0, 1, 1], [], []>, transpose_lhs_hint = false} : vector<256x2xf32>, vector<2x128xf32>, vector<256x128xf32> -> vector<256x128xf32>
    %div3A_135 = arith.divf %get3A_115, %dot_general3A_134 : vector<256x128xf32>
    %get3A_136 = arith.constant 0 : index
    %get3A_137 = arith.constant 384 : index
    %get3A_138 = vector.load %arg3[%get3A_136, %get3A_137] : memref<1x512xf32, #tpu.memory_space<vmem>>, vector<1x128xf32>
    %get3A_139 = vector.shape_cast %get3A_138 : vector<1x128xf32> to vector<128xf32>
    %broadcast_in_dim3A_140 = vector.shape_cast %get3A_139 : vector<128xf32> to vector<1x128xf32>
    %add3A_141 = vector.broadcast %broadcast_in_dim3A_140 : vector<1x128xf32> to vector<256x128xf32>
    %add3A_142 = arith.addf %div3A_135, %add3A_141 : vector<256x128xf32>
    %gt3A_143 = arith.constant 0.000000e+00 : f32
    %gt3A_144 = vector.broadcast %gt3A_143 : f32 to vector<256x128xf32>
    %gt3A_145 = arith.cmpf ogt, %add3A_142, %gt3A_144 : vector<256x128xf32>
    %exp3A_146 = math.exp %add3A_142 : vector<256x128xf32>
    %sub3A_147 = arith.constant 1.000000e+00 : f32
    %sub3A_148 = vector.broadcast %sub3A_147 : f32 to vector<256x128xf32>
    %sub3A_149 = arith.subf %exp3A_146, %sub3A_148 : vector<256x128xf32>
    %select_n3A_150 = arith.select %gt3A_145, %add3A_142, %sub3A_149 : vector<256x128xi1>, vector<256x128xf32>
    %concatenate3A = tpu.concatenate %select_n3A, %select_n3A_70, %select_n3A_110, %select_n3A_150 in 1 : vector<256x128xf32>, vector<256x128xf32>, vector<256x128xf32>, vector<256x128xf32> -> vector<256x512xf32>
    %get3A_151 = arith.constant 0 : index
    %get3A_152 = arith.constant 0 : index
    %get3A_153 = vector.load %arg4[%get3A_151, %get3A_152] : memref<512x64xf32, #tpu.memory_space<vmem>>, vector<512x64xf32>
    %dot_general3A_154 = arith.constant dense<0.000000e+00> : vector<256x64xf32>
    %dot_general3A_155 = tpu.matmul %concatenate3A, %get3A_153, %dot_general3A_154 {dimension_numbers = #tpu.dot_dimension_numbers<[1], [0], [0], [1], [0, 0, 1, 1], [], []>, transpose_lhs_hint = false} : vector<256x512xf32>, vector<512x64xf32>, vector<256x64xf32> -> vector<256x64xf32>
    %get3A_156 = arith.constant 0 : index
    %get3A_157 = arith.constant 0 : index
    %get3A_158 = vector.load %arg5[%get3A_156, %get3A_157] : memref<64x1xf32, #tpu.memory_space<vmem>>, vector<64x1xf32>
    %dot_general3A_159 = arith.constant dense<0.000000e+00> : vector<256x1xf32>
    %dot_general3A_160 = tpu.matmul %dot_general3A_155, %get3A_158, %dot_general3A_159 {dimension_numbers = #tpu.dot_dimension_numbers<[1], [0], [0], [1], [0, 0, 1, 1], [], []>, transpose_lhs_hint = false} : vector<256x64xf32>, vector<64x1xf32>, vector<256x1xf32> -> vector<256x1xf32>
    %get3A_161 = arith.constant 0 : index
    %get3A_162 = arith.constant 0 : index
    %get3A_163 = vector.load %arg6[%get3A_161, %get3A_162] : memref<64x1xf32, #tpu.memory_space<vmem>>, vector<64x1xf32>
    %dot_general3A_164 = arith.constant dense<0.000000e+00> : vector<256x1xf32>
    %dot_general3A_165 = tpu.matmul %dot_general3A_155, %get3A_163, %dot_general3A_164 {dimension_numbers = #tpu.dot_dimension_numbers<[1], [0], [0], [1], [0, 0, 1, 1], [], []>, transpose_lhs_hint = false} : vector<256x64xf32>, vector<64x1xf32>, vector<256x1xf32> -> vector<256x1xf32>
    %broadcast_in_dim3A_166 = vector.shape_cast %dot_general3A_160 : vector<256x1xf32> to vector<256x1xf32>
    %broadcast_in_dim3A_167 = vector.broadcast %broadcast_in_dim3A_166 : vector<256x1xf32> to vector<256x16xf32>
    %concatenate3A_168 = tpu.concatenate %dot_general3A_155, %broadcast_in_dim3A_167 in 1 : vector<256x64xf32>, vector<256x16xf32> -> vector<256x80xf32>
    %swap3A = arith.constant 0 : index
    %swap3A_169 = arith.constant 0 : index
    %swap3A_170 = vector.load %arg8[%swap3A, %swap3A_169] : memref<256x80xf32, #tpu.memory_space<vmem>>, vector<256x80xf32>
    tpu.vector_store %arg8[%swap3A, %swap3A_169], %concatenate3A_168 {strides = array<i32>} : memref<256x80xf32, #tpu.memory_space<vmem>>, vector<256x80xf32>,
    %broadcast_in_dim3A_171 = vector.shape_cast %dot_general3A_165 : vector<256x1xf32> to vector<256x1xf32>
    %broadcast_in_dim3A_172 = vector.broadcast %broadcast_in_dim3A_171 : vector<256x1xf32> to vector<256x16xf32>
    %swap3A_173 = arith.constant 0 : index
    %swap3A_174 = arith.constant 0 : index
    %swap3A_175 = vector.load %arg9[%swap3A_173, %swap3A_174] : memref<256x16xf32, #tpu.memory_space<vmem>>, vector<256x16xf32>
    tpu.vector_store %arg9[%swap3A_173, %swap3A_174], %broadcast_in_dim3A_172 {strides = array<i32>} : memref<256x16xf32, #tpu.memory_space<vmem>>, vector<256x16xf32>,
    return
  }
  func.func @transform_0(%arg0: i32) -> (i32, i32, i32) {
    %c0_i32 = arith.constant 0 : i32
    %c0_i32_0 = arith.constant 0 : i32
    %c0_i32_1 = arith.constant 0 : i32
    return %c0_i32, %arg0, %c0_i32_0 : i32, i32, i32
  }
  func.func @transform_1(%arg0: i32) -> (i32, i32, i32) {
    %c0_i32 = arith.constant 0 : i32
    %c0_i32_0 = arith.constant 0 : i32
    %c0_i32_1 = arith.constant 0 : i32
    return %c0_i32, %arg0, %c0_i32_0 : i32, i32, i32
  }
  func.func @transform_2(%arg0: i32) -> (i32, i32) {
    %c0_i32 = arith.constant 0 : i32
    %c0_i32_0 = arith.constant 0 : i32
    %c0_i32_1 = arith.constant 0 : i32
    return %c0_i32, %c0_i32_0 : i32, i32
  }
  func.func @transform_3(%arg0: i32) -> (i32, i32) {
    %c0_i32 = arith.constant 0 : i32
    %c0_i32_0 = arith.constant 0 : i32
    %c0_i32_1 = arith.constant 0 : i32
    return %c0_i32, %c0_i32_0 : i32, i32
  }
  func.func @transform_4(%arg0: i32) -> (i32, i32) {
    %c0_i32 = arith.constant 0 : i32
    %c0_i32_0 = arith.constant 0 : i32
    %c0_i32_1 = arith.constant 0 : i32
    return %c0_i32, %c0_i32_0 : i32, i32
  }
  func.func @transform_5(%arg0: i32) -> (i32, i32) {
    %c0_i32 = arith.constant 0 : i32
    %c0_i32_0 = arith.constant 0 : i32
    %c0_i32_1 = arith.constant 0 : i32
    return %c0_i32, %c0_i32_0 : i32, i32
  }
  func.func @transform_6(%arg0: i32) -> (i32, i32) {
    %c0_i32 = arith.constant 0 : i32
    %c0_i32_0 = arith.constant 0 : i32
    %c0_i32_1 = arith.constant 0 : i32
    return %c0_i32, %c0_i32_0 : i32, i32
  }
  func.func @transform_7(%arg0: i32) -> (i32, i32) {
    %c0_i32 = arith.constant 0 : i32
    %c0_i32_0 = arith.constant 0 : i32
    return %arg0, %c0_i32 : i32, i32
  }
  func.func @transform_8(%arg0: i32) -> (i32, i32) {
    %c0_i32 = arith.constant 0 : i32
    %c0_i32_0 = arith.constant 0 : i32
    return %arg0, %c0_i32 : i32, i32
  }
}

module attributes {stable_mosaic.version = 14 : i64} {
  func.func @_tc3_body(%arg0: i32, %arg1: memref<2x256x80xf32, #tpu.memory_space<vmem>>, %arg2: memref<256x1xi32, #tpu.memory_space<vmem>>, %arg3: memref<1x64xf32, #tpu.memory_space<vmem>>, %arg4: memref<64x10xf32, #tpu.memory_space<vmem>>, %arg5: memref<1x10xf32, #tpu.memory_space<vmem>>, %arg6: memref<16x10xf32, #tpu.memory_space<vmem>>, %arg7: memref<16x64xf32, #tpu.memory_space<vmem>>, %arg8: memref<16x64xf32, #tpu.memory_space<vmem>>) attributes {dimension_semantics = [#tpu.dimension_semantics<arbitrary>], iteration_bounds = array<i64: 40>, scalar_prefetch = 0 : i64, scratch_operands = 0 : i64, tpu.core_type = #tpu.core_type<tc>, window_params = [{transform_indices = @transform_0, window_bounds = array<i64: 2, 256, 80>}, {transform_indices = @transform_1, window_bounds = array<i64: 256, 1>}, {pipeline_mode = #tpu.pipeline_mode<synchronous>, transform_indices = @transform_2, window_bounds = array<i64: 1, 64>}, {pipeline_mode = #tpu.pipeline_mode<synchronous>, transform_indices = @transform_3, window_bounds = array<i64: 64, 10>}, {pipeline_mode = #tpu.pipeline_mode<synchronous>, transform_indices = @transform_4, window_bounds = array<i64: 1, 10>}, {pipeline_mode = #tpu.pipeline_mode<synchronous>, transform_indices = @transform_5, window_bounds = array<i64: 16, 10>}, {pipeline_mode = #tpu.pipeline_mode<synchronous>, transform_indices = @transform_6, window_bounds = array<i64: 16, 64>}, {pipeline_mode = #tpu.pipeline_mode<synchronous>, transform_indices = @transform_7, window_bounds = array<i64: 16, 64>}]} {
    %get3A = arith.constant 0 : index
    %get3A_0 = arith.constant 0 : index
    %get3A_1 = arith.constant 0 : index
    %get3A_2 = vector.load %arg1[%get3A, %get3A_0, %get3A_1] : memref<2x256x80xf32, #tpu.memory_space<vmem>>, vector<1x256x80xf32>
    %get3A_3 = vector.shape_cast %get3A_2 : vector<1x256x80xf32> to vector<256x80xf32>
    %get3A_4 = arith.constant 1 : index
    %get3A_5 = arith.constant 0 : index
    %get3A_6 = arith.constant 0 : index
    %get3A_7 = vector.load %arg1[%get3A_4, %get3A_5, %get3A_6] : memref<2x256x80xf32, #tpu.memory_space<vmem>>, vector<1x256x80xf32>
    %get3A_8 = vector.shape_cast %get3A_7 : vector<1x256x80xf32> to vector<256x80xf32>
    %add3A = arith.addf %get3A_3, %get3A_8 : vector<256x80xf32>
    %slice3A = vector.extract_strided_slice %add3A {offsets = [0, 64], sizes = [256, 1], strides = [1, 1]} : vector<256x80xf32> to vector<256x1xf32>
    %add3A_9 = arith.constant 1.000000e-16 : f32
    %add3A_10 = vector.broadcast %add3A_9 : f32 to vector<256x1xf32>
    %add3A_11 = arith.addf %slice3A, %add3A_10 : vector<256x1xf32>
    %slice3A_12 = vector.extract_strided_slice %add3A {offsets = [0, 0], sizes = [256, 64], strides = [1, 1]} : vector<256x80xf32> to vector<256x64xf32>
    %div3A = vector.broadcast %add3A_11 : vector<256x1xf32> to vector<256x64xf32>
    %div3A_13 = arith.divf %slice3A_12, %div3A : vector<256x64xf32>
    %get3A_14 = arith.constant 0 : index
    %get3A_15 = arith.constant 0 : index
    %get3A_16 = vector.load %arg3[%get3A_14, %get3A_15] : memref<1x64xf32, #tpu.memory_space<vmem>>, vector<1x64xf32>
    %add3A_17 = vector.broadcast %get3A_16 : vector<1x64xf32> to vector<256x64xf32>
    %add3A_18 = arith.addf %div3A_13, %add3A_17 : vector<256x64xf32>
    %get3A_19 = arith.constant 0 : index
    %get3A_20 = arith.constant 0 : index
    %get3A_21 = vector.load %arg2[%get3A_19, %get3A_20] : memref<256x1xi32, #tpu.memory_space<vmem>>, vector<256x1xi32>
    %iota3A = tpu.iota {dimensions = array<i32: 1>} : vector<1x16xi32>
    %eq3A = vector.broadcast %get3A_21 : vector<256x1xi32> to vector<256x16xi32>
    %eq3A_22 = vector.broadcast %iota3A : vector<1x16xi32> to vector<256x16xi32>
    %eq3A_23 = arith.cmpi eq, %eq3A, %eq3A_22 : vector<256x16xi32>
    %convert_element_type3A = arith.extui %eq3A_23 : vector<256x16xi1> to vector<256x16xi32>
    %convert_element_type3A_24 = arith.sitofp %convert_element_type3A : vector<256x16xi32> to vector<256x16xf32>
    %eq3A_25 = arith.constant 0 : i32
    %eq3A_26 = arith.cmpi eq, %arg0, %eq3A_25 : i32
    %convert_element_type3A_27 = arith.extui %eq3A_26 : i1 to i32
    %cond3A = arith.constant 0 : i32
    %cond3A_28 = arith.cmpi ne, %convert_element_type3A_27, %cond3A : i32
    scf.if %cond3A_28 {
      %broadcast_in_dim3A_68 = arith.constant 0.000000e+00 : f32
      %broadcast_in_dim3A_69 = vector.broadcast %broadcast_in_dim3A_68 : f32 to vector<16x64xf32>
      %swap3A_70 = arith.constant 0 : index
      %swap3A_71 = arith.constant 0 : index
      %swap3A_72 = vector.load %arg7[%swap3A_70, %swap3A_71] : memref<16x64xf32, #tpu.memory_space<vmem>>, vector<16x64xf32>
      tpu.vector_store %arg7[%swap3A_70, %swap3A_71], %broadcast_in_dim3A_69 {strides = array<i32>} : memref<16x64xf32, #tpu.memory_space<vmem>>, vector<16x64xf32>,
      %broadcast_in_dim3A_73 = arith.constant 0.000000e+00 : f32
      %broadcast_in_dim3A_74 = vector.broadcast %broadcast_in_dim3A_73 : f32 to vector<16x64xf32>
      %swap3A_75 = arith.constant 0 : index
      %swap3A_76 = arith.constant 0 : index
      %swap3A_77 = vector.load %arg8[%swap3A_75, %swap3A_76] : memref<16x64xf32, #tpu.memory_space<vmem>>, vector<16x64xf32>
      tpu.vector_store %arg8[%swap3A_75, %swap3A_76], %broadcast_in_dim3A_74 {strides = array<i32>} : memref<16x64xf32, #tpu.memory_space<vmem>>, vector<16x64xf32>,
    } else {
    }
    %get3A_29 = arith.constant 0 : index
    %get3A_30 = arith.constant 0 : index
    %get3A_31 = vector.load %arg7[%get3A_29, %get3A_30] : memref<16x64xf32, #tpu.memory_space<vmem>>, vector<16x64xf32>
    %dot_general3A = arith.constant dense<0.000000e+00> : vector<16x64xf32>
    %dot_general3A_32 = tpu.matmul %convert_element_type3A_24, %add3A_18, %dot_general3A {dimension_numbers = #tpu.dot_dimension_numbers<[0], [0], [1], [1], [0, 1, 1, 1], [], []>, transpose_lhs_hint = false} : vector<256x16xf32>, vector<256x64xf32>, vector<16x64xf32> -> vector<16x64xf32>
    %add3A_33 = arith.addf %get3A_31, %dot_general3A_32 : vector<16x64xf32>
    %swap3A = arith.constant 0 : index
    %swap3A_34 = arith.constant 0 : index
    %swap3A_35 = vector.load %arg7[%swap3A, %swap3A_34] : memref<16x64xf32, #tpu.memory_space<vmem>>, vector<16x64xf32>
    tpu.vector_store %arg7[%swap3A, %swap3A_34], %add3A_33 {strides = array<i32>} : memref<16x64xf32, #tpu.memory_space<vmem>>, vector<16x64xf32>,
    %get3A_36 = arith.constant 0 : index
    %get3A_37 = arith.constant 0 : index
    %get3A_38 = vector.load %arg8[%get3A_36, %get3A_37] : memref<16x64xf32, #tpu.memory_space<vmem>>, vector<16x64xf32>
    %broadcast_in_dim3A = arith.constant 1.000000e+00 : f32
    %broadcast_in_dim3A_39 = vector.broadcast %broadcast_in_dim3A : f32 to vector<256x64xf32>
    %dot_general3A_40 = arith.constant dense<0.000000e+00> : vector<16x64xf32>
    %dot_general3A_41 = tpu.matmul %convert_element_type3A_24, %broadcast_in_dim3A_39, %dot_general3A_40 {dimension_numbers = #tpu.dot_dimension_numbers<[0], [0], [1], [1], [0, 1, 1, 1], [], []>, transpose_lhs_hint = false} : vector<256x16xf32>, vector<256x64xf32>, vector<16x64xf32> -> vector<16x64xf32>
    %add3A_42 = arith.addf %get3A_38, %dot_general3A_41 : vector<16x64xf32>
    %swap3A_43 = arith.constant 0 : index
    %swap3A_44 = arith.constant 0 : index
    %swap3A_45 = vector.load %arg8[%swap3A_43, %swap3A_44] : memref<16x64xf32, #tpu.memory_space<vmem>>, vector<16x64xf32>
    tpu.vector_store %arg8[%swap3A_43, %swap3A_44], %add3A_42 {strides = array<i32>} : memref<16x64xf32, #tpu.memory_space<vmem>>, vector<16x64xf32>,
    %get3A_46 = arith.constant 0 : index
    %get3A_47 = arith.constant 0 : index
    %get3A_48 = vector.load %arg7[%get3A_46, %get3A_47] : memref<16x64xf32, #tpu.memory_space<vmem>>, vector<16x64xf32>
    %get3A_49 = arith.constant 0 : index
    %get3A_50 = arith.constant 0 : index
    %get3A_51 = vector.load %arg8[%get3A_49, %get3A_50] : memref<16x64xf32, #tpu.memory_space<vmem>>, vector<16x64xf32>
    %max3A = arith.constant 1.000000e+00 : f32
    %max3A_52 = vector.broadcast %max3A : f32 to vector<16x64xf32>
    %max3A_53 = arith.maximumf %get3A_51, %max3A_52 : vector<16x64xf32>
    %div3A_54 = arith.divf %get3A_48, %max3A_53 : vector<16x64xf32>
    %get3A_55 = arith.constant 0 : index
    %get3A_56 = arith.constant 0 : index
    %get3A_57 = vector.load %arg4[%get3A_55, %get3A_56] : memref<64x10xf32, #tpu.memory_space<vmem>>, vector<64x10xf32>
    %dot_general3A_58 = arith.constant dense<0.000000e+00> : vector<16x10xf32>
    %dot_general3A_59 = tpu.matmul %div3A_54, %get3A_57, %dot_general3A_58 {dimension_numbers = #tpu.dot_dimension_numbers<[1], [0], [0], [1], [0, 0, 1, 1], [], []>, transpose_lhs_hint = false} : vector<16x64xf32>, vector<64x10xf32>, vector<16x10xf32> -> vector<16x10xf32>
    %get3A_60 = arith.constant 0 : index
    %get3A_61 = arith.constant 0 : index
    %get3A_62 = vector.load %arg5[%get3A_60, %get3A_61] : memref<1x10xf32, #tpu.memory_space<vmem>>, vector<1x10xf32>
    %add3A_63 = vector.broadcast %get3A_62 : vector<1x10xf32> to vector<16x10xf32>
    %add3A_64 = arith.addf %dot_general3A_59, %add3A_63 : vector<16x10xf32>
    %swap3A_65 = arith.constant 0 : index
    %swap3A_66 = arith.constant 0 : index
    %swap3A_67 = vector.load %arg6[%swap3A_65, %swap3A_66] : memref<16x10xf32, #tpu.memory_space<vmem>>, vector<16x10xf32>
    tpu.vector_store %arg6[%swap3A_65, %swap3A_66], %add3A_64 {strides = array<i32>} : memref<16x10xf32, #tpu.memory_space<vmem>>, vector<16x10xf32>,
    return
  }
  func.func @transform_0(%arg0: i32) -> (i32, i32, i32) {
    %c0_i32 = arith.constant 0 : i32
    %c0_i32_0 = arith.constant 0 : i32
    %c0_i32_1 = arith.constant 0 : i32
    return %c0_i32, %arg0, %c0_i32_0 : i32, i32, i32
  }
  func.func @transform_1(%arg0: i32) -> (i32, i32) {
    %c0_i32 = arith.constant 0 : i32
    %c0_i32_0 = arith.constant 0 : i32
    return %arg0, %c0_i32 : i32, i32
  }
  func.func @transform_2(%arg0: i32) -> (i32, i32) {
    %c0_i32 = arith.constant 0 : i32
    %c0_i32_0 = arith.constant 0 : i32
    %c0_i32_1 = arith.constant 0 : i32
    return %c0_i32, %c0_i32_0 : i32, i32
  }
  func.func @transform_3(%arg0: i32) -> (i32, i32) {
    %c0_i32 = arith.constant 0 : i32
    %c0_i32_0 = arith.constant 0 : i32
    %c0_i32_1 = arith.constant 0 : i32
    return %c0_i32, %c0_i32_0 : i32, i32
  }
  func.func @transform_4(%arg0: i32) -> (i32, i32) {
    %c0_i32 = arith.constant 0 : i32
    %c0_i32_0 = arith.constant 0 : i32
    %c0_i32_1 = arith.constant 0 : i32
    return %c0_i32, %c0_i32_0 : i32, i32
  }
  func.func @transform_5(%arg0: i32) -> (i32, i32) {
    %c0_i32 = arith.constant 0 : i32
    %c0_i32_0 = arith.constant 0 : i32
    %c0_i32_1 = arith.constant 0 : i32
    return %c0_i32, %c0_i32_0 : i32, i32
  }
  func.func @transform_6(%arg0: i32) -> (i32, i32) {
    %c0_i32 = arith.constant 0 : i32
    %c0_i32_0 = arith.constant 0 : i32
    %c0_i32_1 = arith.constant 0 : i32
    return %c0_i32, %c0_i32_0 : i32, i32
  }
  func.func @transform_7(%arg0: i32) -> (i32, i32) {
    %c0_i32 = arith.constant 0 : i32
    %c0_i32_0 = arith.constant 0 : i32
    %c0_i32_1 = arith.constant 0 : i32
    return %c0_i32, %c0_i32_0 : i32, i32
  }
}

</mosaic_0001>

<sc_bundles>
// kernel: kernel.11.cloned.1.call-start
scs
__scs_entry_jumppad:
0x0: {  	(pc) =	sbr.rel $0x88, $3  }
0x1: {  	(tag) =	ssettag $0x0;
	lr =	simm.s32 $0x1  }
0x2: {  	[smem:$0x3F94] =	sst lr;
	_ =	strace $0xD0000000  }
0x3: {  	_ = 	snop  }
0x4: {  	_ = 	snop  }
0x5: {  	_ = 	snop  }
0x6: {  	_ = 	snop  }
0x7: {  	_ = 	snop  }
__scs_overlays_trampoline_lowered:
0x8: {  	[smem:$0x3FA3] =	sst s0  }
0x9: {  	[smem:$0x3FA4] =	sst s1  }
0xa: {  	[smem:$0x3FA5] =	sst s2  }
0xb: {  	[smem:$0x3FA6] =	sst s3  }
0xc: {  	[smem:$0x3FA7] =	sst s4  }
0xd: {  	[smem:$0x3FA8] =	sst s5  }
0xe: {  	[smem:$0x3FA9] =	sst s6  }
0xf: {  	[smem:$0x3FAA] =	sst s7  }
0x10: {  	[smem:$0x3FAB] =	sst s8  }
0x11: {  	[smem:$0x3FAC] =	sst s9;
	s0 =	simm.s32 @!p0 $0x0  }
0x12: {  	s1 =	sld [smem:$0x3F92];
	s0 =	simm.s32 @p0 $0x1  }
0x13: {  	[smem:$0x3FAD] =	sst s0;
	s0 =	simm.s32 @!p1 $0x0  }
0x14: {  	s2 =	sld [smem:$0x3F91];
	s0 =	simm.s32 @p1 $0x1  }
0x15: {  	[smem:$0x3FAE] =	sst s0;
	s0 =	simm.s32 @!p2 $0x0  }
0x16: {  	s3 =	sld [smem:$0x3FDB];
	s0 =	simm.s32 @p2 $0x1  }
0x17: {  	s4 =	simm.s32 $0x1BF5;
	[smem:$0x3FB0] =	sst s0  }
0x18: {  	s0 =	sld [smem:$0x3F93];
	_ =	swait.ge [sflag:s4], $0x0  }
0x19: {  	s7 =	sld [smem:$0x3F94]  }
0x1a: {  	s8 =	sadd.s32 $0xFFFFE003, lr  }
0x1b: {  	s9 =	sadd.s32 $0xFFFFFEF7, lr;
	s5 =	simm.s32 $0xFFFFFFFF;
	p2 =	slt.u32 s8, $0xFFFFF086  }
0x1c: {  	p1 =	slt.u32 s9, $0xF7A;
	s5 =	simm.s32 @!p2 $0x0  }
0x1d: {  	s5 =	simm.s32 @p1 $0x1;
	p0 =	seq.s32 s7, s2  }
0x1e: {  	s7 =	smul.u32 @!p0 $0xF7A, s2;
	p2 =	seq.s32 @!p0 s5, $0x0  }
0x1f: {  	s9 =	smul.u32 $0xF7A, s1;
	s8 =	simm.s32 @!p0 $0x1BF5;
	p2 =	por !p2, p0  }
0x20: {  	[sflag:s8] =	ssyncset.s32 @!p0 $0xFFFFF086;
	s6 =	sadd.s32 @!p0 s3, s7;
	s7 =	simm.s32 @!p0 $0x108  }
0x21: {  	s3 =	sadd.s32 s3, s9;
	s6 =	sadd.s32 @!p0 $0x88, s6;
	s7 =	simm.s32 @p2 $0x1082  }
0x22: {  	[simem:s7], [sflag:s8] =	dma.local @!p0 [hbm:s6], $0xF7A  }
0x23: {  	s9 =	sor.u32 $0xD0000000, s2;
	s6 =	simm.s32 $0x108;
	_ =	swait.ge @!p0 [sflag:s8], $0x0  }
0x24: {  	s3 =	sadd.s32 $0x88, s3;
	s6 =	simm.s32 @!p1 $0x1082;
	[sflag:s4] =	ssyncset.s32 $0xFFFFF086  }
0x25: {  	[simem:s6], [sflag:s4] =	dma.local [hbm:s3], $0xF7A  }
0x26: {  	[smem:$0x3F94] =	sst s1;
	(tag) =	ssettag s2;
	_ =	strace s9  }
0x27: {  	s1 =	sld [smem:$0x3FA4]  }
0x28: {  	s2 =	sld [smem:$0x3FA5]  }
0x29: {  	s4 =	sld [smem:$0x3FA7]  }
0x2a: {  	p0 =	seq.s32 s5, $0x0;
	s5 =	sld [smem:$0x3FA8]  }
0x2b: {  	s6 =	sld [smem:$0x3FA9]  }
0x2c: {  	s7 =	sld [smem:$0x3FAA]  }
0x2d: {  	s3 =	simm.s32 $0x108;
	s8 =	sld [smem:$0x3FAB]  }
0x2e: {  	s3 =	simm.s32 @!p0 $0x1082;
	s9 =	sld [smem:$0x3FAC]  }
0x2f: {  	lr =	sadd.s32 s0, s3;
	s0 =	sld [smem:$0x3FA3]  }
0x30: {  	s3 =	sld [smem:$0x3FA6]  }
0x31: {  	[smem:$0x3FAF] =	sst s10  }
0x32: {  	s10 =	sld [smem:$0x3FAD];
	_ =	sdelay $0x3  }
0x33: {  	p0 =	seq.s32 s10, $0x1;
	s10 =	sld [smem:$0x3FAF];
	_ =	sdelay $0x3  }
0x34: {  	[smem:$0x3FAF] =	sst s10  }
0x35: {  	s10 =	sld [smem:$0x3FAE];
	_ =	sdelay $0x3  }
0x36: {  	p1 =	seq.s32 s10, $0x1;
	s10 =	sld [smem:$0x3FAF];
	_ =	sdelay $0x3  }
0x37: {  	[smem:$0x3FAF] =	sst s10  }
0x38: {  	s10 =	sld [smem:$0x3FB0]  }
0x39: {  	_ = 	snop;
	(pc) =	sbr.ind lr, $3  }
0x3a: {  	_ = 	snop  }
0x3b: {  	_ = 	snop  }
0x3c: {  	p2 =	seq.s32 s10, $0x1;
	s10 =	sld [smem:$0x3FAF]  }
0x3d: {  	_ =	shalt  }
0x3e: {  	_ =	shalt  }
0x3f: {  	_ =	shalt  }
0x40: {  	_ =	shalt  }
0x41: {  	_ =	shalt  }
0x42: {  	_ =	shalt  }
0x43: {  	_ =	shalt  }
0x44: {  	_ =	shalt  }
0x45: {  	_ =	shalt  }
0x46: {  	_ =	shalt  }
0x47: {  	_ =	shalt  }
0x48: {  	_ =	shalt  }
0x49: {  	_ =	shalt  }
0x4a: {  	_ =	shalt  }
0x4b: {  	_ =	shalt  }
0x4c: {  	_ =	shalt  }
0x4d: {  	_ =	shalt  }
0x4e: {  	_ =	shalt  }
0x4f: {  	_ =	shalt  }
0x50: {  	_ =	shalt  }
0x51: {  	_ =	shalt  }
0x52: {  	_ =	shalt  }
0x53: {  	_ =	shalt  }
0x54: {  	_ =	shalt  }
0x55: {  	_ =	shalt  }
0x56: {  	_ =	shalt  }
0x57: {  	_ =	shalt  }
0x58: {  	_ =	shalt  }
0x59: {  	_ =	shalt  }
0x5a: {  	_ =	shalt  }
0x5b: {  	_ =	shalt  }
0x5c: {  	_ =	shalt  }
0x5d: {  	_ =	shalt  }
0x5e: {  	_ =	shalt  }
0x5f: {  	_ =	shalt  }
0x60: {  	_ =	shalt  }
0x61: {  	_ =	shalt  }
0x62: {  	_ =	shalt  }
0x63: {  	_ =	shalt  }
0x64: {  	_ =	shalt  }
0x65: {  	_ =	shalt  }
0x66: {  	_ =	shalt  }
0x67: {  	_ =	shalt  }
0x68: {  	_ =	shalt  }
0x69: {  	_ =	shalt  }
0x6a: {  	_ =	shalt  }
0x6b: {  	_ =	shalt  }
0x6c: {  	_ =	shalt  }
0x6d: {  	_ =	shalt  }
0x6e: {  	_ =	shalt  }
0x6f: {  	_ =	shalt  }
0x70: {  	_ =	shalt  }
0x71: {  	_ =	shalt  }
0x72: {  	_ =	shalt  }
0x73: {  	_ =	shalt  }
0x74: {  	_ =	shalt  }
0x75: {  	_ =	shalt  }
0x76: {  	_ =	shalt  }
0x77: {  	_ =	shalt  }
0x78: {  	_ =	shalt  }
0x79: {  	_ =	shalt  }
0x7a: {  	_ =	shalt  }
0x7b: {  	_ =	shalt  }
0x7c: {  	_ =	shalt  }
0x7d: {  	_ =	shalt  }
0x7e: {  	_ =	shalt  }
0x7f: {  	_ =	shalt  }
0x80: {  	_ =	shalt  }
0x81: {  	_ =	shalt  }
0x82: {  	_ =	shalt  }
0x83: {  	_ =	shalt  }
0x84: {  	_ =	shalt  }
0x85: {  	_ =	shalt  }
0x86: {  	_ =	shalt  }
0x87: {  	_ =	shalt  }
.Lfunc_end0:
.L_simem_size_0:
called_computation.1_lowered:
.L_overlay_start_0:
0x88: {  	s2 =	sld [smem:$0x3FD9]  }
0x89: {  	s3 =	sld [smem:$0x3FFE];
	_ =	sdelay $0x1  }
0x8a: {  	s1 =	srdreg.scid  }
0x8b: {  	s0 =	sand.u32 $0x1, s1  }
0x8c: {  	s16 =	sshll.u32 s0, $0xA;
	s2 =	sadd.s32 s3, s2  }
0x8d: {  	s2 =	sadd.s32 s2, s16  }
0x8e: {  	[smem:$0x3FBB] =	sst s2  }
0x8f: {  	_ = 	snop  }
0x90: {  	(tm) =	ssettm $0x1  }
0x91: {  	s17 =	sld [smem:$0x3FFB];
	_ =	sdelay $0x3  }
0x92: {  	_ =	strace s17  }
0x93: {  	s2 =	sld [smem:$0x3FFC];
	_ =	sdelay $0x3  }
0x94: {  	_ =	strace s2  }
0x95: {  	s2 =	sld [smem:$0x3FFD];
	_ =	sdelay $0x3  }
0x96: {  	_ =	strace s2  }
0x97: {  	_ =	strace $0x8FFFFFFF  }
0x98: {  	s18 =	sld [smem:$0x3FDB];
	_ =	sdelay $0x1  }
0x99: {  	s19 =	simm.s32 $_scs_section_size  }
0x9a: {  	s4 =	simm.s32 $_size__tile_overlayer_lowered;
	s5 =	simm.s32 $_tile_overlayer_lowered  }
0x9b: {  	s22 =	simm.s32 $0x1BFF;
	s21 =	sshll.u32 s5, $0x1;
	s2 =	sadd.s32 s19, s18  }
0x9c: {  	s6 =	simm.s32 $0x0;
	s20 =	sshll.u32 s4, $0x1;
	s4 =	sadd.s32 s21, s2  }
0x9d: {  	[timem:s6], [sflag:s22] =	dma.local [hbm:s4], s20  }
0x9e: {  	_ =	swait.ge [sflag:s22], s20  }
0x9f: {  	s3 =	ssub.s32 $0x0, s20;
	[sflag:s22] =	ssyncset.done $0x0  }
0xa0: {  	[sflag:s22] =	ssyncadd.s32 s3;
	_ =	sdelay $0x1  }
0xa1: {  	s23 =	simm.s32 $0x1B8B  }
0xa2: {  	_ =	swait.ge [sflag:s23], $0x1  }
0xa3: {  	[sflag:s23] =	ssyncset.done $0x0  }
0xa4: {  	s25 =	simm.s32 $0x1B8E;
	s24 =	sld [smem:$0x3FFE];
	[sflag:s23] =	ssyncadd.s32 $0xFFFFFFFF  }
0xa5: {  	s26 =	simm.s32 $execute0_lowered;
	[smem:$0x3FD2] =	sst s25  }
0xa6: {  	s4 =	sshll.u32 s26, $0x1;
	_ =	strace $0x80000049;
	[dreg:$0x1] =	wrdreg $0xFFFFFFFF  }
0xa7: {  	s28 =	simm.s32 $_size_execute0_lowered;
	s2 =	sadd.s32 s2, s4;
	[dreg:$0x0] =	wrdreg $0x0  }
0xa8: {  	s4 =	sshll.u32 s28, $0x1;
	[dreg:$0x2] =	wrdreg s2  }
0xa9: {  	[dreg:$0x3] =	wrdreg s4  }
0xaa: {  	[dreg:$0x4] =	wrdreg $0xC0  }
0xab: {  	_ =	task [dreg:s6], $0x5FFFF  }
0xac: {  	[dreg:$0x1] =	wrdreg $0xFFFFFFFF  }
0xad: {  	[dreg:$0x0] =	wrdreg $0x60  }
0xae: {  	[dreg:$0x2] =	wrdreg s24  }
0xaf: {  	[dreg:$0x3] =	wrdreg $0x94000  }
0xb0: {  	[dreg:$0x4] =	wrdreg $0x9  }
0xb1: {  	_ =	task.clear_ibuf [dreg:s6], $0x5FFFF;
	_ =	strace $0x90000049  }
0xb2: {  	s29 =	simm.s32 $0x9;
	_ =	strace $0x8000004B  }
0xb3: {  	_ =	swait.ge [sflag:s29], $0x1  }
0xb4: {  	[sflag:s29] =	ssyncadd.s32 $0xFFFFFFFF  }
0xb5: {  	_ =	strace $0x9000004B  }
0xb6: {  	_ =	sfence  }
0xb7: {  	s30 =	sld [smem:$0x0];
	_ =	sdelay $0x2  }
0xb8: {  	s31 =	sshll.u32 s1, $0xD;
	s1 =	sshrl.u32 s1, $0x2  }
0xb9: {  	s3 =	sand.u32 $0x4000, s31;
	s1 =	sadd.s32 s1, s30  }
0xba: {  	s0 =	sor.u32 s3, s0;
	s1 =	sshll.u32 s1, $0x11  }
0xbb: {  	s0 =	sor.u32 s1, s0  }
0xbc: {  	s0 =	sadd.s32 $0x8F2B, s0  }
0xbd: {  	[sflag:s0] =	ssyncadd.remote.s32 $0x1  }
0xbe: {  	_ =	sfence.sel $0xFFFF  }
0xbf: {  	[dreg:$0x0] =	wrdreg $0xFFFFFFFF;
	(pc) =	sbr.abs _section_cstart, $3  }
0xc0: {  	[dreg:$0x1] =	wrdreg $0xFFFFFFFF  }
0xc1: {  	_ =	task.clear_ibuf [dreg:s6], $0x2FFFF;
	_ =	strace $0x9FFFFFFF  }
0xc2: {  	(tm) =	ssettm $0x7FFFFFFF  }
0xc3: {  	_ =	shalt  }
tec
execute0_lowered:
.L_overlay_start_1:
0x0: {  	(tag) =	ssettag $0x1  }
0x1: {  	s0 =	rddreg [dreg:$0x0]  }
0x2: {  	s1 =	rddreg [dreg:$0x1];
	s2 =	simm.s32 $0x0  }
0x3: {  	s3 =	srdreg.scid;
	s19 =	stileid.u32;
	s28 =	simm.s32 $0x80  }
0x4: {  	s30 =	simm.s32 $0x400;
	s29 =	simm.s32 $0x3;
	s31 =	simm.s32 $0x5  }
0x5: {  	[smem:$0x7FF] =	sst s2;
	s4 =	sadd.s32 $0x2C00, s0;
	s8 =	smul.u32 $0x5100, s19  }
0x6: {  	s5 =	sadd.s32 $0xCB600, s0;
	s3 =	sand.u32 $0x1, s3;
	s14 =	smul.u32 $0x50000, s19  }
0x7: {  	s6 =	sadd.s32 $0x16D600, s0;
	s7 =	sadd.s32 $0xB6E00, s0;
	s18 =	smul.u32 $0x280, s19  }
0x8: {  	s11 =	sadd.s32 $0xA2C00, s0;
	s13 =	sadd.s32 $0x195E00, s0;
	s24 =	smul.u32 $0xA200, s19  }
0x9: {  	s16 =	sshll.u32 s19, $0x6;
	s0 =	sadd.s32 $0x16D610, s0;
	_ =	strace $0x8000004A  }
0xa: {  	s9 =	smul.u32 $0x5000, s3;
	s10 =	ssub.s32 $0x2, s3;
	[dreg:$0x3] =	wrdreg s11  }
0xb: {  	s12 =	smul.u32 $0xA2000, s3;
	s15 =	sshll.u32 s3, $0x2;
	s3 =	sshllo.u32 s3, $0x1  }
0xc: {  	s22 =	sor.u32 $0x1C0B, s16;
	s17 =	sshrl.u32 s10, $0x1;
	s25 =	smul.u32 $0x2800, s3  }
0xd: {  	s14 =	sshrl.u32 s14, $0x2;
	s23 =	sshrl.u32 s8, $0x3;
	s26 =	smul.u32 $0x51000, s3  }
0xe: {  	s16 =	sadd.s32 s5, s24;
	[dreg:$0x5] =	wrdreg s22;
	s11 =	ssub.s32 s10, s17  }
0xf: {  	s10 =	sadd.s32 s8, s12;
	s14 =	sadd.s32 s14, s1;
	s20 =	sadd.s32 s7, s23  }
0x10: {  	s9 =	sadd.s32 s18, s9;
	[dreg:$0x9] =	wrdreg s16;
	s16 =	sshll.u32 s3, $0x1  }
0x11: {  	s23 =	sshllo.u32 s3, $0x1;
	s3 =	simm.s32 $0x8;
	s17 =	sshrl.u32 s10, $0x3  }
0x12: {  	[dreg:$0x4] =	wrdreg s14;
	s9 =	sshll.u32 s9, $0x4;
	s12 =	sadd.s32 s18, s25  }
0x13: {  	s18 =	sadd.s32 s8, s26;
	s24 =	smax.u32 s11, $0x1;
	[dreg:$0x7] =	wrdreg s20  }
0x14: {  	s25 =	sadd.s32 $0x10, s20;
	s26 =	sor.u32 $0x1, s15;
	s11 =	simm.s32 $0xA  }
0x15: {  	v0 =	vmov s15;
	s15 =	simm.s32 $0x1;
	s20 =	simm.s32 $0x0;
	[dreg:$0xe] =	wrdreg s24  }
0x16: {  	s21 =	sadd.s32 s6, s17;
	s17 =	sadd.s32 s17, s0;
	[dreg:$0xf] =	wrdreg s25  }
0x17: {  	s9 =	sadd.s32 s13, s9;
	s14 =	sshll.u32 s12, $0x4;
	[dreg:$0x6] =	wrdreg s21  }
0x18: {  	s24 =	smul.u32 $0x51000, s19;
	s25 =	simm.s32 $0xB;
	[dreg:$0x8] =	wrdreg s17  }
0x19: {  	[dreg:$0xa] =	wrdreg s9;
	s9 =	sadd.s32 s13, s14;
	s17 =	sshrl.u32 s18, $0x3  }
0x1a: {  	v2 =	vmov s16;
	v3 =	vmov s23;
	v1 =	vmov s26;
	s26 =	simm.s32 $0x8C00;
	[dreg:$0xb] =	wrdreg s9;
	s0 =	sadd.s32 s17, s0  }
0x1b: {  	v0 =	vbroadcast v0, $0x0;
	v3 =	vand.u32 $0xF, v3;
	v2 =	vbroadcast v2, $0x0;
	s13 =	simm.s32 $0x4400;
	s21 =	sadd.s32 s6, s17;
	[dreg:$0xc] =	wrdreg s0  }
0x1c: {  	v1 =	vbroadcast v1, $0x0;
	v3 =	vbroadcast v3, $0x0;
	s17 =	simm.s32 $0x4;
	[dreg:$0xd] =	wrdreg s21;
	s0 =	simm.s32 $0x2  }
.LBB2_1:
0x1d: {  	s9 =	rddreg [dreg:$0x4]  }
0x1e: {  	s19 =	rddreg [dreg:$0x3];
	s21 =	sshrl.u32 s9, $0x3  }
0x1f: {  	[spmem:s21], [sflag:s22] =	dma.local [hbm:s19], $0x2800  }
0x20: {  	_ =	swait.ge [sflag:s25], $0x2800  }
0x21: {  	[sflag:s25] =	ssyncset.done $0x0  }
0x22: {  	[sflag:s25] =	ssyncadd.s32 $0xFFFFD800  }
0x23: {  	[bflag:$0x0] =	sbarrier.arrive $0xFFFF  }
0x24: {  	s22 =	rddreg [dreg:$0x6]  }
0x25: {  	[tilespmem:s2], [sflag:$0xB] =	stream.linear.gather [hbm4b:s22+s2], $0x80, $0x38;
	[tilespmem:$0x1D400] =	vst v63  }
0x26: {  	_ =	swait.ge [sflag:s25], $0x80  }
0x27: {  	[sflag:s25] =	ssyncset.done $0x0  }
0x28: {  	s12 =	simm.s32 $0x200;
	s23 =	rddreg [dreg:$0x7];
	[sflag:s25] =	ssyncadd.s32 $0xFFFFFF80  }
0x29: {  	[tilespmem:s12], [sflag:$0xB] =	stream.linear.gather [hbm4b:s23+s2], $0x80, $0x38;
	[tilespmem:$0x1D400] =	vst v63  }
0x2a: {  	_ =	swait.ge [sflag:s25], $0x80  }
0x2b: {  	[sflag:s25] =	ssyncset.done $0x0  }
0x2c: {  	s14 =	rddreg [dreg:$0x8];
	[sflag:s25] =	ssyncadd.s32 $0xFFFFFF80  }
0x2d: {  	[tilespmem:s28], [sflag:$0xB] =	stream.linear.gather [hbm4b:s14+s2], $0x80, $0x38;
	[tilespmem:$0x1D400] =	vst v63  }
0x2e: {  	_ =	swait.ge [sflag:s25], $0x80  }
0x2f: {  	[sflag:s25] =	ssyncset.done $0x0  }
0x30: {  	s19 =	simm.s32 $0x280;
	s16 =	rddreg [dreg:$0xf];
	[sflag:s25] =	ssyncadd.s32 $0xFFFFFF80  }
0x31: {  	[tilespmem:s19], [sflag:$0xB] =	stream.linear.gather [hbm4b:s16+s2], $0x80, $0x38;
	[tilespmem:$0x1D400] =	vst v63  }
0x32: {  	_ =	swait.ge [sflag:s25], $0x80  }
0x33: {  	[sflag:s25] =	ssyncset.done $0x0  }
0x34: {  	[sflag:s25] =	ssyncadd.s32 $0xFFFFFF80  }
0x35: {  	[tilespmem:s30], [sflag:$0x1] =	stream.indirect.gather [hbm4b:s4+s28], $0x80, s2, s28, $0xb8;
	[tilespmem:$0x1D400] =	vst v63  }
0x36: {  	s23 =	simm.s32 $0x8400;
	s22 =	rddreg [dreg:$0x9]  }
0x37: {  	[tilespmem:s23], [sflag:$0x3] =	stream.linear.gather [hbm4b:s22+s2], $0x800, $0x38;
	[tilespmem:$0x1D400] =	vst v63  }
0x38: {  	s22 =	simm.s32 $0x0  }
.LBB2_2:
0x39: {  	p1 =	seq.s32 s22, $0x0  }
0x3a: {  	p0 =	seq.s32 @!p1 s22, $0x50  }
0x3b: {  	p0 =	por p1, !p0  }
.Ltmp0:
0x3c: {  	_ = 	snop;
	(pc) =	sbr.rel @p0 .LBB2_4-.Ltmp0, $4  }
0x3d: {  	s12 =	simm.s32 @!p1 $0x6  }
0x3e: {  	_ =	swait.ge @!p1 [sflag:s12], $0x4000  }
0x3f: {  	s9 =	sshll.u32 s22, $0x1;
	[sflag:s12] =	ssyncset.done @!p1 $0x0  }
0x40: {  	s16 =	sadd.s32 @!p1 $0x2, s9;
	[sflag:s12] =	ssyncadd.s32 @!p1 $0xFFFFC000  }
.Ltmp1:
0x41: {  	(pc) =	sbr.rel .LBB2_5-.Ltmp1, $2  }
0x42: {  	_ =	sdelay $0x2  }
0x43: {  	p0 =	por @!p1 $0x1, $0x1;
	s12 =	simm.s32 @!p1 $0xA1  }
.LBB2_4:
0x44: {  	s16 =	simm.s32 @p1 $0x2  }
0x45: {  	s12 =	sshll.u32 s16, $0x7  }
0x46: {  	s14 =	sadd.s32 s10, s12  }
0x47: {  	s19 =	sand.u32 $0x100, s12;
	s12 =	sadd.s32 s8, s12;
	s14 =	sshrl.u32 s14, $0x3  }
.Ltmp2:
0x48: {  	s12 =	sshrl.u32 s12, $0x3;
	s14 =	sadd.s32 s6, s14;
	(pc) =	sbr.rel @p1 .LBB2_6-.Ltmp2, $4  }
0x49: {  	[tilespmem:s19], [sflag:$0x7] =	stream.linear.gather [hbm4b:s14+s2], $0x80, $0x38;
	[tilespmem:$0x1D400] =	vst v63  }
0x4a: {  	s23 =	sor.u32 $0x200, s19;
	s12 =	sadd.s32 s7, s12  }
0x4b: {  	[tilespmem:s23], [sflag:$0x9] =	stream.linear.gather [hbm4b:s12+s2], $0x80, $0x38;
	[tilespmem:$0x1D400] =	vst v63  }
0x4c: {  	p0 =	por $0x0, $0x0;
	s12 =	sor.u32 $0x1, s9  }
.LBB2_5:
0x4d: {  	_ =	swait.ge [sflag:s3], $0x80  }
0x4e: {  	[sflag:s3] =	ssyncset.done $0x0  }
0x4f: {  	[sflag:s3] =	ssyncadd.s32 $0xFFFFFF80  }
0x50: {  	_ =	swait.ge [sflag:s11], $0x80  }
0x51: {  	[sflag:s11] =	ssyncset.done $0x0  }
0x52: {  	[sflag:s11] =	ssyncadd.s32 $0xFFFFFF80  }
.LBB2_6:
0x53: {  	s9 =	sshll.u32 s12, $0x7;
	s14 =	sshll.u32 s12, $0xB  }
0x54: {  	s9 =	sand.u32 $0x180, s9;
	s12 =	sadd.s32 s24, s14  }
0x55: {  	[tilespmem:s13], [sflag:$0x2] =	stream.indirect.gather [hbm4b:s4+s28], $0x80, s9, s28, $0xb8;
	[tilespmem:$0x1D400] =	vst v63  }
0x56: {  	s12 =	sshrl.u32 s12, $0x3  }
0x57: {  	s12 =	sadd.s32 s5, s12  }
0x58: {  	[tilespmem:s26], [sflag:$0x4] =	stream.linear.gather [hbm4b:s12+s2], $0x800, $0x38;
	[tilespmem:$0x1D400] =	vst v63  }
0x59: {  	_ =	swait.ge [sflag:s15], $0x4000  }
0x5a: {  	[sflag:s15] =	ssyncset.done $0x0  }
0x5b: {  	[sflag:s15] =	ssyncadd.s32 $0xFFFFC000  }
0x5c: {  	_ =	swait.ge [sflag:s29], $0x800  }
0x5d: {  	[sflag:s29] =	ssyncset.done $0x0  }
0x5e: {  	s19 =	simm.s32 $0x8420;
	[sflag:s29] =	ssyncadd.s32 $0xFFFFF800  }
0x5f: {  	v5 =	vld [tilespmem:s19+$0x10]  }
0x60: {  	s23 =	simm.s32 $0x500;
	v6 =	vld [tilespmem:s19+$0xFFFFFFF0]  }
0x61: {  	v7 =	vld [tilespmem:s23+$0xF0]  }
0x62: {  	v8 =	vld [tilespmem:s19+$0x0]  }
0x63: {  	v9 =	vld [tilespmem:s19+$0xFFFFFFE0]  }
0x64: {  	v10 =	vld [tilespmem:s23+$0xFFFFFF00]  }
0x65: {  	v11 =	vld [tilespmem:s23+$0xFFFFFF10]  }
0x66: {  	v12 =	vld [tilespmem:s23+$0xFFFFFF20]  }
0x67: {  	v13 =	vld [tilespmem:s23+$0xFFFFFF30];
	v4 =	vperm.xlane v5, v1  }
0x68: {  	v15 =	vld [tilespmem:s23+$0xFFFFFF40];
	v14 =	vperm.xlane v9, v0  }
0x69: {  	v16 =	vld [tilespmem:s23+$0xFFFFFF50];
	v7 =	vmul.f32 v7, v4  }
0x6a: {  	v17 =	vld [tilespmem:s23+$0xFFFFFF60];
	v10 =	vmul.f32 v10, v14  }
0x6b: {  	v12 =	vmul.f32 v12, v14;
	[tilespmem:s23+$0xF0] =	vst v7;
	v7 =	vmul.f32 v11, v14;
	v11 =	vld [tilespmem:s23+$0xFFFFFF70]  }
0x6c: {  	v9 =	vperm.xlane v9, v1;
	v13 =	vmul.f32 v13, v14;
	[tilespmem:s23+$0xFFFFFF00] =	vst v10;
	v10 =	vld [tilespmem:s23+$0xFFFFFF80]  }
0x6d: {  	[tilespmem:s23+$0xFFFFFF20] =	vst v12;
	v12 =	vld [tilespmem:s23+$0xFFFFFFA0]  }
0x6e: {  	v14 =	vmul.f32 v15, v9;
	[tilespmem:s23+$0xFFFFFF30] =	vst v13;
	v13 =	vld [tilespmem:s23+$0xFFFFFFB0]  }
0x6f: {  	v15 =	vmul.f32 v16, v9;
	[tilespmem:s23+$0xFFFFFF10] =	vst v7;
	v7 =	vld [tilespmem:s23+$0xFFFFFF90]  }
0x70: {  	v61 =	vperm.xlane v6, v0;
	v17 =	vmul.f32 v17, v9;
	[tilespmem:s23+$0xFFFFFF40] =	vst v14;
	v14 =	vld [tilespmem:s23+$0xFFFFFFC0]  }
0x71: {  	[tilespmem:s23+$0xFFFFFF50] =	vst v15;
	v15 =	vld [tilespmem:s23+$0xFFFFFFE0];
	v9 =	vmul.f32 v11, v9  }
0x72: {  	[tilespmem:s23+$0xFFFFFF60] =	vst v17;
	v11 =	vld [tilespmem:s23+$0xFFFFFFD0];
	v10 =	vmul.f32 v10, v61  }
0x73: {  	v12 =	vmul.f32 v12, v61;
	[tilespmem:s23+$0xFFFFFF70] =	vst v9;
	v9 =	vld [tilespmem:s23+$0xFFFFFFF0]  }
0x74: {  	v6 =	vperm.xlane v6, v1;
	v13 =	vmul.f32 v13, v61;
	[tilespmem:s23+$0xFFFFFF80] =	vst v10;
	v10 =	vld [tilespmem:s23+$0x0]  }
0x75: {  	v7 =	vmul.f32 v7, v61;
	[tilespmem:s23+$0xFFFFFFA0] =	vst v12;
	v12 =	vld [tilespmem:s23+$0x20]  }
0x76: {  	v14 =	vmul.f32 v14, v6;
	[tilespmem:s23+$0xFFFFFFB0] =	vst v13;
	v13 =	vld [tilespmem:s23+$0x30]  }
0x77: {  	v15 =	vmul.f32 v15, v6;
	[tilespmem:s23+$0xFFFFFF90] =	vst v7;
	v7 =	vld [tilespmem:s23+$0x10]  }
0x78: {  	v62 =	vperm.xlane v8, v0;
	[tilespmem:s23+$0xFFFFFFC0] =	vst v14;
	v14 =	vld [tilespmem:s23+$0x40];
	v11 =	vmul.f32 v11, v6  }
0x79: {  	[tilespmem:s23+$0xFFFFFFE0] =	vst v15;
	v15 =	vld [tilespmem:s23+$0x70];
	v6 =	vmul.f32 v9, v6  }
0x7a: {  	[tilespmem:s23+$0xFFFFFFD0] =	vst v11;
	v9 =	vld [tilespmem:s23+$0x50];
	v10 =	vmul.f32 v10, v62  }
0x7b: {  	v63 =	vperm.xlane v8, v1;
	v11 =	vld [tilespmem:s23+$0x60];
	v8 =	vmul.f32 v13, v62;
	[tilespmem:s23+$0xFFFFFFF0] =	vst v6  }
0x7c: {  	v6 =	vmul.f32 v12, v62;
	[tilespmem:s23+$0x0] =	vst v10;
	v10 =	vld [tilespmem:s23+$0x80]  }
0x7d: {  	v7 =	vmul.f32 v7, v62;
	v12 =	vld [tilespmem:s23+$0x90];
	[tilespmem:s23+$0x30] =	vst v8  }
0x7e: {  	v13 =	vmul.f32 v14, v63;
	[tilespmem:s23+$0x20] =	vst v6;
	v6 =	vld [tilespmem:s23+$0xA0]  }
0x7f: {  	[tilespmem:s23+$0x10] =	vst v7;
	v7 =	vld [tilespmem:s23+$0xB0];
	v9 =	vmul.f32 v9, v63  }
0x80: {  	v5 =	vperm.xlane v5, v0;
	v8 =	vld [tilespmem:s23+$0xC0];
	[tilespmem:s23+$0x40] =	vst v13;
	v14 =	vmul.f32 v11, v63  }
0x81: {  	v11 =	vmul.f32 v15, v63;
	[tilespmem:s23+$0x50] =	vst v9;
	v9 =	vld [tilespmem:s23+$0xD0]  }
0x82: {  	s14 =	simm.s32 $0x500;
	s12 =	simm.s32 $0x8460;
	s19 =	simm.s32 $0x0;
	v13 =	vmul.f32 v10, v5;
	[tilespmem:s23+$0x60] =	vst v14;
	v12 =	vmul.f32 v12, v5;
	v10 =	vld [tilespmem:s23+$0xE0]  }
.LBB2_7:
0x83: {  	v14 =	vld [tilespmem:s12+$0x10];
	s19 =	sadd.s32 $0x4, s19;
	[tilespmem:s23+$0x70] =	vst v11;
	v6 =	vmul.f32 v6, v5  }
0x84: {  	s23 =	sadd.s32 $0x200, s23;
	v11 =	vld [tilespmem:s12+$0xFFFFFFF0];
	p1 =	slt.u32 s19, $0x7C;
	[tilespmem:s14+$0x80] =	vst v13;
	v5 =	vmul.f32 v7, v5  }
0x85: {  	v7 =	vld [tilespmem:s23+$0xF0];
	[tilespmem:s14+$0x90] =	vst v12;
	v8 =	vmul.f32 v8, v4  }
0x86: {  	v12 =	vld [tilespmem:s12+$0x0];
	[tilespmem:s14+$0xA0] =	vst v6;
	v6 =	vmul.f32 v9, v4  }
0x87: {  	v9 =	vld [tilespmem:s12+$0xFFFFFFE0];
	[tilespmem:s14+$0xB0] =	vst v5;
	v10 =	vmul.f32 v10, v4  }
0x88: {  	v13 =	vld [tilespmem:s23+$0xFFFFFF00];
	v5 =	vperm.xlane v14, v0;
	v4 =	vperm.xlane v14, v1;
	[tilespmem:s14+$0xC0] =	vst v8  }
0x89: {  	v8 =	vld [tilespmem:s23+$0xFFFFFF10];
	v14 =	vperm.xlane v11, v0;
	v11 =	vperm.xlane v11, v1;
	[tilespmem:s14+$0xD0] =	vst v6  }
0x8a: {  	v6 =	vld [tilespmem:s23+$0xFFFFFF20];
	v7 =	vmul.f32 v7, v4;
	[tilespmem:s14+$0xE0] =	vst v10;
	s14 =	smov.u32 s23  }
0x8b: {  	v10 =	vld [tilespmem:s23+$0xFFFFFF30];
	v15 =	vperm.xlane v12, v0;
	v12 =	vperm.xlane v12, v1  }
0x8c: {  	v16 =	vperm.xlane v9, v0;
	v9 =	vperm.xlane v9, v1;
	v17 =	vld [tilespmem:s23+$0xFFFFFF40];
	[tilespmem:s23+$0xF0] =	vst v7  }
0x8d: {  	v7 =	vld [tilespmem:s23+$0xFFFFFF50]  }
0x8e: {  	v13 =	vmul.f32 v13, v16;
	v8 =	vmul.f32 v8, v16;
	v18 =	vld [tilespmem:s23+$0xFFFFFF60]  }
0x8f: {  	v6 =	vmul.f32 v6, v16;
	v19 =	vld [tilespmem:s23+$0xFFFFFF70]  }
0x90: {  	[tilespmem:s23+$0xFFFFFF00] =	vst v13;
	v10 =	vmul.f32 v10, v16;
	v13 =	vld [tilespmem:s23+$0xFFFFFF80]  }
0x91: {  	[tilespmem:s23+$0xFFFFFF10] =	vst v8;
	v8 =	vmul.f32 v17, v9;
	v16 =	vld [tilespmem:s23+$0xFFFFFF90]  }
0x92: {  	[tilespmem:s23+$0xFFFFFF20] =	vst v6;
	v6 =	vmul.f32 v7, v9;
	v7 =	vld [tilespmem:s23+$0xFFFFFFA0]  }
0x93: {  	[tilespmem:s23+$0xFFFFFF30] =	vst v10;
	v10 =	vmul.f32 v18, v9;
	v17 =	vld [tilespmem:s23+$0xFFFFFFB0]  }
0x94: {  	[tilespmem:s23+$0xFFFFFF40] =	vst v8;
	v8 =	vmul.f32 v19, v9;
	v9 =	vld [tilespmem:s23+$0xFFFFFFC0]  }
0x95: {  	[tilespmem:s23+$0xFFFFFF50] =	vst v6;
	v6 =	vmul.f32 v13, v14;
	v13 =	vld [tilespmem:s23+$0xFFFFFFD0]  }
0x96: {  	[tilespmem:s23+$0xFFFFFF60] =	vst v10;
	v10 =	vmul.f32 v16, v14;
	v16 =	vld [tilespmem:s23+$0xFFFFFFE0]  }
0x97: {  	[tilespmem:s23+$0xFFFFFF70] =	vst v8;
	v7 =	vmul.f32 v7, v14;
	v8 =	vld [tilespmem:s23+$0xFFFFFFF0]  }
0x98: {  	[tilespmem:s23+$0xFFFFFF80] =	vst v6;
	v6 =	vmul.f32 v17, v14;
	v14 =	vld [tilespmem:s23+$0x0]  }
0x99: {  	[tilespmem:s23+$0xFFFFFF90] =	vst v10;
	v9 =	vmul.f32 v9, v11;
	v10 =	vld [tilespmem:s23+$0x10]  }
0x9a: {  	[tilespmem:s23+$0xFFFFFFA0] =	vst v7;
	v7 =	vmul.f32 v13, v11;
	v13 =	vld [tilespmem:s23+$0x20]  }
0x9b: {  	[tilespmem:s23+$0xFFFFFFB0] =	vst v6;
	v6 =	vmul.f32 v16, v11;
	v16 =	vld [tilespmem:s23+$0x30]  }
0x9c: {  	[tilespmem:s23+$0xFFFFFFC0] =	vst v9;
	v8 =	vmul.f32 v8, v11;
	v9 =	vld [tilespmem:s23+$0x40]  }
0x9d: {  	[tilespmem:s23+$0xFFFFFFD0] =	vst v7;
	v7 =	vmul.f32 v14, v15;
	v11 =	vld [tilespmem:s23+$0x50]  }
0x9e: {  	[tilespmem:s23+$0xFFFFFFE0] =	vst v6;
	v6 =	vmul.f32 v10, v15;
	v10 =	vld [tilespmem:s23+$0x60]  }
0x9f: {  	[tilespmem:s23+$0xFFFFFFF0] =	vst v8;
	v8 =	vmul.f32 v13, v15;
	v13 =	vld [tilespmem:s23+$0x70]  }
0xa0: {  	[tilespmem:s23+$0x0] =	vst v7;
	v7 =	vmul.f32 v16, v15;
	v14 =	vld [tilespmem:s23+$0x80]  }
0xa1: {  	[tilespmem:s23+$0x10] =	vst v6;
	v9 =	vmul.f32 v9, v12;
	v15 =	vld [tilespmem:s23+$0x90]  }
.Ltmp3:
0xa2: {  	[tilespmem:s23+$0x20] =	vst v8;
	v16 =	vmul.f32 v11, v12;
	v6 =	vld [tilespmem:s23+$0xA0];
	(pc) =	sbr.rel @p1 .LBB2_7-.Ltmp3, $4  }
0xa3: {  	[tilespmem:s23+$0x30] =	vst v7;
	v10 =	vmul.f32 v10, v12;
	v7 =	vld [tilespmem:s23+$0xB0]  }
0xa4: {  	[tilespmem:s23+$0x40] =	vst v9;
	v11 =	vmul.f32 v13, v12;
	v8 =	vld [tilespmem:s23+$0xC0]  }
0xa5: {  	[tilespmem:s23+$0x50] =	vst v16;
	v13 =	vmul.f32 v14, v5;
	v9 =	vld [tilespmem:s23+$0xD0]  }
0xa6: {  	s12 =	sadd.s32 $0x40, s12;
	[tilespmem:s23+$0x60] =	vst v10;
	v12 =	vmul.f32 v15, v5;
	v10 =	vld [tilespmem:s23+$0xE0]  }
0xa7: {  	[tilespmem:s23+$0x70] =	vst v11  }
0xa8: {  	v6 =	vmul.f32 v6, v5;
	[tilespmem:s14+$0x80] =	vst v13  }
0xa9: {  	v5 =	vmul.f32 v7, v5;
	[tilespmem:s14+$0x90] =	vst v12  }
0xaa: {  	v7 =	vmul.f32 v8, v4;
	[tilespmem:s14+$0xA0] =	vst v6  }
0xab: {  	v6 =	vmul.f32 v9, v4;
	[tilespmem:s14+$0xB0] =	vst v5  }
0xac: {  	s12 =	sshll.u32 s22, $0x8;
	v4 =	vmul.f32 v10, v4;
	[tilespmem:s14+$0xC0] =	vst v7  }
0xad: {  	s19 =	sand.u32 $0x100, s12;
	s12 =	sadd.s32 @!p0 $0x180, s12;
	[tilespmem:s14+$0xD0] =	vst v6  }
0xae: {  	s19 =	sor.u32 $0x200, s19;
	[tilespmem:s14+$0xE0] =	vst v4;
	s14 =	sadd.s32 @!p0 s10, s12  }
0xaf: {  	[spmem:s1] =	stream.indirect.scatter.add.f32 [tilespmem:s30], [sflag:$0x5], $0x80, s19, s28, $0xb8;
	[tilespmem:$0x1D400] =	vst v63  }
0xb0: {  	s23 =	simm.s32 @!p0 $0x0;
	s14 =	sshrl.u32 @!p0 s14, $0x3;
	_ =	swait.ge [sflag:s31], $0x4000  }
0xb1: {  	s19 =	sand.u32 @!p0 $0x180, s12;
	s12 =	sadd.s32 @!p0 s8, s12;
	[sflag:s31] =	ssyncset.done $0x0  }
0xb2: {  	s14 =	sadd.s32 @!p0 s6, s14;
	s12 =	sshrl.u32 @!p0 s12, $0x3;
	[sflag:s31] =	ssyncadd.s32 $0xFFFFC000  }
0xb3: {  	[tilespmem:s19], [sflag:$0x8] =	stream.linear.gather @!p0 [hbm4b:s14+s23], $0x80, $0x38;
	[tilespmem:$0x1D400] =	vst v63  }
0xb4: {  	s12 =	sadd.s32 @!p0 s7, s12;
	s14 =	sor.u32 @!p0 $0x200, s19  }
0xb5: {  	[tilespmem:s14], [sflag:$0xA] =	stream.linear.gather @!p0 [hbm4b:s12+s23], $0x80, $0x38;
	[tilespmem:$0x1D400] =	vst v63  }
0xb6: {  	s12 =	simm.s32 @!p0 $0x7  }
0xb7: {  	_ =	swait.ge @!p0 [sflag:s12], $0x80  }
0xb8: {  	[sflag:s12] =	ssyncset.done @!p0 $0x0  }
0xb9: {  	[sflag:s12] =	ssyncadd.s32 @!p0 $0xFFFFFF80;
	s12 =	simm.s32 @!p0 $0x9  }
0xba: {  	_ =	swait.ge @!p0 [sflag:s12], $0x80  }
0xbb: {  	[sflag:s12] =	ssyncset.done @!p0 $0x0  }
0xbc: {  	[sflag:s12] =	ssyncadd.s32 @!p0 $0xFFFFFF80;
	s12 =	sshll.u32 @!p0 s16, $0x7  }
0xbd: {  	s19 =	simm.s32 @!p0 $0x400;
	s14 =	simm.s32 @!p0 $0x80;
	s12 =	sand.u32 @!p0 $0x100, s12  }
0xbe: {  	[tilespmem:s19], [sflag:$0x1] =	stream.indirect.gather @!p0 [hbm4b:s4+s14], $0x80, s12, s14, $0xb8;
	[tilespmem:$0x1D400] =	vst v63  }
0xbf: {  	s12 =	sshll.u32 @!p0 s16, $0xB  }
0xc0: {  	s12 =	sadd.s32 @!p0 s24, s12  }
0xc1: {  	s12 =	sshrl.u32 @!p0 s12, $0x3  }
0xc2: {  	s14 =	simm.s32 @!p0 $0x8400;
	s12 =	sadd.s32 @!p0 s5, s12  }
0xc3: {  	[tilespmem:s14], [sflag:$0x3] =	stream.linear.gather @!p0 [hbm4b:s12+s23], $0x800, $0x38;
	[tilespmem:$0x1D400] =	vst v63  }
0xc4: {  	_ =	swait.ge [sflag:s0], $0x4000  }
0xc5: {  	[sflag:s0] =	ssyncset.done $0x0  }
0xc6: {  	[sflag:s0] =	ssyncadd.s32 $0xFFFFC000  }
0xc7: {  	_ =	swait.ge [sflag:s17], $0x800  }
0xc8: {  	[sflag:s17] =	ssyncset.done $0x0  }
0xc9: {  	s23 =	simm.s32 $0x8C20;
	[sflag:s17] =	ssyncadd.s32 $0xFFFFF800  }
0xca: {  	v5 =	vld [tilespmem:s23+$0x10]  }
0xcb: {  	s16 =	simm.s32 $0x4500;
	v6 =	vld [tilespmem:s23+$0xFFFFFFF0]  }
0xcc: {  	v7 =	vld [tilespmem:s16+$0xF0]  }
0xcd: {  	v8 =	vld [tilespmem:s23+$0x0]  }
0xce: {  	v9 =	vld [tilespmem:s23+$0xFFFFFFE0]  }
0xcf: {  	v10 =	vld [tilespmem:s16+$0xFFFFFF00]  }
0xd0: {  	v11 =	vld [tilespmem:s16+$0xFFFFFF10]  }
0xd1: {  	v12 =	vld [tilespmem:s16+$0xFFFFFF20]  }
0xd2: {  	v13 =	vld [tilespmem:s16+$0xFFFFFF30];
	v4 =	vperm.xlane v5, v1  }
0xd3: {  	v15 =	vld [tilespmem:s16+$0xFFFFFF40];
	v14 =	vperm.xlane v9, v0  }
0xd4: {  	v16 =	vld [tilespmem:s16+$0xFFFFFF50];
	v7 =	vmul.f32 v7, v4  }
0xd5: {  	v17 =	vld [tilespmem:s16+$0xFFFFFF60];
	v10 =	vmul.f32 v10, v14  }
0xd6: {  	v12 =	vmul.f32 v12, v14;
	[tilespmem:s16+$0xF0] =	vst v7;
	v7 =	vmul.f32 v11, v14;
	v11 =	vld [tilespmem:s16+$0xFFFFFF70]  }
0xd7: {  	v9 =	vperm.xlane v9, v1;
	v13 =	vmul.f32 v13, v14;
	[tilespmem:s16+$0xFFFFFF00] =	vst v10;
	v10 =	vld [tilespmem:s16+$0xFFFFFF80]  }
0xd8: {  	[tilespmem:s16+$0xFFFFFF20] =	vst v12;
	v12 =	vld [tilespmem:s16+$0xFFFFFFA0]  }
0xd9: {  	v14 =	vmul.f32 v15, v9;
	[tilespmem:s16+$0xFFFFFF30] =	vst v13;
	v13 =	vld [tilespmem:s16+$0xFFFFFFB0]  }
0xda: {  	v15 =	vmul.f32 v16, v9;
	[tilespmem:s16+$0xFFFFFF10] =	vst v7;
	v7 =	vld [tilespmem:s16+$0xFFFFFF90]  }
0xdb: {  	v61 =	vperm.xlane v6, v0;
	v17 =	vmul.f32 v17, v9;
	[tilespmem:s16+$0xFFFFFF40] =	vst v14;
	v14 =	vld [tilespmem:s16+$0xFFFFFFC0]  }
0xdc: {  	[tilespmem:s16+$0xFFFFFF50] =	vst v15;
	v15 =	vld [tilespmem:s16+$0xFFFFFFE0];
	v9 =	vmul.f32 v11, v9  }
0xdd: {  	[tilespmem:s16+$0xFFFFFF60] =	vst v17;
	v11 =	vld [tilespmem:s16+$0xFFFFFFD0];
	v10 =	vmul.f32 v10, v61  }
0xde: {  	v12 =	vmul.f32 v12, v61;
	[tilespmem:s16+$0xFFFFFF70] =	vst v9;
	v9 =	vld [tilespmem:s16+$0xFFFFFFF0]  }
0xdf: {  	v6 =	vperm.xlane v6, v1;
	v13 =	vmul.f32 v13, v61;
	[tilespmem:s16+$0xFFFFFF80] =	vst v10;
	v10 =	vld [tilespmem:s16+$0x0]  }
0xe0: {  	v7 =	vmul.f32 v7, v61;
	[tilespmem:s16+$0xFFFFFFA0] =	vst v12;
	v12 =	vld [tilespmem:s16+$0x20]  }
0xe1: {  	v14 =	vmul.f32 v14, v6;
	[tilespmem:s16+$0xFFFFFFB0] =	vst v13;
	v13 =	vld [tilespmem:s16+$0x30]  }
0xe2: {  	v15 =	vmul.f32 v15, v6;
	[tilespmem:s16+$0xFFFFFF90] =	vst v7;
	v7 =	vld [tilespmem:s16+$0x10]  }
0xe3: {  	v62 =	vperm.xlane v8, v0;
	[tilespmem:s16+$0xFFFFFFC0] =	vst v14;
	v14 =	vld [tilespmem:s16+$0x40];
	v11 =	vmul.f32 v11, v6  }
0xe4: {  	[tilespmem:s16+$0xFFFFFFE0] =	vst v15;
	v15 =	vld [tilespmem:s16+$0x70];
	v6 =	vmul.f32 v9, v6  }
0xe5: {  	[tilespmem:s16+$0xFFFFFFD0] =	vst v11;
	v9 =	vld [tilespmem:s16+$0x50];
	v10 =	vmul.f32 v10, v62  }
0xe6: {  	v63 =	vperm.xlane v8, v1;
	v11 =	vld [tilespmem:s16+$0x60];
	v8 =	vmul.f32 v13, v62;
	[tilespmem:s16+$0xFFFFFFF0] =	vst v6  }
0xe7: {  	v6 =	vmul.f32 v12, v62;
	[tilespmem:s16+$0x0] =	vst v10;
	v10 =	vld [tilespmem:s16+$0x80]  }
0xe8: {  	v7 =	vmul.f32 v7, v62;
	v12 =	vld [tilespmem:s16+$0x90];
	[tilespmem:s16+$0x30] =	vst v8  }
0xe9: {  	v13 =	vmul.f32 v14, v63;
	[tilespmem:s16+$0x20] =	vst v6;
	v6 =	vld [tilespmem:s16+$0xA0]  }
0xea: {  	[tilespmem:s16+$0x10] =	vst v7;
	v7 =	vld [tilespmem:s16+$0xB0];
	v9 =	vmul.f32 v9, v63  }
0xeb: {  	v5 =	vperm.xlane v5, v0;
	v8 =	vld [tilespmem:s16+$0xC0];
	[tilespmem:s16+$0x40] =	vst v13;
	v14 =	vmul.f32 v11, v63  }
0xec: {  	v11 =	vmul.f32 v15, v63;
	[tilespmem:s16+$0x50] =	vst v9;
	v9 =	vld [tilespmem:s16+$0xD0]  }
0xed: {  	s19 =	simm.s32 $0x0;
	s12 =	simm.s32 $0x8C60;
	s14 =	simm.s32 $0x4500;
	v13 =	vmul.f32 v10, v5;
	[tilespmem:s16+$0x60] =	vst v14;
	v12 =	vmul.f32 v12, v5;
	v10 =	vld [tilespmem:s16+$0xE0]  }
.LBB2_9:
0xee: {  	v14 =	vld [tilespmem:s12+$0x10];
	s19 =	sadd.s32 $0x4, s19;
	[tilespmem:s16+$0x70] =	vst v11;
	v6 =	vmul.f32 v6, v5  }
0xef: {  	s16 =	sadd.s32 $0x200, s16;
	v11 =	vld [tilespmem:s12+$0xFFFFFFF0];
	p0 =	slt.u32 s19, $0x7C;
	[tilespmem:s14+$0x80] =	vst v13;
	v5 =	vmul.f32 v7, v5  }
0xf0: {  	v7 =	vld [tilespmem:s16+$0xF0];
	[tilespmem:s14+$0x90] =	vst v12;
	v8 =	vmul.f32 v8, v4  }
0xf1: {  	v12 =	vld [tilespmem:s12+$0x0];
	[tilespmem:s14+$0xA0] =	vst v6;
	v6 =	vmul.f32 v9, v4  }
0xf2: {  	v9 =	vld [tilespmem:s12+$0xFFFFFFE0];
	[tilespmem:s14+$0xB0] =	vst v5;
	v10 =	vmul.f32 v10, v4  }
0xf3: {  	v13 =	vld [tilespmem:s16+$0xFFFFFF00];
	v5 =	vperm.xlane v14, v0;
	v4 =	vperm.xlane v14, v1;
	[tilespmem:s14+$0xC0] =	vst v8  }
0xf4: {  	v8 =	vld [tilespmem:s16+$0xFFFFFF10];
	v14 =	vperm.xlane v11, v0;
	v11 =	vperm.xlane v11, v1;
	[tilespmem:s14+$0xD0] =	vst v6  }
0xf5: {  	v6 =	vld [tilespmem:s16+$0xFFFFFF20];
	v7 =	vmul.f32 v7, v4;
	[tilespmem:s14+$0xE0] =	vst v10;
	s14 =	smov.u32 s16  }
0xf6: {  	v10 =	vld [tilespmem:s16+$0xFFFFFF30];
	v15 =	vperm.xlane v12, v0;
	v12 =	vperm.xlane v12, v1  }
0xf7: {  	v16 =	vperm.xlane v9, v0;
	v9 =	vperm.xlane v9, v1;
	v17 =	vld [tilespmem:s16+$0xFFFFFF40];
	[tilespmem:s16+$0xF0] =	vst v7  }
0xf8: {  	v7 =	vld [tilespmem:s16+$0xFFFFFF50]  }
0xf9: {  	v13 =	vmul.f32 v13, v16;
	v8 =	vmul.f32 v8, v16;
	v18 =	vld [tilespmem:s16+$0xFFFFFF60]  }
0xfa: {  	v6 =	vmul.f32 v6, v16;
	v19 =	vld [tilespmem:s16+$0xFFFFFF70]  }
0xfb: {  	[tilespmem:s16+$0xFFFFFF00] =	vst v13;
	v10 =	vmul.f32 v10, v16;
	v13 =	vld [tilespmem:s16+$0xFFFFFF80]  }
0xfc: {  	[tilespmem:s16+$0xFFFFFF10] =	vst v8;
	v8 =	vmul.f32 v17, v9;
	v16 =	vld [tilespmem:s16+$0xFFFFFF90]  }
0xfd: {  	[tilespmem:s16+$0xFFFFFF20] =	vst v6;
	v6 =	vmul.f32 v7, v9;
	v7 =	vld [tilespmem:s16+$0xFFFFFFA0]  }
0xfe: {  	[tilespmem:s16+$0xFFFFFF30] =	vst v10;
	v10 =	vmul.f32 v18, v9;
	v17 =	vld [tilespmem:s16+$0xFFFFFFB0]  }
0xff: {  	[tilespmem:s16+$0xFFFFFF40] =	vst v8;
	v8 =	vmul.f32 v19, v9;
	v9 =	vld [tilespmem:s16+$0xFFFFFFC0]  }
0x100: {  	[tilespmem:s16+$0xFFFFFF50] =	vst v6;
	v6 =	vmul.f32 v13, v14;
	v13 =	vld [tilespmem:s16+$0xFFFFFFD0]  }
0x101: {  	[tilespmem:s16+$0xFFFFFF60] =	vst v10;
	v10 =	vmul.f32 v16, v14;
	v16 =	vld [tilespmem:s16+$0xFFFFFFE0]  }
0x102: {  	[tilespmem:s16+$0xFFFFFF70] =	vst v8;
	v7 =	vmul.f32 v7, v14;
	v8 =	vld [tilespmem:s16+$0xFFFFFFF0]  }
0x103: {  	[tilespmem:s16+$0xFFFFFF80] =	vst v6;
	v6 =	vmul.f32 v17, v14;
	v14 =	vld [tilespmem:s16+$0x0]  }
0x104: {  	[tilespmem:s16+$0xFFFFFF90] =	vst v10;
	v9 =	vmul.f32 v9, v11;
	v10 =	vld [tilespmem:s16+$0x10]  }
0x105: {  	[tilespmem:s16+$0xFFFFFFA0] =	vst v7;
	v7 =	vmul.f32 v13, v11;
	v13 =	vld [tilespmem:s16+$0x20]  }
0x106: {  	[tilespmem:s16+$0xFFFFFFB0] =	vst v6;
	v6 =	vmul.f32 v16, v11;
	v16 =	vld [tilespmem:s16+$0x30]  }
0x107: {  	[tilespmem:s16+$0xFFFFFFC0] =	vst v9;
	v8 =	vmul.f32 v8, v11;
	v9 =	vld [tilespmem:s16+$0x40]  }
0x108: {  	[tilespmem:s16+$0xFFFFFFD0] =	vst v7;
	v7 =	vmul.f32 v14, v15;
	v11 =	vld [tilespmem:s16+$0x50]  }
0x109: {  	[tilespmem:s16+$0xFFFFFFE0] =	vst v6;
	v6 =	vmul.f32 v10, v15;
	v10 =	vld [tilespmem:s16+$0x60]  }
0x10a: {  	[tilespmem:s16+$0xFFFFFFF0] =	vst v8;
	v8 =	vmul.f32 v13, v15;
	v13 =	vld [tilespmem:s16+$0x70]  }
0x10b: {  	[tilespmem:s16+$0x0] =	vst v7;
	v7 =	vmul.f32 v16, v15;
	v14 =	vld [tilespmem:s16+$0x80]  }
0x10c: {  	[tilespmem:s16+$0x10] =	vst v6;
	v9 =	vmul.f32 v9, v12;
	v15 =	vld [tilespmem:s16+$0x90]  }
.Ltmp4:
0x10d: {  	[tilespmem:s16+$0x20] =	vst v8;
	v16 =	vmul.f32 v11, v12;
	v6 =	vld [tilespmem:s16+$0xA0];
	(pc) =	sbr.rel @p0 .LBB2_9-.Ltmp4, $4  }
0x10e: {  	[tilespmem:s16+$0x30] =	vst v7;
	v10 =	vmul.f32 v10, v12;
	v7 =	vld [tilespmem:s16+$0xB0]  }
0x10f: {  	[tilespmem:s16+$0x40] =	vst v9;
	v11 =	vmul.f32 v13, v12;
	v8 =	vld [tilespmem:s16+$0xC0]  }
0x110: {  	[tilespmem:s16+$0x50] =	vst v16;
	v13 =	vmul.f32 v14, v5;
	v9 =	vld [tilespmem:s16+$0xD0]  }
0x111: {  	s12 =	sadd.s32 $0x40, s12;
	[tilespmem:s16+$0x60] =	vst v10;
	v12 =	vmul.f32 v15, v5;
	v10 =	vld [tilespmem:s16+$0xE0]  }
0x112: {  	[tilespmem:s16+$0x70] =	vst v11  }
0x113: {  	v6 =	vmul.f32 v6, v5;
	[tilespmem:s14+$0x80] =	vst v13  }
0x114: {  	s22 =	sadd.s32 $0x1, s22;
	v5 =	vmul.f32 v7, v5;
	[tilespmem:s14+$0x90] =	vst v12  }
0x115: {  	p0 =	sne.s32 s22, $0x51;
	v62 =	vmul.f32 v8, v4;
	[tilespmem:s14+$0xA0] =	vst v6  }
.Ltmp5:
0x116: {  	v63 =	vmul.f32 v9, v4;
	[tilespmem:s14+$0xB0] =	vst v5;
	(pc) =	sbr.rel @p0 .LBB2_2-.Ltmp5, $4  }
0x117: {  	v4 =	vmul.f32 v10, v4;
	[tilespmem:s14+$0xC0] =	vst v62  }
0x118: {  	[tilespmem:s14+$0xD0] =	vst v63  }
0x119: {  	s9 =	sor.u32 $0x200, s9;
	[tilespmem:s14+$0xE0] =	vst v4  }
0x11a: {  	[spmem:s1] =	stream.indirect.scatter.add.f32 [tilespmem:s13], [sflag:$0x6], $0x80, s9, s28, $0xb8;
	[tilespmem:$0x1D400] =	vst v63  }
0x11b: {  	s9 =	simm.s32 $0x6  }
0x11c: {  	_ =	swait.ge [sflag:s9], $0x4000  }
0x11d: {  	[sflag:s9] =	ssyncset.done $0x0  }
0x11e: {  	[sflag:s9] =	ssyncadd.s32 $0xFFFFC000  }
0x11f: {  	[bflag:$0x0] =	sbarrier.arrive $0xFFFF  }
0x120: {  	s12 =	rddreg [dreg:$0x5]  }
0x121: {  	s23 =	rddreg [dreg:$0xa]  }
0x122: {  	[hbm:s23], [sflag:s12] =	dma.local [spmem:s21], $0x2800  }
0x123: {  	_ =	swait.ge [sflag:s25], $0x2800  }
0x124: {  	[sflag:s25] =	ssyncset.done $0x0  }
0x125: {  	s14 =	rddreg [dreg:$0x3];
	[sflag:s25] =	ssyncadd.s32 $0xFFFFD800  }
0x126: {  	[spmem:s21], [sflag:s12] =	dma.local [hbm:s14], $0x2800  }
0x127: {  	_ =	swait.ge [sflag:s25], $0x2800  }
0x128: {  	[sflag:s25] =	ssyncset.done $0x0  }
0x129: {  	[sflag:s25] =	ssyncadd.s32 $0xFFFFD800  }
0x12a: {  	[bflag:$0x0] =	sbarrier.arrive $0xFFFF  }
0x12b: {  	s22 =	simm.s32 $0x0;
	s16 =	rddreg [dreg:$0xd]  }
0x12c: {  	[tilespmem:s22], [sflag:$0xB] =	stream.linear.gather [hbm4b:s16+s22], $0x80, $0x38;
	[tilespmem:$0x1D400] =	vst v63  }
0x12d: {  	_ =	swait.ge [sflag:s25], $0x80  }
0x12e: {  	[sflag:s25] =	ssyncset.done $0x0  }
0x12f: {  	s23 =	simm.s32 $0x200;
	s19 =	rddreg [dreg:$0x7];
	[sflag:s25] =	ssyncadd.s32 $0xFFFFFF80  }
0x130: {  	[tilespmem:s23], [sflag:$0xB] =	stream.linear.gather [hbm4b:s19+s22], $0x80, $0x38;
	[tilespmem:$0x1D400] =	vst v63  }
0x131: {  	_ =	swait.ge [sflag:s25], $0x80  }
0x132: {  	[sflag:s25] =	ssyncset.done $0x0  }
0x133: {  	s12 =	rddreg [dreg:$0xc];
	[sflag:s25] =	ssyncadd.s32 $0xFFFFFF80  }
0x134: {  	[tilespmem:s28], [sflag:$0xB] =	stream.linear.gather [hbm4b:s12+s22], $0x80, $0x38;
	[tilespmem:$0x1D400] =	vst v63  }
0x135: {  	_ =	swait.ge [sflag:s25], $0x80  }
0x136: {  	[sflag:s25] =	ssyncset.done $0x0  }
0x137: {  	s16 =	simm.s32 $0x280;
	s14 =	rddreg [dreg:$0xf];
	[sflag:s25] =	ssyncadd.s32 $0xFFFFFF80  }
0x138: {  	[tilespmem:s16], [sflag:$0xB] =	stream.linear.gather [hbm4b:s14+s22], $0x80, $0x38;
	[tilespmem:$0x1D400] =	vst v63  }
0x139: {  	_ =	swait.ge [sflag:s25], $0x80  }
0x13a: {  	[sflag:s25] =	ssyncset.done $0x0  }
0x13b: {  	[sflag:s25] =	ssyncadd.s32 $0xFFFFFF80  }
0x13c: {  	[tilespmem:s30], [sflag:$0x1] =	stream.indirect.gather [hbm4b:s4+s28], $0x80, s22, s28, $0xb8;
	[tilespmem:$0x1D400] =	vst v63  }
0x13d: {  	s23 =	simm.s32 $0x8400;
	s19 =	rddreg [dreg:$0x9]  }
0x13e: {  	[tilespmem:s23], [sflag:$0x3] =	stream.linear.gather [hbm4b:s19+s22], $0x800, $0x38;
	[tilespmem:$0x1D400] =	vst v63  }
.LBB2_12:
0x13f: {  	p1 =	seq.s32 s22, $0x0  }
0x140: {  	p0 =	seq.s32 @!p1 s22, $0x50  }
0x141: {  	p0 =	por p1, !p0  }
.Ltmp6:
0x142: {  	_ = 	snop;
	(pc) =	sbr.rel @p0 .LBB2_14-.Ltmp6, $4  }
0x143: {  	s12 =	simm.s32 @!p1 $0x6  }
0x144: {  	_ =	swait.ge @!p1 [sflag:s12], $0x4000  }
0x145: {  	s9 =	sshll.u32 s22, $0x1;
	[sflag:s12] =	ssyncset.done @!p1 $0x0  }
0x146: {  	s16 =	sadd.s32 @!p1 $0x2, s9;
	[sflag:s12] =	ssyncadd.s32 @!p1 $0xFFFFC000  }
.Ltmp7:
0x147: {  	(pc) =	sbr.rel .LBB2_15-.Ltmp7, $2  }
0x148: {  	_ =	sdelay $0x2  }
0x149: {  	p0 =	por @!p1 $0x1, $0x1;
	s12 =	simm.s32 @!p1 $0xA1  }
.LBB2_14:
0x14a: {  	s16 =	simm.s32 @p1 $0x2  }
0x14b: {  	s12 =	sshll.u32 s16, $0x7  }
0x14c: {  	s14 =	sadd.s32 s18, s12  }
0x14d: {  	s19 =	sand.u32 $0x100, s12;
	s12 =	sadd.s32 s8, s12;
	s14 =	sshrl.u32 s14, $0x3  }
.Ltmp8:
0x14e: {  	s12 =	sshrl.u32 s12, $0x3;
	s14 =	sadd.s32 s6, s14;
	(pc) =	sbr.rel @p1 .LBB2_16-.Ltmp8, $4  }
0x14f: {  	[tilespmem:s19], [sflag:$0x7] =	stream.linear.gather [hbm4b:s14+s2], $0x80, $0x38;
	[tilespmem:$0x1D400] =	vst v63  }
0x150: {  	s23 =	sor.u32 $0x200, s19;
	s12 =	sadd.s32 s7, s12  }
0x151: {  	[tilespmem:s23], [sflag:$0x9] =	stream.linear.gather [hbm4b:s12+s2], $0x80, $0x38;
	[tilespmem:$0x1D400] =	vst v63  }
0x152: {  	p0 =	por $0x0, $0x0;
	s12 =	sor.u32 $0x1, s9  }
.LBB2_15:
0x153: {  	_ =	swait.ge [sflag:s3], $0x80  }
0x154: {  	[sflag:s3] =	ssyncset.done $0x0  }
0x155: {  	[sflag:s3] =	ssyncadd.s32 $0xFFFFFF80  }
0x156: {  	_ =	swait.ge [sflag:s11], $0x80  }
0x157: {  	[sflag:s11] =	ssyncset.done $0x0  }
0x158: {  	[sflag:s11] =	ssyncadd.s32 $0xFFFFFF80  }
.LBB2_16:
0x159: {  	s9 =	sshll.u32 s12, $0x7;
	s14 =	sshll.u32 s12, $0xB  }
0x15a: {  	s9 =	sand.u32 $0x180, s9;
	s12 =	sadd.s32 s24, s14  }
0x15b: {  	[tilespmem:s13], [sflag:$0x2] =	stream.indirect.gather [hbm4b:s4+s28], $0x80, s9, s28, $0xb8;
	[tilespmem:$0x1D400] =	vst v63  }
0x15c: {  	s12 =	sshrl.u32 s12, $0x3  }
0x15d: {  	s12 =	sadd.s32 s5, s12  }
0x15e: {  	[tilespmem:s26], [sflag:$0x4] =	stream.linear.gather [hbm4b:s12+s2], $0x800, $0x38;
	[tilespmem:$0x1D400] =	vst v63  }
0x15f: {  	_ =	swait.ge [sflag:s15], $0x4000  }
0x160: {  	[sflag:s15] =	ssyncset.done $0x0  }
0x161: {  	[sflag:s15] =	ssyncadd.s32 $0xFFFFC000  }
0x162: {  	_ =	swait.ge [sflag:s29], $0x800  }
0x163: {  	[sflag:s29] =	ssyncset.done $0x0  }
0x164: {  	s19 =	simm.s32 $0x8420;
	[sflag:s29] =	ssyncadd.s32 $0xFFFFF800  }
0x165: {  	v5 =	vld [tilespmem:s19+$0x10]  }
0x166: {  	s23 =	simm.s32 $0x500;
	v6 =	vld [tilespmem:s19+$0xFFFFFFF0]  }
0x167: {  	v7 =	vld [tilespmem:s23+$0xF0]  }
0x168: {  	v8 =	vld [tilespmem:s19+$0x0]  }
0x169: {  	v9 =	vld [tilespmem:s19+$0xFFFFFFE0]  }
0x16a: {  	v10 =	vld [tilespmem:s23+$0xFFFFFF00]  }
0x16b: {  	v11 =	vld [tilespmem:s23+$0xFFFFFF10]  }
0x16c: {  	v12 =	vld [tilespmem:s23+$0xFFFFFF20]  }
0x16d: {  	v13 =	vld [tilespmem:s23+$0xFFFFFF30];
	v4 =	vperm.xlane v5, v3  }
0x16e: {  	v15 =	vld [tilespmem:s23+$0xFFFFFF40];
	v14 =	vperm.xlane v9, v2  }
0x16f: {  	v16 =	vld [tilespmem:s23+$0xFFFFFF50];
	v7 =	vmul.f32 v7, v4  }
0x170: {  	v17 =	vld [tilespmem:s23+$0xFFFFFF60];
	v10 =	vmul.f32 v10, v14  }
0x171: {  	v12 =	vmul.f32 v12, v14;
	[tilespmem:s23+$0xF0] =	vst v7;
	v7 =	vmul.f32 v11, v14;
	v11 =	vld [tilespmem:s23+$0xFFFFFF70]  }
0x172: {  	v9 =	vperm.xlane v9, v3;
	v13 =	vmul.f32 v13, v14;
	[tilespmem:s23+$0xFFFFFF00] =	vst v10;
	v10 =	vld [tilespmem:s23+$0xFFFFFF80]  }
0x173: {  	[tilespmem:s23+$0xFFFFFF20] =	vst v12;
	v12 =	vld [tilespmem:s23+$0xFFFFFFA0]  }
0x174: {  	v14 =	vmul.f32 v15, v9;
	[tilespmem:s23+$0xFFFFFF30] =	vst v13;
	v13 =	vld [tilespmem:s23+$0xFFFFFFB0]  }
0x175: {  	v15 =	vmul.f32 v16, v9;
	[tilespmem:s23+$0xFFFFFF10] =	vst v7;
	v7 =	vld [tilespmem:s23+$0xFFFFFF90]  }
0x176: {  	v61 =	vperm.xlane v6, v2;
	v17 =	vmul.f32 v17, v9;
	[tilespmem:s23+$0xFFFFFF40] =	vst v14;
	v14 =	vld [tilespmem:s23+$0xFFFFFFC0]  }
0x177: {  	[tilespmem:s23+$0xFFFFFF50] =	vst v15;
	v15 =	vld [tilespmem:s23+$0xFFFFFFE0];
	v9 =	vmul.f32 v11, v9  }
0x178: {  	[tilespmem:s23+$0xFFFFFF60] =	vst v17;
	v11 =	vld [tilespmem:s23+$0xFFFFFFD0];
	v10 =	vmul.f32 v10, v61  }
0x179: {  	v12 =	vmul.f32 v12, v61;
	[tilespmem:s23+$0xFFFFFF70] =	vst v9;
	v9 =	vld [tilespmem:s23+$0xFFFFFFF0]  }
0x17a: {  	v6 =	vperm.xlane v6, v3;
	v13 =	vmul.f32 v13, v61;
	[tilespmem:s23+$0xFFFFFF80] =	vst v10;
	v10 =	vld [tilespmem:s23+$0x0]  }
0x17b: {  	v7 =	vmul.f32 v7, v61;
	[tilespmem:s23+$0xFFFFFFA0] =	vst v12;
	v12 =	vld [tilespmem:s23+$0x20]  }
0x17c: {  	v14 =	vmul.f32 v14, v6;
	[tilespmem:s23+$0xFFFFFFB0] =	vst v13;
	v13 =	vld [tilespmem:s23+$0x30]  }
0x17d: {  	v15 =	vmul.f32 v15, v6;
	[tilespmem:s23+$0xFFFFFF90] =	vst v7;
	v7 =	vld [tilespmem:s23+$0x10]  }
0x17e: {  	v62 =	vperm.xlane v8, v2;
	[tilespmem:s23+$0xFFFFFFC0] =	vst v14;
	v14 =	vld [tilespmem:s23+$0x40];
	v11 =	vmul.f32 v11, v6  }
0x17f: {  	[tilespmem:s23+$0xFFFFFFE0] =	vst v15;
	v15 =	vld [tilespmem:s23+$0x70];
	v6 =	vmul.f32 v9, v6  }
0x180: {  	[tilespmem:s23+$0xFFFFFFD0] =	vst v11;
	v9 =	vld [tilespmem:s23+$0x50];
	v10 =	vmul.f32 v10, v62  }
0x181: {  	v63 =	vperm.xlane v8, v3;
	v11 =	vld [tilespmem:s23+$0x60];
	v8 =	vmul.f32 v13, v62;
	[tilespmem:s23+$0xFFFFFFF0] =	vst v6  }
0x182: {  	v6 =	vmul.f32 v12, v62;
	[tilespmem:s23+$0x0] =	vst v10;
	v10 =	vld [tilespmem:s23+$0x80]  }
0x183: {  	v7 =	vmul.f32 v7, v62;
	v12 =	vld [tilespmem:s23+$0x90];
	[tilespmem:s23+$0x30] =	vst v8  }
0x184: {  	v13 =	vmul.f32 v14, v63;
	[tilespmem:s23+$0x20] =	vst v6;
	v6 =	vld [tilespmem:s23+$0xA0]  }
0x185: {  	[tilespmem:s23+$0x10] =	vst v7;
	v7 =	vld [tilespmem:s23+$0xB0];
	v9 =	vmul.f32 v9, v63  }
0x186: {  	v5 =	vperm.xlane v5, v2;
	v8 =	vld [tilespmem:s23+$0xC0];
	[tilespmem:s23+$0x40] =	vst v13;
	v14 =	vmul.f32 v11, v63  }
0x187: {  	v11 =	vmul.f32 v15, v63;
	[tilespmem:s23+$0x50] =	vst v9;
	v9 =	vld [tilespmem:s23+$0xD0]  }
0x188: {  	s14 =	simm.s32 $0x500;
	s12 =	simm.s32 $0x8460;
	s19 =	simm.s32 $0x0;
	v13 =	vmul.f32 v10, v5;
	[tilespmem:s23+$0x60] =	vst v14;
	v12 =	vmul.f32 v12, v5;
	v10 =	vld [tilespmem:s23+$0xE0]  }
.LBB2_17:
0x189: {  	v14 =	vld [tilespmem:s12+$0x10];
	s19 =	sadd.s32 $0x4, s19;
	[tilespmem:s23+$0x70] =	vst v11;
	v6 =	vmul.f32 v6, v5  }
0x18a: {  	s23 =	sadd.s32 $0x200, s23;
	v11 =	vld [tilespmem:s12+$0xFFFFFFF0];
	p1 =	slt.u32 s19, $0x7C;
	[tilespmem:s14+$0x80] =	vst v13;
	v5 =	vmul.f32 v7, v5  }
0x18b: {  	v7 =	vld [tilespmem:s23+$0xF0];
	[tilespmem:s14+$0x90] =	vst v12;
	v8 =	vmul.f32 v8, v4  }
0x18c: {  	v12 =	vld [tilespmem:s12+$0x0];
	[tilespmem:s14+$0xA0] =	vst v6;
	v6 =	vmul.f32 v9, v4  }
0x18d: {  	v9 =	vld [tilespmem:s12+$0xFFFFFFE0];
	[tilespmem:s14+$0xB0] =	vst v5;
	v10 =	vmul.f32 v10, v4  }
0x18e: {  	v13 =	vld [tilespmem:s23+$0xFFFFFF00];
	v5 =	vperm.xlane v14, v2;
	v4 =	vperm.xlane v14, v3;
	[tilespmem:s14+$0xC0] =	vst v8  }
0x18f: {  	v8 =	vld [tilespmem:s23+$0xFFFFFF10];
	v14 =	vperm.xlane v11, v2;
	v11 =	vperm.xlane v11, v3;
	[tilespmem:s14+$0xD0] =	vst v6  }
0x190: {  	v6 =	vld [tilespmem:s23+$0xFFFFFF20];
	v7 =	vmul.f32 v7, v4;
	[tilespmem:s14+$0xE0] =	vst v10;
	s14 =	smov.u32 s23  }
0x191: {  	v10 =	vld [tilespmem:s23+$0xFFFFFF30];
	v15 =	vperm.xlane v12, v2;
	v12 =	vperm.xlane v12, v3  }
0x192: {  	v16 =	vperm.xlane v9, v2;
	v9 =	vperm.xlane v9, v3;
	v17 =	vld [tilespmem:s23+$0xFFFFFF40];
	[tilespmem:s23+$0xF0] =	vst v7  }
0x193: {  	v7 =	vld [tilespmem:s23+$0xFFFFFF50]  }
0x194: {  	v13 =	vmul.f32 v13, v16;
	v8 =	vmul.f32 v8, v16;
	v18 =	vld [tilespmem:s23+$0xFFFFFF60]  }
0x195: {  	v6 =	vmul.f32 v6, v16;
	v19 =	vld [tilespmem:s23+$0xFFFFFF70]  }
0x196: {  	[tilespmem:s23+$0xFFFFFF00] =	vst v13;
	v10 =	vmul.f32 v10, v16;
	v13 =	vld [tilespmem:s23+$0xFFFFFF80]  }
0x197: {  	[tilespmem:s23+$0xFFFFFF10] =	vst v8;
	v8 =	vmul.f32 v17, v9;
	v16 =	vld [tilespmem:s23+$0xFFFFFF90]  }
0x198: {  	[tilespmem:s23+$0xFFFFFF20] =	vst v6;
	v6 =	vmul.f32 v7, v9;
	v7 =	vld [tilespmem:s23+$0xFFFFFFA0]  }
0x199: {  	[tilespmem:s23+$0xFFFFFF30] =	vst v10;
	v10 =	vmul.f32 v18, v9;
	v17 =	vld [tilespmem:s23+$0xFFFFFFB0]  }
0x19a: {  	[tilespmem:s23+$0xFFFFFF40] =	vst v8;
	v8 =	vmul.f32 v19, v9;
	v9 =	vld [tilespmem:s23+$0xFFFFFFC0]  }
0x19b: {  	[tilespmem:s23+$0xFFFFFF50] =	vst v6;
	v6 =	vmul.f32 v13, v14;
	v13 =	vld [tilespmem:s23+$0xFFFFFFD0]  }
0x19c: {  	[tilespmem:s23+$0xFFFFFF60] =	vst v10;
	v10 =	vmul.f32 v16, v14;
	v16 =	vld [tilespmem:s23+$0xFFFFFFE0]  }
0x19d: {  	[tilespmem:s23+$0xFFFFFF70] =	vst v8;
	v7 =	vmul.f32 v7, v14;
	v8 =	vld [tilespmem:s23+$0xFFFFFFF0]  }
0x19e: {  	[tilespmem:s23+$0xFFFFFF80] =	vst v6;
	v6 =	vmul.f32 v17, v14;
	v14 =	vld [tilespmem:s23+$0x0]  }
0x19f: {  	[tilespmem:s23+$0xFFFFFF90] =	vst v10;
	v9 =	vmul.f32 v9, v11;
	v10 =	vld [tilespmem:s23+$0x10]  }
0x1a0: {  	[tilespmem:s23+$0xFFFFFFA0] =	vst v7;
	v7 =	vmul.f32 v13, v11;
	v13 =	vld [tilespmem:s23+$0x20]  }
0x1a1: {  	[tilespmem:s23+$0xFFFFFFB0] =	vst v6;
	v6 =	vmul.f32 v16, v11;
	v16 =	vld [tilespmem:s23+$0x30]  }
0x1a2: {  	[tilespmem:s23+$0xFFFFFFC0] =	vst v9;
	v8 =	vmul.f32 v8, v11;
	v9 =	vld [tilespmem:s23+$0x40]  }
0x1a3: {  	[tilespmem:s23+$0xFFFFFFD0] =	vst v7;
	v7 =	vmul.f32 v14, v15;
	v11 =	vld [tilespmem:s23+$0x50]  }
0x1a4: {  	[tilespmem:s23+$0xFFFFFFE0] =	vst v6;
	v6 =	vmul.f32 v10, v15;
	v10 =	vld [tilespmem:s23+$0x60]  }
0x1a5: {  	[tilespmem:s23+$0xFFFFFFF0] =	vst v8;
	v8 =	vmul.f32 v13, v15;
	v13 =	vld [tilespmem:s23+$0x70]  }
0x1a6: {  	[tilespmem:s23+$0x0] =	vst v7;
	v7 =	vmul.f32 v16, v15;
	v14 =	vld [tilespmem:s23+$0x80]  }
0x1a7: {  	[tilespmem:s23+$0x10] =	vst v6;
	v9 =	vmul.f32 v9, v12;
	v15 =	vld [tilespmem:s23+$0x90]  }
.Ltmp9:
0x1a8: {  	[tilespmem:s23+$0x20] =	vst v8;
	v16 =	vmul.f32 v11, v12;
	v6 =	vld [tilespmem:s23+$0xA0];
	(pc) =	sbr.rel @p1 .LBB2_17-.Ltmp9, $4  }
0x1a9: {  	[tilespmem:s23+$0x30] =	vst v7;
	v10 =	vmul.f32 v10, v12;
	v7 =	vld [tilespmem:s23+$0xB0]  }
0x1aa: {  	[tilespmem:s23+$0x40] =	vst v9;
	v11 =	vmul.f32 v13, v12;
	v8 =	vld [tilespmem:s23+$0xC0]  }
0x1ab: {  	[tilespmem:s23+$0x50] =	vst v16;
	v13 =	vmul.f32 v14, v5;
	v9 =	vld [tilespmem:s23+$0xD0]  }
0x1ac: {  	s12 =	sadd.s32 $0x40, s12;
	[tilespmem:s23+$0x60] =	vst v10;
	v12 =	vmul.f32 v15, v5;
	v10 =	vld [tilespmem:s23+$0xE0]  }
0x1ad: {  	[tilespmem:s23+$0x70] =	vst v11  }
0x1ae: {  	v6 =	vmul.f32 v6, v5;
	[tilespmem:s14+$0x80] =	vst v13  }
0x1af: {  	v5 =	vmul.f32 v7, v5;
	[tilespmem:s14+$0x90] =	vst v12  }
0x1b0: {  	v7 =	vmul.f32 v8, v4;
	[tilespmem:s14+$0xA0] =	vst v6  }
0x1b1: {  	v6 =	vmul.f32 v9, v4;
	[tilespmem:s14+$0xB0] =	vst v5  }
0x1b2: {  	s12 =	sshll.u32 s22, $0x8;
	v4 =	vmul.f32 v10, v4;
	[tilespmem:s14+$0xC0] =	vst v7  }
0x1b3: {  	s19 =	sand.u32 $0x100, s12;
	s12 =	sadd.s32 @!p0 $0x180, s12;
	[tilespmem:s14+$0xD0] =	vst v6  }
0x1b4: {  	s19 =	sor.u32 $0x200, s19;
	[tilespmem:s14+$0xE0] =	vst v4;
	s14 =	sadd.s32 @!p0 s18, s12  }
0x1b5: {  	[spmem:s1] =	stream.indirect.scatter.add.f32 [tilespmem:s30], [sflag:$0x5], $0x80, s19, s28, $0xb8;
	[tilespmem:$0x1D400] =	vst v63  }
0x1b6: {  	s23 =	simm.s32 @!p0 $0x0;
	s14 =	sshrl.u32 @!p0 s14, $0x3;
	_ =	swait.ge [sflag:s31], $0x4000  }
0x1b7: {  	s19 =	sand.u32 @!p0 $0x180, s12;
	s12 =	sadd.s32 @!p0 s8, s12;
	[sflag:s31] =	ssyncset.done $0x0  }
0x1b8: {  	s14 =	sadd.s32 @!p0 s6, s14;
	s12 =	sshrl.u32 @!p0 s12, $0x3;
	[sflag:s31] =	ssyncadd.s32 $0xFFFFC000  }
0x1b9: {  	[tilespmem:s19], [sflag:$0x8] =	stream.linear.gather @!p0 [hbm4b:s14+s23], $0x80, $0x38;
	[tilespmem:$0x1D400] =	vst v63  }
0x1ba: {  	s12 =	sadd.s32 @!p0 s7, s12;
	s14 =	sor.u32 @!p0 $0x200, s19  }
0x1bb: {  	[tilespmem:s14], [sflag:$0xA] =	stream.linear.gather @!p0 [hbm4b:s12+s23], $0x80, $0x38;
	[tilespmem:$0x1D400] =	vst v63  }
0x1bc: {  	s12 =	simm.s32 @!p0 $0x7  }
0x1bd: {  	_ =	swait.ge @!p0 [sflag:s12], $0x80  }
0x1be: {  	[sflag:s12] =	ssyncset.done @!p0 $0x0  }
0x1bf: {  	[sflag:s12] =	ssyncadd.s32 @!p0 $0xFFFFFF80;
	s12 =	simm.s32 @!p0 $0x9  }
0x1c0: {  	_ =	swait.ge @!p0 [sflag:s12], $0x80  }
0x1c1: {  	[sflag:s12] =	ssyncset.done @!p0 $0x0  }
0x1c2: {  	[sflag:s12] =	ssyncadd.s32 @!p0 $0xFFFFFF80;
	s12 =	sshll.u32 @!p0 s16, $0x7  }
0x1c3: {  	s19 =	simm.s32 @!p0 $0x400;
	s14 =	simm.s32 @!p0 $0x80;
	s12 =	sand.u32 @!p0 $0x100, s12  }
0x1c4: {  	[tilespmem:s19], [sflag:$0x1] =	stream.indirect.gather @!p0 [hbm4b:s4+s14], $0x80, s12, s14, $0xb8;
	[tilespmem:$0x1D400] =	vst v63  }
0x1c5: {  	s12 =	sshll.u32 @!p0 s16, $0xB  }
0x1c6: {  	s12 =	sadd.s32 @!p0 s24, s12  }
0x1c7: {  	s12 =	sshrl.u32 @!p0 s12, $0x3  }
0x1c8: {  	s14 =	simm.s32 @!p0 $0x8400;
	s12 =	sadd.s32 @!p0 s5, s12  }
0x1c9: {  	[tilespmem:s14], [sflag:$0x3] =	stream.linear.gather @!p0 [hbm4b:s12+s23], $0x800, $0x38;
	[tilespmem:$0x1D400] =	vst v63  }
0x1ca: {  	_ =	swait.ge [sflag:s0], $0x4000  }
0x1cb: {  	[sflag:s0] =	ssyncset.done $0x0  }
0x1cc: {  	[sflag:s0] =	ssyncadd.s32 $0xFFFFC000  }
0x1cd: {  	_ =	swait.ge [sflag:s17], $0x800  }
0x1ce: {  	[sflag:s17] =	ssyncset.done $0x0  }
0x1cf: {  	s23 =	simm.s32 $0x8C20;
	[sflag:s17] =	ssyncadd.s32 $0xFFFFF800  }
0x1d0: {  	v5 =	vld [tilespmem:s23+$0x10]  }
0x1d1: {  	s16 =	simm.s32 $0x4500;
	v6 =	vld [tilespmem:s23+$0xFFFFFFF0]  }
0x1d2: {  	v7 =	vld [tilespmem:s16+$0xF0]  }
0x1d3: {  	v8 =	vld [tilespmem:s23+$0x0]  }
0x1d4: {  	v9 =	vld [tilespmem:s23+$0xFFFFFFE0]  }
0x1d5: {  	v10 =	vld [tilespmem:s16+$0xFFFFFF00]  }
0x1d6: {  	v11 =	vld [tilespmem:s16+$0xFFFFFF10]  }
0x1d7: {  	v12 =	vld [tilespmem:s16+$0xFFFFFF20]  }
0x1d8: {  	v13 =	vld [tilespmem:s16+$0xFFFFFF30];
	v4 =	vperm.xlane v5, v3  }
0x1d9: {  	v15 =	vld [tilespmem:s16+$0xFFFFFF40];
	v14 =	vperm.xlane v9, v2  }
0x1da: {  	v16 =	vld [tilespmem:s16+$0xFFFFFF50];
	v7 =	vmul.f32 v7, v4  }
0x1db: {  	v17 =	vld [tilespmem:s16+$0xFFFFFF60];
	v10 =	vmul.f32 v10, v14  }
0x1dc: {  	v12 =	vmul.f32 v12, v14;
	[tilespmem:s16+$0xF0] =	vst v7;
	v7 =	vmul.f32 v11, v14;
	v11 =	vld [tilespmem:s16+$0xFFFFFF70]  }
0x1dd: {  	v9 =	vperm.xlane v9, v3;
	v13 =	vmul.f32 v13, v14;
	[tilespmem:s16+$0xFFFFFF00] =	vst v10;
	v10 =	vld [tilespmem:s16+$0xFFFFFF80]  }
0x1de: {  	[tilespmem:s16+$0xFFFFFF20] =	vst v12;
	v12 =	vld [tilespmem:s16+$0xFFFFFFA0]  }
0x1df: {  	v14 =	vmul.f32 v15, v9;
	[tilespmem:s16+$0xFFFFFF30] =	vst v13;
	v13 =	vld [tilespmem:s16+$0xFFFFFFB0]  }
0x1e0: {  	v15 =	vmul.f32 v16, v9;
	[tilespmem:s16+$0xFFFFFF10] =	vst v7;
	v7 =	vld [tilespmem:s16+$0xFFFFFF90]  }
0x1e1: {  	v61 =	vperm.xlane v6, v2;
	v17 =	vmul.f32 v17, v9;
	[tilespmem:s16+$0xFFFFFF40] =	vst v14;
	v14 =	vld [tilespmem:s16+$0xFFFFFFC0]  }
0x1e2: {  	[tilespmem:s16+$0xFFFFFF50] =	vst v15;
	v15 =	vld [tilespmem:s16+$0xFFFFFFE0];
	v9 =	vmul.f32 v11, v9  }
0x1e3: {  	[tilespmem:s16+$0xFFFFFF60] =	vst v17;
	v11 =	vld [tilespmem:s16+$0xFFFFFFD0];
	v10 =	vmul.f32 v10, v61  }
0x1e4: {  	v12 =	vmul.f32 v12, v61;
	[tilespmem:s16+$0xFFFFFF70] =	vst v9;
	v9 =	vld [tilespmem:s16+$0xFFFFFFF0]  }
0x1e5: {  	v6 =	vperm.xlane v6, v3;
	v13 =	vmul.f32 v13, v61;
	[tilespmem:s16+$0xFFFFFF80] =	vst v10;
	v10 =	vld [tilespmem:s16+$0x0]  }
0x1e6: {  	v7 =	vmul.f32 v7, v61;
	[tilespmem:s16+$0xFFFFFFA0] =	vst v12;
	v12 =	vld [tilespmem:s16+$0x20]  }
0x1e7: {  	v14 =	vmul.f32 v14, v6;
	[tilespmem:s16+$0xFFFFFFB0] =	vst v13;
	v13 =	vld [tilespmem:s16+$0x30]  }
0x1e8: {  	v15 =	vmul.f32 v15, v6;
	[tilespmem:s16+$0xFFFFFF90] =	vst v7;
	v7 =	vld [tilespmem:s16+$0x10]  }
0x1e9: {  	v62 =	vperm.xlane v8, v2;
	[tilespmem:s16+$0xFFFFFFC0] =	vst v14;
	v14 =	vld [tilespmem:s16+$0x40];
	v11 =	vmul.f32 v11, v6  }
0x1ea: {  	[tilespmem:s16+$0xFFFFFFE0] =	vst v15;
	v15 =	vld [tilespmem:s16+$0x70];
	v6 =	vmul.f32 v9, v6  }
0x1eb: {  	[tilespmem:s16+$0xFFFFFFD0] =	vst v11;
	v9 =	vld [tilespmem:s16+$0x50];
	v10 =	vmul.f32 v10, v62  }
0x1ec: {  	v63 =	vperm.xlane v8, v3;
	v11 =	vld [tilespmem:s16+$0x60];
	v8 =	vmul.f32 v13, v62;
	[tilespmem:s16+$0xFFFFFFF0] =	vst v6  }
0x1ed: {  	v6 =	vmul.f32 v12, v62;
	[tilespmem:s16+$0x0] =	vst v10;
	v10 =	vld [tilespmem:s16+$0x80]  }
0x1ee: {  	v7 =	vmul.f32 v7, v62;
	v12 =	vld [tilespmem:s16+$0x90];
	[tilespmem:s16+$0x30] =	vst v8  }
0x1ef: {  	v13 =	vmul.f32 v14, v63;
	[tilespmem:s16+$0x20] =	vst v6;
	v6 =	vld [tilespmem:s16+$0xA0]  }
0x1f0: {  	[tilespmem:s16+$0x10] =	vst v7;
	v7 =	vld [tilespmem:s16+$0xB0];
	v9 =	vmul.f32 v9, v63  }
0x1f1: {  	v5 =	vperm.xlane v5, v2;
	v8 =	vld [tilespmem:s16+$0xC0];
	[tilespmem:s16+$0x40] =	vst v13;
	v14 =	vmul.f32 v11, v63  }
0x1f2: {  	v11 =	vmul.f32 v15, v63;
	[tilespmem:s16+$0x50] =	vst v9;
	v9 =	vld [tilespmem:s16+$0xD0]  }
0x1f3: {  	s19 =	simm.s32 $0x0;
	s12 =	simm.s32 $0x8C60;
	s14 =	simm.s32 $0x4500;
	v13 =	vmul.f32 v10, v5;
	[tilespmem:s16+$0x60] =	vst v14;
	v12 =	vmul.f32 v12, v5;
	v10 =	vld [tilespmem:s16+$0xE0]  }
.LBB2_19:
0x1f4: {  	v14 =	vld [tilespmem:s12+$0x10];
	s19 =	sadd.s32 $0x4, s19;
	[tilespmem:s16+$0x70] =	vst v11;
	v6 =	vmul.f32 v6, v5  }
0x1f5: {  	s16 =	sadd.s32 $0x200, s16;
	v11 =	vld [tilespmem:s12+$0xFFFFFFF0];
	p0 =	slt.u32 s19, $0x7C;
	[tilespmem:s14+$0x80] =	vst v13;
	v5 =	vmul.f32 v7, v5  }
0x1f6: {  	v7 =	vld [tilespmem:s16+$0xF0];
	[tilespmem:s14+$0x90] =	vst v12;
	v8 =	vmul.f32 v8, v4  }
0x1f7: {  	v12 =	vld [tilespmem:s12+$0x0];
	[tilespmem:s14+$0xA0] =	vst v6;
	v6 =	vmul.f32 v9, v4  }
0x1f8: {  	v9 =	vld [tilespmem:s12+$0xFFFFFFE0];
	[tilespmem:s14+$0xB0] =	vst v5;
	v10 =	vmul.f32 v10, v4  }
0x1f9: {  	v13 =	vld [tilespmem:s16+$0xFFFFFF00];
	v5 =	vperm.xlane v14, v2;
	v4 =	vperm.xlane v14, v3;
	[tilespmem:s14+$0xC0] =	vst v8  }
0x1fa: {  	v8 =	vld [tilespmem:s16+$0xFFFFFF10];
	v14 =	vperm.xlane v11, v2;
	v11 =	vperm.xlane v11, v3;
	[tilespmem:s14+$0xD0] =	vst v6  }
0x1fb: {  	v6 =	vld [tilespmem:s16+$0xFFFFFF20];
	v7 =	vmul.f32 v7, v4;
	[tilespmem:s14+$0xE0] =	vst v10;
	s14 =	smov.u32 s16  }
0x1fc: {  	v10 =	vld [tilespmem:s16+$0xFFFFFF30];
	v15 =	vperm.xlane v12, v2;
	v12 =	vperm.xlane v12, v3  }
0x1fd: {  	v16 =	vperm.xlane v9, v2;
	v9 =	vperm.xlane v9, v3;
	v17 =	vld [tilespmem:s16+$0xFFFFFF40];
	[tilespmem:s16+$0xF0] =	vst v7  }
0x1fe: {  	v7 =	vld [tilespmem:s16+$0xFFFFFF50]  }
0x1ff: {  	v13 =	vmul.f32 v13, v16;
	v8 =	vmul.f32 v8, v16;
	v18 =	vld [tilespmem:s16+$0xFFFFFF60]  }
0x200: {  	v6 =	vmul.f32 v6, v16;
	v19 =	vld [tilespmem:s16+$0xFFFFFF70]  }
0x201: {  	[tilespmem:s16+$0xFFFFFF00] =	vst v13;
	v10 =	vmul.f32 v10, v16;
	v13 =	vld [tilespmem:s16+$0xFFFFFF80]  }
0x202: {  	[tilespmem:s16+$0xFFFFFF10] =	vst v8;
	v8 =	vmul.f32 v17, v9;
	v16 =	vld [tilespmem:s16+$0xFFFFFF90]  }
0x203: {  	[tilespmem:s16+$0xFFFFFF20] =	vst v6;
	v6 =	vmul.f32 v7, v9;
	v7 =	vld [tilespmem:s16+$0xFFFFFFA0]  }
0x204: {  	[tilespmem:s16+$0xFFFFFF30] =	vst v10;
	v10 =	vmul.f32 v18, v9;
	v17 =	vld [tilespmem:s16+$0xFFFFFFB0]  }
0x205: {  	[tilespmem:s16+$0xFFFFFF40] =	vst v8;
	v8 =	vmul.f32 v19, v9;
	v9 =	vld [tilespmem:s16+$0xFFFFFFC0]  }
0x206: {  	[tilespmem:s16+$0xFFFFFF50] =	vst v6;
	v6 =	vmul.f32 v13, v14;
	v13 =	vld [tilespmem:s16+$0xFFFFFFD0]  }
0x207: {  	[tilespmem:s16+$0xFFFFFF60] =	vst v10;
	v10 =	vmul.f32 v16, v14;
	v16 =	vld [tilespmem:s16+$0xFFFFFFE0]  }
0x208: {  	[tilespmem:s16+$0xFFFFFF70] =	vst v8;
	v7 =	vmul.f32 v7, v14;
	v8 =	vld [tilespmem:s16+$0xFFFFFFF0]  }
0x209: {  	[tilespmem:s16+$0xFFFFFF80] =	vst v6;
	v6 =	vmul.f32 v17, v14;
	v14 =	vld [tilespmem:s16+$0x0]  }
0x20a: {  	[tilespmem:s16+$0xFFFFFF90] =	vst v10;
	v9 =	vmul.f32 v9, v11;
	v10 =	vld [tilespmem:s16+$0x10]  }
0x20b: {  	[tilespmem:s16+$0xFFFFFFA0] =	vst v7;
	v7 =	vmul.f32 v13, v11;
	v13 =	vld [tilespmem:s16+$0x20]  }
0x20c: {  	[tilespmem:s16+$0xFFFFFFB0] =	vst v6;
	v6 =	vmul.f32 v16, v11;
	v16 =	vld [tilespmem:s16+$0x30]  }
0x20d: {  	[tilespmem:s16+$0xFFFFFFC0] =	vst v9;
	v8 =	vmul.f32 v8, v11;
	v9 =	vld [tilespmem:s16+$0x40]  }
0x20e: {  	[tilespmem:s16+$0xFFFFFFD0] =	vst v7;
	v7 =	vmul.f32 v14, v15;
	v11 =	vld [tilespmem:s16+$0x50]  }
0x20f: {  	[tilespmem:s16+$0xFFFFFFE0] =	vst v6;
	v6 =	vmul.f32 v10, v15;
	v10 =	vld [tilespmem:s16+$0x60]  }
0x210: {  	[tilespmem:s16+$0xFFFFFFF0] =	vst v8;
	v8 =	vmul.f32 v13, v15;
	v13 =	vld [tilespmem:s16+$0x70]  }
0x211: {  	[tilespmem:s16+$0x0] =	vst v7;
	v7 =	vmul.f32 v16, v15;
	v14 =	vld [tilespmem:s16+$0x80]  }
0x212: {  	[tilespmem:s16+$0x10] =	vst v6;
	v9 =	vmul.f32 v9, v12;
	v15 =	vld [tilespmem:s16+$0x90]  }
.Ltmp10:
0x213: {  	[tilespmem:s16+$0x20] =	vst v8;
	v16 =	vmul.f32 v11, v12;
	v6 =	vld [tilespmem:s16+$0xA0];
	(pc) =	sbr.rel @p0 .LBB2_19-.Ltmp10, $4  }
0x214: {  	[tilespmem:s16+$0x30] =	vst v7;
	v10 =	vmul.f32 v10, v12;
	v7 =	vld [tilespmem:s16+$0xB0]  }
0x215: {  	[tilespmem:s16+$0x40] =	vst v9;
	v11 =	vmul.f32 v13, v12;
	v8 =	vld [tilespmem:s16+$0xC0]  }
0x216: {  	[tilespmem:s16+$0x50] =	vst v16;
	v13 =	vmul.f32 v14, v5;
	v9 =	vld [tilespmem:s16+$0xD0]  }
0x217: {  	s12 =	sadd.s32 $0x40, s12;
	[tilespmem:s16+$0x60] =	vst v10;
	v12 =	vmul.f32 v15, v5;
	v10 =	vld [tilespmem:s16+$0xE0]  }
0x218: {  	[tilespmem:s16+$0x70] =	vst v11  }
0x219: {  	v6 =	vmul.f32 v6, v5;
	[tilespmem:s14+$0x80] =	vst v13  }
0x21a: {  	s22 =	sadd.s32 $0x1, s22;
	v5 =	vmul.f32 v7, v5;
	[tilespmem:s14+$0x90] =	vst v12  }
0x21b: {  	p0 =	sne.s32 s22, $0x51;
	v62 =	vmul.f32 v8, v4;
	[tilespmem:s14+$0xA0] =	vst v6  }
.Ltmp11:
0x21c: {  	v63 =	vmul.f32 v9, v4;
	[tilespmem:s14+$0xB0] =	vst v5;
	(pc) =	sbr.rel @p0 .LBB2_12-.Ltmp11, $4  }
0x21d: {  	v4 =	vmul.f32 v10, v4;
	[tilespmem:s14+$0xC0] =	vst v62  }
0x21e: {  	[tilespmem:s14+$0xD0] =	vst v63  }
0x21f: {  	s9 =	sor.u32 $0x200, s9;
	[tilespmem:s14+$0xE0] =	vst v4  }
0x220: {  	[spmem:s1] =	stream.indirect.scatter.add.f32 [tilespmem:s13], [sflag:$0x6], $0x80, s9, s28, $0xb8;
	[tilespmem:$0x1D400] =	vst v63  }
0x221: {  	s9 =	simm.s32 $0x6  }
0x222: {  	_ =	swait.ge [sflag:s9], $0x4000  }
0x223: {  	[sflag:s9] =	ssyncset.done $0x0  }
0x224: {  	[sflag:s9] =	ssyncadd.s32 $0xFFFFC000  }
0x225: {  	[bflag:$0x0] =	sbarrier.arrive $0xFFFF  }
0x226: {  	s22 =	rddreg [dreg:$0x5]  }
0x227: {  	s19 =	rddreg [dreg:$0xb]  }
0x228: {  	[hbm:s19], [sflag:s22] =	dma.local [spmem:s21], $0x2800  }
0x229: {  	_ =	swait.ge [sflag:s25], $0x2800  }
0x22a: {  	s20 =	sadd.s32 $0x1, s20;
	s23 =	rddreg [dreg:$0xe]  }
0x22b: {  	p0 =	sne.s32 s20, s23  }
.Ltmp12:
0x22c: {  	_ = 	snop;
	(pc) =	sbr.rel @p0 .LBB2_1-.Ltmp12, $3  }
0x22d: {  	_ =	sdelay $0x1  }
0x22e: {  	[sflag:s25] =	ssyncset.done $0x0  }
0x22f: {  	[sflag:s25] =	ssyncadd.s32 $0xFFFFD800  }
0x230: {  	_ =	sfence.sel $0x180000  }
0x231: {  	[bflag:$0x0] =	sbarrier.arrive $0xFFFF  }
0x232: {  	_ =	strace $0x9000004A  }
0x233: {  	s0 =	stileid.u32;
	[bflag:$0x2] =	sbarrier.arrive $0xFFFF  }
0x234: {  	p0 =	sne.s32 s0, $0x0;
	s0 =	rddreg [dreg:$0x2]  }
0x235: {  	s0 =	sadd.s32 @!p0 $0x100000, s0  }
0x236: {  	[sflag:s0] =	ssyncadd.tile.s32 @!p0 $0x1;
	_ =	shalt  }
.Lfunc_end2:
_tile_overlayer_lowered:
.L_overlay_start_2:
0x237: {  	(tag) =	ssettag $0x2  }
0x238: {  	s0 =	rddreg [dreg:$0x0];
	s2 =	stileid.u32  }
0x239: {  	s1 =	rddreg [dreg:$0x1];
	p0 =	sne.s32 s2, $0x0  }
0x23a: {  	s3 =	rddreg [dreg:$0x2];
	[bflag:$0x3] =	sbarrier.arrive $0xFFFF;
	s2 =	simm.s32 @!p0 $0x1C0B  }
0x23b: {  	[timem:s3], [sflag:s2] =	dma.local @!p0 [hbm:s0], s1  }
0x23c: {  	s0 =	simm.s32 @!p0 $0xB  }
0x23d: {  	_ =	swait.ge @!p0 [sflag:s0], s1  }
0x23e: {  	s1 =	ssub.s32 @!p0 $0x0, s1;
	[sflag:s0] =	ssyncset.done @!p0 $0x0  }
0x23f: {  	[sflag:s0] =	ssyncadd.s32 @!p0 s1  }
0x240: {  	[bflag:$0x3] =	sbarrier.arrive $0xFFFF  }
0x241: {  	_ =	shalt  }

// kernel: kernel.14.cloned.1.call-start
scs
__scs_entry_jumppad:
0x0: {  	(pc) =	sbr.rel $0x88, $3  }
0x1: {  	(tag) =	ssettag $0x0;
	lr =	simm.s32 $0x1  }
0x2: {  	[smem:$0x3F94] =	sst lr;
	_ =	strace $0xD0000000  }
0x3: {  	_ = 	snop  }
0x4: {  	_ = 	snop  }
0x5: {  	_ = 	snop  }
0x6: {  	_ = 	snop  }
0x7: {  	_ = 	snop  }
__scs_overlays_trampoline_lowered:
0x8: {  	[smem:$0x3FA3] =	sst s0  }
0x9: {  	[smem:$0x3FA4] =	sst s1  }
0xa: {  	[smem:$0x3FA5] =	sst s2  }
0xb: {  	[smem:$0x3FA6] =	sst s3  }
0xc: {  	[smem:$0x3FA7] =	sst s4  }
0xd: {  	[smem:$0x3FA8] =	sst s5  }
0xe: {  	[smem:$0x3FA9] =	sst s6  }
0xf: {  	[smem:$0x3FAA] =	sst s7  }
0x10: {  	[smem:$0x3FAB] =	sst s8  }
0x11: {  	[smem:$0x3FAC] =	sst s9;
	s0 =	simm.s32 @!p0 $0x0  }
0x12: {  	s1 =	sld [smem:$0x3F92];
	s0 =	simm.s32 @p0 $0x1  }
0x13: {  	[smem:$0x3FAD] =	sst s0;
	s0 =	simm.s32 @!p1 $0x0  }
0x14: {  	s2 =	sld [smem:$0x3F91];
	s0 =	simm.s32 @p1 $0x1  }
0x15: {  	[smem:$0x3FAE] =	sst s0;
	s0 =	simm.s32 @!p2 $0x0  }
0x16: {  	s3 =	sld [smem:$0x3FDB];
	s0 =	simm.s32 @p2 $0x1  }
0x17: {  	s4 =	simm.s32 $0x1BF5;
	[smem:$0x3FB0] =	sst s0  }
0x18: {  	s0 =	sld [smem:$0x3F93];
	_ =	swait.ge [sflag:s4], $0x0  }
0x19: {  	s7 =	sld [smem:$0x3F94]  }
0x1a: {  	s8 =	sadd.s32 $0xFFFFE003, lr  }
0x1b: {  	s9 =	sadd.s32 $0xFFFFFEF7, lr;
	s5 =	simm.s32 $0xFFFFFFFF;
	p2 =	slt.u32 s8, $0xFFFFF086  }
0x1c: {  	p1 =	slt.u32 s9, $0xF7A;
	s5 =	simm.s32 @!p2 $0x0  }
0x1d: {  	s5 =	simm.s32 @p1 $0x1;
	p0 =	seq.s32 s7, s2  }
0x1e: {  	s7 =	smul.u32 @!p0 $0xF7A, s2;
	p2 =	seq.s32 @!p0 s5, $0x0  }
0x1f: {  	s9 =	smul.u32 $0xF7A, s1;
	s8 =	simm.s32 @!p0 $0x1BF5;
	p2 =	por !p2, p0  }
0x20: {  	[sflag:s8] =	ssyncset.s32 @!p0 $0xFFFFF086;
	s6 =	sadd.s32 @!p0 s3, s7;
	s7 =	simm.s32 @!p0 $0x108  }
0x21: {  	s3 =	sadd.s32 s3, s9;
	s6 =	sadd.s32 @!p0 $0x88, s6;
	s7 =	simm.s32 @p2 $0x1082  }
0x22: {  	[simem:s7], [sflag:s8] =	dma.local @!p0 [hbm:s6], $0xF7A  }
0x23: {  	s9 =	sor.u32 $0xD0000000, s2;
	s6 =	simm.s32 $0x108;
	_ =	swait.ge @!p0 [sflag:s8], $0x0  }
0x24: {  	s3 =	sadd.s32 $0x88, s3;
	s6 =	simm.s32 @!p1 $0x1082;
	[sflag:s4] =	ssyncset.s32 $0xFFFFF086  }
0x25: {  	[simem:s6], [sflag:s4] =	dma.local [hbm:s3], $0xF7A  }
0x26: {  	[smem:$0x3F94] =	sst s1;
	(tag) =	ssettag s2;
	_ =	strace s9  }
0x27: {  	s1 =	sld [smem:$0x3FA4]  }
0x28: {  	s2 =	sld [smem:$0x3FA5]  }
0x29: {  	s4 =	sld [smem:$0x3FA7]  }
0x2a: {  	p0 =	seq.s32 s5, $0x0;
	s5 =	sld [smem:$0x3FA8]  }
0x2b: {  	s6 =	sld [smem:$0x3FA9]  }
0x2c: {  	s7 =	sld [smem:$0x3FAA]  }
0x2d: {  	s3 =	simm.s32 $0x108;
	s8 =	sld [smem:$0x3FAB]  }
0x2e: {  	s3 =	simm.s32 @!p0 $0x1082;
	s9 =	sld [smem:$0x3FAC]  }
0x2f: {  	lr =	sadd.s32 s0, s3;
	s0 =	sld [smem:$0x3FA3]  }
0x30: {  	s3 =	sld [smem:$0x3FA6]  }
0x31: {  	[smem:$0x3FAF] =	sst s10  }
0x32: {  	s10 =	sld [smem:$0x3FAD];
	_ =	sdelay $0x3  }
0x33: {  	p0 =	seq.s32 s10, $0x1;
	s10 =	sld [smem:$0x3FAF];
	_ =	sdelay $0x3  }
0x34: {  	[smem:$0x3FAF] =	sst s10  }
0x35: {  	s10 =	sld [smem:$0x3FAE];
	_ =	sdelay $0x3  }
0x36: {  	p1 =	seq.s32 s10, $0x1;
	s10 =	sld [smem:$0x3FAF];
	_ =	sdelay $0x3  }
0x37: {  	[smem:$0x3FAF] =	sst s10  }
0x38: {  	s10 =	sld [smem:$0x3FB0]  }
0x39: {  	_ = 	snop;
	(pc) =	sbr.ind lr, $3  }
0x3a: {  	_ = 	snop  }
0x3b: {  	_ = 	snop  }
0x3c: {  	p2 =	seq.s32 s10, $0x1;
	s10 =	sld [smem:$0x3FAF]  }
0x3d: {  	_ =	shalt  }
0x3e: {  	_ =	shalt  }
0x3f: {  	_ =	shalt  }
0x40: {  	_ =	shalt  }
0x41: {  	_ =	shalt  }
0x42: {  	_ =	shalt  }
0x43: {  	_ =	shalt  }
0x44: {  	_ =	shalt  }
0x45: {  	_ =	shalt  }
0x46: {  	_ =	shalt  }
0x47: {  	_ =	shalt  }
0x48: {  	_ =	shalt  }
0x49: {  	_ =	shalt  }
0x4a: {  	_ =	shalt  }
0x4b: {  	_ =	shalt  }
0x4c: {  	_ =	shalt  }
0x4d: {  	_ =	shalt  }
0x4e: {  	_ =	shalt  }
0x4f: {  	_ =	shalt  }
0x50: {  	_ =	shalt  }
0x51: {  	_ =	shalt  }
0x52: {  	_ =	shalt  }
0x53: {  	_ =	shalt  }
0x54: {  	_ =	shalt  }
0x55: {  	_ =	shalt  }
0x56: {  	_ =	shalt  }
0x57: {  	_ =	shalt  }
0x58: {  	_ =	shalt  }
0x59: {  	_ =	shalt  }
0x5a: {  	_ =	shalt  }
0x5b: {  	_ =	shalt  }
0x5c: {  	_ =	shalt  }
0x5d: {  	_ =	shalt  }
0x5e: {  	_ =	shalt  }
0x5f: {  	_ =	shalt  }
0x60: {  	_ =	shalt  }
0x61: {  	_ =	shalt  }
0x62: {  	_ =	shalt  }
0x63: {  	_ =	shalt  }
0x64: {  	_ =	shalt  }
0x65: {  	_ =	shalt  }
0x66: {  	_ =	shalt  }
0x67: {  	_ =	shalt  }
0x68: {  	_ =	shalt  }
0x69: {  	_ =	shalt  }
0x6a: {  	_ =	shalt  }
0x6b: {  	_ =	shalt  }
0x6c: {  	_ =	shalt  }
0x6d: {  	_ =	shalt  }
0x6e: {  	_ =	shalt  }
0x6f: {  	_ =	shalt  }
0x70: {  	_ =	shalt  }
0x71: {  	_ =	shalt  }
0x72: {  	_ =	shalt  }
0x73: {  	_ =	shalt  }
0x74: {  	_ =	shalt  }
0x75: {  	_ =	shalt  }
0x76: {  	_ =	shalt  }
0x77: {  	_ =	shalt  }
0x78: {  	_ =	shalt  }
0x79: {  	_ =	shalt  }
0x7a: {  	_ =	shalt  }
0x7b: {  	_ =	shalt  }
0x7c: {  	_ =	shalt  }
0x7d: {  	_ =	shalt  }
0x7e: {  	_ =	shalt  }
0x7f: {  	_ =	shalt  }
0x80: {  	_ =	shalt  }
0x81: {  	_ =	shalt  }
0x82: {  	_ =	shalt  }
0x83: {  	_ =	shalt  }
0x84: {  	_ =	shalt  }
0x85: {  	_ =	shalt  }
0x86: {  	_ =	shalt  }
0x87: {  	_ =	shalt  }
.Lfunc_end0:
.L_simem_size_0:
called_computation.2_lowered:
.L_overlay_start_0:
0x88: {  	s2 =	sld [smem:$0x3FD9]  }
0x89: {  	s3 =	sld [smem:$0x3FFE];
	_ =	sdelay $0x1  }
0x8a: {  	s1 =	srdreg.scid  }
0x8b: {  	s0 =	sand.u32 $0x1, s1  }
0x8c: {  	s16 =	sshll.u32 s0, $0xA;
	s2 =	sadd.s32 s3, s2  }
0x8d: {  	s2 =	sadd.s32 s2, s16  }
0x8e: {  	[smem:$0x3FBB] =	sst s2  }
0x8f: {  	_ = 	snop  }
0x90: {  	(tm) =	ssettm $0x1  }
0x91: {  	s17 =	sld [smem:$0x3FFB];
	_ =	sdelay $0x3  }
0x92: {  	_ =	strace s17  }
0x93: {  	s2 =	sld [smem:$0x3FFC];
	_ =	sdelay $0x3  }
0x94: {  	_ =	strace s2  }
0x95: {  	s2 =	sld [smem:$0x3FFD];
	_ =	sdelay $0x3  }
0x96: {  	_ =	strace s2  }
0x97: {  	_ =	strace $0x8FFFFFFF  }
0x98: {  	s18 =	sld [smem:$0x3FDB];
	_ =	sdelay $0x1  }
0x99: {  	s19 =	simm.s32 $_scs_section_size  }
0x9a: {  	s4 =	simm.s32 $_size__tile_overlayer_lowered;
	s5 =	simm.s32 $_tile_overlayer_lowered  }
0x9b: {  	s22 =	simm.s32 $0x1BFF;
	s21 =	sshll.u32 s5, $0x1;
	s2 =	sadd.s32 s19, s18  }
0x9c: {  	s6 =	simm.s32 $0x0;
	s20 =	sshll.u32 s4, $0x1;
	s4 =	sadd.s32 s21, s2  }
0x9d: {  	[timem:s6], [sflag:s22] =	dma.local [hbm:s4], s20  }
0x9e: {  	_ =	swait.ge [sflag:s22], s20  }
0x9f: {  	s3 =	ssub.s32 $0x0, s20;
	[sflag:s22] =	ssyncset.done $0x0  }
0xa0: {  	[sflag:s22] =	ssyncadd.s32 s3;
	_ =	sdelay $0x1  }
0xa1: {  	s23 =	simm.s32 $0x1B8B  }
0xa2: {  	_ =	swait.ge [sflag:s23], $0x1  }
0xa3: {  	[sflag:s23] =	ssyncset.done $0x0  }
0xa4: {  	s25 =	simm.s32 $0x1B8E;
	s24 =	sld [smem:$0x3FFE];
	[sflag:s23] =	ssyncadd.s32 $0xFFFFFFFF  }
0xa5: {  	s26 =	simm.s32 $execute0_lowered;
	[smem:$0x3FD2] =	sst s25  }
0xa6: {  	s4 =	sshll.u32 s26, $0x1;
	_ =	strace $0x8000004C;
	[dreg:$0x1] =	wrdreg $0xFFFFFFFF  }
0xa7: {  	s28 =	simm.s32 $_size_execute0_lowered;
	s2 =	sadd.s32 s2, s4;
	[dreg:$0x0] =	wrdreg $0x0  }
0xa8: {  	s4 =	sshll.u32 s28, $0x1;
	[dreg:$0x2] =	wrdreg s2  }
0xa9: {  	[dreg:$0x3] =	wrdreg s4  }
0xaa: {  	[dreg:$0x4] =	wrdreg $0xC0  }
0xab: {  	_ =	task [dreg:s6], $0x5FFFF  }
0xac: {  	[dreg:$0x1] =	wrdreg $0xFFFFFFFF  }
0xad: {  	[dreg:$0x0] =	wrdreg $0x60  }
0xae: {  	[dreg:$0x2] =	wrdreg s24  }
0xaf: {  	[dreg:$0x3] =	wrdreg $0x64000  }
0xb0: {  	[dreg:$0x4] =	wrdreg $0x9  }
0xb1: {  	_ =	task.clear_ibuf [dreg:s6], $0x5FFFF;
	_ =	strace $0x9000004C  }
0xb2: {  	s29 =	simm.s32 $0x9;
	_ =	strace $0x8000004E  }
0xb3: {  	_ =	swait.ge [sflag:s29], $0x1  }
0xb4: {  	[sflag:s29] =	ssyncadd.s32 $0xFFFFFFFF  }
0xb5: {  	_ =	strace $0x9000004E  }
0xb6: {  	_ =	sfence  }
0xb7: {  	s30 =	sld [smem:$0x0];
	_ =	sdelay $0x2  }
0xb8: {  	s31 =	sshll.u32 s1, $0xD;
	s1 =	sshrl.u32 s1, $0x2  }
0xb9: {  	s3 =	sand.u32 $0x4000, s31;
	s1 =	sadd.s32 s1, s30  }
0xba: {  	s0 =	sor.u32 s3, s0;
	s1 =	sshll.u32 s1, $0x11  }
0xbb: {  	s0 =	sor.u32 s1, s0  }
0xbc: {  	s0 =	sadd.s32 $0x8F2B, s0  }
0xbd: {  	[sflag:s0] =	ssyncadd.remote.s32 $0x1  }
0xbe: {  	_ =	sfence.sel $0xFFFF  }
0xbf: {  	[dreg:$0x0] =	wrdreg $0xFFFFFFFF;
	(pc) =	sbr.abs _section_cstart, $3  }
0xc0: {  	[dreg:$0x1] =	wrdreg $0xFFFFFFFF  }
0xc1: {  	_ =	task.clear_ibuf [dreg:s6], $0x2FFFF;
	_ =	strace $0x9FFFFFFF  }
0xc2: {  	(tm) =	ssettm $0x7FFFFFFF  }
0xc3: {  	_ =	shalt  }
tec
execute0_lowered:
.L_overlay_start_1:
0x0: {  	(tag) =	ssettag $0x1  }
0x1: {  	s0 =	rddreg [dreg:$0x0]  }
0x2: {  	s1 =	rddreg [dreg:$0x1];
	s2 =	simm.s32 $0x0;
	s3 =	srdreg.scid  }
0x3: {  	s12 =	stileid.u32;
	s18 =	simm.s32 $0xB;
	s28 =	simm.s32 $0x3  }
0x4: {  	s29 =	simm.s32 $0x5;
	s30 =	simm.s32 $0x7;
	s31 =	simm.s32 $0x9  }
0x5: {  	[smem:$0x7FF] =	sst s2;
	s4 =	sadd.s32 $0x2C00, s0;
	s3 =	sand.u32 $0x1, s3  }
0x6: {  	s5 =	sadd.s32 $0x1BC00, s0;
	s9 =	smul.u32 $0x1900, s12;
	s6 =	sadd.s32 $0xACC00, s0  }
0x7: {  	s11 =	smul.u32 $0x32000, s12;
	s13 =	sadd.s32 $0x20C00, s0;
	s21 =	sshll.u32 s12, $0x6  }
0x8: {  	_ =	strace $0x8000004D;
	s7 =	sshll.u32 s3, $0x4;
	s10 =	smul.u32 $0x19000, s3  }
0x9: {  	s3 =	ssub.s32 $0x2, s3;
	[dreg:$0x3] =	wrdreg s13;
	s13 =	simm.s32 $0x200  }
0xa: {  	s8 =	sor.u32 s12, s7;
	s7 =	sadd.s32 $0xB6E00, s0;
	s19 =	sshrl.u32 s3, $0x1  }
0xb: {  	s20 =	sshrl.u32 s11, $0x2;
	s12 =	sor.u32 $0x1C0B, s21;
	s8 =	smul.u32 $0x2880, s8  }
0xc: {  	s9 =	sadd.s32 s9, s10;
	s3 =	ssub.s32 s3, s19;
	[dreg:$0x4] =	wrdreg s12  }
0xd: {  	s0 =	sadd.s32 s9, s0;
	s9 =	sadd.s32 s20, s1;
	s26 =	smax.u32 s3, $0x1  }
0xe: {  	s20 =	simm.s32 $0x80;
	s3 =	simm.s32 $0x4;
	s22 =	sshrl.u32 s8, $0x3  }
0xf: {  	s0 =	sadd.s32 $0x22600, s0;
	[dreg:$0xa] =	wrdreg s26;
	s26 =	simm.s32 $0x1  }
0x10: {  	s23 =	sadd.s32 $0x10, s22;
	s24 =	sadd.s32 s6, s22;
	[dreg:$0x9] =	wrdreg s0  }
0x11: {  	s11 =	sadd.s32 s7, s22;
	s22 =	simm.s32 $0x400;
	[dreg:$0x5] =	wrdreg s24  }
0x12: {  	s0 =	simm.s32 $0x2;
	[dreg:$0x6] =	wrdreg s11;
	s25 =	sadd.s32 s6, s23  }
0x13: {  	s10 =	sadd.s32 s7, s23;
	s11 =	sshrl.u32 s9, $0x3;
	[dreg:$0x7] =	wrdreg s25  }
0x14: {  	s23 =	simm.s32 $0x5400;
	s24 =	simm.s32 $0x2C00;
	[dreg:$0x8] =	wrdreg s10  }
0x15: {  	s9 =	simm.s32 $0x0;
	s25 =	simm.s32 $0x5C00;
	[dreg:$0xb] =	wrdreg s11  }
.LBB2_1:
0x16: {  	s10 =	rddreg [dreg:$0x3]  }
0x17: {  	[spmem:s11], [sflag:s12] =	dma.local [hbm:s10], $0x1900  }
0x18: {  	_ =	swait.ge [sflag:s18], $0x1900  }
0x19: {  	[sflag:s18] =	ssyncset.done $0x0  }
0x1a: {  	[sflag:s18] =	ssyncadd.s32 $0xFFFFE700  }
0x1b: {  	[bflag:$0x0] =	sbarrier.arrive $0xFFFF  }
0x1c: {  	s15 =	rddreg [dreg:$0x5]  }
0x1d: {  	[tilespmem:s2], [sflag:$0xB] =	stream.linear.gather [hbm4b:s15+s2], $0x80, $0x38;
	[tilespmem:$0x12C00] =	vst v63  }
0x1e: {  	_ =	swait.ge [sflag:s18], $0x80  }
0x1f: {  	[sflag:s18] =	ssyncset.done $0x0  }
0x20: {  	s16 =	rddreg [dreg:$0x6];
	[sflag:s18] =	ssyncadd.s32 $0xFFFFFF80  }
0x21: {  	[tilespmem:s13], [sflag:$0xB] =	stream.linear.gather [hbm4b:s16+s2], $0x80, $0x38;
	[tilespmem:$0x12C00] =	vst v63  }
0x22: {  	_ =	swait.ge [sflag:s18], $0x80  }
0x23: {  	[sflag:s18] =	ssyncset.done $0x0  }
0x24: {  	s17 =	rddreg [dreg:$0x7];
	[sflag:s18] =	ssyncadd.s32 $0xFFFFFF80  }
0x25: {  	[tilespmem:s20], [sflag:$0xB] =	stream.linear.gather [hbm4b:s17+s2], $0x80, $0x38;
	[tilespmem:$0x12C00] =	vst v63  }
0x26: {  	_ =	swait.ge [sflag:s18], $0x80  }
0x27: {  	[sflag:s18] =	ssyncset.done $0x0  }
0x28: {  	s21 =	simm.s32 $0x280;
	s19 =	rddreg [dreg:$0x8];
	[sflag:s18] =	ssyncadd.s32 $0xFFFFFF80  }
0x29: {  	[tilespmem:s21], [sflag:$0xB] =	stream.linear.gather [hbm4b:s19+s2], $0x80, $0x38;
	[tilespmem:$0x12C00] =	vst v63  }
0x2a: {  	_ =	swait.ge [sflag:s18], $0x80  }
0x2b: {  	[sflag:s18] =	ssyncset.done $0x0  }
0x2c: {  	[sflag:s18] =	ssyncadd.s32 $0xFFFFFF80  }
0x2d: {  	[tilespmem:s22], [sflag:$0x1] =	stream.indirect.gather [hbm4b:s4+s20], $0x50, s2, s20, $0xb8;
	[tilespmem:$0x12C00] =	vst v63  }
0x2e: {  	s11 =	simm.s32 $0x0  }
0x2f: {  	[tilespmem:s23], [sflag:$0x3] =	stream.indirect.gather [hbm4b:s5+s20], $0x10, s13, s20, $0xb8;
	[tilespmem:$0x12C00] =	vst v63  }
.LBB2_2:
0x30: {  	s15 =	sshll.u32 s11, $0x8;
	p0 =	seq.s32 s11, $0x0  }
0x31: {  	s10 =	simm.s32 @!p0 $0x6;
	s12 =	sadd.s32 $0x100, s15  }
0x32: {  	_ =	swait.ge @!p0 [sflag:s10], $0x2800;
	s13 =	sadd.s32 s8, s12  }
0x33: {  	[sflag:s10] =	ssyncset.done @!p0 $0x0;
	s16 =	sshrl.u32 s13, $0x3  }
0x34: {  	s13 =	sand.u32 $0x100, s12;
	[sflag:s10] =	ssyncadd.s32 @!p0 $0xFFFFD800;
	s17 =	sadd.s32 s6, s16  }
0x35: {  	[tilespmem:s13], [sflag:$0x7] =	stream.linear.gather [hbm4b:s17+s2], $0x80, $0x38;
	[tilespmem:$0x12C00] =	vst v63  }
0x36: {  	s14 =	sor.u32 $0x200, s13;
	s19 =	sadd.s32 s7, s16;
	s10 =	simm.s32 @!p0 $0x8  }
0x37: {  	[tilespmem:s14], [sflag:$0x9] =	stream.linear.gather [hbm4b:s19+s2], $0x80, $0x38;
	[tilespmem:$0x12C00] =	vst v63  }
0x38: {  	_ =	swait.ge @!p0 [sflag:s10], $0x80  }
0x39: {  	[sflag:s10] =	ssyncset.done @!p0 $0x0  }
0x3a: {  	[sflag:s10] =	ssyncadd.s32 @!p0 $0xFFFFFF80;
	s10 =	simm.s32 @!p0 $0xA  }
0x3b: {  	_ =	swait.ge @!p0 [sflag:s10], $0x80  }
0x3c: {  	s16 =	sand.u32 $0x100, s15;
	[sflag:s10] =	ssyncset.done @!p0 $0x0  }
0x3d: {  	s21 =	sor.u32 $0x80, s16;
	[sflag:s10] =	ssyncadd.s32 @!p0 $0xFFFFFF80  }
0x3e: {  	[tilespmem:s24], [sflag:$0x2] =	stream.indirect.gather [hbm4b:s4+s20], $0x50, s21, s20, $0xb8;
	[tilespmem:$0x12C00] =	vst v63  }
0x3f: {  	s12 =	sor.u32 $0x280, s16  }
0x40: {  	[tilespmem:s25], [sflag:$0x4] =	stream.indirect.gather [hbm4b:s5+s20], $0x10, s12, s20, $0xb8;
	[tilespmem:$0x12C00] =	vst v63  }
0x41: {  	_ =	swait.ge [sflag:s26], $0x2800  }
0x42: {  	[sflag:s26] =	ssyncset.done $0x0  }
0x43: {  	[sflag:s26] =	ssyncadd.s32 $0xFFFFD800  }
0x44: {  	_ =	swait.ge [sflag:s28], $0x800  }
0x45: {  	[sflag:s28] =	ssyncset.done $0x0  }
0x46: {  	s19 =	simm.s32 $0x4A0;
	[sflag:s28] =	ssyncadd.s32 $0xFFFFF800  }
0x47: {  	s21 =	simm.s32 $0x5420;
	v0 =	vld [tilespmem:s19+$0x90]  }
0x48: {  	v1 =	vld [tilespmem:s21+$0x10];
	_ =	sdelay $0x3  }
0x49: {  	v5 =	vld [tilespmem:s21+$0xFFFFFFE0]  }
0x4a: {  	v4 =	vld [tilespmem:s19+$0xFFFFFFF0];
	v3 =	vadd.f32 v1, v0  }
0x4b: {  	v6 =	vld [tilespmem:s21+$0xFFFFFFF0]  }
0x4c: {  	v8 =	vld [tilespmem:s19+$0x40];
	v7 =	vmul.f32 $2.000000030e-01, v3  }
0x4d: {  	v9 =	vld [tilespmem:s21+$0x0]  }
0x4e: {  	v10 =	vld [tilespmem:s19+$0xFFFFFFA0];
	v7 =	vmax.f32 v3, v7  }
0x4f: {  	v2 =	vld [tilespmem:s19+$0xFFFFFF80];
	v11 =	vmul.f32 $1.442695020e+00, v7  }
0x50: {  	v12 =	vld [tilespmem:s19+$0xFFFFFFC0];
	v6 =	vadd.f32 v6, v4  }
0x51: {  	v14 =	vld [tilespmem:s19+$0xFFFFFFD0];
	(erf) = vpow2.f32 v11  }
0x52: {  	v13 =	vld [tilespmem:s19+$0x10];
	v8 =	vadd.f32 v9, v8;
	v11 =	vmul.f32 $2.000000030e-01, v6  }
0x53: {  	v16 =	vld [tilespmem:s19+$0x80];
	v5 =	vadd.f32 v5, v10  }
0x54: {  	v0 =	vld [tilespmem:s19+$0xFFFFFF60];
	v10 =	vmul.f32 $2.000000030e-01, v8;
	v6 =	vmax.f32 v6, v11  }
0x55: {  	v1 =	vld [tilespmem:s19+$0xFFFFFF70];
	v11 =	vmul.f32 $2.000000030e-01, v5;
	v6 =	vmul.f32 $1.442695020e+00, v6  }
0x56: {  	v4 =	vld [tilespmem:s19+$0xFFFFFFE0];
	v10 =	vmax.f32 v8, v10  }
0x57: {  	v9 =	vld [tilespmem:s19+$0x0];
	v5 =	vmax.f32 v5, v11;
	v11 =	vmul.f32 $1.442695020e+00, v10;
	(erf) = vpow2.f32 v6  }
0x58: {  	v3 =	vld [tilespmem:s19+$0xFFFFFF90];
	v15 =	vmul.f32 $1.442695020e+00, v5  }
0x59: {  	v8 =	vld [tilespmem:s19+$0x20];
	(erf) = vpow2.f32 v11  }
0x5a: {  	v7 =	vld [tilespmem:s19+$0xFFFFFFB0];
	v5 =	vpop (erf);
	(erf) = vpow2.f32 v15  }
0x5b: {  	v10 =	vld [tilespmem:s19+$0x50]  }
0x5c: {  	v6 =	vld [tilespmem:s19+$0x60]  }
0x5d: {  	v11 =	vld [tilespmem:s19+$0x70]  }
0x5e: {  	s17 =	simm.s32 $0x5E0;
	s10 =	simm.s32 $0x0;
	v15 =	vld [tilespmem:s19+$0x30];
	v16 =	vmul.f32 v16, v5;
	[tilespmem:s19+$0x90] =	vst v5  }
.LBB2_3:
0x5f: {  	v17 =	vld [tilespmem:s17+$0x90];
	s21 =	sadd.s32 $0x40, s21  }
0x60: {  	s10 =	sadd.s32 $0x4, s10;
	v18 =	vld [tilespmem:s21+$0x10];
	[tilespmem:s19+$0x80] =	vst v16;
	v16 =	vpop (erf)  }
0x61: {  	p0 =	slt.u32 s10, $0x7C;
	v19 =	vld [tilespmem:s21+$0xFFFFFFE0];
	v7 =	vmul.f32 v16, v7;
	v12 =	vmul.f32 v16, v12;
	[tilespmem:s19+$0xFFFFFFF0] =	vst v16  }
0x62: {  	v14 =	vmul.f32 v16, v14;
	v4 =	vmul.f32 v4, v16;
	v20 =	vld [tilespmem:s17+$0xFFFFFFF0];
	v16 =	vpop (erf)  }
0x63: {  	v21 =	vld [tilespmem:s21+$0xFFFFFFF0];
	[tilespmem:s19+$0xFFFFFFB0] =	vst v7;
	v9 =	vmul.f32 v16, v9;
	v13 =	vmul.f32 v16, v13;
	v22 =	vpop (erf)  }
0x64: {  	v7 =	vld [tilespmem:s17+$0x40];
	v0 =	vmul.f32 v22, v0;
	v1 =	vmul.f32 v22, v1;
	[tilespmem:s19+$0xFFFFFFC0] =	vst v12  }
0x65: {  	v2 =	vmul.f32 v22, v2;
	v3 =	vmul.f32 v3, v22;
	v12 =	vld [tilespmem:s21+$0x0];
	v17 =	vadd.f32 v18, v17;
	[tilespmem:s19+$0xFFFFFFD0] =	vst v14  }
0x66: {  	v8 =	vmul.f32 v16, v8;
	v15 =	vmul.f32 v15, v16;
	v14 =	vld [tilespmem:s17+$0xFFFFFFA0];
	[tilespmem:s19+$0xFFFFFF60] =	vst v0  }
0x67: {  	v10 =	vmul.f32 v5, v10;
	v0 =	vld [tilespmem:s17+$0xFFFFFF60];
	v18 =	vmul.f32 $2.000000030e-01, v17;
	[tilespmem:s19+$0xFFFFFF70] =	vst v1  }
0x68: {  	v6 =	vmul.f32 v5, v6;
	v5 =	vmul.f32 v5, v11;
	v1 =	vld [tilespmem:s17+$0xFFFFFF70];
	v20 =	vadd.f32 v21, v20;
	[tilespmem:s19+$0xFFFFFF80] =	vst v2  }
0x69: {  	v2 =	vld [tilespmem:s17+$0xFFFFFF80];
	v11 =	vmax.f32 v17, v18;
	[tilespmem:s19+$0xFFFFFF90] =	vst v3  }
0x6a: {  	v3 =	vld [tilespmem:s17+$0xFFFFFF90];
	v17 =	vmul.f32 $2.000000030e-01, v20;
	v18 =	vadd.f32 v12, v7;
	v11 =	vmul.f32 $1.442695020e+00, v11;
	[tilespmem:s19+$0xFFFFFFE0] =	vst v4  }
0x6b: {  	v19 =	vadd.f32 v19, v14;
	v7 =	vld [tilespmem:s17+$0xFFFFFFB0];
	[tilespmem:s19+$0x0] =	vst v9  }
0x6c: {  	v4 =	vmax.f32 v20, v17;
	v12 =	vld [tilespmem:s17+$0xFFFFFFC0];
	v9 =	vmul.f32 $2.000000030e-01, v18;
	(erf) = vpow2.f32 v11;
	[tilespmem:s19+$0x10] =	vst v13  }
0x6d: {  	v11 =	vmul.f32 $2.000000030e-01, v19;
	v13 =	vmul.f32 $1.442695020e+00, v4;
	v14 =	vld [tilespmem:s17+$0xFFFFFFD0];
	[tilespmem:s19+$0x20] =	vst v8  }
0x6e: {  	v4 =	vld [tilespmem:s17+$0xFFFFFFE0];
	v8 =	vmax.f32 v18, v9;
	[tilespmem:s19+$0x30] =	vst v15  }
0x6f: {  	v11 =	vmax.f32 v19, v11;
	v8 =	vmul.f32 $1.442695020e+00, v8;
	v9 =	vld [tilespmem:s17+$0x0];
	(erf) = vpow2.f32 v13;
	[tilespmem:s19+$0x50] =	vst v10  }
0x70: {  	v10 =	vmul.f32 $1.442695020e+00, v11;
	v13 =	vld [tilespmem:s17+$0x10];
	[tilespmem:s19+$0x60] =	vst v6  }
0x71: {  	v17 =	vld [tilespmem:s17+$0x80];
	(erf) = vpow2.f32 v8;
	[tilespmem:s19+$0x70] =	vst v5  }
.Ltmp0:
0x72: {  	v8 =	vld [tilespmem:s17+$0x20];
	(erf) = vpow2.f32 v10;
	[tilespmem:s19+$0xFFFFFFA0] =	vst v22;
	(pc) =	sbr.rel @p0 .LBB2_3-.Ltmp0, $4  }
0x73: {  	v15 =	vld [tilespmem:s17+$0x30];
	[tilespmem:s19+$0x40] =	vst v16;
	s19 =	smov.u32 s17  }
0x74: {  	v10 =	vld [tilespmem:s17+$0x50]  }
0x75: {  	v6 =	vld [tilespmem:s17+$0x60];
	v5 =	vpop (erf)  }
0x76: {  	s17 =	sadd.s32 $0x140, s17;
	v11 =	vld [tilespmem:s19+$0x70];
	v16 =	vmul.f32 v17, v5;
	[tilespmem:s19+$0x90] =	vst v5  }
0x77: {  	_ = 	snop  }
0x78: {  	v17 =	vpop (erf)  }
0x79: {  	[tilespmem:s19+$0x80] =	vst v16;
	v7 =	vmul.f32 v17, v7  }
0x7a: {  	v12 =	vmul.f32 v17, v12;
	[tilespmem:s19+$0xFFFFFFF0] =	vst v17  }
0x7b: {  	v14 =	vmul.f32 v17, v14;
	[tilespmem:s19+$0xFFFFFFB0] =	vst v7  }
0x7c: {  	v16 =	vpop (erf);
	[tilespmem:s19+$0xFFFFFFC0] =	vst v12  }
0x7d: {  	[tilespmem:s19+$0xFFFFFFD0] =	vst v14;
	v7 =	vpop (erf)  }
0x7e: {  	[tilespmem:s19+$0x40] =	vst v16;
	v0 =	vmul.f32 v7, v0  }
0x7f: {  	v1 =	vmul.f32 v7, v1;
	[tilespmem:s19+$0xFFFFFFA0] =	vst v7  }
0x80: {  	v2 =	vmul.f32 v7, v2;
	[tilespmem:s19+$0xFFFFFF60] =	vst v0  }
0x81: {  	v0 =	vmul.f32 v3, v7;
	[tilespmem:s19+$0xFFFFFF70] =	vst v1  }
0x82: {  	v1 =	vmul.f32 v4, v17;
	[tilespmem:s19+$0xFFFFFF80] =	vst v2  }
0x83: {  	v2 =	vmul.f32 v16, v9;
	[tilespmem:s19+$0xFFFFFF90] =	vst v0  }
0x84: {  	v0 =	vmul.f32 v16, v13;
	[tilespmem:s19+$0xFFFFFFE0] =	vst v1  }
0x85: {  	v1 =	vmul.f32 v16, v8;
	[tilespmem:s19+$0x0] =	vst v2  }
0x86: {  	v2 =	vmul.f32 v15, v16;
	[tilespmem:s19+$0x10] =	vst v0  }
0x87: {  	v0 =	vmul.f32 v5, v10;
	[tilespmem:s19+$0x20] =	vst v1  }
0x88: {  	v1 =	vmul.f32 v5, v6;
	[tilespmem:s19+$0x30] =	vst v2  }
0x89: {  	v2 =	vmul.f32 v5, v11;
	[tilespmem:s19+$0x50] =	vst v0  }
0x8a: {  	[tilespmem:s19+$0x60] =	vst v1  }
0x8b: {  	s10 =	sor.u32 $0x200, s16;
	p0 =	seq.s32 s11, $0x27;
	[tilespmem:s19+$0x70] =	vst v2  }
0x8c: {  	[spmem:s1] =	stream.indirect.scatter.add.f32 [tilespmem:s22], [sflag:$0x5], $0x50, s10, s20, $0xb8;
	[tilespmem:$0x12C00] =	vst v63  }
0x8d: {  	s10 =	sadd.s32 @!p0 $0x180, s15  }
0x8e: {  	_ =	swait.ge [sflag:s29], $0x2800;
	s15 =	sadd.s32 @!p0 s8, s10  }
0x8f: {  	s17 =	simm.s32 @!p0 $0x0;
	[sflag:s29] =	ssyncset.done $0x0;
	s15 =	sshrl.u32 @!p0 s15, $0x3  }
0x90: {  	s10 =	sand.u32 @!p0 $0x180, s10;
	[sflag:s29] =	ssyncadd.s32 $0xFFFFD800;
	s16 =	sadd.s32 @!p0 s6, s15  }
0x91: {  	[tilespmem:s10], [sflag:$0x8] =	stream.linear.gather @!p0 [hbm4b:s16+s17], $0x80, $0x38;
	[tilespmem:$0x12C00] =	vst v63  }
0x92: {  	s15 =	sadd.s32 @!p0 s7, s15;
	s10 =	sor.u32 @!p0 $0x200, s10  }
0x93: {  	[tilespmem:s10], [sflag:$0xA] =	stream.linear.gather @!p0 [hbm4b:s15+s17], $0x80, $0x38;
	[tilespmem:$0x12C00] =	vst v63  }
0x94: {  	_ =	swait.ge [sflag:s30], $0x80  }
0x95: {  	[sflag:s30] =	ssyncset.done $0x0  }
0x96: {  	[sflag:s30] =	ssyncadd.s32 $0xFFFFFF80  }
0x97: {  	_ =	swait.ge [sflag:s31], $0x80  }
0x98: {  	[sflag:s31] =	ssyncset.done $0x0  }
0x99: {  	[sflag:s31] =	ssyncadd.s32 $0xFFFFFF80  }
0x9a: {  	[tilespmem:s22], [sflag:$0x1] =	stream.indirect.gather [hbm4b:s4+s20], $0x50, s13, s20, $0xb8;
	[tilespmem:$0x12C00] =	vst v63  }
0x9b: {  	_ = 	snop  }
0x9c: {  	[tilespmem:s23], [sflag:$0x3] =	stream.indirect.gather [hbm4b:s5+s20], $0x10, s14, s20, $0xb8;
	[tilespmem:$0x12C00] =	vst v63  }
0x9d: {  	_ =	swait.ge [sflag:s0], $0x2800  }
0x9e: {  	[sflag:s0] =	ssyncset.done $0x0  }
0x9f: {  	[sflag:s0] =	ssyncadd.s32 $0xFFFFD800  }
0xa0: {  	_ =	swait.ge [sflag:s3], $0x800  }
0xa1: {  	[sflag:s3] =	ssyncset.done $0x0  }
0xa2: {  	s13 =	simm.s32 $0x2CA0;
	[sflag:s3] =	ssyncadd.s32 $0xFFFFF800  }
0xa3: {  	s14 =	simm.s32 $0x5C20;
	v0 =	vld [tilespmem:s13+$0x90]  }
0xa4: {  	v1 =	vld [tilespmem:s14+$0x10];
	_ =	sdelay $0x3  }
0xa5: {  	v5 =	vld [tilespmem:s14+$0xFFFFFFE0]  }
0xa6: {  	v4 =	vld [tilespmem:s13+$0xFFFFFFF0];
	v3 =	vadd.f32 v1, v0  }
0xa7: {  	v6 =	vld [tilespmem:s14+$0xFFFFFFF0]  }
0xa8: {  	v8 =	vld [tilespmem:s13+$0x40];
	v7 =	vmul.f32 $2.000000030e-01, v3  }
0xa9: {  	v9 =	vld [tilespmem:s14+$0x0]  }
0xaa: {  	v10 =	vld [tilespmem:s13+$0xFFFFFFA0];
	v7 =	vmax.f32 v3, v7  }
0xab: {  	v2 =	vld [tilespmem:s13+$0xFFFFFF80];
	v11 =	vmul.f32 $1.442695020e+00, v7  }
0xac: {  	v12 =	vld [tilespmem:s13+$0xFFFFFFC0];
	v6 =	vadd.f32 v6, v4  }
0xad: {  	v14 =	vld [tilespmem:s13+$0xFFFFFFD0];
	(erf) = vpow2.f32 v11  }
0xae: {  	v13 =	vld [tilespmem:s13+$0x10];
	v8 =	vadd.f32 v9, v8;
	v11 =	vmul.f32 $2.000000030e-01, v6  }
0xaf: {  	v16 =	vld [tilespmem:s13+$0x80];
	v5 =	vadd.f32 v5, v10  }
0xb0: {  	v0 =	vld [tilespmem:s13+$0xFFFFFF60];
	v10 =	vmul.f32 $2.000000030e-01, v8;
	v6 =	vmax.f32 v6, v11  }
0xb1: {  	v1 =	vld [tilespmem:s13+$0xFFFFFF70];
	v11 =	vmul.f32 $2.000000030e-01, v5;
	v6 =	vmul.f32 $1.442695020e+00, v6  }
0xb2: {  	v4 =	vld [tilespmem:s13+$0xFFFFFFE0];
	v10 =	vmax.f32 v8, v10  }
0xb3: {  	v9 =	vld [tilespmem:s13+$0x0];
	v5 =	vmax.f32 v5, v11;
	v11 =	vmul.f32 $1.442695020e+00, v10;
	(erf) = vpow2.f32 v6  }
0xb4: {  	v3 =	vld [tilespmem:s13+$0xFFFFFF90];
	v15 =	vmul.f32 $1.442695020e+00, v5  }
0xb5: {  	v8 =	vld [tilespmem:s13+$0x20];
	(erf) = vpow2.f32 v11  }
0xb6: {  	v7 =	vld [tilespmem:s13+$0xFFFFFFB0];
	v5 =	vpop (erf);
	(erf) = vpow2.f32 v15  }
0xb7: {  	v10 =	vld [tilespmem:s13+$0x50]  }
0xb8: {  	v6 =	vld [tilespmem:s13+$0x60]  }
0xb9: {  	v11 =	vld [tilespmem:s13+$0x70]  }
0xba: {  	s10 =	simm.s32 $0x0;
	s15 =	simm.s32 $0x2DE0;
	v15 =	vld [tilespmem:s13+$0x30];
	v16 =	vmul.f32 v16, v5;
	[tilespmem:s13+$0x90] =	vst v5  }
.LBB2_5:
0xbb: {  	v17 =	vld [tilespmem:s15+$0x90];
	s14 =	sadd.s32 $0x40, s14  }
0xbc: {  	s10 =	sadd.s32 $0x4, s10;
	v18 =	vld [tilespmem:s14+$0x10];
	[tilespmem:s13+$0x80] =	vst v16;
	v16 =	vpop (erf)  }
0xbd: {  	p0 =	slt.u32 s10, $0x7C;
	v19 =	vld [tilespmem:s14+$0xFFFFFFE0];
	v7 =	vmul.f32 v16, v7;
	v12 =	vmul.f32 v16, v12;
	[tilespmem:s13+$0xFFFFFFF0] =	vst v16  }
0xbe: {  	v14 =	vmul.f32 v16, v14;
	v4 =	vmul.f32 v4, v16;
	v20 =	vld [tilespmem:s15+$0xFFFFFFF0];
	v16 =	vpop (erf)  }
0xbf: {  	v21 =	vld [tilespmem:s14+$0xFFFFFFF0];
	[tilespmem:s13+$0xFFFFFFB0] =	vst v7;
	v9 =	vmul.f32 v16, v9;
	v13 =	vmul.f32 v16, v13;
	v22 =	vpop (erf)  }
0xc0: {  	v7 =	vld [tilespmem:s15+$0x40];
	v0 =	vmul.f32 v22, v0;
	v1 =	vmul.f32 v22, v1;
	[tilespmem:s13+$0xFFFFFFC0] =	vst v12  }
0xc1: {  	v2 =	vmul.f32 v22, v2;
	v3 =	vmul.f32 v3, v22;
	v12 =	vld [tilespmem:s14+$0x0];
	v17 =	vadd.f32 v18, v17;
	[tilespmem:s13+$0xFFFFFFD0] =	vst v14  }
0xc2: {  	v8 =	vmul.f32 v16, v8;
	v15 =	vmul.f32 v15, v16;
	v14 =	vld [tilespmem:s15+$0xFFFFFFA0];
	[tilespmem:s13+$0xFFFFFF60] =	vst v0  }
0xc3: {  	v10 =	vmul.f32 v5, v10;
	v0 =	vld [tilespmem:s15+$0xFFFFFF60];
	v18 =	vmul.f32 $2.000000030e-01, v17;
	[tilespmem:s13+$0xFFFFFF70] =	vst v1  }
0xc4: {  	v6 =	vmul.f32 v5, v6;
	v5 =	vmul.f32 v5, v11;
	v1 =	vld [tilespmem:s15+$0xFFFFFF70];
	v20 =	vadd.f32 v21, v20;
	[tilespmem:s13+$0xFFFFFF80] =	vst v2  }
0xc5: {  	v2 =	vld [tilespmem:s15+$0xFFFFFF80];
	v11 =	vmax.f32 v17, v18;
	[tilespmem:s13+$0xFFFFFF90] =	vst v3  }
0xc6: {  	v3 =	vld [tilespmem:s15+$0xFFFFFF90];
	v17 =	vmul.f32 $2.000000030e-01, v20;
	v18 =	vadd.f32 v12, v7;
	v11 =	vmul.f32 $1.442695020e+00, v11;
	[tilespmem:s13+$0xFFFFFFE0] =	vst v4  }
0xc7: {  	v19 =	vadd.f32 v19, v14;
	v7 =	vld [tilespmem:s15+$0xFFFFFFB0];
	[tilespmem:s13+$0x0] =	vst v9  }
0xc8: {  	v4 =	vmax.f32 v20, v17;
	v12 =	vld [tilespmem:s15+$0xFFFFFFC0];
	v9 =	vmul.f32 $2.000000030e-01, v18;
	(erf) = vpow2.f32 v11;
	[tilespmem:s13+$0x10] =	vst v13  }
0xc9: {  	v11 =	vmul.f32 $2.000000030e-01, v19;
	v13 =	vmul.f32 $1.442695020e+00, v4;
	v14 =	vld [tilespmem:s15+$0xFFFFFFD0];
	[tilespmem:s13+$0x20] =	vst v8  }
0xca: {  	v4 =	vld [tilespmem:s15+$0xFFFFFFE0];
	v8 =	vmax.f32 v18, v9;
	[tilespmem:s13+$0x30] =	vst v15  }
0xcb: {  	v11 =	vmax.f32 v19, v11;
	v8 =	vmul.f32 $1.442695020e+00, v8;
	v9 =	vld [tilespmem:s15+$0x0];
	(erf) = vpow2.f32 v13;
	[tilespmem:s13+$0x50] =	vst v10  }
0xcc: {  	v10 =	vmul.f32 $1.442695020e+00, v11;
	v13 =	vld [tilespmem:s15+$0x10];
	[tilespmem:s13+$0x60] =	vst v6  }
0xcd: {  	v17 =	vld [tilespmem:s15+$0x80];
	(erf) = vpow2.f32 v8;
	[tilespmem:s13+$0x70] =	vst v5  }
.Ltmp1:
0xce: {  	v8 =	vld [tilespmem:s15+$0x20];
	(erf) = vpow2.f32 v10;
	[tilespmem:s13+$0xFFFFFFA0] =	vst v22;
	(pc) =	sbr.rel @p0 .LBB2_5-.Ltmp1, $4  }
0xcf: {  	v15 =	vld [tilespmem:s15+$0x30];
	[tilespmem:s13+$0x40] =	vst v16;
	s13 =	smov.u32 s15  }
0xd0: {  	v10 =	vld [tilespmem:s15+$0x50]  }
0xd1: {  	v6 =	vld [tilespmem:s15+$0x60];
	v5 =	vpop (erf)  }
0xd2: {  	s15 =	sadd.s32 $0x140, s15;
	v11 =	vld [tilespmem:s13+$0x70];
	v16 =	vmul.f32 v17, v5;
	[tilespmem:s13+$0x90] =	vst v5  }
0xd3: {  	_ = 	snop  }
0xd4: {  	v17 =	vpop (erf)  }
0xd5: {  	[tilespmem:s13+$0x80] =	vst v16;
	v7 =	vmul.f32 v17, v7  }
0xd6: {  	v12 =	vmul.f32 v17, v12;
	[tilespmem:s13+$0xFFFFFFF0] =	vst v17  }
0xd7: {  	v14 =	vmul.f32 v17, v14;
	[tilespmem:s13+$0xFFFFFFB0] =	vst v7  }
0xd8: {  	v56 =	vmul.f32 v4, v17;
	[tilespmem:s13+$0xFFFFFFC0] =	vst v12  }
0xd9: {  	v61 =	vmul.f32 v5, v10;
	[tilespmem:s13+$0xFFFFFFD0] =	vst v14  }
0xda: {  	[tilespmem:s13+$0xFFFFFFE0] =	vst v56  }
0xdb: {  	v53 =	vpop (erf);
	v62 =	vmul.f32 v5, v6;
	[tilespmem:s13+$0x50] =	vst v61  }
0xdc: {  	[tilespmem:s13+$0x40] =	vst v53  }
0xdd: {  	v54 =	vpop (erf);
	v57 =	vmul.f32 v53, v9;
	[tilespmem:s13+$0x60] =	vst v62  }
0xde: {  	v58 =	vmul.f32 v53, v13;
	[tilespmem:s13+$0xFFFFFFA0] =	vst v54  }
0xdf: {  	v59 =	vmul.f32 v53, v8;
	[tilespmem:s13+$0x0] =	vst v57  }
0xe0: {  	v60 =	vmul.f32 v15, v53;
	[tilespmem:s13+$0x10] =	vst v58  }
0xe1: {  	v63 =	vmul.f32 v5, v11;
	[tilespmem:s13+$0x20] =	vst v59  }
0xe2: {  	s11 =	sadd.s32 $0x1, s11;
	v0 =	vmul.f32 v54, v0;
	[tilespmem:s13+$0x30] =	vst v60  }
0xe3: {  	p0 =	sne.s32 s11, $0x28;
	v1 =	vmul.f32 v54, v1;
	[tilespmem:s13+$0x70] =	vst v63  }
.Ltmp2:
0xe4: {  	v2 =	vmul.f32 v54, v2;
	[tilespmem:s13+$0xFFFFFF60] =	vst v0;
	(pc) =	sbr.rel @p0 .LBB2_2-.Ltmp2, $4  }
0xe5: {  	v55 =	vmul.f32 v3, v54;
	[tilespmem:s13+$0xFFFFFF70] =	vst v1  }
0xe6: {  	[tilespmem:s13+$0xFFFFFF80] =	vst v2  }
0xe7: {  	[tilespmem:s13+$0xFFFFFF90] =	vst v55  }
0xe8: {  	[spmem:s1] =	stream.indirect.scatter.add.f32 [tilespmem:s24], [sflag:$0x6], $0x50, s12, s20, $0xb8;
	[tilespmem:$0x12C00] =	vst v63  }
0xe9: {  	s10 =	simm.s32 $0x6  }
0xea: {  	_ =	swait.ge [sflag:s10], $0x2800  }
0xeb: {  	[sflag:s10] =	ssyncset.done $0x0  }
0xec: {  	[sflag:s10] =	ssyncadd.s32 $0xFFFFD800  }
0xed: {  	_ =	swait.ge [sflag:s26], $0x2800  }
0xee: {  	[sflag:s26] =	ssyncset.done $0x0  }
0xef: {  	[sflag:s26] =	ssyncadd.s32 $0xFFFFD800  }
0xf0: {  	_ =	swait.ge [sflag:s28], $0x800  }
0xf1: {  	[sflag:s28] =	ssyncset.done $0x0  }
0xf2: {  	s11 =	simm.s32 $0x4A0;
	[sflag:s28] =	ssyncadd.s32 $0xFFFFF800  }
0xf3: {  	s12 =	simm.s32 $0x5420;
	v0 =	vld [tilespmem:s11+$0x90]  }
0xf4: {  	v1 =	vld [tilespmem:s12+$0x10];
	_ =	sdelay $0x3  }
0xf5: {  	v5 =	vld [tilespmem:s12+$0xFFFFFFE0]  }
0xf6: {  	v4 =	vld [tilespmem:s11+$0xFFFFFFF0];
	v3 =	vadd.f32 v1, v0  }
0xf7: {  	v6 =	vld [tilespmem:s12+$0xFFFFFFF0]  }
0xf8: {  	v8 =	vld [tilespmem:s11+$0x40];
	v7 =	vmul.f32 $2.000000030e-01, v3  }
0xf9: {  	v9 =	vld [tilespmem:s12+$0x0]  }
0xfa: {  	v10 =	vld [tilespmem:s11+$0xFFFFFFA0];
	v7 =	vmax.f32 v3, v7  }
0xfb: {  	v2 =	vld [tilespmem:s11+$0xFFFFFF80];
	v11 =	vmul.f32 $1.442695020e+00, v7  }
0xfc: {  	v12 =	vld [tilespmem:s11+$0xFFFFFFC0];
	v6 =	vadd.f32 v6, v4  }
0xfd: {  	v14 =	vld [tilespmem:s11+$0xFFFFFFD0];
	(erf) = vpow2.f32 v11  }
0xfe: {  	v13 =	vld [tilespmem:s11+$0x10];
	v8 =	vadd.f32 v9, v8;
	v11 =	vmul.f32 $2.000000030e-01, v6  }
0xff: {  	v16 =	vld [tilespmem:s11+$0x80];
	v5 =	vadd.f32 v5, v10  }
0x100: {  	v0 =	vld [tilespmem:s11+$0xFFFFFF60];
	v10 =	vmul.f32 $2.000000030e-01, v8;
	v6 =	vmax.f32 v6, v11  }
0x101: {  	v1 =	vld [tilespmem:s11+$0xFFFFFF70];
	v11 =	vmul.f32 $2.000000030e-01, v5;
	v6 =	vmul.f32 $1.442695020e+00, v6  }
0x102: {  	v4 =	vld [tilespmem:s11+$0xFFFFFFE0];
	v10 =	vmax.f32 v8, v10  }
0x103: {  	v9 =	vld [tilespmem:s11+$0x0];
	v5 =	vmax.f32 v5, v11;
	v11 =	vmul.f32 $1.442695020e+00, v10;
	(erf) = vpow2.f32 v6  }
0x104: {  	v3 =	vld [tilespmem:s11+$0xFFFFFF90];
	v15 =	vmul.f32 $1.442695020e+00, v5  }
0x105: {  	v8 =	vld [tilespmem:s11+$0x20];
	(erf) = vpow2.f32 v11  }
0x106: {  	v7 =	vld [tilespmem:s11+$0xFFFFFFB0];
	v5 =	vpop (erf);
	(erf) = vpow2.f32 v15  }
0x107: {  	v10 =	vld [tilespmem:s11+$0x50]  }
0x108: {  	v6 =	vld [tilespmem:s11+$0x60]  }
0x109: {  	v11 =	vld [tilespmem:s11+$0x70]  }
0x10a: {  	s13 =	simm.s32 $0x5E0;
	s10 =	simm.s32 $0x0;
	v15 =	vld [tilespmem:s11+$0x30];
	v16 =	vmul.f32 v16, v5;
	[tilespmem:s11+$0x90] =	vst v5  }
.LBB2_8:
0x10b: {  	v17 =	vld [tilespmem:s13+$0x90];
	s12 =	sadd.s32 $0x40, s12  }
0x10c: {  	s10 =	sadd.s32 $0x4, s10;
	v18 =	vld [tilespmem:s12+$0x10];
	[tilespmem:s11+$0x80] =	vst v16;
	v16 =	vpop (erf)  }
0x10d: {  	p0 =	slt.u32 s10, $0x7C;
	v19 =	vld [tilespmem:s12+$0xFFFFFFE0];
	v7 =	vmul.f32 v16, v7;
	v12 =	vmul.f32 v16, v12;
	[tilespmem:s11+$0xFFFFFFF0] =	vst v16  }
0x10e: {  	v14 =	vmul.f32 v16, v14;
	v4 =	vmul.f32 v4, v16;
	v20 =	vld [tilespmem:s13+$0xFFFFFFF0];
	v16 =	vpop (erf)  }
0x10f: {  	v21 =	vld [tilespmem:s12+$0xFFFFFFF0];
	[tilespmem:s11+$0xFFFFFFB0] =	vst v7;
	v9 =	vmul.f32 v16, v9;
	v13 =	vmul.f32 v16, v13;
	v22 =	vpop (erf)  }
0x110: {  	v7 =	vld [tilespmem:s13+$0x40];
	v0 =	vmul.f32 v22, v0;
	v1 =	vmul.f32 v22, v1;
	[tilespmem:s11+$0xFFFFFFC0] =	vst v12  }
0x111: {  	v2 =	vmul.f32 v22, v2;
	v3 =	vmul.f32 v3, v22;
	v12 =	vld [tilespmem:s12+$0x0];
	v17 =	vadd.f32 v18, v17;
	[tilespmem:s11+$0xFFFFFFD0] =	vst v14  }
0x112: {  	v8 =	vmul.f32 v16, v8;
	v15 =	vmul.f32 v15, v16;
	v14 =	vld [tilespmem:s13+$0xFFFFFFA0];
	[tilespmem:s11+$0xFFFFFF60] =	vst v0  }
0x113: {  	v10 =	vmul.f32 v5, v10;
	v0 =	vld [tilespmem:s13+$0xFFFFFF60];
	v18 =	vmul.f32 $2.000000030e-01, v17;
	[tilespmem:s11+$0xFFFFFF70] =	vst v1  }
0x114: {  	v6 =	vmul.f32 v5, v6;
	v5 =	vmul.f32 v5, v11;
	v1 =	vld [tilespmem:s13+$0xFFFFFF70];
	v20 =	vadd.f32 v21, v20;
	[tilespmem:s11+$0xFFFFFF80] =	vst v2  }
0x115: {  	v2 =	vld [tilespmem:s13+$0xFFFFFF80];
	v11 =	vmax.f32 v17, v18;
	[tilespmem:s11+$0xFFFFFF90] =	vst v3  }
0x116: {  	v3 =	vld [tilespmem:s13+$0xFFFFFF90];
	v17 =	vmul.f32 $2.000000030e-01, v20;
	v18 =	vadd.f32 v12, v7;
	v11 =	vmul.f32 $1.442695020e+00, v11;
	[tilespmem:s11+$0xFFFFFFE0] =	vst v4  }
0x117: {  	v19 =	vadd.f32 v19, v14;
	v7 =	vld [tilespmem:s13+$0xFFFFFFB0];
	[tilespmem:s11+$0x0] =	vst v9  }
0x118: {  	v4 =	vmax.f32 v20, v17;
	v12 =	vld [tilespmem:s13+$0xFFFFFFC0];
	v9 =	vmul.f32 $2.000000030e-01, v18;
	(erf) = vpow2.f32 v11;
	[tilespmem:s11+$0x10] =	vst v13  }
0x119: {  	v11 =	vmul.f32 $2.000000030e-01, v19;
	v13 =	vmul.f32 $1.442695020e+00, v4;
	v14 =	vld [tilespmem:s13+$0xFFFFFFD0];
	[tilespmem:s11+$0x20] =	vst v8  }
0x11a: {  	v4 =	vld [tilespmem:s13+$0xFFFFFFE0];
	v8 =	vmax.f32 v18, v9;
	[tilespmem:s11+$0x30] =	vst v15  }
0x11b: {  	v11 =	vmax.f32 v19, v11;
	v8 =	vmul.f32 $1.442695020e+00, v8;
	v9 =	vld [tilespmem:s13+$0x0];
	(erf) = vpow2.f32 v13;
	[tilespmem:s11+$0x50] =	vst v10  }
0x11c: {  	v10 =	vmul.f32 $1.442695020e+00, v11;
	v13 =	vld [tilespmem:s13+$0x10];
	[tilespmem:s11+$0x60] =	vst v6  }
0x11d: {  	v17 =	vld [tilespmem:s13+$0x80];
	(erf) = vpow2.f32 v8;
	[tilespmem:s11+$0x70] =	vst v5  }
.Ltmp3:
0x11e: {  	v8 =	vld [tilespmem:s13+$0x20];
	(erf) = vpow2.f32 v10;
	[tilespmem:s11+$0xFFFFFFA0] =	vst v22;
	(pc) =	sbr.rel @p0 .LBB2_8-.Ltmp3, $4  }
0x11f: {  	v15 =	vld [tilespmem:s13+$0x30];
	[tilespmem:s11+$0x40] =	vst v16;
	s11 =	smov.u32 s13  }
0x120: {  	v10 =	vld [tilespmem:s13+$0x50]  }
0x121: {  	v6 =	vld [tilespmem:s13+$0x60];
	v5 =	vpop (erf)  }
0x122: {  	s13 =	sadd.s32 $0x140, s13;
	v11 =	vld [tilespmem:s11+$0x70];
	v16 =	vmul.f32 v17, v5;
	[tilespmem:s11+$0x90] =	vst v5  }
0x123: {  	_ = 	snop  }
0x124: {  	v17 =	vpop (erf)  }
0x125: {  	[tilespmem:s11+$0x80] =	vst v16;
	v7 =	vmul.f32 v17, v7  }
0x126: {  	v12 =	vmul.f32 v17, v12;
	[tilespmem:s11+$0xFFFFFFF0] =	vst v17  }
0x127: {  	v14 =	vmul.f32 v17, v14;
	[tilespmem:s11+$0xFFFFFFB0] =	vst v7  }
0x128: {  	v56 =	vmul.f32 v4, v17;
	[tilespmem:s11+$0xFFFFFFC0] =	vst v12  }
0x129: {  	v61 =	vmul.f32 v5, v10;
	[tilespmem:s11+$0xFFFFFFD0] =	vst v14  }
0x12a: {  	[tilespmem:s11+$0xFFFFFFE0] =	vst v56  }
0x12b: {  	v53 =	vpop (erf);
	v62 =	vmul.f32 v5, v6;
	[tilespmem:s11+$0x50] =	vst v61  }
0x12c: {  	[tilespmem:s11+$0x40] =	vst v53  }
0x12d: {  	v54 =	vpop (erf);
	v57 =	vmul.f32 v53, v9;
	[tilespmem:s11+$0x60] =	vst v62  }
0x12e: {  	v58 =	vmul.f32 v53, v13;
	[tilespmem:s11+$0xFFFFFFA0] =	vst v54  }
0x12f: {  	v59 =	vmul.f32 v53, v8;
	[tilespmem:s11+$0x0] =	vst v57  }
0x130: {  	v60 =	vmul.f32 v15, v53;
	[tilespmem:s11+$0x10] =	vst v58  }
0x131: {  	v63 =	vmul.f32 v5, v11;
	[tilespmem:s11+$0x20] =	vst v59  }
0x132: {  	v0 =	vmul.f32 v54, v0;
	[tilespmem:s11+$0x30] =	vst v60  }
0x133: {  	v1 =	vmul.f32 v54, v1;
	[tilespmem:s11+$0x70] =	vst v63  }
0x134: {  	v2 =	vmul.f32 v54, v2;
	[tilespmem:s11+$0xFFFFFF60] =	vst v0  }
0x135: {  	v55 =	vmul.f32 v3, v54;
	[tilespmem:s11+$0xFFFFFF70] =	vst v1  }
0x136: {  	[tilespmem:s11+$0xFFFFFF80] =	vst v2  }
0x137: {  	s13 =	simm.s32 $0x200;
	[tilespmem:s11+$0xFFFFFF90] =	vst v55  }
0x138: {  	[spmem:s1] =	stream.indirect.scatter.add.f32 [tilespmem:s22], [sflag:$0x5], $0x50, s13, s20, $0xb8;
	[tilespmem:$0x12C00] =	vst v63  }
0x139: {  	_ =	swait.ge [sflag:s29], $0x2800  }
0x13a: {  	[sflag:s29] =	ssyncset.done $0x0  }
0x13b: {  	[sflag:s29] =	ssyncadd.s32 $0xFFFFD800  }
0x13c: {  	[bflag:$0x0] =	sbarrier.arrive $0xFFFF  }
0x13d: {  	s12 =	rddreg [dreg:$0x4]  }
0x13e: {  	s10 =	rddreg [dreg:$0x9]  }
0x13f: {  	s11 =	rddreg [dreg:$0xb]  }
0x140: {  	[hbm:s10], [sflag:s12] =	dma.local [spmem:s11], $0x1900  }
0x141: {  	_ =	swait.ge [sflag:s18], $0x1900  }
0x142: {  	s9 =	sadd.s32 $0x1, s9;
	s21 =	rddreg [dreg:$0xa]  }
0x143: {  	p0 =	sne.s32 s9, s21  }
.Ltmp4:
0x144: {  	_ = 	snop;
	(pc) =	sbr.rel @p0 .LBB2_1-.Ltmp4, $3  }
0x145: {  	_ =	sdelay $0x1  }
0x146: {  	[sflag:s18] =	ssyncset.done $0x0  }
0x147: {  	[sflag:s18] =	ssyncadd.s32 $0xFFFFE700  }
0x148: {  	_ =	sfence.sel $0x180000  }
0x149: {  	[bflag:$0x0] =	sbarrier.arrive $0xFFFF  }
0x14a: {  	_ =	strace $0x9000004D  }
0x14b: {  	s0 =	stileid.u32;
	[bflag:$0x2] =	sbarrier.arrive $0xFFFF  }
0x14c: {  	p0 =	sne.s32 s0, $0x0;
	s0 =	rddreg [dreg:$0x2]  }
0x14d: {  	s0 =	sadd.s32 @!p0 $0x100000, s0  }
0x14e: {  	[sflag:s0] =	ssyncadd.tile.s32 @!p0 $0x1;
	_ =	shalt  }
.Lfunc_end2:
_tile_overlayer_lowered:
.L_overlay_start_2:
0x14f: {  	(tag) =	ssettag $0x2  }
0x150: {  	s0 =	rddreg [dreg:$0x0];
	s2 =	stileid.u32  }
0x151: {  	s1 =	rddreg [dreg:$0x1];
	p0 =	sne.s32 s2, $0x0  }
0x152: {  	s3 =	rddreg [dreg:$0x2];
	[bflag:$0x3] =	sbarrier.arrive $0xFFFF;
	s2 =	simm.s32 @!p0 $0x1C0B  }
0x153: {  	[timem:s3], [sflag:s2] =	dma.local @!p0 [hbm:s0], s1  }
0x154: {  	s0 =	simm.s32 @!p0 $0xB  }
0x155: {  	_ =	swait.ge @!p0 [sflag:s0], s1  }
0x156: {  	s1 =	ssub.s32 @!p0 $0x0, s1;
	[sflag:s0] =	ssyncset.done @!p0 $0x0  }
0x157: {  	[sflag:s0] =	ssyncadd.s32 @!p0 s1  }
0x158: {  	[bflag:$0x3] =	sbarrier.arrive $0xFFFF  }
0x159: {  	_ =	shalt  }

// kernel: kernel.8.cloned.1.call-start
scs
__scs_entry_jumppad:
0x0: {  	(pc) =	sbr.rel $0x88, $3  }
0x1: {  	(tag) =	ssettag $0x0;
	lr =	simm.s32 $0x1  }
0x2: {  	[smem:$0x3F94] =	sst lr;
	_ =	strace $0xD0000000  }
0x3: {  	_ = 	snop  }
0x4: {  	_ = 	snop  }
0x5: {  	_ = 	snop  }
0x6: {  	_ = 	snop  }
0x7: {  	_ = 	snop  }
__scs_overlays_trampoline_lowered:
0x8: {  	[smem:$0x3FA3] =	sst s0  }
0x9: {  	[smem:$0x3FA4] =	sst s1  }
0xa: {  	[smem:$0x3FA5] =	sst s2  }
0xb: {  	[smem:$0x3FA6] =	sst s3  }
0xc: {  	[smem:$0x3FA7] =	sst s4  }
0xd: {  	[smem:$0x3FA8] =	sst s5  }
0xe: {  	[smem:$0x3FA9] =	sst s6  }
0xf: {  	[smem:$0x3FAA] =	sst s7  }
0x10: {  	[smem:$0x3FAB] =	sst s8  }
0x11: {  	[smem:$0x3FAC] =	sst s9;
	s0 =	simm.s32 @!p0 $0x0  }
0x12: {  	s1 =	sld [smem:$0x3F92];
	s0 =	simm.s32 @p0 $0x1  }
0x13: {  	[smem:$0x3FAD] =	sst s0;
	s0 =	simm.s32 @!p1 $0x0  }
0x14: {  	s2 =	sld [smem:$0x3F91];
	s0 =	simm.s32 @p1 $0x1  }
0x15: {  	[smem:$0x3FAE] =	sst s0;
	s0 =	simm.s32 @!p2 $0x0  }
0x16: {  	s3 =	sld [smem:$0x3FDB];
	s0 =	simm.s32 @p2 $0x1  }
0x17: {  	s4 =	simm.s32 $0x1BF5;
	[smem:$0x3FB0] =	sst s0  }
0x18: {  	s0 =	sld [smem:$0x3F93];
	_ =	swait.ge [sflag:s4], $0x0  }
0x19: {  	s7 =	sld [smem:$0x3F94]  }
0x1a: {  	s8 =	sadd.s32 $0xFFFFE003, lr  }
0x1b: {  	s9 =	sadd.s32 $0xFFFFFEF7, lr;
	s5 =	simm.s32 $0xFFFFFFFF;
	p2 =	slt.u32 s8, $0xFFFFF086  }
0x1c: {  	p1 =	slt.u32 s9, $0xF7A;
	s5 =	simm.s32 @!p2 $0x0  }
0x1d: {  	s5 =	simm.s32 @p1 $0x1;
	p0 =	seq.s32 s7, s2  }
0x1e: {  	s7 =	smul.u32 @!p0 $0xF7A, s2;
	p2 =	seq.s32 @!p0 s5, $0x0  }
0x1f: {  	s9 =	smul.u32 $0xF7A, s1;
	s8 =	simm.s32 @!p0 $0x1BF5;
	p2 =	por !p2, p0  }
0x20: {  	[sflag:s8] =	ssyncset.s32 @!p0 $0xFFFFF086;
	s6 =	sadd.s32 @!p0 s3, s7;
	s7 =	simm.s32 @!p0 $0x108  }
0x21: {  	s3 =	sadd.s32 s3, s9;
	s6 =	sadd.s32 @!p0 $0x88, s6;
	s7 =	simm.s32 @p2 $0x1082  }
0x22: {  	[simem:s7], [sflag:s8] =	dma.local @!p0 [hbm:s6], $0xF7A  }
0x23: {  	s9 =	sor.u32 $0xD0000000, s2;
	s6 =	simm.s32 $0x108;
	_ =	swait.ge @!p0 [sflag:s8], $0x0  }
0x24: {  	s3 =	sadd.s32 $0x88, s3;
	s6 =	simm.s32 @!p1 $0x1082;
	[sflag:s4] =	ssyncset.s32 $0xFFFFF086  }
0x25: {  	[simem:s6], [sflag:s4] =	dma.local [hbm:s3], $0xF7A  }
0x26: {  	[smem:$0x3F94] =	sst s1;
	(tag) =	ssettag s2;
	_ =	strace s9  }
0x27: {  	s1 =	sld [smem:$0x3FA4]  }
0x28: {  	s2 =	sld [smem:$0x3FA5]  }
0x29: {  	s4 =	sld [smem:$0x3FA7]  }
0x2a: {  	p0 =	seq.s32 s5, $0x0;
	s5 =	sld [smem:$0x3FA8]  }
0x2b: {  	s6 =	sld [smem:$0x3FA9]  }
0x2c: {  	s7 =	sld [smem:$0x3FAA]  }
0x2d: {  	s3 =	simm.s32 $0x108;
	s8 =	sld [smem:$0x3FAB]  }
0x2e: {  	s3 =	simm.s32 @!p0 $0x1082;
	s9 =	sld [smem:$0x3FAC]  }
0x2f: {  	lr =	sadd.s32 s0, s3;
	s0 =	sld [smem:$0x3FA3]  }
0x30: {  	s3 =	sld [smem:$0x3FA6]  }
0x31: {  	[smem:$0x3FAF] =	sst s10  }
0x32: {  	s10 =	sld [smem:$0x3FAD];
	_ =	sdelay $0x3  }
0x33: {  	p0 =	seq.s32 s10, $0x1;
	s10 =	sld [smem:$0x3FAF];
	_ =	sdelay $0x3  }
0x34: {  	[smem:$0x3FAF] =	sst s10  }
0x35: {  	s10 =	sld [smem:$0x3FAE];
	_ =	sdelay $0x3  }
0x36: {  	p1 =	seq.s32 s10, $0x1;
	s10 =	sld [smem:$0x3FAF];
	_ =	sdelay $0x3  }
0x37: {  	[smem:$0x3FAF] =	sst s10  }
0x38: {  	s10 =	sld [smem:$0x3FB0]  }
0x39: {  	_ = 	snop;
	(pc) =	sbr.ind lr, $3  }
0x3a: {  	_ = 	snop  }
0x3b: {  	_ = 	snop  }
0x3c: {  	p2 =	seq.s32 s10, $0x1;
	s10 =	sld [smem:$0x3FAF]  }
0x3d: {  	_ =	shalt  }
0x3e: {  	_ =	shalt  }
0x3f: {  	_ =	shalt  }
0x40: {  	_ =	shalt  }
0x41: {  	_ =	shalt  }
0x42: {  	_ =	shalt  }
0x43: {  	_ =	shalt  }
0x44: {  	_ =	shalt  }
0x45: {  	_ =	shalt  }
0x46: {  	_ =	shalt  }
0x47: {  	_ =	shalt  }
0x48: {  	_ =	shalt  }
0x49: {  	_ =	shalt  }
0x4a: {  	_ =	shalt  }
0x4b: {  	_ =	shalt  }
0x4c: {  	_ =	shalt  }
0x4d: {  	_ =	shalt  }
0x4e: {  	_ =	shalt  }
0x4f: {  	_ =	shalt  }
0x50: {  	_ =	shalt  }
0x51: {  	_ =	shalt  }
0x52: {  	_ =	shalt  }
0x53: {  	_ =	shalt  }
0x54: {  	_ =	shalt  }
0x55: {  	_ =	shalt  }
0x56: {  	_ =	shalt  }
0x57: {  	_ =	shalt  }
0x58: {  	_ =	shalt  }
0x59: {  	_ =	shalt  }
0x5a: {  	_ =	shalt  }
0x5b: {  	_ =	shalt  }
0x5c: {  	_ =	shalt  }
0x5d: {  	_ =	shalt  }
0x5e: {  	_ =	shalt  }
0x5f: {  	_ =	shalt  }
0x60: {  	_ =	shalt  }
0x61: {  	_ =	shalt  }
0x62: {  	_ =	shalt  }
0x63: {  	_ =	shalt  }
0x64: {  	_ =	shalt  }
0x65: {  	_ =	shalt  }
0x66: {  	_ =	shalt  }
0x67: {  	_ =	shalt  }
0x68: {  	_ =	shalt  }
0x69: {  	_ =	shalt  }
0x6a: {  	_ =	shalt  }
0x6b: {  	_ =	shalt  }
0x6c: {  	_ =	shalt  }
0x6d: {  	_ =	shalt  }
0x6e: {  	_ =	shalt  }
0x6f: {  	_ =	shalt  }
0x70: {  	_ =	shalt  }
0x71: {  	_ =	shalt  }
0x72: {  	_ =	shalt  }
0x73: {  	_ =	shalt  }
0x74: {  	_ =	shalt  }
0x75: {  	_ =	shalt  }
0x76: {  	_ =	shalt  }
0x77: {  	_ =	shalt  }
0x78: {  	_ =	shalt  }
0x79: {  	_ =	shalt  }
0x7a: {  	_ =	shalt  }
0x7b: {  	_ =	shalt  }
0x7c: {  	_ =	shalt  }
0x7d: {  	_ =	shalt  }
0x7e: {  	_ =	shalt  }
0x7f: {  	_ =	shalt  }
0x80: {  	_ =	shalt  }
0x81: {  	_ =	shalt  }
0x82: {  	_ =	shalt  }
0x83: {  	_ =	shalt  }
0x84: {  	_ =	shalt  }
0x85: {  	_ =	shalt  }
0x86: {  	_ =	shalt  }
0x87: {  	_ =	shalt  }
.Lfunc_end0:
.L_simem_size_0:
called_computation_lowered:
.L_overlay_start_0:
0x88: {  	s2 =	sld [smem:$0x3FD9]  }
0x89: {  	s3 =	sld [smem:$0x3FFE];
	_ =	sdelay $0x1  }
0x8a: {  	s1 =	srdreg.scid  }
0x8b: {  	s0 =	sand.u32 $0x1, s1  }
0x8c: {  	s16 =	sshll.u32 s0, $0xA;
	s2 =	sadd.s32 s3, s2  }
0x8d: {  	s2 =	sadd.s32 s2, s16  }
0x8e: {  	[smem:$0x3FBB] =	sst s2  }
0x8f: {  	_ = 	snop  }
0x90: {  	(tm) =	ssettm $0x1  }
0x91: {  	s17 =	sld [smem:$0x3FFB];
	_ =	sdelay $0x3  }
0x92: {  	_ =	strace s17  }
0x93: {  	s2 =	sld [smem:$0x3FFC];
	_ =	sdelay $0x3  }
0x94: {  	_ =	strace s2  }
0x95: {  	s2 =	sld [smem:$0x3FFD];
	_ =	sdelay $0x3  }
0x96: {  	_ =	strace s2  }
0x97: {  	_ =	strace $0x8FFFFFFF  }
0x98: {  	s18 =	sld [smem:$0x3FDB];
	_ =	sdelay $0x1  }
0x99: {  	s19 =	simm.s32 $_scs_section_size  }
0x9a: {  	s4 =	simm.s32 $_size__tile_overlayer_lowered;
	s5 =	simm.s32 $_tile_overlayer_lowered  }
0x9b: {  	s22 =	simm.s32 $0x1BFF;
	s21 =	sshll.u32 s5, $0x1;
	s2 =	sadd.s32 s19, s18  }
0x9c: {  	s6 =	simm.s32 $0x0;
	s20 =	sshll.u32 s4, $0x1;
	s4 =	sadd.s32 s21, s2  }
0x9d: {  	[timem:s6], [sflag:s22] =	dma.local [hbm:s4], s20  }
0x9e: {  	_ =	swait.ge [sflag:s22], s20  }
0x9f: {  	s3 =	ssub.s32 $0x0, s20;
	[sflag:s22] =	ssyncset.done $0x0  }
0xa0: {  	[sflag:s22] =	ssyncadd.s32 s3;
	_ =	sdelay $0x1  }
0xa1: {  	s23 =	simm.s32 $0x1B8B  }
0xa2: {  	_ =	swait.ge [sflag:s23], $0x1  }
0xa3: {  	[sflag:s23] =	ssyncset.done $0x0  }
0xa4: {  	s25 =	simm.s32 $0x1B8E;
	s24 =	sld [smem:$0x3FFE];
	[sflag:s23] =	ssyncadd.s32 $0xFFFFFFFF  }
0xa5: {  	s26 =	simm.s32 $execute0_lowered;
	[smem:$0x3FD2] =	sst s25  }
0xa6: {  	s4 =	sshll.u32 s26, $0x1;
	_ =	strace $0x80000046;
	[dreg:$0x1] =	wrdreg $0xFFFFFFFF  }
0xa7: {  	s28 =	simm.s32 $_size_execute0_lowered;
	s2 =	sadd.s32 s2, s4;
	[dreg:$0x0] =	wrdreg $0x0  }
0xa8: {  	s4 =	sshll.u32 s28, $0x1;
	[dreg:$0x2] =	wrdreg s2  }
0xa9: {  	[dreg:$0x3] =	wrdreg s4  }
0xaa: {  	[dreg:$0x4] =	wrdreg $0xC0  }
0xab: {  	_ =	task [dreg:s6], $0x5FFFF  }
0xac: {  	[dreg:$0x1] =	wrdreg $0xFFFFFFFF  }
0xad: {  	[dreg:$0x0] =	wrdreg $0x60  }
0xae: {  	[dreg:$0x2] =	wrdreg s24  }
0xaf: {  	[dreg:$0x3] =	wrdreg $0x24000  }
0xb0: {  	[dreg:$0x4] =	wrdreg $0x9  }
0xb1: {  	_ =	task.clear_ibuf [dreg:s6], $0x5FFFF;
	_ =	strace $0x90000046  }
0xb2: {  	s29 =	simm.s32 $0x9;
	_ =	strace $0x80000048  }
0xb3: {  	_ =	swait.ge [sflag:s29], $0x1  }
0xb4: {  	[sflag:s29] =	ssyncadd.s32 $0xFFFFFFFF  }
0xb5: {  	_ =	strace $0x90000048  }
0xb6: {  	_ =	sfence  }
0xb7: {  	s30 =	sld [smem:$0x0];
	_ =	sdelay $0x2  }
0xb8: {  	s31 =	sshll.u32 s1, $0xD;
	s1 =	sshrl.u32 s1, $0x2  }
0xb9: {  	s3 =	sand.u32 $0x4000, s31;
	s1 =	sadd.s32 s1, s30  }
0xba: {  	s0 =	sor.u32 s3, s0;
	s1 =	sshll.u32 s1, $0x11  }
0xbb: {  	s0 =	sor.u32 s1, s0  }
0xbc: {  	s0 =	sadd.s32 $0x8F2B, s0  }
0xbd: {  	[sflag:s0] =	ssyncadd.remote.s32 $0x1  }
0xbe: {  	_ =	sfence.sel $0xFFFF  }
0xbf: {  	[dreg:$0x0] =	wrdreg $0xFFFFFFFF;
	(pc) =	sbr.abs _section_cstart, $3  }
0xc0: {  	[dreg:$0x1] =	wrdreg $0xFFFFFFFF  }
0xc1: {  	_ =	task.clear_ibuf [dreg:s6], $0x2FFFF;
	_ =	strace $0x9FFFFFFF  }
0xc2: {  	(tm) =	ssettm $0x7FFFFFFF  }
0xc3: {  	_ =	shalt  }
tec
execute0_lowered:
.L_overlay_start_1:
0x0: {  	(tag) =	ssettag $0x1  }
0x1: {  	s0 =	rddreg [dreg:$0x0]  }
0x2: {  	s29 =	rddreg [dreg:$0x1];
	s3 =	simm.s32 $0x0  }
0x3: {  	s1 =	srdreg.scid;
	s12 =	stileid.u32;
	s16 =	simm.s32 $0xD  }
0x4: {  	s17 =	simm.s32 $0x200;
	s30 =	simm.s32 $0x1;
	s31 =	simm.s32 $0x3  }
0x5: {  	s14 =	simm.s32 $0x4;
	[smem:$0x7FF] =	sst s3;
	s4 =	sadd.s32 $0xA7C00, s0  }
0x6: {  	s1 =	sand.u32 $0x1, s1;
	s2 =	smul.u32 $0x500, s12;
	s5 =	sadd.s32 $0xA2C00, s0  }
0x7: {  	s6 =	sadd.s32 $0xACC00, s0;
	s7 =	sadd.s32 $0xB6E00, s0;
	s11 =	smul.u32 $0xA000, s12  }
0x8: {  	s9 =	sadd.s32 $0xC1000, s0;
	_ =	strace $0x80000047;
	s8 =	smul.u32 $0x5000, s1  }
0x9: {  	[dreg:$0x3] =	wrdreg s9;
	s18 =	ssub.s32 $0x2, s1;
	s1 =	sshll.u32 s1, $0x4  }
0xa: {  	s9 =	sadd.s32 $0xCB600, s0;
	s10 =	sshrl.u32 s18, $0x1;
	s1 =	sor.u32 s12, s1  }
0xb: {  	s20 =	sshrl.u32 s11, $0x2;
	s19 =	ssub.s32 s18, s10;
	s10 =	smul.u32 $0x2880, s1  }
0xc: {  	s12 =	sshll.u32 s12, $0x6;
	s2 =	sadd.s32 s2, s8;
	s11 =	smul.u32 $0x28800, s1  }
0xd: {  	s21 =	sadd.s32 s20, s29;
	s15 =	sor.u32 $0x1C0D, s12;
	s20 =	simm.s32 $0x1C00  }
0xe: {  	s18 =	simm.s32 $0x0;
	s0 =	sadd.s32 s2, s0;
	s28 =	smax.u32 s19, $0x1  }
0xf: {  	s2 =	simm.s32 $0x7;
	[dreg:$0x4] =	wrdreg s15;
	s22 =	sshrl.u32 s10, $0x3  }
0x10: {  	s13 =	sshrl.u32 s11, $0x3;
	s0 =	sadd.s32 $0xC1600, s0;
	[dreg:$0xb] =	wrdreg s28  }
0x11: {  	s23 =	sadd.s32 s6, s22;
	s24 =	sadd.s32 $0x10, s22;
	[dreg:$0xa] =	wrdreg s0  }
0x12: {  	s8 =	sadd.s32 s7, s22;
	s26 =	sadd.s32 s9, s13;
	[dreg:$0x5] =	wrdreg s23  }
0x13: {  	s0 =	simm.s32 $0x5;
	[dreg:$0x6] =	wrdreg s8;
	s25 =	sadd.s32 s6, s24  }
0x14: {  	s13 =	simm.s32 $0x2;
	s12 =	sadd.s32 s7, s24;
	[dreg:$0x7] =	wrdreg s25  }
0x15: {  	s8 =	sadd.s32 $0x5000, s26;
	s23 =	simm.s32 $0x80;
	[dreg:$0x8] =	wrdreg s12  }
0x16: {  	s26 =	simm.s32 $0x1400;
	[dreg:$0x9] =	wrdreg s8;
	s12 =	sshrl.u32 s21, $0x3  }
0x17: {  	s24 =	simm.s32 $0x9;
	s8 =	simm.s32 $0xB;
	[dreg:$0xc] =	wrdreg s12  }
.LBB2_1:
0x18: {  	[dreg:$0xd] =	wrdreg s18  }
0x19: {  	s1 =	rddreg [dreg:$0x3]  }
0x1a: {  	[spmem:s12], [sflag:s15] =	dma.local [hbm:s1], $0x500  }
0x1b: {  	_ =	swait.ge [sflag:s16], $0x500  }
0x1c: {  	[sflag:s16] =	ssyncset.done $0x0  }
0x1d: {  	[sflag:s16] =	ssyncadd.s32 $0xFFFFFB00  }
0x1e: {  	[bflag:$0x0] =	sbarrier.arrive $0xFFFF  }
0x1f: {  	s18 =	rddreg [dreg:$0x5]  }
0x20: {  	[tilespmem:s3], [sflag:$0xD] =	stream.linear.gather [hbm4b:s18+s3], $0x80, $0x38;
	[tilespmem:$0x4C00] =	vst v63  }
0x21: {  	_ =	swait.ge [sflag:s16], $0x80  }
0x22: {  	[sflag:s16] =	ssyncset.done $0x0  }
0x23: {  	s19 =	rddreg [dreg:$0x6];
	[sflag:s16] =	ssyncadd.s32 $0xFFFFFF80  }
0x24: {  	[tilespmem:s17], [sflag:$0xD] =	stream.linear.gather [hbm4b:s19+s3], $0x80, $0x38;
	[tilespmem:$0x4C00] =	vst v63  }
0x25: {  	_ =	swait.ge [sflag:s16], $0x80  }
0x26: {  	[sflag:s16] =	ssyncset.done $0x0  }
0x27: {  	s21 =	rddreg [dreg:$0x7];
	[sflag:s16] =	ssyncadd.s32 $0xFFFFFF80  }
0x28: {  	[tilespmem:s23], [sflag:$0xD] =	stream.linear.gather [hbm4b:s21+s3], $0x80, $0x38;
	[tilespmem:$0x4C00] =	vst v63  }
0x29: {  	_ =	swait.ge [sflag:s16], $0x80  }
0x2a: {  	[sflag:s16] =	ssyncset.done $0x0  }
0x2b: {  	s25 =	simm.s32 $0x280;
	s22 =	rddreg [dreg:$0x8];
	[sflag:s16] =	ssyncadd.s32 $0xFFFFFF80  }
0x2c: {  	[tilespmem:s25], [sflag:$0xD] =	stream.linear.gather [hbm4b:s22+s3], $0x80, $0x38;
	[tilespmem:$0x4C00] =	vst v63  }
0x2d: {  	_ =	swait.ge [sflag:s16], $0x80  }
0x2e: {  	[sflag:s16] =	ssyncset.done $0x0  }
0x2f: {  	s28 =	simm.s32 $0x400;
	[sflag:s16] =	ssyncadd.s32 $0xFFFFFF80  }
0x30: {  	[tilespmem:s28], [sflag:$0x1] =	stream.indirect.gather [hbm4b:s4+s23], $0x10, s3, s23, $0xb8;
	[tilespmem:$0x4C00] =	vst v63  }
0x31: {  	s18 =	simm.s32 $0x0  }
0x32: {  	[tilespmem:s26], [sflag:$0x3] =	stream.indirect.gather [hbm4b:s5+s23], $0x10, s17, s23, $0xb8;
	[tilespmem:$0x4C00] =	vst v63  }
.LBB2_2:
0x33: {  	p0 =	seq.s32 s18, $0x0  }
0x34: {  	s1 =	simm.s32 @!p0 $0x6  }
0x35: {  	_ =	swait.ge @!p0 [sflag:s1], $0x800  }
0x36: {  	s12 =	sshll.u32 s18, $0x8;
	[sflag:s1] =	ssyncset.done @!p0 $0x0  }
0x37: {  	s15 =	sadd.s32 $0x100, s12;
	[sflag:s1] =	ssyncadd.s32 @!p0 $0xFFFFF800;
	s1 =	simm.s32 @!p0 $0x8  }
0x38: {  	s16 =	sadd.s32 s10, s15;
	_ =	swait.ge @!p0 [sflag:s1], $0x800  }
0x39: {  	s17 =	sshrl.u32 s16, $0x3;
	[sflag:s1] =	ssyncset.done @!p0 $0x0  }
0x3a: {  	s15 =	sand.u32 $0x100, s15;
	s16 =	sadd.s32 s6, s17;
	[sflag:s1] =	ssyncadd.s32 @!p0 $0xFFFFF800  }
0x3b: {  	[tilespmem:s15], [sflag:$0x9] =	stream.linear.gather [hbm4b:s16+s3], $0x80, $0x38;
	[tilespmem:$0x4C00] =	vst v63  }
0x3c: {  	s19 =	sadd.s32 s7, s17;
	s1 =	simm.s32 @!p0 $0xA;
	s16 =	sor.u32 $0x200, s15  }
0x3d: {  	[tilespmem:s16], [sflag:$0xB] =	stream.linear.gather [hbm4b:s19+s3], $0x80, $0x38;
	[tilespmem:$0x4C00] =	vst v63  }
0x3e: {  	_ =	swait.ge @!p0 [sflag:s1], $0x80  }
0x3f: {  	[sflag:s1] =	ssyncset.done @!p0 $0x0  }
0x40: {  	s21 =	sshll.u32 s18, $0x1;
	[sflag:s1] =	ssyncadd.s32 @!p0 $0xFFFFFF80;
	s1 =	simm.s32 @!p0 $0xC  }
0x41: {  	s19 =	sor.u32 $0x1, s21;
	_ =	swait.ge @!p0 [sflag:s1], $0x80  }
0x42: {  	s17 =	sshll.u32 s19, $0x7;
	[sflag:s1] =	ssyncset.done @!p0 $0x0  }
0x43: {  	s25 =	simm.s32 $0xC00;
	s22 =	sand.u32 $0x180, s17;
	[sflag:s1] =	ssyncadd.s32 @!p0 $0xFFFFFF80  }
0x44: {  	[tilespmem:s25], [sflag:$0x2] =	stream.indirect.gather [hbm4b:s4+s23], $0x10, s22, s23, $0xb8;
	[tilespmem:$0x4C00] =	vst v63  }
0x45: {  	s22 =	sor.u32 $0x200, s22  }
0x46: {  	[tilespmem:s20], [sflag:$0x4] =	stream.indirect.gather [hbm4b:s5+s23], $0x10, s22, s23, $0xb8;
	[tilespmem:$0x4C00] =	vst v63  }
0x47: {  	_ =	swait.ge [sflag:s30], $0x800  }
0x48: {  	[sflag:s30] =	ssyncset.done $0x0  }
0x49: {  	[sflag:s30] =	ssyncadd.s32 $0xFFFFF800  }
0x4a: {  	_ =	swait.ge [sflag:s31], $0x800  }
0x4b: {  	[sflag:s31] =	ssyncset.done $0x0  }
0x4c: {  	s21 =	simm.s32 $0x420;
	[sflag:s31] =	ssyncadd.s32 $0xFFFFF800  }
0x4d: {  	s20 =	simm.s32 $0x1420;
	v0 =	vld [tilespmem:s21+$0x10]  }
0x4e: {  	v1 =	vld [tilespmem:s20+$0x10]  }
0x4f: {  	v2 =	vld [tilespmem:s20+$0xFFFFFFE0]  }
0x50: {  	v3 =	vld [tilespmem:s21+$0xFFFFFFF0]  }
0x51: {  	v4 =	vld [tilespmem:s20+$0xFFFFFFF0]  }
0x52: {  	v5 =	vld [tilespmem:s21+$0x0]  }
0x53: {  	s25 =	simm.s32 $0x460;
	v6 =	vld [tilespmem:s20+$0x0];
	v0 =	vadd.f32 v1, v0  }
0x54: {  	v7 =	vld [tilespmem:s25+$0x10]  }
0x55: {  	s17 =	simm.s32 $0x1460;
	v1 =	vld [tilespmem:s21+$0xFFFFFFE0];
	v8 =	vmul.f32 $2.000000030e-01, v0  }
0x56: {  	v9 =	vld [tilespmem:s17+$0x10]  }
0x57: {  	v3 =	vadd.f32 v4, v3;
	v4 =	vld [tilespmem:s25+$0xFFFFFFF0];
	v0 =	vmax.f32 v0, v8  }
0x58: {  	v5 =	vadd.f32 v6, v5;
	v6 =	vld [tilespmem:s17+$0xFFFFFFF0];
	v0 =	vmul.f32 $1.442695020e+00, v0  }
0x59: {  	v11 =	vld [tilespmem:s25+$0x0]  }
0x5a: {  	v12 =	vld [tilespmem:s17+$0x0];
	v8 =	vmul.f32 $2.000000030e-01, v3;
	v1 =	vadd.f32 v2, v1;
	(erf) = vpow2.f32 v0  }
0x5b: {  	v10 =	vld [tilespmem:s17+$0xFFFFFFE0];
	v0 =	vmul.f32 $2.000000030e-01, v5  }
0x5c: {  	s21 =	simm.s32 $0x4A0;
	v2 =	vmax.f32 v3, v8;
	v3 =	vadd.f32 v9, v7;
	v8 =	vld [tilespmem:s25+$0xFFFFFFE0];
	v7 =	vmul.f32 $2.000000030e-01, v1  }
0x5d: {  	s28 =	simm.s32 $0x14A0;
	v13 =	vld [tilespmem:s21+$0x10];
	v4 =	vadd.f32 v6, v4;
	v2 =	vmul.f32 $1.442695020e+00, v2;
	v0 =	vmax.f32 v5, v0  }
0x5e: {  	v5 =	vmul.f32 $2.000000030e-01, v3;
	v1 =	vmax.f32 v1, v7;
	v7 =	vld [tilespmem:s28+$0x10];
	v0 =	vmul.f32 $1.442695020e+00, v0  }
0x5f: {  	v11 =	vadd.f32 v12, v11;
	v6 =	vmul.f32 $2.000000030e-01, v4;
	(erf) = vpow2.f32 v2;
	v2 =	vld [tilespmem:s28+$0xFFFFFFE0]  }
0x60: {  	v1 =	vmul.f32 $1.442695020e+00, v1;
	v3 =	vmax.f32 v3, v5;
	(erf) = vpow2.f32 v0;
	v0 =	vld [tilespmem:s21+$0xFFFFFFF0]  }
0x61: {  	v5 =	vadd.f32 v10, v8;
	v9 =	vmul.f32 $1.442695020e+00, v3;
	v3 =	vld [tilespmem:s28+$0xFFFFFFF0]  }
0x62: {  	v10 =	vmul.f32 $2.000000030e-01, v11;
	v8 =	vmax.f32 v4, v6;
	v4 =	vld [tilespmem:s28+$0x0];
	(erf) = vpow2.f32 v1  }
0x63: {  	v8 =	vmul.f32 $1.442695020e+00, v8;
	v1 =	vld [tilespmem:s21+$0x0];
	(erf) = vpow2.f32 v9;
	v6 =	vadd.f32 v7, v13;
	v63 =	vpop (erf)  }
0x64: {  	s1 =	simm.s32 $0x4E0;
	s25 =	simm.s32 $0x8;
	v10 =	vmax.f32 v11, v10;
	v9 =	vmul.f32 $2.000000030e-01, v5;
	v7 =	vld [tilespmem:s21+$0xFFFFFFE0];
	s21 =	simm.s32 $0x14A0;
	[tilespmem:s20+$0x10] =	vst v63  }
.LBB2_3:
0x65: {  	v12 =	vmul.f32 $2.000000030e-01, v6  }
0x66: {  	v11 =	vld [tilespmem:s1+$0x10];
	s28 =	sadd.s32 $0x40, s28;
	v16 =	vmax.f32 v5, v9;
	v9 =	vmul.f32 $1.442695020e+00, v10;
	v13 =	vadd.f32 v3, v0  }
0x67: {  	s25 =	sadd.s32 $0x4, s25;
	v10 =	vld [tilespmem:s28+$0x10];
	v14 =	vmul.f32 $1.442695020e+00, v16;
	(erf) = vpow2.f32 v8  }
0x68: {  	p0 =	slt.u32 s25, $0x7C;
	v15 =	vld [tilespmem:s28+$0xFFFFFFE0];
	v3 =	vmax.f32 v6, v12;
	(erf) = vpow2.f32 v9;
	v5 =	vpop (erf);
	v6 =	vmul.f32 $2.000000030e-01, v13  }
.Ltmp0:
0x69: {  	v0 =	vld [tilespmem:s1+$0xFFFFFFF0];
	v12 =	vadd.f32 v4, v1;
	v4 =	vmul.f32 $1.442695020e+00, v3;
	[tilespmem:s20+$0xFFFFFFF0] =	vst v5;
	v1 =	vpop (erf);
	(pc) =	sbr.rel @p0 .LBB2_3-.Ltmp0, $4  }
0x6a: {  	v3 =	vld [tilespmem:s28+$0xFFFFFFF0];
	v5 =	vadd.f32 v2, v7;
	(erf) = vpow2.f32 v14;
	[tilespmem:s20+$0x0] =	vst v1  }
0x6b: {  	v1 =	vld [tilespmem:s1+$0x0];
	v14 =	vmax.f32 v13, v6;
	v13 =	vmul.f32 $2.000000030e-01, v12;
	(erf) = vpow2.f32 v4;
	v7 =	vpop (erf)  }
0x6c: {  	v4 =	vld [tilespmem:s28+$0x0];
	v6 =	vadd.f32 v10, v11;
	v9 =	vmul.f32 $2.000000030e-01, v5;
	v8 =	vmul.f32 $1.442695020e+00, v14;
	v2 =	vpop (erf);
	[tilespmem:s20+$0xFFFFFFE0] =	vst v7;
	s20 =	smov.u32 s17;
	s17 =	smov.u32 s21;
	s21 =	smov.u32 s28  }
0x6d: {  	v7 =	vld [tilespmem:s1+$0xFFFFFFE0];
	s1 =	sadd.s32 $0x40, s1;
	v10 =	vmax.f32 v12, v13;
	[tilespmem:s20+$0x10] =	vst v2;
	v2 =	vmov v15  }
0x6e: {  	_ = 	snop  }
0x6f: {  	v11 =	vmul.f32 $2.000000030e-01, v6;
	v0 =	vadd.f32 v3, v0  }
0x70: {  	v5 =	vmax.f32 v5, v9;
	(erf) = vpow2.f32 v8;
	v3 =	vmul.f32 $1.442695020e+00, v10  }
0x71: {  	v5 =	vmul.f32 $1.442695020e+00, v5;
	v1 =	vadd.f32 v4, v1;
	v4 =	vmul.f32 $2.000000030e-01, v0  }
0x72: {  	v6 =	vmax.f32 v6, v11;
	(erf) = vpow2.f32 v3;
	v2 =	vadd.f32 v2, v7  }
0x73: {  	v6 =	vmul.f32 $1.442695020e+00, v6;
	v3 =	vmul.f32 $2.000000030e-01, v1;
	v0 =	vmax.f32 v0, v4  }
0x74: {  	v4 =	vmul.f32 $2.000000030e-01, v2;
	v0 =	vmul.f32 $1.442695020e+00, v0  }
0x75: {  	(erf) = vpow2.f32 v5;
	v1 =	vmax.f32 v1, v3  }
0x76: {  	(erf) = vpow2.f32 v6;
	v2 =	vmax.f32 v2, v4;
	v1 =	vmul.f32 $1.442695020e+00, v1  }
0x77: {  	(erf) = vpow2.f32 v0;
	v2 =	vmul.f32 $1.442695020e+00, v2  }
0x78: {  	v0 =	vpop (erf);
	(erf) = vpow2.f32 v1  }
0x79: {  	[tilespmem:s20+$0xFFFFFFF0] =	vst v0;
	v0 =	vpop (erf);
	(erf) = vpow2.f32 v2  }
0x7a: {  	v1 =	vpop (erf);
	[tilespmem:s20+$0x0] =	vst v0  }
0x7b: {  	v0 =	vpop (erf);
	[tilespmem:s20+$0xFFFFFFE0] =	vst v1  }
0x7c: {  	v1 =	vpop (erf);
	[tilespmem:s17+$0x10] =	vst v0  }
0x7d: {  	[tilespmem:s17+$0xFFFFFFF0] =	vst v1;
	v0 =	vpop (erf)  }
0x7e: {  	[tilespmem:s17+$0x0] =	vst v0;
	v0 =	vpop (erf)  }
0x7f: {  	v1 =	vpop (erf);
	[tilespmem:s17+$0xFFFFFFE0] =	vst v0  }
0x80: {  	[tilespmem:s21+$0x10] =	vst v1;
	v0 =	vpop (erf)  }
0x81: {  	[tilespmem:s21+$0xFFFFFFF0] =	vst v0;
	v0 =	vpop (erf)  }
0x82: {  	s1 =	sand.u32 $0x100, s12;
	[tilespmem:s21+$0x0] =	vst v0;
	v0 =	vpop (erf)  }
0x83: {  	s1 =	sor.u32 $0x200, s1;
	s17 =	sshll.u32 s18, $0xC;
	[tilespmem:s21+$0xFFFFFFE0] =	vst v0  }
0x84: {  	[spmem:s29] =	stream.indirect.scatter.add.f32 [tilespmem:s26], [sflag:$0x5], $0x10, s1, s23, $0xb8;
	[tilespmem:$0x4C00] =	vst v63  }
0x85: {  	s1 =	sadd.s32 s11, s17  }
0x86: {  	s1 =	sshrl.u32 s1, $0x3  }
0x87: {  	s1 =	sadd.s32 s9, s1  }
0x88: {  	[hbm4b:s1+s3] =	stream.linear.scatter [tilespmem:s26], [sflag:$0x7], $0x800, $0x38;
	[tilespmem:$0x4C00] =	vst v63  }
0x89: {  	_ =	swait.ge [sflag:s0], $0x800  }
0x8a: {  	p0 =	seq.s32 s18, $0x27;
	[sflag:s0] =	ssyncset.done $0x0  }
0x8b: {  	s1 =	sadd.s32 @!p0 $0x180, s12;
	[sflag:s0] =	ssyncadd.s32 $0xFFFFF800  }
0x8c: {  	s12 =	sadd.s32 @!p0 s10, s1;
	_ =	swait.ge [sflag:s2], $0x800  }
0x8d: {  	s20 =	simm.s32 @!p0 $0x0;
	s12 =	sshrl.u32 @!p0 s12, $0x3;
	[sflag:s2] =	ssyncset.done $0x0  }
0x8e: {  	s1 =	sand.u32 @!p0 $0x180, s1;
	s17 =	sadd.s32 @!p0 s6, s12;
	[sflag:s2] =	ssyncadd.s32 $0xFFFFF800  }
0x8f: {  	[tilespmem:s1], [sflag:$0xA] =	stream.linear.gather @!p0 [hbm4b:s17+s20], $0x80, $0x38;
	[tilespmem:$0x4C00] =	vst v63  }
0x90: {  	s12 =	sadd.s32 @!p0 s7, s12;
	s1 =	sor.u32 @!p0 $0x200, s1  }
0x91: {  	[tilespmem:s1], [sflag:$0xC] =	stream.linear.gather @!p0 [hbm4b:s12+s20], $0x80, $0x38;
	[tilespmem:$0x4C00] =	vst v63  }
0x92: {  	_ =	swait.ge [sflag:s24], $0x80  }
0x93: {  	[sflag:s24] =	ssyncset.done $0x0  }
0x94: {  	[sflag:s24] =	ssyncadd.s32 $0xFFFFFF80  }
0x95: {  	_ =	swait.ge [sflag:s8], $0x80  }
0x96: {  	[sflag:s8] =	ssyncset.done $0x0  }
0x97: {  	s20 =	simm.s32 $0x400;
	[sflag:s8] =	ssyncadd.s32 $0xFFFFFF80  }
0x98: {  	[tilespmem:s20], [sflag:$0x1] =	stream.indirect.gather [hbm4b:s4+s23], $0x10, s15, s23, $0xb8;
	[tilespmem:$0x4C00] =	vst v63  }
0x99: {  	_ = 	snop  }
0x9a: {  	[tilespmem:s26], [sflag:$0x3] =	stream.indirect.gather [hbm4b:s5+s23], $0x10, s16, s23, $0xb8;
	[tilespmem:$0x4C00] =	vst v63  }
0x9b: {  	_ =	swait.ge [sflag:s13], $0x800  }
0x9c: {  	[sflag:s13] =	ssyncset.done $0x0  }
0x9d: {  	[sflag:s13] =	ssyncadd.s32 $0xFFFFF800  }
0x9e: {  	_ =	swait.ge [sflag:s14], $0x800  }
0x9f: {  	[sflag:s14] =	ssyncset.done $0x0  }
0xa0: {  	s21 =	simm.s32 $0xC20;
	[sflag:s14] =	ssyncadd.s32 $0xFFFFF800  }
0xa1: {  	s12 =	simm.s32 $0x1C20;
	v0 =	vld [tilespmem:s21+$0x10]  }
0xa2: {  	v1 =	vld [tilespmem:s12+$0x10]  }
0xa3: {  	v2 =	vld [tilespmem:s12+$0xFFFFFFE0]  }
0xa4: {  	v3 =	vld [tilespmem:s21+$0xFFFFFFF0]  }
0xa5: {  	v4 =	vld [tilespmem:s12+$0xFFFFFFF0]  }
0xa6: {  	v5 =	vld [tilespmem:s21+$0x0]  }
0xa7: {  	s25 =	simm.s32 $0xC60;
	v6 =	vld [tilespmem:s12+$0x0];
	v0 =	vadd.f32 v1, v0  }
0xa8: {  	v7 =	vld [tilespmem:s25+$0x10]  }
0xa9: {  	s15 =	simm.s32 $0x1C60;
	v1 =	vld [tilespmem:s21+$0xFFFFFFE0];
	v8 =	vmul.f32 $2.000000030e-01, v0  }
0xaa: {  	v9 =	vld [tilespmem:s15+$0x10]  }
0xab: {  	v3 =	vadd.f32 v4, v3;
	v4 =	vld [tilespmem:s25+$0xFFFFFFF0];
	v0 =	vmax.f32 v0, v8  }
0xac: {  	v5 =	vadd.f32 v6, v5;
	v6 =	vld [tilespmem:s15+$0xFFFFFFF0];
	v0 =	vmul.f32 $1.442695020e+00, v0  }
0xad: {  	v11 =	vld [tilespmem:s25+$0x0]  }
0xae: {  	v12 =	vld [tilespmem:s15+$0x0];
	v8 =	vmul.f32 $2.000000030e-01, v3;
	v1 =	vadd.f32 v2, v1;
	(erf) = vpow2.f32 v0  }
0xaf: {  	v10 =	vld [tilespmem:s15+$0xFFFFFFE0];
	v0 =	vmul.f32 $2.000000030e-01, v5  }
0xb0: {  	s28 =	simm.s32 $0xCA0;
	v2 =	vmax.f32 v3, v8;
	v3 =	vadd.f32 v9, v7;
	v8 =	vld [tilespmem:s25+$0xFFFFFFE0];
	v7 =	vmul.f32 $2.000000030e-01, v1  }
0xb1: {  	s17 =	simm.s32 $0x1CA0;
	v13 =	vld [tilespmem:s28+$0x10];
	v4 =	vadd.f32 v6, v4;
	v2 =	vmul.f32 $1.442695020e+00, v2;
	v0 =	vmax.f32 v5, v0  }
0xb2: {  	v5 =	vmul.f32 $2.000000030e-01, v3;
	v1 =	vmax.f32 v1, v7;
	v7 =	vld [tilespmem:s17+$0x10];
	v0 =	vmul.f32 $1.442695020e+00, v0  }
0xb3: {  	v11 =	vadd.f32 v12, v11;
	v6 =	vmul.f32 $2.000000030e-01, v4;
	(erf) = vpow2.f32 v2;
	v2 =	vld [tilespmem:s17+$0xFFFFFFE0]  }
0xb4: {  	v1 =	vmul.f32 $1.442695020e+00, v1;
	v3 =	vmax.f32 v3, v5;
	(erf) = vpow2.f32 v0;
	v0 =	vld [tilespmem:s28+$0xFFFFFFF0]  }
0xb5: {  	v5 =	vadd.f32 v10, v8;
	v9 =	vmul.f32 $1.442695020e+00, v3;
	v3 =	vld [tilespmem:s17+$0xFFFFFFF0]  }
0xb6: {  	v10 =	vmul.f32 $2.000000030e-01, v11;
	v8 =	vmax.f32 v4, v6;
	v4 =	vld [tilespmem:s17+$0x0];
	(erf) = vpow2.f32 v1  }
0xb7: {  	s1 =	simm.s32 $0xCE0;
	s16 =	simm.s32 $0x1CA0;
	v1 =	vld [tilespmem:s28+$0x0];
	(erf) = vpow2.f32 v9;
	v6 =	vadd.f32 v7, v13;
	v63 =	vpop (erf)  }
0xb8: {  	s20 =	simm.s32 $0x8;
	v8 =	vmul.f32 $1.442695020e+00, v8;
	v10 =	vmax.f32 v11, v10;
	v9 =	vmul.f32 $2.000000030e-01, v5;
	v7 =	vld [tilespmem:s28+$0xFFFFFFE0];
	[tilespmem:s12+$0x10] =	vst v63  }
.LBB2_5:
0xb9: {  	v12 =	vmul.f32 $2.000000030e-01, v6  }
0xba: {  	v11 =	vld [tilespmem:s1+$0x10];
	s17 =	sadd.s32 $0x40, s17;
	v16 =	vmax.f32 v5, v9;
	v9 =	vmul.f32 $1.442695020e+00, v10;
	v13 =	vadd.f32 v3, v0  }
0xbb: {  	s20 =	sadd.s32 $0x4, s20;
	v10 =	vld [tilespmem:s17+$0x10];
	v14 =	vmul.f32 $1.442695020e+00, v16;
	(erf) = vpow2.f32 v8  }
0xbc: {  	p0 =	slt.u32 s20, $0x7C;
	v15 =	vld [tilespmem:s17+$0xFFFFFFE0];
	v3 =	vmax.f32 v6, v12;
	(erf) = vpow2.f32 v9;
	v5 =	vpop (erf);
	v6 =	vmul.f32 $2.000000030e-01, v13  }
.Ltmp1:
0xbd: {  	v0 =	vld [tilespmem:s1+$0xFFFFFFF0];
	v12 =	vadd.f32 v4, v1;
	v4 =	vmul.f32 $1.442695020e+00, v3;
	[tilespmem:s12+$0xFFFFFFF0] =	vst v5;
	v1 =	vpop (erf);
	(pc) =	sbr.rel @p0 .LBB2_5-.Ltmp1, $4  }
0xbe: {  	v3 =	vld [tilespmem:s17+$0xFFFFFFF0];
	v5 =	vadd.f32 v2, v7;
	(erf) = vpow2.f32 v14;
	[tilespmem:s12+$0x0] =	vst v1  }
0xbf: {  	v1 =	vld [tilespmem:s1+$0x0];
	v14 =	vmax.f32 v13, v6;
	v13 =	vmul.f32 $2.000000030e-01, v12;
	(erf) = vpow2.f32 v4;
	v7 =	vpop (erf)  }
0xc0: {  	v4 =	vld [tilespmem:s17+$0x0];
	v6 =	vadd.f32 v10, v11;
	v9 =	vmul.f32 $2.000000030e-01, v5;
	v8 =	vmul.f32 $1.442695020e+00, v14;
	v2 =	vpop (erf);
	[tilespmem:s12+$0xFFFFFFE0] =	vst v7;
	s12 =	smov.u32 s15;
	s15 =	smov.u32 s16;
	s16 =	smov.u32 s17  }
0xc1: {  	v7 =	vld [tilespmem:s1+$0xFFFFFFE0];
	s1 =	sadd.s32 $0x40, s1;
	v10 =	vmax.f32 v12, v13;
	[tilespmem:s12+$0x10] =	vst v2;
	v2 =	vmov v15  }
0xc2: {  	_ =	sdelay $0x1  }
0xc3: {  	v11 =	vmul.f32 $2.000000030e-01, v6;
	v5 =	vmax.f32 v5, v9;
	v0 =	vadd.f32 v3, v0  }
0xc4: {  	v49 =	vmul.f32 $1.442695020e+00, v10;
	(erf) = vpow2.f32 v8;
	v1 =	vadd.f32 v4, v1  }
0xc5: {  	v5 =	vmul.f32 $1.442695020e+00, v5;
	v50 =	vmul.f32 $2.000000030e-01, v0;
	v2 =	vadd.f32 v2, v7  }
0xc6: {  	v6 =	vmax.f32 v6, v11;
	(erf) = vpow2.f32 v49;
	v51 =	vmul.f32 $2.000000030e-01, v1  }
0xc7: {  	v6 =	vmul.f32 $1.442695020e+00, v6;
	v0 =	vmax.f32 v0, v50;
	v52 =	vmul.f32 $2.000000030e-01, v2  }
0xc8: {  	(erf) = vpow2.f32 v5;
	v0 =	vmul.f32 $1.442695020e+00, v0;
	v1 =	vmax.f32 v1, v51  }
0xc9: {  	(erf) = vpow2.f32 v6;
	v2 =	vmax.f32 v2, v52;
	v1 =	vmul.f32 $1.442695020e+00, v1  }
0xca: {  	(erf) = vpow2.f32 v0;
	v2 =	vmul.f32 $1.442695020e+00, v2  }
0xcb: {  	v53 =	vpop (erf);
	(erf) = vpow2.f32 v1  }
0xcc: {  	[tilespmem:s12+$0xFFFFFFF0] =	vst v53;
	v54 =	vpop (erf);
	(erf) = vpow2.f32 v2  }
0xcd: {  	[tilespmem:s12+$0x0] =	vst v54;
	v55 =	vpop (erf)  }
0xce: {  	v56 =	vpop (erf);
	[tilespmem:s12+$0xFFFFFFE0] =	vst v55  }
0xcf: {  	[tilespmem:s15+$0x10] =	vst v56;
	v57 =	vpop (erf)  }
0xd0: {  	[tilespmem:s15+$0xFFFFFFF0] =	vst v57;
	v58 =	vpop (erf)  }
0xd1: {  	[tilespmem:s15+$0x0] =	vst v58;
	v59 =	vpop (erf)  }
0xd2: {  	[tilespmem:s15+$0xFFFFFFE0] =	vst v59;
	v60 =	vpop (erf)  }
0xd3: {  	s18 =	sadd.s32 $0x1, s18;
	[tilespmem:s16+$0x10] =	vst v60;
	v61 =	vpop (erf)  }
0xd4: {  	s1 =	sshll.u32 s19, $0xB;
	p0 =	sne.s32 s18, $0x28;
	[tilespmem:s16+$0xFFFFFFF0] =	vst v61;
	v62 =	vpop (erf)  }
.Ltmp2:
0xd5: {  	s1 =	sadd.s32 s11, s1;
	[tilespmem:s16+$0x0] =	vst v62;
	v63 =	vpop (erf);
	(pc) =	sbr.rel @p0 .LBB2_2-.Ltmp2, $4  }
0xd6: {  	s20 =	simm.s32 $0x1C00;
	s1 =	sshrl.u32 s1, $0x3;
	[tilespmem:s16+$0xFFFFFFE0] =	vst v63  }
0xd7: {  	[spmem:s29] =	stream.indirect.scatter.add.f32 [tilespmem:s20], [sflag:$0x6], $0x10, s22, s23, $0xb8;
	[tilespmem:$0x4C00] =	vst v63  }
0xd8: {  	s1 =	sadd.s32 s9, s1  }
0xd9: {  	[hbm4b:s1+s3] =	stream.linear.scatter [tilespmem:s20], [sflag:$0x8], $0x800, $0x38;
	[tilespmem:$0x4C00] =	vst v63  }
0xda: {  	s1 =	simm.s32 $0x6  }
0xdb: {  	_ =	swait.ge [sflag:s1], $0x800  }
0xdc: {  	[sflag:s1] =	ssyncset.done $0x0  }
0xdd: {  	s21 =	simm.s32 $0x8;
	[sflag:s1] =	ssyncadd.s32 $0xFFFFF800  }
0xde: {  	_ =	swait.ge [sflag:s21], $0x800  }
0xdf: {  	[sflag:s21] =	ssyncset.done $0x0  }
0xe0: {  	[sflag:s21] =	ssyncadd.s32 $0xFFFFF800  }
0xe1: {  	_ =	swait.ge [sflag:s30], $0x800  }
0xe2: {  	[sflag:s30] =	ssyncset.done $0x0  }
0xe3: {  	[sflag:s30] =	ssyncadd.s32 $0xFFFFF800  }
0xe4: {  	_ =	swait.ge [sflag:s31], $0x800  }
0xe5: {  	[sflag:s31] =	ssyncset.done $0x0  }
0xe6: {  	s22 =	simm.s32 $0x420;
	[sflag:s31] =	ssyncadd.s32 $0xFFFFF800  }
0xe7: {  	s12 =	simm.s32 $0x1420;
	v0 =	vld [tilespmem:s22+$0x10]  }
0xe8: {  	v1 =	vld [tilespmem:s12+$0x10]  }
0xe9: {  	v2 =	vld [tilespmem:s12+$0xFFFFFFE0]  }
0xea: {  	v3 =	vld [tilespmem:s22+$0xFFFFFFF0]  }
0xeb: {  	v4 =	vld [tilespmem:s12+$0xFFFFFFF0]  }
0xec: {  	v5 =	vld [tilespmem:s22+$0x0]  }
0xed: {  	s25 =	simm.s32 $0x460;
	v6 =	vld [tilespmem:s12+$0x0];
	v0 =	vadd.f32 v1, v0  }
0xee: {  	v7 =	vld [tilespmem:s25+$0x10]  }
0xef: {  	s15 =	simm.s32 $0x1460;
	v1 =	vld [tilespmem:s22+$0xFFFFFFE0];
	v8 =	vmul.f32 $2.000000030e-01, v0  }
0xf0: {  	v9 =	vld [tilespmem:s15+$0x10]  }
0xf1: {  	v3 =	vadd.f32 v4, v3;
	v4 =	vld [tilespmem:s25+$0xFFFFFFF0];
	v0 =	vmax.f32 v0, v8  }
0xf2: {  	v5 =	vadd.f32 v6, v5;
	v6 =	vld [tilespmem:s15+$0xFFFFFFF0];
	v0 =	vmul.f32 $1.442695020e+00, v0  }
0xf3: {  	v11 =	vld [tilespmem:s25+$0x0]  }
0xf4: {  	v12 =	vld [tilespmem:s15+$0x0];
	v8 =	vmul.f32 $2.000000030e-01, v3;
	v1 =	vadd.f32 v2, v1;
	(erf) = vpow2.f32 v0  }
0xf5: {  	v10 =	vld [tilespmem:s15+$0xFFFFFFE0];
	v0 =	vmul.f32 $2.000000030e-01, v5  }
0xf6: {  	s28 =	simm.s32 $0x4A0;
	v2 =	vmax.f32 v3, v8;
	v3 =	vadd.f32 v9, v7;
	v8 =	vld [tilespmem:s25+$0xFFFFFFE0];
	v7 =	vmul.f32 $2.000000030e-01, v1  }
0xf7: {  	s17 =	simm.s32 $0x14A0;
	v13 =	vld [tilespmem:s28+$0x10];
	v4 =	vadd.f32 v6, v4;
	v2 =	vmul.f32 $1.442695020e+00, v2;
	v0 =	vmax.f32 v5, v0  }
0xf8: {  	v5 =	vmul.f32 $2.000000030e-01, v3;
	v1 =	vmax.f32 v1, v7;
	v7 =	vld [tilespmem:s17+$0x10];
	v0 =	vmul.f32 $1.442695020e+00, v0  }
0xf9: {  	v11 =	vadd.f32 v12, v11;
	v6 =	vmul.f32 $2.000000030e-01, v4;
	(erf) = vpow2.f32 v2;
	v2 =	vld [tilespmem:s17+$0xFFFFFFE0]  }
0xfa: {  	v1 =	vmul.f32 $1.442695020e+00, v1;
	v3 =	vmax.f32 v3, v5;
	(erf) = vpow2.f32 v0;
	v0 =	vld [tilespmem:s28+$0xFFFFFFF0]  }
0xfb: {  	v5 =	vadd.f32 v10, v8;
	v9 =	vmul.f32 $1.442695020e+00, v3;
	v3 =	vld [tilespmem:s17+$0xFFFFFFF0]  }
0xfc: {  	v10 =	vmul.f32 $2.000000030e-01, v11;
	v8 =	vmax.f32 v4, v6;
	v4 =	vld [tilespmem:s17+$0x0];
	(erf) = vpow2.f32 v1  }
0xfd: {  	s16 =	simm.s32 $0x14A0;
	s1 =	simm.s32 $0x4E0;
	v1 =	vld [tilespmem:s28+$0x0];
	(erf) = vpow2.f32 v9;
	v6 =	vadd.f32 v7, v13;
	v63 =	vpop (erf)  }
0xfe: {  	s18 =	simm.s32 $0x8;
	v8 =	vmul.f32 $1.442695020e+00, v8;
	v10 =	vmax.f32 v11, v10;
	v9 =	vmul.f32 $2.000000030e-01, v5;
	v7 =	vld [tilespmem:s28+$0xFFFFFFE0];
	[tilespmem:s12+$0x10] =	vst v63  }
.LBB2_8:
0xff: {  	v12 =	vmul.f32 $2.000000030e-01, v6  }
0x100: {  	v11 =	vld [tilespmem:s1+$0x10];
	s17 =	sadd.s32 $0x40, s17;
	v16 =	vmax.f32 v5, v9;
	v9 =	vmul.f32 $1.442695020e+00, v10;
	v13 =	vadd.f32 v3, v0  }
0x101: {  	s18 =	sadd.s32 $0x4, s18;
	v10 =	vld [tilespmem:s17+$0x10];
	v14 =	vmul.f32 $1.442695020e+00, v16;
	(erf) = vpow2.f32 v8  }
0x102: {  	p0 =	slt.u32 s18, $0x7C;
	v15 =	vld [tilespmem:s17+$0xFFFFFFE0];
	v3 =	vmax.f32 v6, v12;
	(erf) = vpow2.f32 v9;
	v5 =	vpop (erf);
	v6 =	vmul.f32 $2.000000030e-01, v13  }
.Ltmp3:
0x103: {  	v0 =	vld [tilespmem:s1+$0xFFFFFFF0];
	v12 =	vadd.f32 v4, v1;
	v4 =	vmul.f32 $1.442695020e+00, v3;
	[tilespmem:s12+$0xFFFFFFF0] =	vst v5;
	v1 =	vpop (erf);
	(pc) =	sbr.rel @p0 .LBB2_8-.Ltmp3, $4  }
0x104: {  	v3 =	vld [tilespmem:s17+$0xFFFFFFF0];
	v5 =	vadd.f32 v2, v7;
	(erf) = vpow2.f32 v14;
	[tilespmem:s12+$0x0] =	vst v1  }
0x105: {  	v1 =	vld [tilespmem:s1+$0x0];
	v14 =	vmax.f32 v13, v6;
	v13 =	vmul.f32 $2.000000030e-01, v12;
	(erf) = vpow2.f32 v4;
	v7 =	vpop (erf)  }
0x106: {  	v4 =	vld [tilespmem:s17+$0x0];
	v6 =	vadd.f32 v10, v11;
	v9 =	vmul.f32 $2.000000030e-01, v5;
	v8 =	vmul.f32 $1.442695020e+00, v14;
	v2 =	vpop (erf);
	[tilespmem:s12+$0xFFFFFFE0] =	vst v7;
	s12 =	smov.u32 s15;
	s15 =	smov.u32 s16;
	s16 =	smov.u32 s17  }
0x107: {  	v7 =	vld [tilespmem:s1+$0xFFFFFFE0];
	s1 =	sadd.s32 $0x40, s1;
	v10 =	vmax.f32 v12, v13;
	[tilespmem:s12+$0x10] =	vst v2;
	v2 =	vmov v15  }
0x108: {  	_ =	sdelay $0x1  }
0x109: {  	v11 =	vmul.f32 $2.000000030e-01, v6;
	v5 =	vmax.f32 v5, v9;
	v0 =	vadd.f32 v3, v0  }
0x10a: {  	v49 =	vmul.f32 $1.442695020e+00, v10;
	(erf) = vpow2.f32 v8;
	v1 =	vadd.f32 v4, v1  }
0x10b: {  	v5 =	vmul.f32 $1.442695020e+00, v5;
	v50 =	vmul.f32 $2.000000030e-01, v0;
	v2 =	vadd.f32 v2, v7  }
0x10c: {  	v6 =	vmax.f32 v6, v11;
	(erf) = vpow2.f32 v49;
	v51 =	vmul.f32 $2.000000030e-01, v1  }
0x10d: {  	v6 =	vmul.f32 $1.442695020e+00, v6;
	v0 =	vmax.f32 v0, v50;
	v52 =	vmul.f32 $2.000000030e-01, v2  }
0x10e: {  	(erf) = vpow2.f32 v5;
	v0 =	vmul.f32 $1.442695020e+00, v0;
	v1 =	vmax.f32 v1, v51  }
0x10f: {  	(erf) = vpow2.f32 v6;
	v2 =	vmax.f32 v2, v52;
	v1 =	vmul.f32 $1.442695020e+00, v1  }
0x110: {  	(erf) = vpow2.f32 v0;
	v2 =	vmul.f32 $1.442695020e+00, v2  }
0x111: {  	v53 =	vpop (erf);
	(erf) = vpow2.f32 v1  }
0x112: {  	[tilespmem:s12+$0xFFFFFFF0] =	vst v53;
	v54 =	vpop (erf);
	(erf) = vpow2.f32 v2  }
0x113: {  	[tilespmem:s12+$0x0] =	vst v54;
	v55 =	vpop (erf)  }
0x114: {  	v56 =	vpop (erf);
	[tilespmem:s12+$0xFFFFFFE0] =	vst v55  }
0x115: {  	[tilespmem:s15+$0x10] =	vst v56;
	v57 =	vpop (erf)  }
0x116: {  	[tilespmem:s15+$0xFFFFFFF0] =	vst v57;
	v58 =	vpop (erf)  }
0x117: {  	[tilespmem:s15+$0x0] =	vst v58;
	v59 =	vpop (erf)  }
0x118: {  	[tilespmem:s15+$0xFFFFFFE0] =	vst v59;
	v60 =	vpop (erf)  }
0x119: {  	[tilespmem:s16+$0x10] =	vst v60;
	v61 =	vpop (erf)  }
0x11a: {  	[tilespmem:s16+$0xFFFFFFF0] =	vst v61;
	v62 =	vpop (erf)  }
0x11b: {  	[tilespmem:s16+$0x0] =	vst v62;
	v63 =	vpop (erf)  }
0x11c: {  	s17 =	simm.s32 $0x200;
	[tilespmem:s16+$0xFFFFFFE0] =	vst v63  }
0x11d: {  	[spmem:s29] =	stream.indirect.scatter.add.f32 [tilespmem:s26], [sflag:$0x5], $0x10, s17, s23, $0xb8;
	[tilespmem:$0x4C00] =	vst v63  }
0x11e: {  	s1 =	rddreg [dreg:$0x9]  }
0x11f: {  	[hbm4b:s1+s3] =	stream.linear.scatter [tilespmem:s26], [sflag:$0x7], $0x800, $0x38;
	[tilespmem:$0x4C00] =	vst v63  }
0x120: {  	_ =	swait.ge [sflag:s0], $0x800  }
0x121: {  	[sflag:s0] =	ssyncset.done $0x0  }
0x122: {  	[sflag:s0] =	ssyncadd.s32 $0xFFFFF800  }
0x123: {  	_ =	swait.ge [sflag:s2], $0x800  }
0x124: {  	[sflag:s2] =	ssyncset.done $0x0  }
0x125: {  	[sflag:s2] =	ssyncadd.s32 $0xFFFFF800  }
0x126: {  	[bflag:$0x0] =	sbarrier.arrive $0xFFFF  }
0x127: {  	s15 =	rddreg [dreg:$0x4]  }
0x128: {  	s25 =	rddreg [dreg:$0xa]  }
0x129: {  	s16 =	simm.s32 $0xD;
	s12 =	rddreg [dreg:$0xc]  }
0x12a: {  	[hbm:s25], [sflag:s15] =	dma.local [spmem:s12], $0x500  }
0x12b: {  	_ =	swait.ge [sflag:s16], $0x500  }
0x12c: {  	s18 =	rddreg [dreg:$0xd]  }
0x12d: {  	s28 =	rddreg [dreg:$0xb];
	s18 =	sadd.s32 $0x1, s18  }
0x12e: {  	p0 =	sne.s32 s18, s28  }
.Ltmp4:
0x12f: {  	_ = 	snop;
	(pc) =	sbr.rel @p0 .LBB2_1-.Ltmp4, $3  }
0x130: {  	_ =	sdelay $0x1  }
0x131: {  	[sflag:s16] =	ssyncset.done $0x0  }
0x132: {  	[sflag:s16] =	ssyncadd.s32 $0xFFFFFB00  }
0x133: {  	_ =	sfence.sel $0x180000  }
0x134: {  	[bflag:$0x0] =	sbarrier.arrive $0xFFFF  }
0x135: {  	_ =	strace $0x90000047  }
0x136: {  	s0 =	stileid.u32;
	[bflag:$0x2] =	sbarrier.arrive $0xFFFF  }
0x137: {  	p0 =	sne.s32 s0, $0x0;
	s0 =	rddreg [dreg:$0x2]  }
0x138: {  	s0 =	sadd.s32 @!p0 $0x100000, s0  }
0x139: {  	[sflag:s0] =	ssyncadd.tile.s32 @!p0 $0x1;
	_ =	shalt  }
.Lfunc_end2:
_tile_overlayer_lowered:
.L_overlay_start_2:
0x13a: {  	(tag) =	ssettag $0x2  }
0x13b: {  	s0 =	rddreg [dreg:$0x0];
	s2 =	stileid.u32  }
0x13c: {  	s1 =	rddreg [dreg:$0x1];
	p0 =	sne.s32 s2, $0x0  }
0x13d: {  	s3 =	rddreg [dreg:$0x2];
	[bflag:$0x3] =	sbarrier.arrive $0xFFFF;
	s2 =	simm.s32 @!p0 $0x1C0D  }
0x13e: {  	[timem:s3], [sflag:s2] =	dma.local @!p0 [hbm:s0], s1  }
0x13f: {  	s0 =	simm.s32 @!p0 $0xD  }
0x140: {  	_ =	swait.ge @!p0 [sflag:s0], s1  }
0x141: {  	s1 =	ssub.s32 @!p0 $0x0, s1;
	[sflag:s0] =	ssyncset.done @!p0 $0x0  }
0x142: {  	[sflag:s0] =	ssyncadd.s32 @!p0 s1  }
0x143: {  	[bflag:$0x3] =	sbarrier.arrive $0xFFFF  }
0x144: {  	_ =	shalt  }

</sc_bundles>
